<compile_context>
chip_gen: v7x
topology: tpu7x:2x2x1
jax: 0.10.2.dev20260603
libtpu: 0.0.44.dev20260713+nightly
codegen_flags: <defaults>
</compile_context>

<pallas_src>
import functools

import jax
import jax.numpy as jnp
from jax import lax
from jax.experimental import pallas as pl
from jax.experimental.pallas import tpu as pltpu
from jax.experimental.pallas import tpu_sc as plsc

N = 10000
NPAD = 10240
E = 160000
G = 64
D = 128

NC = 2
NS = 16
NW = NC * NS
CHUNK = 100
CHUNKS_PER_W = 50
EPAD = NW * CHUNKS_PER_W * CHUNK
ROWS_PER_TILE = NPAD // NS
NBUF = 2


def _sc_segsum_body(p_hbm, src_hbm, dst_hbm, out_hbm,
                    src_v, dst_v, rows_v, acc_sh,
                    gs0, gs1, ss0, ss1):
  core = lax.axis_index("c")
  sub = lax.axis_index("s")
  wid = core * NS + sub
  gsems = (gs0, gs1)
  ssems = (ss0, ss1)

  pltpu.sync_copy(src_hbm.at[wid], src_v)
  pltpu.sync_copy(dst_hbm.at[wid], dst_v)

  def _zrow(i, _):
    for j in range(D // 16):
      rows_v[0, i, pl.ds(j * 16, 16)] = jnp.zeros((16,), jnp.float32)
    return ()
  lax.fori_loop(0, 64, _zrow, ())
  zsrc = rows_v.at[0].at[pl.ds(0, 64)]
  for t in range(ROWS_PER_TILE // 64):
    pltpu.sync_copy(zsrc, acc_sh.at[pl.ds(sub * ROWS_PER_TILE + t * 64, 64)])

  for b in range(NBUF):
    pltpu.async_copy(p_hbm.at[src_v.at[b]], rows_v.at[b], gsems[b])
  plsc.subcore_barrier()

  def _iter(k, _):
    j = NBUF * k
    for b in range(NBUF):
      pltpu.make_async_copy(p_hbm.at[src_v.at[0]], rows_v.at[b],
                            gsems[b]).wait()
      pltpu.sync_copy(rows_v.at[b], acc_sh.at[dst_v.at[j + b]], add=True)
      pltpu.async_copy(p_hbm.at[src_v.at[j + b + NBUF]], rows_v.at[b],
                       gsems[b])
    return ()

  lax.fori_loop(0, CHUNKS_PER_W // NBUF - 1, _iter, ())
  tail = NBUF * (CHUNKS_PER_W // NBUF - 1)
  for b in range(NBUF):
    pltpu.make_async_copy(p_hbm.at[src_v.at[0]], rows_v.at[b], gsems[b]).wait()
    pltpu.sync_copy(rows_v.at[b], acc_sh.at[dst_v.at[tail + b]], add=True)

  plsc.subcore_barrier()

  pltpu.sync_copy(acc_sh.at[pl.ds(sub * ROWS_PER_TILE, ROWS_PER_TILE)],
                  out_hbm.at[core, pl.ds(sub * ROWS_PER_TILE, ROWS_PER_TILE)])


_sc_segsum = pl.kernel(
    _sc_segsum_body,
    out_type=jax.ShapeDtypeStruct((NC, NPAD, D), jnp.float32),
    mesh=plsc.VectorSubcoreMesh(core_axis_name="c", subcore_axis_name="s",
                                num_cores=NC, num_subcores=NS),
    scratch_types=[
        pltpu.VMEM((CHUNKS_PER_W, CHUNK), jnp.int32),
        pltpu.VMEM((CHUNKS_PER_W, CHUNK), jnp.int32),
        pltpu.VMEM((NBUF, CHUNK, D), jnp.float32),
        pltpu.VMEM_SHARED((NPAD, D), jnp.float32),
        pltpu.SemaphoreType.DMA,
        pltpu.SemaphoreType.DMA,
        pltpu.SemaphoreType.DMA,
        pltpu.SemaphoreType.DMA,
    ],
)


RB = 5120


def _proj_body(x_ref, w_ref, o_ref):
  o_ref[...] = jnp.dot(x_ref[...], w_ref[...],
                       preferred_element_type=jnp.float32)


def _proj(x, w):
  n, k = x.shape
  m = w.shape[1]
  return pl.pallas_call(
      _proj_body,
      grid=(n // RB,),
      in_specs=[pl.BlockSpec((RB, k), lambda i: (i, 0)),
                pl.BlockSpec((k, m), lambda i: (0, 0))],
      out_specs=pl.BlockSpec((RB, m), lambda i: (i, 0)),
      out_shape=jax.ShapeDtypeStruct((n, m), jnp.float32),
  )(x, w)


def _tail_body(p_ref, agg_ref, ba_ref, wb_ref, bb_ref, wn_ref, o_ref):
  u = jax.nn.relu(p_ref[...] + agg_ref[0] + agg_ref[1] + ba_ref[...])
  t = jax.nn.relu(jnp.dot(u, wb_ref[...], preferred_element_type=jnp.float32)
                  + bb_ref[...])
  o_ref[...] = jnp.dot(t, wn_ref[...], preferred_element_type=jnp.float32)


def _tail(p, agg, ba, wb, bb, wnext):
  return pl.pallas_call(
      _tail_body,
      grid=(NPAD // RB,),
      in_specs=[pl.BlockSpec((RB, D), lambda i: (i, 0)),
                pl.BlockSpec((NC, RB, D), lambda i: (0, i, 0)),
                pl.BlockSpec((1, D), lambda i: (0, 0)),
                pl.BlockSpec((D, D), lambda i: (0, 0)),
                pl.BlockSpec((1, D), lambda i: (0, 0)),
                pl.BlockSpec((D, D), lambda i: (0, 0))],
      out_specs=pl.BlockSpec((RB, D), lambda i: (i, 0)),
      out_shape=jax.ShapeDtypeStruct((NPAD, D), jnp.float32),
  )(p, agg, ba.reshape(1, D), wb, bb.reshape(1, D), wnext)


def _pool_body(p_ref, agg_ref, ba_ref, wb_ref, bb_ref, batch_ref,
               wf1_ref, bf1_ref, wf2_ref, bf2_ref, acc_ref, o_ref):
  u = jax.nn.relu(p_ref[...] + agg_ref[0] + agg_ref[1] + ba_ref[...])
  h = jax.nn.relu(jnp.dot(u, wb_ref[...], preferred_element_type=jnp.float32)
                  + bb_ref[...])

  @pl.when(pl.program_id(0) == 0)
  def _():
    acc_ref[...] = jnp.zeros_like(acc_ref)

  gids = lax.broadcasted_iota(jnp.int32, (G, 128), 0)
  acc = acc_ref[...]
  for s in range(RB // 128):
    onehot = (batch_ref[s][None, :] == gids).astype(jnp.float32)
    acc = acc + jnp.dot(onehot, h[s * 128:(s + 1) * 128, :],
                        preferred_element_type=jnp.float32,
                        precision=lax.Precision.HIGHEST)
  acc_ref[...] = acc

  @pl.when(pl.program_id(0) == NPAD // RB - 1)
  def _():
    hh = jax.nn.relu(jnp.dot(acc, wf1_ref[...],
                             preferred_element_type=jnp.float32)
                     + bf1_ref[...])
    logits = jnp.dot(hh, wf2_ref[...],
                     preferred_element_type=jnp.float32) + bf2_ref[...]
    m = jnp.max(logits, axis=1, keepdims=True)
    lse = m + jnp.log(jnp.sum(jnp.exp(logits - m), axis=1, keepdims=True))
    o_ref[...] = logits - lse


def _pool_head(p, agg, ba, wb, bb, batch2d, wf1, bf1, wf2p, bf2p):
  _, out = pl.pallas_call(
      _pool_body,
      grid=(NPAD // RB,),
      in_specs=[pl.BlockSpec((RB, D), lambda i: (i, 0)),
                pl.BlockSpec((NC, RB, D), lambda i: (0, i, 0)),
                pl.BlockSpec((1, D), lambda i: (0, 0)),
                pl.BlockSpec((D, D), lambda i: (0, 0)),
                pl.BlockSpec((1, D), lambda i: (0, 0)),
                pl.BlockSpec((RB // 128, 128), lambda i: (i, 0)),
                pl.BlockSpec((D, G), lambda i: (0, 0)),
                pl.BlockSpec((1, G), lambda i: (0, 0)),
                pl.BlockSpec((G, D), lambda i: (0, 0)),
                pl.BlockSpec((1, D), lambda i: (0, 0))],
      out_specs=[pl.BlockSpec((G, D), lambda i: (0, 0)),
                 pl.BlockSpec((G, D), lambda i: (0, 0))],
      out_shape=[jax.ShapeDtypeStruct((G, D), jnp.float32),
                 jax.ShapeDtypeStruct((G, D), jnp.float32)],
  )(p, agg, ba.reshape(1, D), wb, bb.reshape(1, D), batch2d,
    wf1, bf1.reshape(1, G), wf2p, bf2p.reshape(1, D))
  return out


def kernel(x, edge_index, batch, W1a, b1a, W1b, b1b, W2a, b2a, W2b, b2b,
           W3a, b3a, W3b, b3b, Wf1, bf1, Wf2, bf2):
  xp = jnp.zeros((NPAD, 384), jnp.float32).at[:N].set(x)
  src = edge_index[0].reshape(NW, CHUNKS_PER_W, CHUNK)
  dst = edge_index[1].reshape(NW, CHUNKS_PER_W, CHUNK)
  batch2d = jnp.full((NPAD,), G, jnp.int32).at[:N].set(batch).reshape(
      NPAD // 128, 128)

  wf2p = jnp.zeros((64, 128), jnp.float32).at[:, :2].set(Wf2)
  bf2p = jnp.full((128,), -1e30, jnp.float32).at[:2].set(bf2)

  p1 = _proj(xp, W1a)
  a1 = _sc_segsum(p1, src, dst)
  p2 = _tail(p1, a1, b1a, W1b, b1b, W2a)
  a2 = _sc_segsum(p2, src, dst)
  p3 = _tail(p2, a2, b2a, W2b, b2b, W3a)
  a3 = _sc_segsum(p3, src, dst)
  out = _pool_head(p3, a3, b3a, W3b, b3b, batch2d, Wf1, bf1, wf2p, bf2p)
  return out[:, :2]

# --- scband reference (transcript-rebuilt; emitter-appended) ---
"""Pipeline reference for scband-gin-6219112644608 (READ-ONLY COPY).

The authoritative reference and input builder live on the scoring server;
editing this copy changes nothing except your own understanding.
"""

import jax, jax.numpy as jnp
import numpy as np

N = 10000
E = 160000
G = 64

def setup_inputs(seed: int = 0) -> dict:
    key = jax.random.key(seed)
    ks = jax.random.split(key, 20)
    x = jax.random.normal(ks[0], (N, 384), dtype=jnp.float32)
    edge_index = jax.random.randint(ks[1], (2, E), 0, N, dtype=jnp.int32)
    batch = jnp.sort(jax.random.randint(ks[2], (N,), 0, G, dtype=jnp.int32))
    def w(k, shape):
        return jax.random.normal(k, shape, dtype=jnp.float32) * 0.05
    params = {
        'W1a': w(ks[3], (384, 128)), 'b1a': jnp.zeros((128,), jnp.float32),
        'W1b': w(ks[4], (128, 128)), 'b1b': jnp.zeros((128,), jnp.float32),
        'W2a': w(ks[5], (128, 128)), 'b2a': jnp.zeros((128,), jnp.float32),
        'W2b': w(ks[6], (128, 128)), 'b2b': jnp.zeros((128,), jnp.float32),
        'W3a': w(ks[7], (128, 128)), 'b3a': jnp.zeros((128,), jnp.float32),
        'W3b': w(ks[8], (128, 128)), 'b3b': jnp.zeros((128,), jnp.float32),
        'Wf1': w(ks[9], (128, 64)),  'bf1': jnp.zeros((64,), jnp.float32),
        'Wf2': w(ks[10], (64, 2)),   'bf2': jnp.zeros((2,), jnp.float32),
    }
    out = {'x': x, 'edge_index': edge_index, 'batch': batch}
    out.update(params)
    return out

def _mlp(h, Wa, ba, Wb, bb):
    return jnp.dot(jax.nn.relu(jnp.dot(h, Wa) + ba), Wb) + bb

def _gin_conv(h, src, dst, Wa, ba, Wb, bb, eps=0.0):
    msgs = jnp.take(h, src, axis=0)
    agg = jax.ops.segment_sum(msgs, dst, num_segments=N)
    return _mlp((1.0 + eps) * h + agg, Wa, ba, Wb, bb)

def reference(x, edge_index, batch, W1a, b1a, W1b, b1b, W2a, b2a, W2b, b2b, W3a, b3a, W3b, b3b, Wf1, bf1, Wf2, bf2):
    src = edge_index[0]
    dst = edge_index[1]
    h = jax.nn.relu(_gin_conv(x, src, dst, W1a, b1a, W1b, b1b))
    h = jax.nn.relu(_gin_conv(h, src, dst, W2a, b2a, W2b, b2b))
    h = jax.nn.relu(_gin_conv(h, src, dst, W3a, b3a, W3b, b3b))
    pooled = jax.ops.segment_sum(h, batch, num_segments=G)
    h = jax.nn.relu(jnp.dot(pooled, Wf1) + bf1)
    logits = jnp.dot(h, Wf2) + bf2
    return jax.nn.log_softmax(logits, axis=1)

if __name__ == "__main__":
    import jax
    _d = setup_inputs()
    print(jax.jit(kernel)(*tuple(_d.values())))

</pallas_src>

<mosaic_0001>
#map = affine_map<(d0, d1) -> (0, 0)>
#map1 = affine_map<(d0, d1) -> (0, 0, 0)>
module attributes {stable_mosaic.version = 14 : i64} {
  func.func @_sc_segsum_body(%arg0: i32, %arg1: i32, %arg2: memref<10240x128xf32, #tpu.memory_space<hbm>>, %arg3: memref<32x50x100xi32, #tpu.memory_space<hbm>>, %arg4: memref<32x50x100xi32, #tpu.memory_space<hbm>>, %arg5: memref<2x10240x128xf32, #tpu.memory_space<hbm>>, %arg6: memref<50x100xi32, #tpu.memory_space<vmem>>, %arg7: memref<50x100xi32, #tpu.memory_space<vmem>>, %arg8: memref<2x100x128xf32, #tpu.memory_space<vmem>>, %arg9: memref<10240x128xf32, #tpu.memory_space<vmem_shared>>, %arg10: memref<!tpu.dma_semaphore, #tpu.memory_space<semaphore_mem>>, %arg11: memref<!tpu.dma_semaphore, #tpu.memory_space<semaphore_mem>>, %arg12: memref<!tpu.dma_semaphore, #tpu.memory_space<semaphore_mem>>, %arg13: memref<!tpu.dma_semaphore, #tpu.memory_space<semaphore_mem>>) attributes {dimension_semantics = [#tpu.dimension_semantics<core_parallel>, #tpu.dimension_semantics<subcore_parallel>], iteration_bounds = array<i64: 2, 16>, scalar_prefetch = 0 : i64, scratch_operands = 8 : i64, tpu.core_type = #tpu.core_type<sc_vector_subcore>, window_params = [{transform_indices = #map}, {transform_indices = #map1}, {transform_indices = #map1}, {transform_indices = #map1}]} {
    %mul3A = arith.constant 16 : i32
    %mul3A_0 = arith.muli %arg0, %mul3A : i32
    %add3A = arith.addi %mul3A_0, %arg1 : i32
    "tpu.region"() ({
      %run_scoped3A_114 = tpu.sem_alloc : memref<!tpu.dma_semaphore, #tpu.memory_space<semaphore_mem>>
      %dma_start3A_115 = arith.constant 0 : i32
      %dma_start3A_116 = arith.constant 0 : i32
      %dma_start3A_117 = tpu.memref_slice %arg3[%add3A, %dma_start3A_115, %dma_start3A_116] : memref<32x50x100xi32, #tpu.memory_space<hbm>> -> memref<1x50x100xi32, #tpu.memory_space<hbm>>
      %dma_start3A_118 = tpu.memref_squeeze %dma_start3A_117 : memref<1x50x100xi32, #tpu.memory_space<hbm>> -> memref<50x100xi32, #tpu.memory_space<hbm>>
      %dma_start3A_119 = arith.constant 0 : i32
      %dma_start3A_120 = arith.constant 0 : i32
      %dma_start3A_121 = tpu.memref_slice %arg3[%add3A, %dma_start3A_119, %dma_start3A_120] : memref<32x50x100xi32, #tpu.memory_space<hbm>> -> memref<1x50x100xi32, #tpu.memory_space<hbm>>
      %dma_start3A_122 = tpu.memref_squeeze %dma_start3A_121 : memref<1x50x100xi32, #tpu.memory_space<hbm>> -> memref<50x100xi32, #tpu.memory_space<hbm>>
      tpu.enqueue_dma source(%dma_start3A_122 : memref<50x100xi32, #tpu.memory_space<hbm>>) target(%arg6 : memref<50x100xi32, #tpu.memory_space<vmem>>) target_semaphore(%run_scoped3A_114 : memref<!tpu.dma_semaphore, #tpu.memory_space<semaphore_mem>>)
      %dma_wait3A_123 = arith.constant 0 : i32
      %dma_wait3A_124 = arith.constant 0 : i32
      %dma_wait3A_125 = tpu.memref_slice %arg3[%add3A, %dma_wait3A_123, %dma_wait3A_124] : memref<32x50x100xi32, #tpu.memory_space<hbm>> -> memref<1x50x100xi32, #tpu.memory_space<hbm>>
      %dma_wait3A_126 = tpu.memref_squeeze %dma_wait3A_125 : memref<1x50x100xi32, #tpu.memory_space<hbm>> -> memref<50x100xi32, #tpu.memory_space<hbm>>
      %dma_wait3A_127 = arith.constant 0 : i32
      %dma_wait3A_128 = arith.constant 0 : i32
      %dma_wait3A_129 = tpu.memref_slice %arg3[%add3A, %dma_wait3A_127, %dma_wait3A_128] : memref<32x50x100xi32, #tpu.memory_space<hbm>> -> memref<1x50x100xi32, #tpu.memory_space<hbm>>
      %dma_wait3A_130 = tpu.memref_squeeze %dma_wait3A_129 : memref<1x50x100xi32, #tpu.memory_space<hbm>> -> memref<50x100xi32, #tpu.memory_space<hbm>>
      tpu.wait_dma2 semaphore(%run_scoped3A_114 : memref<!tpu.dma_semaphore, #tpu.memory_space<semaphore_mem>>) src(%dma_wait3A_130 : memref<50x100xi32, #tpu.memory_space<hbm>>) dst(%arg6 : memref<50x100xi32, #tpu.memory_space<vmem>>)
      tpu.yield
    }) : () -> ()
    "tpu.region"() ({
      %run_scoped3A_114 = tpu.sem_alloc : memref<!tpu.dma_semaphore, #tpu.memory_space<semaphore_mem>>
      %dma_start3A_115 = arith.constant 0 : i32
      %dma_start3A_116 = arith.constant 0 : i32
      %dma_start3A_117 = tpu.memref_slice %arg4[%add3A, %dma_start3A_115, %dma_start3A_116] : memref<32x50x100xi32, #tpu.memory_space<hbm>> -> memref<1x50x100xi32, #tpu.memory_space<hbm>>
      %dma_start3A_118 = tpu.memref_squeeze %dma_start3A_117 : memref<1x50x100xi32, #tpu.memory_space<hbm>> -> memref<50x100xi32, #tpu.memory_space<hbm>>
      %dma_start3A_119 = arith.constant 0 : i32
      %dma_start3A_120 = arith.constant 0 : i32
      %dma_start3A_121 = tpu.memref_slice %arg4[%add3A, %dma_start3A_119, %dma_start3A_120] : memref<32x50x100xi32, #tpu.memory_space<hbm>> -> memref<1x50x100xi32, #tpu.memory_space<hbm>>
      %dma_start3A_122 = tpu.memref_squeeze %dma_start3A_121 : memref<1x50x100xi32, #tpu.memory_space<hbm>> -> memref<50x100xi32, #tpu.memory_space<hbm>>
      tpu.enqueue_dma source(%dma_start3A_122 : memref<50x100xi32, #tpu.memory_space<hbm>>) target(%arg7 : memref<50x100xi32, #tpu.memory_space<vmem>>) target_semaphore(%run_scoped3A_114 : memref<!tpu.dma_semaphore, #tpu.memory_space<semaphore_mem>>)
      %dma_wait3A_123 = arith.constant 0 : i32
      %dma_wait3A_124 = arith.constant 0 : i32
      %dma_wait3A_125 = tpu.memref_slice %arg4[%add3A, %dma_wait3A_123, %dma_wait3A_124] : memref<32x50x100xi32, #tpu.memory_space<hbm>> -> memref<1x50x100xi32, #tpu.memory_space<hbm>>
      %dma_wait3A_126 = tpu.memref_squeeze %dma_wait3A_125 : memref<1x50x100xi32, #tpu.memory_space<hbm>> -> memref<50x100xi32, #tpu.memory_space<hbm>>
      %dma_wait3A_127 = arith.constant 0 : i32
      %dma_wait3A_128 = arith.constant 0 : i32
      %dma_wait3A_129 = tpu.memref_slice %arg4[%add3A, %dma_wait3A_127, %dma_wait3A_128] : memref<32x50x100xi32, #tpu.memory_space<hbm>> -> memref<1x50x100xi32, #tpu.memory_space<hbm>>
      %dma_wait3A_130 = tpu.memref_squeeze %dma_wait3A_129 : memref<1x50x100xi32, #tpu.memory_space<hbm>> -> memref<50x100xi32, #tpu.memory_space<hbm>>
      tpu.wait_dma2 semaphore(%run_scoped3A_114 : memref<!tpu.dma_semaphore, #tpu.memory_space<semaphore_mem>>) src(%dma_wait3A_130 : memref<50x100xi32, #tpu.memory_space<hbm>>) dst(%arg7 : memref<50x100xi32, #tpu.memory_space<vmem>>)
      tpu.yield
    }) : () -> ()
    %scan3A = arith.constant 0 : i32
    %scan3A_1 = arith.constant 64 : i32
    %scan3A_2 = arith.addi %scan3A, %scan3A_1 : i32
    %scan3A_3 = arith.constant 1 : i32
    scf.for %scan3A_114 = %scan3A to %scan3A_2 step %scan3A_3  : i32 {
      %broadcast_in_dim3A = arith.constant 0.000000e+00 : f32
      %broadcast_in_dim3A_115 = vector.broadcast %broadcast_in_dim3A : f32 to vector<16xf32>
      %swap3A = arith.constant 0 : i32
      %swap3A_116 = arith.index_cast %swap3A : i32 to index
      %swap3A_117 = arith.index_cast %scan3A_114 : i32 to index
      %swap3A_118 = arith.constant 0 : index
      %swap3A_119 = tpu.vector_load %arg8[%swap3A_116, %swap3A_117, %swap3A_118] {strides = array<i32>} : memref<2x100x128xf32, #tpu.memory_space<vmem>>, vector<1x1x16xf32>,
      %swap3A_120 = vector.shape_cast %swap3A_119 : vector<1x1x16xf32> to vector<16xf32>
      %swap3A_121 = vector.shape_cast %broadcast_in_dim3A_115 : vector<16xf32> to vector<1x1x16xf32>
      tpu.vector_store %arg8[%swap3A_116, %swap3A_117, %swap3A_118], %swap3A_121 {strides = array<i32>} : memref<2x100x128xf32, #tpu.memory_space<vmem>>, vector<1x1x16xf32>,
      %broadcast_in_dim3A_122 = arith.constant 0.000000e+00 : f32
      %broadcast_in_dim3A_123 = vector.broadcast %broadcast_in_dim3A_122 : f32 to vector<16xf32>
      %swap3A_124 = arith.constant 0 : i32
      %swap3A_125 = arith.index_cast %swap3A_124 : i32 to index
      %swap3A_126 = arith.index_cast %scan3A_114 : i32 to index
      %swap3A_127 = arith.constant 16 : index
      %swap3A_128 = tpu.vector_load %arg8[%swap3A_125, %swap3A_126, %swap3A_127] {strides = array<i32>} : memref<2x100x128xf32, #tpu.memory_space<vmem>>, vector<1x1x16xf32>,
      %swap3A_129 = vector.shape_cast %swap3A_128 : vector<1x1x16xf32> to vector<16xf32>
      %swap3A_130 = vector.shape_cast %broadcast_in_dim3A_123 : vector<16xf32> to vector<1x1x16xf32>
      tpu.vector_store %arg8[%swap3A_125, %swap3A_126, %swap3A_127], %swap3A_130 {strides = array<i32>} : memref<2x100x128xf32, #tpu.memory_space<vmem>>, vector<1x1x16xf32>,
      %broadcast_in_dim3A_131 = arith.constant 0.000000e+00 : f32
      %broadcast_in_dim3A_132 = vector.broadcast %broadcast_in_dim3A_131 : f32 to vector<16xf32>
      %swap3A_133 = arith.constant 0 : i32
      %swap3A_134 = arith.index_cast %swap3A_133 : i32 to index
      %swap3A_135 = arith.index_cast %scan3A_114 : i32 to index
      %swap3A_136 = arith.constant 32 : index
      %swap3A_137 = tpu.vector_load %arg8[%swap3A_134, %swap3A_135, %swap3A_136] {strides = array<i32>} : memref<2x100x128xf32, #tpu.memory_space<vmem>>, vector<1x1x16xf32>,
      %swap3A_138 = vector.shape_cast %swap3A_137 : vector<1x1x16xf32> to vector<16xf32>
      %swap3A_139 = vector.shape_cast %broadcast_in_dim3A_132 : vector<16xf32> to vector<1x1x16xf32>
      tpu.vector_store %arg8[%swap3A_134, %swap3A_135, %swap3A_136], %swap3A_139 {strides = array<i32>} : memref<2x100x128xf32, #tpu.memory_space<vmem>>, vector<1x1x16xf32>,
      %broadcast_in_dim3A_140 = arith.constant 0.000000e+00 : f32
      %broadcast_in_dim3A_141 = vector.broadcast %broadcast_in_dim3A_140 : f32 to vector<16xf32>
      %swap3A_142 = arith.constant 0 : i32
      %swap3A_143 = arith.index_cast %swap3A_142 : i32 to index
      %swap3A_144 = arith.index_cast %scan3A_114 : i32 to index
      %swap3A_145 = arith.constant 48 : index
      %swap3A_146 = tpu.vector_load %arg8[%swap3A_143, %swap3A_144, %swap3A_145] {strides = array<i32>} : memref<2x100x128xf32, #tpu.memory_space<vmem>>, vector<1x1x16xf32>,
      %swap3A_147 = vector.shape_cast %swap3A_146 : vector<1x1x16xf32> to vector<16xf32>
      %swap3A_148 = vector.shape_cast %broadcast_in_dim3A_141 : vector<16xf32> to vector<1x1x16xf32>
      tpu.vector_store %arg8[%swap3A_143, %swap3A_144, %swap3A_145], %swap3A_148 {strides = array<i32>} : memref<2x100x128xf32, #tpu.memory_space<vmem>>, vector<1x1x16xf32>,
      %broadcast_in_dim3A_149 = arith.constant 0.000000e+00 : f32
      %broadcast_in_dim3A_150 = vector.broadcast %broadcast_in_dim3A_149 : f32 to vector<16xf32>
      %swap3A_151 = arith.constant 0 : i32
      %swap3A_152 = arith.index_cast %swap3A_151 : i32 to index
      %swap3A_153 = arith.index_cast %scan3A_114 : i32 to index
      %swap3A_154 = arith.constant 64 : index
      %swap3A_155 = tpu.vector_load %arg8[%swap3A_152, %swap3A_153, %swap3A_154] {strides = array<i32>} : memref<2x100x128xf32, #tpu.memory_space<vmem>>, vector<1x1x16xf32>,
      %swap3A_156 = vector.shape_cast %swap3A_155 : vector<1x1x16xf32> to vector<16xf32>
      %swap3A_157 = vector.shape_cast %broadcast_in_dim3A_150 : vector<16xf32> to vector<1x1x16xf32>
      tpu.vector_store %arg8[%swap3A_152, %swap3A_153, %swap3A_154], %swap3A_157 {strides = array<i32>} : memref<2x100x128xf32, #tpu.memory_space<vmem>>, vector<1x1x16xf32>,
      %broadcast_in_dim3A_158 = arith.constant 0.000000e+00 : f32
      %broadcast_in_dim3A_159 = vector.broadcast %broadcast_in_dim3A_158 : f32 to vector<16xf32>
      %swap3A_160 = arith.constant 0 : i32
      %swap3A_161 = arith.index_cast %swap3A_160 : i32 to index
      %swap3A_162 = arith.index_cast %scan3A_114 : i32 to index
      %swap3A_163 = arith.constant 80 : index
      %swap3A_164 = tpu.vector_load %arg8[%swap3A_161, %swap3A_162, %swap3A_163] {strides = array<i32>} : memref<2x100x128xf32, #tpu.memory_space<vmem>>, vector<1x1x16xf32>,
      %swap3A_165 = vector.shape_cast %swap3A_164 : vector<1x1x16xf32> to vector<16xf32>
      %swap3A_166 = vector.shape_cast %broadcast_in_dim3A_159 : vector<16xf32> to vector<1x1x16xf32>
      tpu.vector_store %arg8[%swap3A_161, %swap3A_162, %swap3A_163], %swap3A_166 {strides = array<i32>} : memref<2x100x128xf32, #tpu.memory_space<vmem>>, vector<1x1x16xf32>,
      %broadcast_in_dim3A_167 = arith.constant 0.000000e+00 : f32
      %broadcast_in_dim3A_168 = vector.broadcast %broadcast_in_dim3A_167 : f32 to vector<16xf32>
      %swap3A_169 = arith.constant 0 : i32
      %swap3A_170 = arith.index_cast %swap3A_169 : i32 to index
      %swap3A_171 = arith.index_cast %scan3A_114 : i32 to index
      %swap3A_172 = arith.constant 96 : index
      %swap3A_173 = tpu.vector_load %arg8[%swap3A_170, %swap3A_171, %swap3A_172] {strides = array<i32>} : memref<2x100x128xf32, #tpu.memory_space<vmem>>, vector<1x1x16xf32>,
      %swap3A_174 = vector.shape_cast %swap3A_173 : vector<1x1x16xf32> to vector<16xf32>
      %swap3A_175 = vector.shape_cast %broadcast_in_dim3A_168 : vector<16xf32> to vector<1x1x16xf32>
      tpu.vector_store %arg8[%swap3A_170, %swap3A_171, %swap3A_172], %swap3A_175 {strides = array<i32>} : memref<2x100x128xf32, #tpu.memory_space<vmem>>, vector<1x1x16xf32>,
      %broadcast_in_dim3A_176 = arith.constant 0.000000e+00 : f32
      %broadcast_in_dim3A_177 = vector.broadcast %broadcast_in_dim3A_176 : f32 to vector<16xf32>
      %swap3A_178 = arith.constant 0 : i32
      %swap3A_179 = arith.index_cast %swap3A_178 : i32 to index
      %swap3A_180 = arith.index_cast %scan3A_114 : i32 to index
      %swap3A_181 = arith.constant 112 : index
      %swap3A_182 = tpu.vector_load %arg8[%swap3A_179, %swap3A_180, %swap3A_181] {strides = array<i32>} : memref<2x100x128xf32, #tpu.memory_space<vmem>>, vector<1x1x16xf32>,
      %swap3A_183 = vector.shape_cast %swap3A_182 : vector<1x1x16xf32> to vector<16xf32>
      %swap3A_184 = vector.shape_cast %broadcast_in_dim3A_177 : vector<16xf32> to vector<1x1x16xf32>
      tpu.vector_store %arg8[%swap3A_179, %swap3A_180, %swap3A_181], %swap3A_184 {strides = array<i32>} : memref<2x100x128xf32, #tpu.memory_space<vmem>>, vector<1x1x16xf32>,
    }
    %scan3A_4 = arith.constant 64 : i32
    %mul3A_5 = arith.constant 640 : i32
    %mul3A_6 = arith.muli %arg1, %mul3A_5 : i32
    %add3A_7 = arith.constant 0 : i32
    %add3A_8 = arith.addi %mul3A_6, %add3A_7 : i32
    %run_scoped3A = arith.constant 0 : i32
    "tpu.region"() ({
      %run_scoped3A_114 = tpu.sem_alloc : memref<!tpu.dma_semaphore, #tpu.memory_space<semaphore_mem>>
      %dma_start3A_115 = arith.constant 0 : i32
      %dma_start3A_116 = arith.constant 0 : i32
      %dma_start3A_117 = tpu.memref_slice %arg8[%run_scoped3A, %dma_start3A_115, %dma_start3A_116] : memref<2x100x128xf32, #tpu.memory_space<vmem>> -> memref<1x100x128xf32, #tpu.memory_space<vmem>>
      %dma_start3A_118 = tpu.memref_squeeze %dma_start3A_117 : memref<1x100x128xf32, #tpu.memory_space<vmem>> -> memref<100x128xf32, #tpu.memory_space<vmem>>
      %dma_start3A_119 = arith.constant 0 : i32
      %dma_start3A_120 = arith.constant 0 : i32
      %dma_start3A_121 = tpu.memref_slice %dma_start3A_118[%dma_start3A_119, %dma_start3A_120] : memref<100x128xf32, #tpu.memory_space<vmem>> -> memref<64x128xf32, #tpu.memory_space<vmem>>
      %dma_start3A_122 = arith.constant 0 : i32
      %dma_start3A_123 = tpu.memref_slice %arg9[%add3A_8, %dma_start3A_122] : memref<10240x128xf32, #tpu.memory_space<vmem_shared>> -> memref<64x128xf32, #tpu.memory_space<vmem_shared>>
      %dma_start3A_124 = arith.constant 0 : i32
      %dma_start3A_125 = tpu.memref_slice %arg9[%add3A_8, %dma_start3A_124] : memref<10240x128xf32, #tpu.memory_space<vmem_shared>> -> memref<64x128xf32, #tpu.memory_space<vmem_shared>>
      %dma_start3A_126 = arith.constant 0 : i32
      %dma_start3A_127 = arith.constant 0 : i32
      %dma_start3A_128 = tpu.memref_slice %arg8[%run_scoped3A, %dma_start3A_126, %dma_start3A_127] : memref<2x100x128xf32, #tpu.memory_space<vmem>> -> memref<1x100x128xf32, #tpu.memory_space<vmem>>
      %dma_start3A_129 = tpu.memref_squeeze %dma_start3A_128 : memref<1x100x128xf32, #tpu.memory_space<vmem>> -> memref<100x128xf32, #tpu.memory_space<vmem>>
      %dma_start3A_130 = arith.constant 0 : i32
      %dma_start3A_131 = arith.constant 0 : i32
      %dma_start3A_132 = tpu.memref_slice %dma_start3A_129[%dma_start3A_130, %dma_start3A_131] : memref<100x128xf32, #tpu.memory_space<vmem>> -> memref<64x128xf32, #tpu.memory_space<vmem>>
      tpu.enqueue_dma source(%dma_start3A_132 : memref<64x128xf32, #tpu.memory_space<vmem>>) target(%dma_start3A_125 : memref<64x128xf32, #tpu.memory_space<vmem_shared>>) target_semaphore(%run_scoped3A_114 : memref<!tpu.dma_semaphore, #tpu.memory_space<semaphore_mem>>)
      %dma_wait3A_133 = arith.constant 0 : i32
      %dma_wait3A_134 = arith.constant 0 : i32
      %dma_wait3A_135 = tpu.memref_slice %arg8[%run_scoped3A, %dma_wait3A_133, %dma_wait3A_134] : memref<2x100x128xf32, #tpu.memory_space<vmem>> -> memref<1x100x128xf32, #tpu.memory_space<vmem>>
      %dma_wait3A_136 = tpu.memref_squeeze %dma_wait3A_135 : memref<1x100x128xf32, #tpu.memory_space<vmem>> -> memref<100x128xf32, #tpu.memory_space<vmem>>
      %dma_wait3A_137 = arith.constant 0 : i32
      %dma_wait3A_138 = arith.constant 0 : i32
      %dma_wait3A_139 = tpu.memref_slice %dma_wait3A_136[%dma_wait3A_137, %dma_wait3A_138] : memref<100x128xf32, #tpu.memory_space<vmem>> -> memref<64x128xf32, #tpu.memory_space<vmem>>
      %dma_wait3A_140 = arith.constant 0 : i32
      %dma_wait3A_141 = tpu.memref_slice %arg9[%add3A_8, %dma_wait3A_140] : memref<10240x128xf32, #tpu.memory_space<vmem_shared>> -> memref<64x128xf32, #tpu.memory_space<vmem_shared>>
      %dma_wait3A_142 = arith.constant 0 : i32
      %dma_wait3A_143 = tpu.memref_slice %arg9[%add3A_8, %dma_wait3A_142] : memref<10240x128xf32, #tpu.memory_space<vmem_shared>> -> memref<64x128xf32, #tpu.memory_space<vmem_shared>>
      %dma_wait3A_144 = arith.constant 0 : i32
      %dma_wait3A_145 = arith.constant 0 : i32
      %dma_wait3A_146 = tpu.memref_slice %arg8[%run_scoped3A, %dma_wait3A_144, %dma_wait3A_145] : memref<2x100x128xf32, #tpu.memory_space<vmem>> -> memref<1x100x128xf32, #tpu.memory_space<vmem>>
      %dma_wait3A_147 = tpu.memref_squeeze %dma_wait3A_146 : memref<1x100x128xf32, #tpu.memory_space<vmem>> -> memref<100x128xf32, #tpu.memory_space<vmem>>
      %dma_wait3A_148 = arith.constant 0 : i32
      %dma_wait3A_149 = arith.constant 0 : i32
      %dma_wait3A_150 = tpu.memref_slice %dma_wait3A_147[%dma_wait3A_148, %dma_wait3A_149] : memref<100x128xf32, #tpu.memory_space<vmem>> -> memref<64x128xf32, #tpu.memory_space<vmem>>
      tpu.wait_dma2 semaphore(%run_scoped3A_114 : memref<!tpu.dma_semaphore, #tpu.memory_space<semaphore_mem>>) src(%dma_wait3A_150 : memref<64x128xf32, #tpu.memory_space<vmem>>) dst(%dma_wait3A_143 : memref<64x128xf32, #tpu.memory_space<vmem_shared>>)
      tpu.yield
    }) : () -> ()
    %mul3A_9 = arith.constant 640 : i32
    %mul3A_10 = arith.muli %arg1, %mul3A_9 : i32
    %add3A_11 = arith.constant 64 : i32
    %add3A_12 = arith.addi %mul3A_10, %add3A_11 : i32
    %run_scoped3A_13 = arith.constant 0 : i32
    "tpu.region"() ({
      %run_scoped3A_114 = tpu.sem_alloc : memref<!tpu.dma_semaphore, #tpu.memory_space<semaphore_mem>>
      %dma_start3A_115 = arith.constant 0 : i32
      %dma_start3A_116 = arith.constant 0 : i32
      %dma_start3A_117 = tpu.memref_slice %arg8[%run_scoped3A_13, %dma_start3A_115, %dma_start3A_116] : memref<2x100x128xf32, #tpu.memory_space<vmem>> -> memref<1x100x128xf32, #tpu.memory_space<vmem>>
      %dma_start3A_118 = tpu.memref_squeeze %dma_start3A_117 : memref<1x100x128xf32, #tpu.memory_space<vmem>> -> memref<100x128xf32, #tpu.memory_space<vmem>>
      %dma_start3A_119 = arith.constant 0 : i32
      %dma_start3A_120 = arith.constant 0 : i32
      %dma_start3A_121 = tpu.memref_slice %dma_start3A_118[%dma_start3A_119, %dma_start3A_120] : memref<100x128xf32, #tpu.memory_space<vmem>> -> memref<64x128xf32, #tpu.memory_space<vmem>>
      %dma_start3A_122 = arith.constant 0 : i32
      %dma_start3A_123 = tpu.memref_slice %arg9[%add3A_12, %dma_start3A_122] : memref<10240x128xf32, #tpu.memory_space<vmem_shared>> -> memref<64x128xf32, #tpu.memory_space<vmem_shared>>
      %dma_start3A_124 = arith.constant 0 : i32
      %dma_start3A_125 = tpu.memref_slice %arg9[%add3A_12, %dma_start3A_124] : memref<10240x128xf32, #tpu.memory_space<vmem_shared>> -> memref<64x128xf32, #tpu.memory_space<vmem_shared>>
      %dma_start3A_126 = arith.constant 0 : i32
      %dma_start3A_127 = arith.constant 0 : i32
      %dma_start3A_128 = tpu.memref_slice %arg8[%run_scoped3A_13, %dma_start3A_126, %dma_start3A_127] : memref<2x100x128xf32, #tpu.memory_space<vmem>> -> memref<1x100x128xf32, #tpu.memory_space<vmem>>
      %dma_start3A_129 = tpu.memref_squeeze %dma_start3A_128 : memref<1x100x128xf32, #tpu.memory_space<vmem>> -> memref<100x128xf32, #tpu.memory_space<vmem>>
      %dma_start3A_130 = arith.constant 0 : i32
      %dma_start3A_131 = arith.constant 0 : i32
      %dma_start3A_132 = tpu.memref_slice %dma_start3A_129[%dma_start3A_130, %dma_start3A_131] : memref<100x128xf32, #tpu.memory_space<vmem>> -> memref<64x128xf32, #tpu.memory_space<vmem>>
      tpu.enqueue_dma source(%dma_start3A_132 : memref<64x128xf32, #tpu.memory_space<vmem>>) target(%dma_start3A_125 : memref<64x128xf32, #tpu.memory_space<vmem_shared>>) target_semaphore(%run_scoped3A_114 : memref<!tpu.dma_semaphore, #tpu.memory_space<semaphore_mem>>)
      %dma_wait3A_133 = arith.constant 0 : i32
      %dma_wait3A_134 = arith.constant 0 : i32
      %dma_wait3A_135 = tpu.memref_slice %arg8[%run_scoped3A_13, %dma_wait3A_133, %dma_wait3A_134] : memref<2x100x128xf32, #tpu.memory_space<vmem>> -> memref<1x100x128xf32, #tpu.memory_space<vmem>>
      %dma_wait3A_136 = tpu.memref_squeeze %dma_wait3A_135 : memref<1x100x128xf32, #tpu.memory_space<vmem>> -> memref<100x128xf32, #tpu.memory_space<vmem>>
      %dma_wait3A_137 = arith.constant 0 : i32
      %dma_wait3A_138 = arith.constant 0 : i32
      %dma_wait3A_139 = tpu.memref_slice %dma_wait3A_136[%dma_wait3A_137, %dma_wait3A_138] : memref<100x128xf32, #tpu.memory_space<vmem>> -> memref<64x128xf32, #tpu.memory_space<vmem>>
      %dma_wait3A_140 = arith.constant 0 : i32
      %dma_wait3A_141 = tpu.memref_slice %arg9[%add3A_12, %dma_wait3A_140] : memref<10240x128xf32, #tpu.memory_space<vmem_shared>> -> memref<64x128xf32, #tpu.memory_space<vmem_shared>>
      %dma_wait3A_142 = arith.constant 0 : i32
      %dma_wait3A_143 = tpu.memref_slice %arg9[%add3A_12, %dma_wait3A_142] : memref<10240x128xf32, #tpu.memory_space<vmem_shared>> -> memref<64x128xf32, #tpu.memory_space<vmem_shared>>
      %dma_wait3A_144 = arith.constant 0 : i32
      %dma_wait3A_145 = arith.constant 0 : i32
      %dma_wait3A_146 = tpu.memref_slice %arg8[%run_scoped3A_13, %dma_wait3A_144, %dma_wait3A_145] : memref<2x100x128xf32, #tpu.memory_space<vmem>> -> memref<1x100x128xf32, #tpu.memory_space<vmem>>
      %dma_wait3A_147 = tpu.memref_squeeze %dma_wait3A_146 : memref<1x100x128xf32, #tpu.memory_space<vmem>> -> memref<100x128xf32, #tpu.memory_space<vmem>>
      %dma_wait3A_148 = arith.constant 0 : i32
      %dma_wait3A_149 = arith.constant 0 : i32
      %dma_wait3A_150 = tpu.memref_slice %dma_wait3A_147[%dma_wait3A_148, %dma_wait3A_149] : memref<100x128xf32, #tpu.memory_space<vmem>> -> memref<64x128xf32, #tpu.memory_space<vmem>>
      tpu.wait_dma2 semaphore(%run_scoped3A_114 : memref<!tpu.dma_semaphore, #tpu.memory_space<semaphore_mem>>) src(%dma_wait3A_150 : memref<64x128xf32, #tpu.memory_space<vmem>>) dst(%dma_wait3A_143 : memref<64x128xf32, #tpu.memory_space<vmem_shared>>)
      tpu.yield
    }) : () -> ()
    %mul3A_14 = arith.constant 640 : i32
    %mul3A_15 = arith.muli %arg1, %mul3A_14 : i32
    %add3A_16 = arith.constant 128 : i32
    %add3A_17 = arith.addi %mul3A_15, %add3A_16 : i32
    %run_scoped3A_18 = arith.constant 0 : i32
    "tpu.region"() ({
      %run_scoped3A_114 = tpu.sem_alloc : memref<!tpu.dma_semaphore, #tpu.memory_space<semaphore_mem>>
      %dma_start3A_115 = arith.constant 0 : i32
      %dma_start3A_116 = arith.constant 0 : i32
      %dma_start3A_117 = tpu.memref_slice %arg8[%run_scoped3A_18, %dma_start3A_115, %dma_start3A_116] : memref<2x100x128xf32, #tpu.memory_space<vmem>> -> memref<1x100x128xf32, #tpu.memory_space<vmem>>
      %dma_start3A_118 = tpu.memref_squeeze %dma_start3A_117 : memref<1x100x128xf32, #tpu.memory_space<vmem>> -> memref<100x128xf32, #tpu.memory_space<vmem>>
      %dma_start3A_119 = arith.constant 0 : i32
      %dma_start3A_120 = arith.constant 0 : i32
      %dma_start3A_121 = tpu.memref_slice %dma_start3A_118[%dma_start3A_119, %dma_start3A_120] : memref<100x128xf32, #tpu.memory_space<vmem>> -> memref<64x128xf32, #tpu.memory_space<vmem>>
      %dma_start3A_122 = arith.constant 0 : i32
      %dma_start3A_123 = tpu.memref_slice %arg9[%add3A_17, %dma_start3A_122] : memref<10240x128xf32, #tpu.memory_space<vmem_shared>> -> memref<64x128xf32, #tpu.memory_space<vmem_shared>>
      %dma_start3A_124 = arith.constant 0 : i32
      %dma_start3A_125 = tpu.memref_slice %arg9[%add3A_17, %dma_start3A_124] : memref<10240x128xf32, #tpu.memory_space<vmem_shared>> -> memref<64x128xf32, #tpu.memory_space<vmem_shared>>
      %dma_start3A_126 = arith.constant 0 : i32
      %dma_start3A_127 = arith.constant 0 : i32
      %dma_start3A_128 = tpu.memref_slice %arg8[%run_scoped3A_18, %dma_start3A_126, %dma_start3A_127] : memref<2x100x128xf32, #tpu.memory_space<vmem>> -> memref<1x100x128xf32, #tpu.memory_space<vmem>>
      %dma_start3A_129 = tpu.memref_squeeze %dma_start3A_128 : memref<1x100x128xf32, #tpu.memory_space<vmem>> -> memref<100x128xf32, #tpu.memory_space<vmem>>
      %dma_start3A_130 = arith.constant 0 : i32
      %dma_start3A_131 = arith.constant 0 : i32
      %dma_start3A_132 = tpu.memref_slice %dma_start3A_129[%dma_start3A_130, %dma_start3A_131] : memref<100x128xf32, #tpu.memory_space<vmem>> -> memref<64x128xf32, #tpu.memory_space<vmem>>
      tpu.enqueue_dma source(%dma_start3A_132 : memref<64x128xf32, #tpu.memory_space<vmem>>) target(%dma_start3A_125 : memref<64x128xf32, #tpu.memory_space<vmem_shared>>) target_semaphore(%run_scoped3A_114 : memref<!tpu.dma_semaphore, #tpu.memory_space<semaphore_mem>>)
      %dma_wait3A_133 = arith.constant 0 : i32
      %dma_wait3A_134 = arith.constant 0 : i32
      %dma_wait3A_135 = tpu.memref_slice %arg8[%run_scoped3A_18, %dma_wait3A_133, %dma_wait3A_134] : memref<2x100x128xf32, #tpu.memory_space<vmem>> -> memref<1x100x128xf32, #tpu.memory_space<vmem>>
      %dma_wait3A_136 = tpu.memref_squeeze %dma_wait3A_135 : memref<1x100x128xf32, #tpu.memory_space<vmem>> -> memref<100x128xf32, #tpu.memory_space<vmem>>
      %dma_wait3A_137 = arith.constant 0 : i32
      %dma_wait3A_138 = arith.constant 0 : i32
      %dma_wait3A_139 = tpu.memref_slice %dma_wait3A_136[%dma_wait3A_137, %dma_wait3A_138] : memref<100x128xf32, #tpu.memory_space<vmem>> -> memref<64x128xf32, #tpu.memory_space<vmem>>
      %dma_wait3A_140 = arith.constant 0 : i32
      %dma_wait3A_141 = tpu.memref_slice %arg9[%add3A_17, %dma_wait3A_140] : memref<10240x128xf32, #tpu.memory_space<vmem_shared>> -> memref<64x128xf32, #tpu.memory_space<vmem_shared>>
      %dma_wait3A_142 = arith.constant 0 : i32
      %dma_wait3A_143 = tpu.memref_slice %arg9[%add3A_17, %dma_wait3A_142] : memref<10240x128xf32, #tpu.memory_space<vmem_shared>> -> memref<64x128xf32, #tpu.memory_space<vmem_shared>>
      %dma_wait3A_144 = arith.constant 0 : i32
      %dma_wait3A_145 = arith.constant 0 : i32
      %dma_wait3A_146 = tpu.memref_slice %arg8[%run_scoped3A_18, %dma_wait3A_144, %dma_wait3A_145] : memref<2x100x128xf32, #tpu.memory_space<vmem>> -> memref<1x100x128xf32, #tpu.memory_space<vmem>>
      %dma_wait3A_147 = tpu.memref_squeeze %dma_wait3A_146 : memref<1x100x128xf32, #tpu.memory_space<vmem>> -> memref<100x128xf32, #tpu.memory_space<vmem>>
      %dma_wait3A_148 = arith.constant 0 : i32
      %dma_wait3A_149 = arith.constant 0 : i32
      %dma_wait3A_150 = tpu.memref_slice %dma_wait3A_147[%dma_wait3A_148, %dma_wait3A_149] : memref<100x128xf32, #tpu.memory_space<vmem>> -> memref<64x128xf32, #tpu.memory_space<vmem>>
      tpu.wait_dma2 semaphore(%run_scoped3A_114 : memref<!tpu.dma_semaphore, #tpu.memory_space<semaphore_mem>>) src(%dma_wait3A_150 : memref<64x128xf32, #tpu.memory_space<vmem>>) dst(%dma_wait3A_143 : memref<64x128xf32, #tpu.memory_space<vmem_shared>>)
      tpu.yield
    }) : () -> ()
    %mul3A_19 = arith.constant 640 : i32
    %mul3A_20 = arith.muli %arg1, %mul3A_19 : i32
    %add3A_21 = arith.constant 192 : i32
    %add3A_22 = arith.addi %mul3A_20, %add3A_21 : i32
    %run_scoped3A_23 = arith.constant 0 : i32
    "tpu.region"() ({
      %run_scoped3A_114 = tpu.sem_alloc : memref<!tpu.dma_semaphore, #tpu.memory_space<semaphore_mem>>
      %dma_start3A_115 = arith.constant 0 : i32
      %dma_start3A_116 = arith.constant 0 : i32
      %dma_start3A_117 = tpu.memref_slice %arg8[%run_scoped3A_23, %dma_start3A_115, %dma_start3A_116] : memref<2x100x128xf32, #tpu.memory_space<vmem>> -> memref<1x100x128xf32, #tpu.memory_space<vmem>>
      %dma_start3A_118 = tpu.memref_squeeze %dma_start3A_117 : memref<1x100x128xf32, #tpu.memory_space<vmem>> -> memref<100x128xf32, #tpu.memory_space<vmem>>
      %dma_start3A_119 = arith.constant 0 : i32
      %dma_start3A_120 = arith.constant 0 : i32
      %dma_start3A_121 = tpu.memref_slice %dma_start3A_118[%dma_start3A_119, %dma_start3A_120] : memref<100x128xf32, #tpu.memory_space<vmem>> -> memref<64x128xf32, #tpu.memory_space<vmem>>
      %dma_start3A_122 = arith.constant 0 : i32
      %dma_start3A_123 = tpu.memref_slice %arg9[%add3A_22, %dma_start3A_122] : memref<10240x128xf32, #tpu.memory_space<vmem_shared>> -> memref<64x128xf32, #tpu.memory_space<vmem_shared>>
      %dma_start3A_124 = arith.constant 0 : i32
      %dma_start3A_125 = tpu.memref_slice %arg9[%add3A_22, %dma_start3A_124] : memref<10240x128xf32, #tpu.memory_space<vmem_shared>> -> memref<64x128xf32, #tpu.memory_space<vmem_shared>>
      %dma_start3A_126 = arith.constant 0 : i32
      %dma_start3A_127 = arith.constant 0 : i32
      %dma_start3A_128 = tpu.memref_slice %arg8[%run_scoped3A_23, %dma_start3A_126, %dma_start3A_127] : memref<2x100x128xf32, #tpu.memory_space<vmem>> -> memref<1x100x128xf32, #tpu.memory_space<vmem>>
      %dma_start3A_129 = tpu.memref_squeeze %dma_start3A_128 : memref<1x100x128xf32, #tpu.memory_space<vmem>> -> memref<100x128xf32, #tpu.memory_space<vmem>>
      %dma_start3A_130 = arith.constant 0 : i32
      %dma_start3A_131 = arith.constant 0 : i32
      %dma_start3A_132 = tpu.memref_slice %dma_start3A_129[%dma_start3A_130, %dma_start3A_131] : memref<100x128xf32, #tpu.memory_space<vmem>> -> memref<64x128xf32, #tpu.memory_space<vmem>>
      tpu.enqueue_dma source(%dma_start3A_132 : memref<64x128xf32, #tpu.memory_space<vmem>>) target(%dma_start3A_125 : memref<64x128xf32, #tpu.memory_space<vmem_shared>>) target_semaphore(%run_scoped3A_114 : memref<!tpu.dma_semaphore, #tpu.memory_space<semaphore_mem>>)
      %dma_wait3A_133 = arith.constant 0 : i32
      %dma_wait3A_134 = arith.constant 0 : i32
      %dma_wait3A_135 = tpu.memref_slice %arg8[%run_scoped3A_23, %dma_wait3A_133, %dma_wait3A_134] : memref<2x100x128xf32, #tpu.memory_space<vmem>> -> memref<1x100x128xf32, #tpu.memory_space<vmem>>
      %dma_wait3A_136 = tpu.memref_squeeze %dma_wait3A_135 : memref<1x100x128xf32, #tpu.memory_space<vmem>> -> memref<100x128xf32, #tpu.memory_space<vmem>>
      %dma_wait3A_137 = arith.constant 0 : i32
      %dma_wait3A_138 = arith.constant 0 : i32
      %dma_wait3A_139 = tpu.memref_slice %dma_wait3A_136[%dma_wait3A_137, %dma_wait3A_138] : memref<100x128xf32, #tpu.memory_space<vmem>> -> memref<64x128xf32, #tpu.memory_space<vmem>>
      %dma_wait3A_140 = arith.constant 0 : i32
      %dma_wait3A_141 = tpu.memref_slice %arg9[%add3A_22, %dma_wait3A_140] : memref<10240x128xf32, #tpu.memory_space<vmem_shared>> -> memref<64x128xf32, #tpu.memory_space<vmem_shared>>
      %dma_wait3A_142 = arith.constant 0 : i32
      %dma_wait3A_143 = tpu.memref_slice %arg9[%add3A_22, %dma_wait3A_142] : memref<10240x128xf32, #tpu.memory_space<vmem_shared>> -> memref<64x128xf32, #tpu.memory_space<vmem_shared>>
      %dma_wait3A_144 = arith.constant 0 : i32
      %dma_wait3A_145 = arith.constant 0 : i32
      %dma_wait3A_146 = tpu.memref_slice %arg8[%run_scoped3A_23, %dma_wait3A_144, %dma_wait3A_145] : memref<2x100x128xf32, #tpu.memory_space<vmem>> -> memref<1x100x128xf32, #tpu.memory_space<vmem>>
      %dma_wait3A_147 = tpu.memref_squeeze %dma_wait3A_146 : memref<1x100x128xf32, #tpu.memory_space<vmem>> -> memref<100x128xf32, #tpu.memory_space<vmem>>
      %dma_wait3A_148 = arith.constant 0 : i32
      %dma_wait3A_149 = arith.constant 0 : i32
      %dma_wait3A_150 = tpu.memref_slice %dma_wait3A_147[%dma_wait3A_148, %dma_wait3A_149] : memref<100x128xf32, #tpu.memory_space<vmem>> -> memref<64x128xf32, #tpu.memory_space<vmem>>
      tpu.wait_dma2 semaphore(%run_scoped3A_114 : memref<!tpu.dma_semaphore, #tpu.memory_space<semaphore_mem>>) src(%dma_wait3A_150 : memref<64x128xf32, #tpu.memory_space<vmem>>) dst(%dma_wait3A_143 : memref<64x128xf32, #tpu.memory_space<vmem_shared>>)
      tpu.yield
    }) : () -> ()
    %mul3A_24 = arith.constant 640 : i32
    %mul3A_25 = arith.muli %arg1, %mul3A_24 : i32
    %add3A_26 = arith.constant 256 : i32
    %add3A_27 = arith.addi %mul3A_25, %add3A_26 : i32
    %run_scoped3A_28 = arith.constant 0 : i32
    "tpu.region"() ({
      %run_scoped3A_114 = tpu.sem_alloc : memref<!tpu.dma_semaphore, #tpu.memory_space<semaphore_mem>>
      %dma_start3A_115 = arith.constant 0 : i32
      %dma_start3A_116 = arith.constant 0 : i32
      %dma_start3A_117 = tpu.memref_slice %arg8[%run_scoped3A_28, %dma_start3A_115, %dma_start3A_116] : memref<2x100x128xf32, #tpu.memory_space<vmem>> -> memref<1x100x128xf32, #tpu.memory_space<vmem>>
      %dma_start3A_118 = tpu.memref_squeeze %dma_start3A_117 : memref<1x100x128xf32, #tpu.memory_space<vmem>> -> memref<100x128xf32, #tpu.memory_space<vmem>>
      %dma_start3A_119 = arith.constant 0 : i32
      %dma_start3A_120 = arith.constant 0 : i32
      %dma_start3A_121 = tpu.memref_slice %dma_start3A_118[%dma_start3A_119, %dma_start3A_120] : memref<100x128xf32, #tpu.memory_space<vmem>> -> memref<64x128xf32, #tpu.memory_space<vmem>>
      %dma_start3A_122 = arith.constant 0 : i32
      %dma_start3A_123 = tpu.memref_slice %arg9[%add3A_27, %dma_start3A_122] : memref<10240x128xf32, #tpu.memory_space<vmem_shared>> -> memref<64x128xf32, #tpu.memory_space<vmem_shared>>
      %dma_start3A_124 = arith.constant 0 : i32
      %dma_start3A_125 = tpu.memref_slice %arg9[%add3A_27, %dma_start3A_124] : memref<10240x128xf32, #tpu.memory_space<vmem_shared>> -> memref<64x128xf32, #tpu.memory_space<vmem_shared>>
      %dma_start3A_126 = arith.constant 0 : i32
      %dma_start3A_127 = arith.constant 0 : i32
      %dma_start3A_128 = tpu.memref_slice %arg8[%run_scoped3A_28, %dma_start3A_126, %dma_start3A_127] : memref<2x100x128xf32, #tpu.memory_space<vmem>> -> memref<1x100x128xf32, #tpu.memory_space<vmem>>
      %dma_start3A_129 = tpu.memref_squeeze %dma_start3A_128 : memref<1x100x128xf32, #tpu.memory_space<vmem>> -> memref<100x128xf32, #tpu.memory_space<vmem>>
      %dma_start3A_130 = arith.constant 0 : i32
      %dma_start3A_131 = arith.constant 0 : i32
      %dma_start3A_132 = tpu.memref_slice %dma_start3A_129[%dma_start3A_130, %dma_start3A_131] : memref<100x128xf32, #tpu.memory_space<vmem>> -> memref<64x128xf32, #tpu.memory_space<vmem>>
      tpu.enqueue_dma source(%dma_start3A_132 : memref<64x128xf32, #tpu.memory_space<vmem>>) target(%dma_start3A_125 : memref<64x128xf32, #tpu.memory_space<vmem_shared>>) target_semaphore(%run_scoped3A_114 : memref<!tpu.dma_semaphore, #tpu.memory_space<semaphore_mem>>)
      %dma_wait3A_133 = arith.constant 0 : i32
      %dma_wait3A_134 = arith.constant 0 : i32
      %dma_wait3A_135 = tpu.memref_slice %arg8[%run_scoped3A_28, %dma_wait3A_133, %dma_wait3A_134] : memref<2x100x128xf32, #tpu.memory_space<vmem>> -> memref<1x100x128xf32, #tpu.memory_space<vmem>>
      %dma_wait3A_136 = tpu.memref_squeeze %dma_wait3A_135 : memref<1x100x128xf32, #tpu.memory_space<vmem>> -> memref<100x128xf32, #tpu.memory_space<vmem>>
      %dma_wait3A_137 = arith.constant 0 : i32
      %dma_wait3A_138 = arith.constant 0 : i32
      %dma_wait3A_139 = tpu.memref_slice %dma_wait3A_136[%dma_wait3A_137, %dma_wait3A_138] : memref<100x128xf32, #tpu.memory_space<vmem>> -> memref<64x128xf32, #tpu.memory_space<vmem>>
      %dma_wait3A_140 = arith.constant 0 : i32
      %dma_wait3A_141 = tpu.memref_slice %arg9[%add3A_27, %dma_wait3A_140] : memref<10240x128xf32, #tpu.memory_space<vmem_shared>> -> memref<64x128xf32, #tpu.memory_space<vmem_shared>>
      %dma_wait3A_142 = arith.constant 0 : i32
      %dma_wait3A_143 = tpu.memref_slice %arg9[%add3A_27, %dma_wait3A_142] : memref<10240x128xf32, #tpu.memory_space<vmem_shared>> -> memref<64x128xf32, #tpu.memory_space<vmem_shared>>
      %dma_wait3A_144 = arith.constant 0 : i32
      %dma_wait3A_145 = arith.constant 0 : i32
      %dma_wait3A_146 = tpu.memref_slice %arg8[%run_scoped3A_28, %dma_wait3A_144, %dma_wait3A_145] : memref<2x100x128xf32, #tpu.memory_space<vmem>> -> memref<1x100x128xf32, #tpu.memory_space<vmem>>
      %dma_wait3A_147 = tpu.memref_squeeze %dma_wait3A_146 : memref<1x100x128xf32, #tpu.memory_space<vmem>> -> memref<100x128xf32, #tpu.memory_space<vmem>>
      %dma_wait3A_148 = arith.constant 0 : i32
      %dma_wait3A_149 = arith.constant 0 : i32
      %dma_wait3A_150 = tpu.memref_slice %dma_wait3A_147[%dma_wait3A_148, %dma_wait3A_149] : memref<100x128xf32, #tpu.memory_space<vmem>> -> memref<64x128xf32, #tpu.memory_space<vmem>>
      tpu.wait_dma2 semaphore(%run_scoped3A_114 : memref<!tpu.dma_semaphore, #tpu.memory_space<semaphore_mem>>) src(%dma_wait3A_150 : memref<64x128xf32, #tpu.memory_space<vmem>>) dst(%dma_wait3A_143 : memref<64x128xf32, #tpu.memory_space<vmem_shared>>)
      tpu.yield
    }) : () -> ()
    %mul3A_29 = arith.constant 640 : i32
    %mul3A_30 = arith.muli %arg1, %mul3A_29 : i32
    %add3A_31 = arith.constant 320 : i32
    %add3A_32 = arith.addi %mul3A_30, %add3A_31 : i32
    %run_scoped3A_33 = arith.constant 0 : i32
    "tpu.region"() ({
      %run_scoped3A_114 = tpu.sem_alloc : memref<!tpu.dma_semaphore, #tpu.memory_space<semaphore_mem>>
      %dma_start3A_115 = arith.constant 0 : i32
      %dma_start3A_116 = arith.constant 0 : i32
      %dma_start3A_117 = tpu.memref_slice %arg8[%run_scoped3A_33, %dma_start3A_115, %dma_start3A_116] : memref<2x100x128xf32, #tpu.memory_space<vmem>> -> memref<1x100x128xf32, #tpu.memory_space<vmem>>
      %dma_start3A_118 = tpu.memref_squeeze %dma_start3A_117 : memref<1x100x128xf32, #tpu.memory_space<vmem>> -> memref<100x128xf32, #tpu.memory_space<vmem>>
      %dma_start3A_119 = arith.constant 0 : i32
      %dma_start3A_120 = arith.constant 0 : i32
      %dma_start3A_121 = tpu.memref_slice %dma_start3A_118[%dma_start3A_119, %dma_start3A_120] : memref<100x128xf32, #tpu.memory_space<vmem>> -> memref<64x128xf32, #tpu.memory_space<vmem>>
      %dma_start3A_122 = arith.constant 0 : i32
      %dma_start3A_123 = tpu.memref_slice %arg9[%add3A_32, %dma_start3A_122] : memref<10240x128xf32, #tpu.memory_space<vmem_shared>> -> memref<64x128xf32, #tpu.memory_space<vmem_shared>>
      %dma_start3A_124 = arith.constant 0 : i32
      %dma_start3A_125 = tpu.memref_slice %arg9[%add3A_32, %dma_start3A_124] : memref<10240x128xf32, #tpu.memory_space<vmem_shared>> -> memref<64x128xf32, #tpu.memory_space<vmem_shared>>
      %dma_start3A_126 = arith.constant 0 : i32
      %dma_start3A_127 = arith.constant 0 : i32
      %dma_start3A_128 = tpu.memref_slice %arg8[%run_scoped3A_33, %dma_start3A_126, %dma_start3A_127] : memref<2x100x128xf32, #tpu.memory_space<vmem>> -> memref<1x100x128xf32, #tpu.memory_space<vmem>>
      %dma_start3A_129 = tpu.memref_squeeze %dma_start3A_128 : memref<1x100x128xf32, #tpu.memory_space<vmem>> -> memref<100x128xf32, #tpu.memory_space<vmem>>
      %dma_start3A_130 = arith.constant 0 : i32
      %dma_start3A_131 = arith.constant 0 : i32
      %dma_start3A_132 = tpu.memref_slice %dma_start3A_129[%dma_start3A_130, %dma_start3A_131] : memref<100x128xf32, #tpu.memory_space<vmem>> -> memref<64x128xf32, #tpu.memory_space<vmem>>
      tpu.enqueue_dma source(%dma_start3A_132 : memref<64x128xf32, #tpu.memory_space<vmem>>) target(%dma_start3A_125 : memref<64x128xf32, #tpu.memory_space<vmem_shared>>) target_semaphore(%run_scoped3A_114 : memref<!tpu.dma_semaphore, #tpu.memory_space<semaphore_mem>>)
      %dma_wait3A_133 = arith.constant 0 : i32
      %dma_wait3A_134 = arith.constant 0 : i32
      %dma_wait3A_135 = tpu.memref_slice %arg8[%run_scoped3A_33, %dma_wait3A_133, %dma_wait3A_134] : memref<2x100x128xf32, #tpu.memory_space<vmem>> -> memref<1x100x128xf32, #tpu.memory_space<vmem>>
      %dma_wait3A_136 = tpu.memref_squeeze %dma_wait3A_135 : memref<1x100x128xf32, #tpu.memory_space<vmem>> -> memref<100x128xf32, #tpu.memory_space<vmem>>
      %dma_wait3A_137 = arith.constant 0 : i32
      %dma_wait3A_138 = arith.constant 0 : i32
      %dma_wait3A_139 = tpu.memref_slice %dma_wait3A_136[%dma_wait3A_137, %dma_wait3A_138] : memref<100x128xf32, #tpu.memory_space<vmem>> -> memref<64x128xf32, #tpu.memory_space<vmem>>
      %dma_wait3A_140 = arith.constant 0 : i32
      %dma_wait3A_141 = tpu.memref_slice %arg9[%add3A_32, %dma_wait3A_140] : memref<10240x128xf32, #tpu.memory_space<vmem_shared>> -> memref<64x128xf32, #tpu.memory_space<vmem_shared>>
      %dma_wait3A_142 = arith.constant 0 : i32
      %dma_wait3A_143 = tpu.memref_slice %arg9[%add3A_32, %dma_wait3A_142] : memref<10240x128xf32, #tpu.memory_space<vmem_shared>> -> memref<64x128xf32, #tpu.memory_space<vmem_shared>>
      %dma_wait3A_144 = arith.constant 0 : i32
      %dma_wait3A_145 = arith.constant 0 : i32
      %dma_wait3A_146 = tpu.memref_slice %arg8[%run_scoped3A_33, %dma_wait3A_144, %dma_wait3A_145] : memref<2x100x128xf32, #tpu.memory_space<vmem>> -> memref<1x100x128xf32, #tpu.memory_space<vmem>>
      %dma_wait3A_147 = tpu.memref_squeeze %dma_wait3A_146 : memref<1x100x128xf32, #tpu.memory_space<vmem>> -> memref<100x128xf32, #tpu.memory_space<vmem>>
      %dma_wait3A_148 = arith.constant 0 : i32
      %dma_wait3A_149 = arith.constant 0 : i32
      %dma_wait3A_150 = tpu.memref_slice %dma_wait3A_147[%dma_wait3A_148, %dma_wait3A_149] : memref<100x128xf32, #tpu.memory_space<vmem>> -> memref<64x128xf32, #tpu.memory_space<vmem>>
      tpu.wait_dma2 semaphore(%run_scoped3A_114 : memref<!tpu.dma_semaphore, #tpu.memory_space<semaphore_mem>>) src(%dma_wait3A_150 : memref<64x128xf32, #tpu.memory_space<vmem>>) dst(%dma_wait3A_143 : memref<64x128xf32, #tpu.memory_space<vmem_shared>>)
      tpu.yield
    }) : () -> ()
    %mul3A_34 = arith.constant 640 : i32
    %mul3A_35 = arith.muli %arg1, %mul3A_34 : i32
    %add3A_36 = arith.constant 384 : i32
    %add3A_37 = arith.addi %mul3A_35, %add3A_36 : i32
    %run_scoped3A_38 = arith.constant 0 : i32
    "tpu.region"() ({
      %run_scoped3A_114 = tpu.sem_alloc : memref<!tpu.dma_semaphore, #tpu.memory_space<semaphore_mem>>
      %dma_start3A_115 = arith.constant 0 : i32
      %dma_start3A_116 = arith.constant 0 : i32
      %dma_start3A_117 = tpu.memref_slice %arg8[%run_scoped3A_38, %dma_start3A_115, %dma_start3A_116] : memref<2x100x128xf32, #tpu.memory_space<vmem>> -> memref<1x100x128xf32, #tpu.memory_space<vmem>>
      %dma_start3A_118 = tpu.memref_squeeze %dma_start3A_117 : memref<1x100x128xf32, #tpu.memory_space<vmem>> -> memref<100x128xf32, #tpu.memory_space<vmem>>
      %dma_start3A_119 = arith.constant 0 : i32
      %dma_start3A_120 = arith.constant 0 : i32
      %dma_start3A_121 = tpu.memref_slice %dma_start3A_118[%dma_start3A_119, %dma_start3A_120] : memref<100x128xf32, #tpu.memory_space<vmem>> -> memref<64x128xf32, #tpu.memory_space<vmem>>
      %dma_start3A_122 = arith.constant 0 : i32
      %dma_start3A_123 = tpu.memref_slice %arg9[%add3A_37, %dma_start3A_122] : memref<10240x128xf32, #tpu.memory_space<vmem_shared>> -> memref<64x128xf32, #tpu.memory_space<vmem_shared>>
      %dma_start3A_124 = arith.constant 0 : i32
      %dma_start3A_125 = tpu.memref_slice %arg9[%add3A_37, %dma_start3A_124] : memref<10240x128xf32, #tpu.memory_space<vmem_shared>> -> memref<64x128xf32, #tpu.memory_space<vmem_shared>>
      %dma_start3A_126 = arith.constant 0 : i32
      %dma_start3A_127 = arith.constant 0 : i32
      %dma_start3A_128 = tpu.memref_slice %arg8[%run_scoped3A_38, %dma_start3A_126, %dma_start3A_127] : memref<2x100x128xf32, #tpu.memory_space<vmem>> -> memref<1x100x128xf32, #tpu.memory_space<vmem>>
      %dma_start3A_129 = tpu.memref_squeeze %dma_start3A_128 : memref<1x100x128xf32, #tpu.memory_space<vmem>> -> memref<100x128xf32, #tpu.memory_space<vmem>>
      %dma_start3A_130 = arith.constant 0 : i32
      %dma_start3A_131 = arith.constant 0 : i32
      %dma_start3A_132 = tpu.memref_slice %dma_start3A_129[%dma_start3A_130, %dma_start3A_131] : memref<100x128xf32, #tpu.memory_space<vmem>> -> memref<64x128xf32, #tpu.memory_space<vmem>>
      tpu.enqueue_dma source(%dma_start3A_132 : memref<64x128xf32, #tpu.memory_space<vmem>>) target(%dma_start3A_125 : memref<64x128xf32, #tpu.memory_space<vmem_shared>>) target_semaphore(%run_scoped3A_114 : memref<!tpu.dma_semaphore, #tpu.memory_space<semaphore_mem>>)
      %dma_wait3A_133 = arith.constant 0 : i32
      %dma_wait3A_134 = arith.constant 0 : i32
      %dma_wait3A_135 = tpu.memref_slice %arg8[%run_scoped3A_38, %dma_wait3A_133, %dma_wait3A_134] : memref<2x100x128xf32, #tpu.memory_space<vmem>> -> memref<1x100x128xf32, #tpu.memory_space<vmem>>
      %dma_wait3A_136 = tpu.memref_squeeze %dma_wait3A_135 : memref<1x100x128xf32, #tpu.memory_space<vmem>> -> memref<100x128xf32, #tpu.memory_space<vmem>>
      %dma_wait3A_137 = arith.constant 0 : i32
      %dma_wait3A_138 = arith.constant 0 : i32
      %dma_wait3A_139 = tpu.memref_slice %dma_wait3A_136[%dma_wait3A_137, %dma_wait3A_138] : memref<100x128xf32, #tpu.memory_space<vmem>> -> memref<64x128xf32, #tpu.memory_space<vmem>>
      %dma_wait3A_140 = arith.constant 0 : i32
      %dma_wait3A_141 = tpu.memref_slice %arg9[%add3A_37, %dma_wait3A_140] : memref<10240x128xf32, #tpu.memory_space<vmem_shared>> -> memref<64x128xf32, #tpu.memory_space<vmem_shared>>
      %dma_wait3A_142 = arith.constant 0 : i32
      %dma_wait3A_143 = tpu.memref_slice %arg9[%add3A_37, %dma_wait3A_142] : memref<10240x128xf32, #tpu.memory_space<vmem_shared>> -> memref<64x128xf32, #tpu.memory_space<vmem_shared>>
      %dma_wait3A_144 = arith.constant 0 : i32
      %dma_wait3A_145 = arith.constant 0 : i32
      %dma_wait3A_146 = tpu.memref_slice %arg8[%run_scoped3A_38, %dma_wait3A_144, %dma_wait3A_145] : memref<2x100x128xf32, #tpu.memory_space<vmem>> -> memref<1x100x128xf32, #tpu.memory_space<vmem>>
      %dma_wait3A_147 = tpu.memref_squeeze %dma_wait3A_146 : memref<1x100x128xf32, #tpu.memory_space<vmem>> -> memref<100x128xf32, #tpu.memory_space<vmem>>
      %dma_wait3A_148 = arith.constant 0 : i32
      %dma_wait3A_149 = arith.constant 0 : i32
      %dma_wait3A_150 = tpu.memref_slice %dma_wait3A_147[%dma_wait3A_148, %dma_wait3A_149] : memref<100x128xf32, #tpu.memory_space<vmem>> -> memref<64x128xf32, #tpu.memory_space<vmem>>
      tpu.wait_dma2 semaphore(%run_scoped3A_114 : memref<!tpu.dma_semaphore, #tpu.memory_space<semaphore_mem>>) src(%dma_wait3A_150 : memref<64x128xf32, #tpu.memory_space<vmem>>) dst(%dma_wait3A_143 : memref<64x128xf32, #tpu.memory_space<vmem_shared>>)
      tpu.yield
    }) : () -> ()
    %mul3A_39 = arith.constant 640 : i32
    %mul3A_40 = arith.muli %arg1, %mul3A_39 : i32
    %add3A_41 = arith.constant 448 : i32
    %add3A_42 = arith.addi %mul3A_40, %add3A_41 : i32
    %run_scoped3A_43 = arith.constant 0 : i32
    "tpu.region"() ({
      %run_scoped3A_114 = tpu.sem_alloc : memref<!tpu.dma_semaphore, #tpu.memory_space<semaphore_mem>>
      %dma_start3A_115 = arith.constant 0 : i32
      %dma_start3A_116 = arith.constant 0 : i32
      %dma_start3A_117 = tpu.memref_slice %arg8[%run_scoped3A_43, %dma_start3A_115, %dma_start3A_116] : memref<2x100x128xf32, #tpu.memory_space<vmem>> -> memref<1x100x128xf32, #tpu.memory_space<vmem>>
      %dma_start3A_118 = tpu.memref_squeeze %dma_start3A_117 : memref<1x100x128xf32, #tpu.memory_space<vmem>> -> memref<100x128xf32, #tpu.memory_space<vmem>>
      %dma_start3A_119 = arith.constant 0 : i32
      %dma_start3A_120 = arith.constant 0 : i32
      %dma_start3A_121 = tpu.memref_slice %dma_start3A_118[%dma_start3A_119, %dma_start3A_120] : memref<100x128xf32, #tpu.memory_space<vmem>> -> memref<64x128xf32, #tpu.memory_space<vmem>>
      %dma_start3A_122 = arith.constant 0 : i32
      %dma_start3A_123 = tpu.memref_slice %arg9[%add3A_42, %dma_start3A_122] : memref<10240x128xf32, #tpu.memory_space<vmem_shared>> -> memref<64x128xf32, #tpu.memory_space<vmem_shared>>
      %dma_start3A_124 = arith.constant 0 : i32
      %dma_start3A_125 = tpu.memref_slice %arg9[%add3A_42, %dma_start3A_124] : memref<10240x128xf32, #tpu.memory_space<vmem_shared>> -> memref<64x128xf32, #tpu.memory_space<vmem_shared>>
      %dma_start3A_126 = arith.constant 0 : i32
      %dma_start3A_127 = arith.constant 0 : i32
      %dma_start3A_128 = tpu.memref_slice %arg8[%run_scoped3A_43, %dma_start3A_126, %dma_start3A_127] : memref<2x100x128xf32, #tpu.memory_space<vmem>> -> memref<1x100x128xf32, #tpu.memory_space<vmem>>
      %dma_start3A_129 = tpu.memref_squeeze %dma_start3A_128 : memref<1x100x128xf32, #tpu.memory_space<vmem>> -> memref<100x128xf32, #tpu.memory_space<vmem>>
      %dma_start3A_130 = arith.constant 0 : i32
      %dma_start3A_131 = arith.constant 0 : i32
      %dma_start3A_132 = tpu.memref_slice %dma_start3A_129[%dma_start3A_130, %dma_start3A_131] : memref<100x128xf32, #tpu.memory_space<vmem>> -> memref<64x128xf32, #tpu.memory_space<vmem>>
      tpu.enqueue_dma source(%dma_start3A_132 : memref<64x128xf32, #tpu.memory_space<vmem>>) target(%dma_start3A_125 : memref<64x128xf32, #tpu.memory_space<vmem_shared>>) target_semaphore(%run_scoped3A_114 : memref<!tpu.dma_semaphore, #tpu.memory_space<semaphore_mem>>)
      %dma_wait3A_133 = arith.constant 0 : i32
      %dma_wait3A_134 = arith.constant 0 : i32
      %dma_wait3A_135 = tpu.memref_slice %arg8[%run_scoped3A_43, %dma_wait3A_133, %dma_wait3A_134] : memref<2x100x128xf32, #tpu.memory_space<vmem>> -> memref<1x100x128xf32, #tpu.memory_space<vmem>>
      %dma_wait3A_136 = tpu.memref_squeeze %dma_wait3A_135 : memref<1x100x128xf32, #tpu.memory_space<vmem>> -> memref<100x128xf32, #tpu.memory_space<vmem>>
      %dma_wait3A_137 = arith.constant 0 : i32
      %dma_wait3A_138 = arith.constant 0 : i32
      %dma_wait3A_139 = tpu.memref_slice %dma_wait3A_136[%dma_wait3A_137, %dma_wait3A_138] : memref<100x128xf32, #tpu.memory_space<vmem>> -> memref<64x128xf32, #tpu.memory_space<vmem>>
      %dma_wait3A_140 = arith.constant 0 : i32
      %dma_wait3A_141 = tpu.memref_slice %arg9[%add3A_42, %dma_wait3A_140] : memref<10240x128xf32, #tpu.memory_space<vmem_shared>> -> memref<64x128xf32, #tpu.memory_space<vmem_shared>>
      %dma_wait3A_142 = arith.constant 0 : i32
      %dma_wait3A_143 = tpu.memref_slice %arg9[%add3A_42, %dma_wait3A_142] : memref<10240x128xf32, #tpu.memory_space<vmem_shared>> -> memref<64x128xf32, #tpu.memory_space<vmem_shared>>
      %dma_wait3A_144 = arith.constant 0 : i32
      %dma_wait3A_145 = arith.constant 0 : i32
      %dma_wait3A_146 = tpu.memref_slice %arg8[%run_scoped3A_43, %dma_wait3A_144, %dma_wait3A_145] : memref<2x100x128xf32, #tpu.memory_space<vmem>> -> memref<1x100x128xf32, #tpu.memory_space<vmem>>
      %dma_wait3A_147 = tpu.memref_squeeze %dma_wait3A_146 : memref<1x100x128xf32, #tpu.memory_space<vmem>> -> memref<100x128xf32, #tpu.memory_space<vmem>>
      %dma_wait3A_148 = arith.constant 0 : i32
      %dma_wait3A_149 = arith.constant 0 : i32
      %dma_wait3A_150 = tpu.memref_slice %dma_wait3A_147[%dma_wait3A_148, %dma_wait3A_149] : memref<100x128xf32, #tpu.memory_space<vmem>> -> memref<64x128xf32, #tpu.memory_space<vmem>>
      tpu.wait_dma2 semaphore(%run_scoped3A_114 : memref<!tpu.dma_semaphore, #tpu.memory_space<semaphore_mem>>) src(%dma_wait3A_150 : memref<64x128xf32, #tpu.memory_space<vmem>>) dst(%dma_wait3A_143 : memref<64x128xf32, #tpu.memory_space<vmem_shared>>)
      tpu.yield
    }) : () -> ()
    %mul3A_44 = arith.constant 640 : i32
    %mul3A_45 = arith.muli %arg1, %mul3A_44 : i32
    %add3A_46 = arith.constant 512 : i32
    %add3A_47 = arith.addi %mul3A_45, %add3A_46 : i32
    %run_scoped3A_48 = arith.constant 0 : i32
    "tpu.region"() ({
      %run_scoped3A_114 = tpu.sem_alloc : memref<!tpu.dma_semaphore, #tpu.memory_space<semaphore_mem>>
      %dma_start3A_115 = arith.constant 0 : i32
      %dma_start3A_116 = arith.constant 0 : i32
      %dma_start3A_117 = tpu.memref_slice %arg8[%run_scoped3A_48, %dma_start3A_115, %dma_start3A_116] : memref<2x100x128xf32, #tpu.memory_space<vmem>> -> memref<1x100x128xf32, #tpu.memory_space<vmem>>
      %dma_start3A_118 = tpu.memref_squeeze %dma_start3A_117 : memref<1x100x128xf32, #tpu.memory_space<vmem>> -> memref<100x128xf32, #tpu.memory_space<vmem>>
      %dma_start3A_119 = arith.constant 0 : i32
      %dma_start3A_120 = arith.constant 0 : i32
      %dma_start3A_121 = tpu.memref_slice %dma_start3A_118[%dma_start3A_119, %dma_start3A_120] : memref<100x128xf32, #tpu.memory_space<vmem>> -> memref<64x128xf32, #tpu.memory_space<vmem>>
      %dma_start3A_122 = arith.constant 0 : i32
      %dma_start3A_123 = tpu.memref_slice %arg9[%add3A_47, %dma_start3A_122] : memref<10240x128xf32, #tpu.memory_space<vmem_shared>> -> memref<64x128xf32, #tpu.memory_space<vmem_shared>>
      %dma_start3A_124 = arith.constant 0 : i32
      %dma_start3A_125 = tpu.memref_slice %arg9[%add3A_47, %dma_start3A_124] : memref<10240x128xf32, #tpu.memory_space<vmem_shared>> -> memref<64x128xf32, #tpu.memory_space<vmem_shared>>
      %dma_start3A_126 = arith.constant 0 : i32
      %dma_start3A_127 = arith.constant 0 : i32
      %dma_start3A_128 = tpu.memref_slice %arg8[%run_scoped3A_48, %dma_start3A_126, %dma_start3A_127] : memref<2x100x128xf32, #tpu.memory_space<vmem>> -> memref<1x100x128xf32, #tpu.memory_space<vmem>>
      %dma_start3A_129 = tpu.memref_squeeze %dma_start3A_128 : memref<1x100x128xf32, #tpu.memory_space<vmem>> -> memref<100x128xf32, #tpu.memory_space<vmem>>
      %dma_start3A_130 = arith.constant 0 : i32
      %dma_start3A_131 = arith.constant 0 : i32
      %dma_start3A_132 = tpu.memref_slice %dma_start3A_129[%dma_start3A_130, %dma_start3A_131] : memref<100x128xf32, #tpu.memory_space<vmem>> -> memref<64x128xf32, #tpu.memory_space<vmem>>
      tpu.enqueue_dma source(%dma_start3A_132 : memref<64x128xf32, #tpu.memory_space<vmem>>) target(%dma_start3A_125 : memref<64x128xf32, #tpu.memory_space<vmem_shared>>) target_semaphore(%run_scoped3A_114 : memref<!tpu.dma_semaphore, #tpu.memory_space<semaphore_mem>>)
      %dma_wait3A_133 = arith.constant 0 : i32
      %dma_wait3A_134 = arith.constant 0 : i32
      %dma_wait3A_135 = tpu.memref_slice %arg8[%run_scoped3A_48, %dma_wait3A_133, %dma_wait3A_134] : memref<2x100x128xf32, #tpu.memory_space<vmem>> -> memref<1x100x128xf32, #tpu.memory_space<vmem>>
      %dma_wait3A_136 = tpu.memref_squeeze %dma_wait3A_135 : memref<1x100x128xf32, #tpu.memory_space<vmem>> -> memref<100x128xf32, #tpu.memory_space<vmem>>
      %dma_wait3A_137 = arith.constant 0 : i32
      %dma_wait3A_138 = arith.constant 0 : i32
      %dma_wait3A_139 = tpu.memref_slice %dma_wait3A_136[%dma_wait3A_137, %dma_wait3A_138] : memref<100x128xf32, #tpu.memory_space<vmem>> -> memref<64x128xf32, #tpu.memory_space<vmem>>
      %dma_wait3A_140 = arith.constant 0 : i32
      %dma_wait3A_141 = tpu.memref_slice %arg9[%add3A_47, %dma_wait3A_140] : memref<10240x128xf32, #tpu.memory_space<vmem_shared>> -> memref<64x128xf32, #tpu.memory_space<vmem_shared>>
      %dma_wait3A_142 = arith.constant 0 : i32
      %dma_wait3A_143 = tpu.memref_slice %arg9[%add3A_47, %dma_wait3A_142] : memref<10240x128xf32, #tpu.memory_space<vmem_shared>> -> memref<64x128xf32, #tpu.memory_space<vmem_shared>>
      %dma_wait3A_144 = arith.constant 0 : i32
      %dma_wait3A_145 = arith.constant 0 : i32
      %dma_wait3A_146 = tpu.memref_slice %arg8[%run_scoped3A_48, %dma_wait3A_144, %dma_wait3A_145] : memref<2x100x128xf32, #tpu.memory_space<vmem>> -> memref<1x100x128xf32, #tpu.memory_space<vmem>>
      %dma_wait3A_147 = tpu.memref_squeeze %dma_wait3A_146 : memref<1x100x128xf32, #tpu.memory_space<vmem>> -> memref<100x128xf32, #tpu.memory_space<vmem>>
      %dma_wait3A_148 = arith.constant 0 : i32
      %dma_wait3A_149 = arith.constant 0 : i32
      %dma_wait3A_150 = tpu.memref_slice %dma_wait3A_147[%dma_wait3A_148, %dma_wait3A_149] : memref<100x128xf32, #tpu.memory_space<vmem>> -> memref<64x128xf32, #tpu.memory_space<vmem>>
      tpu.wait_dma2 semaphore(%run_scoped3A_114 : memref<!tpu.dma_semaphore, #tpu.memory_space<semaphore_mem>>) src(%dma_wait3A_150 : memref<64x128xf32, #tpu.memory_space<vmem>>) dst(%dma_wait3A_143 : memref<64x128xf32, #tpu.memory_space<vmem_shared>>)
      tpu.yield
    }) : () -> ()
    %mul3A_49 = arith.constant 640 : i32
    %mul3A_50 = arith.muli %arg1, %mul3A_49 : i32
    %add3A_51 = arith.constant 576 : i32
    %add3A_52 = arith.addi %mul3A_50, %add3A_51 : i32
    %run_scoped3A_53 = arith.constant 0 : i32
    "tpu.region"() ({
      %run_scoped3A_114 = tpu.sem_alloc : memref<!tpu.dma_semaphore, #tpu.memory_space<semaphore_mem>>
      %dma_start3A_115 = arith.constant 0 : i32
      %dma_start3A_116 = arith.constant 0 : i32
      %dma_start3A_117 = tpu.memref_slice %arg8[%run_scoped3A_53, %dma_start3A_115, %dma_start3A_116] : memref<2x100x128xf32, #tpu.memory_space<vmem>> -> memref<1x100x128xf32, #tpu.memory_space<vmem>>
      %dma_start3A_118 = tpu.memref_squeeze %dma_start3A_117 : memref<1x100x128xf32, #tpu.memory_space<vmem>> -> memref<100x128xf32, #tpu.memory_space<vmem>>
      %dma_start3A_119 = arith.constant 0 : i32
      %dma_start3A_120 = arith.constant 0 : i32
      %dma_start3A_121 = tpu.memref_slice %dma_start3A_118[%dma_start3A_119, %dma_start3A_120] : memref<100x128xf32, #tpu.memory_space<vmem>> -> memref<64x128xf32, #tpu.memory_space<vmem>>
      %dma_start3A_122 = arith.constant 0 : i32
      %dma_start3A_123 = tpu.memref_slice %arg9[%add3A_52, %dma_start3A_122] : memref<10240x128xf32, #tpu.memory_space<vmem_shared>> -> memref<64x128xf32, #tpu.memory_space<vmem_shared>>
      %dma_start3A_124 = arith.constant 0 : i32
      %dma_start3A_125 = tpu.memref_slice %arg9[%add3A_52, %dma_start3A_124] : memref<10240x128xf32, #tpu.memory_space<vmem_shared>> -> memref<64x128xf32, #tpu.memory_space<vmem_shared>>
      %dma_start3A_126 = arith.constant 0 : i32
      %dma_start3A_127 = arith.constant 0 : i32
      %dma_start3A_128 = tpu.memref_slice %arg8[%run_scoped3A_53, %dma_start3A_126, %dma_start3A_127] : memref<2x100x128xf32, #tpu.memory_space<vmem>> -> memref<1x100x128xf32, #tpu.memory_space<vmem>>
      %dma_start3A_129 = tpu.memref_squeeze %dma_start3A_128 : memref<1x100x128xf32, #tpu.memory_space<vmem>> -> memref<100x128xf32, #tpu.memory_space<vmem>>
      %dma_start3A_130 = arith.constant 0 : i32
      %dma_start3A_131 = arith.constant 0 : i32
      %dma_start3A_132 = tpu.memref_slice %dma_start3A_129[%dma_start3A_130, %dma_start3A_131] : memref<100x128xf32, #tpu.memory_space<vmem>> -> memref<64x128xf32, #tpu.memory_space<vmem>>
      tpu.enqueue_dma source(%dma_start3A_132 : memref<64x128xf32, #tpu.memory_space<vmem>>) target(%dma_start3A_125 : memref<64x128xf32, #tpu.memory_space<vmem_shared>>) target_semaphore(%run_scoped3A_114 : memref<!tpu.dma_semaphore, #tpu.memory_space<semaphore_mem>>)
      %dma_wait3A_133 = arith.constant 0 : i32
      %dma_wait3A_134 = arith.constant 0 : i32
      %dma_wait3A_135 = tpu.memref_slice %arg8[%run_scoped3A_53, %dma_wait3A_133, %dma_wait3A_134] : memref<2x100x128xf32, #tpu.memory_space<vmem>> -> memref<1x100x128xf32, #tpu.memory_space<vmem>>
      %dma_wait3A_136 = tpu.memref_squeeze %dma_wait3A_135 : memref<1x100x128xf32, #tpu.memory_space<vmem>> -> memref<100x128xf32, #tpu.memory_space<vmem>>
      %dma_wait3A_137 = arith.constant 0 : i32
      %dma_wait3A_138 = arith.constant 0 : i32
      %dma_wait3A_139 = tpu.memref_slice %dma_wait3A_136[%dma_wait3A_137, %dma_wait3A_138] : memref<100x128xf32, #tpu.memory_space<vmem>> -> memref<64x128xf32, #tpu.memory_space<vmem>>
      %dma_wait3A_140 = arith.constant 0 : i32
      %dma_wait3A_141 = tpu.memref_slice %arg9[%add3A_52, %dma_wait3A_140] : memref<10240x128xf32, #tpu.memory_space<vmem_shared>> -> memref<64x128xf32, #tpu.memory_space<vmem_shared>>
      %dma_wait3A_142 = arith.constant 0 : i32
      %dma_wait3A_143 = tpu.memref_slice %arg9[%add3A_52, %dma_wait3A_142] : memref<10240x128xf32, #tpu.memory_space<vmem_shared>> -> memref<64x128xf32, #tpu.memory_space<vmem_shared>>
      %dma_wait3A_144 = arith.constant 0 : i32
      %dma_wait3A_145 = arith.constant 0 : i32
      %dma_wait3A_146 = tpu.memref_slice %arg8[%run_scoped3A_53, %dma_wait3A_144, %dma_wait3A_145] : memref<2x100x128xf32, #tpu.memory_space<vmem>> -> memref<1x100x128xf32, #tpu.memory_space<vmem>>
      %dma_wait3A_147 = tpu.memref_squeeze %dma_wait3A_146 : memref<1x100x128xf32, #tpu.memory_space<vmem>> -> memref<100x128xf32, #tpu.memory_space<vmem>>
      %dma_wait3A_148 = arith.constant 0 : i32
      %dma_wait3A_149 = arith.constant 0 : i32
      %dma_wait3A_150 = tpu.memref_slice %dma_wait3A_147[%dma_wait3A_148, %dma_wait3A_149] : memref<100x128xf32, #tpu.memory_space<vmem>> -> memref<64x128xf32, #tpu.memory_space<vmem>>
      tpu.wait_dma2 semaphore(%run_scoped3A_114 : memref<!tpu.dma_semaphore, #tpu.memory_space<semaphore_mem>>) src(%dma_wait3A_150 : memref<64x128xf32, #tpu.memory_space<vmem>>) dst(%dma_wait3A_143 : memref<64x128xf32, #tpu.memory_space<vmem_shared>>)
      tpu.yield
    }) : () -> ()
    %dma_start3A = arith.constant 0 : i32
    %dma_start3A_54 = arith.constant 0 : i32
    %dma_start3A_55 = arith.constant 0 : i32
    %dma_start3A_56 = arith.constant 0 : i32
    %dma_start3A_57 = tpu.memref_slice %arg8[%dma_start3A_54, %dma_start3A_55, %dma_start3A_56] : memref<2x100x128xf32, #tpu.memory_space<vmem>> -> memref<1x100x128xf32, #tpu.memory_space<vmem>>
    %dma_start3A_58 = tpu.memref_squeeze %dma_start3A_57 : memref<1x100x128xf32, #tpu.memory_space<vmem>> -> memref<100x128xf32, #tpu.memory_space<vmem>>
    %dma_start3A_59 = arith.constant 0 : i32
    %dma_start3A_60 = tpu.memref_slice %arg6[%dma_start3A, %dma_start3A_59] : memref<50x100xi32, #tpu.memory_space<vmem>> -> memref<1x100xi32, #tpu.memory_space<vmem>>
    %dma_start3A_61 = tpu.memref_squeeze %dma_start3A_60 : memref<1x100xi32, #tpu.memory_space<vmem>> -> memref<100xi32, #tpu.memory_space<vmem>>
    %dma_start3A_62 = arith.constant 0 : i32
    %dma_start3A_63 = arith.constant 0 : i32
    %dma_start3A_64 = tpu.memref_slice %arg2[%dma_start3A_62, %dma_start3A_63] : memref<10240x128xf32, #tpu.memory_space<hbm>> -> memref<10240x128xf32, #tpu.memory_space<hbm>>
    tpu.enqueue_indirect_dma source(%dma_start3A_64 : memref<10240x128xf32, #tpu.memory_space<hbm>>) target(%dma_start3A_58 : memref<100x128xf32, #tpu.memory_space<vmem>>) offsets(%dma_start3A_61 : memref<100xi32, #tpu.memory_space<vmem>>) semaphore(%arg10 : memref<!tpu.dma_semaphore, #tpu.memory_space<semaphore_mem>>)
    %dma_start3A_65 = arith.constant 1 : i32
    %dma_start3A_66 = arith.constant 1 : i32
    %dma_start3A_67 = arith.constant 0 : i32
    %dma_start3A_68 = arith.constant 0 : i32
    %dma_start3A_69 = tpu.memref_slice %arg8[%dma_start3A_66, %dma_start3A_67, %dma_start3A_68] : memref<2x100x128xf32, #tpu.memory_space<vmem>> -> memref<1x100x128xf32, #tpu.memory_space<vmem>>
    %dma_start3A_70 = tpu.memref_squeeze %dma_start3A_69 : memref<1x100x128xf32, #tpu.memory_space<vmem>> -> memref<100x128xf32, #tpu.memory_space<vmem>>
    %dma_start3A_71 = arith.constant 0 : i32
    %dma_start3A_72 = tpu.memref_slice %arg6[%dma_start3A_65, %dma_start3A_71] : memref<50x100xi32, #tpu.memory_space<vmem>> -> memref<1x100xi32, #tpu.memory_space<vmem>>
    %dma_start3A_73 = tpu.memref_squeeze %dma_start3A_72 : memref<1x100xi32, #tpu.memory_space<vmem>> -> memref<100xi32, #tpu.memory_space<vmem>>
    %dma_start3A_74 = arith.constant 0 : i32
    %dma_start3A_75 = arith.constant 0 : i32
    %dma_start3A_76 = tpu.memref_slice %arg2[%dma_start3A_74, %dma_start3A_75] : memref<10240x128xf32, #tpu.memory_space<hbm>> -> memref<10240x128xf32, #tpu.memory_space<hbm>>
    tpu.enqueue_indirect_dma source(%dma_start3A_76 : memref<10240x128xf32, #tpu.memory_space<hbm>>) target(%dma_start3A_70 : memref<100x128xf32, #tpu.memory_space<vmem>>) offsets(%dma_start3A_73 : memref<100xi32, #tpu.memory_space<vmem>>) semaphore(%arg11 : memref<!tpu.dma_semaphore, #tpu.memory_space<semaphore_mem>>)
    %barrier3A = arith.constant 0 : index
    tpu.barrier barrier_id(%barrier3A)
    %scan3A_77 = arith.constant 0 : i32
    %scan3A_78 = arith.constant 24 : i32
    %scan3A_79 = arith.addi %scan3A_77, %scan3A_78 : i32
    %scan3A_80 = arith.constant 1 : i32
    scf.for %scan3A_114 = %scan3A_77 to %scan3A_79 step %scan3A_80  : i32 {
      %mul3A_115 = arith.constant 2 : i32
      %mul3A_116 = arith.muli %mul3A_115, %scan3A_114 : i32
      %dma_wait3A_117 = arith.constant 0 : i32
      %dma_wait3A_118 = arith.constant 0 : i32
      %dma_wait3A_119 = arith.constant 0 : i32
      %dma_wait3A_120 = arith.constant 0 : i32
      %dma_wait3A_121 = tpu.memref_slice %arg8[%dma_wait3A_118, %dma_wait3A_119, %dma_wait3A_120] : memref<2x100x128xf32, #tpu.memory_space<vmem>> -> memref<1x100x128xf32, #tpu.memory_space<vmem>>
      %dma_wait3A_122 = tpu.memref_squeeze %dma_wait3A_121 : memref<1x100x128xf32, #tpu.memory_space<vmem>> -> memref<100x128xf32, #tpu.memory_space<vmem>>
      %dma_wait3A_123 = arith.constant 0 : i32
      %dma_wait3A_124 = tpu.memref_slice %arg6[%dma_wait3A_117, %dma_wait3A_123] : memref<50x100xi32, #tpu.memory_space<vmem>> -> memref<1x100xi32, #tpu.memory_space<vmem>>
      %dma_wait3A_125 = tpu.memref_squeeze %dma_wait3A_124 : memref<1x100xi32, #tpu.memory_space<vmem>> -> memref<100xi32, #tpu.memory_space<vmem>>
      %dma_wait3A_126 = arith.constant 0 : i32
      %dma_wait3A_127 = arith.constant 0 : i32
      %dma_wait3A_128 = tpu.memref_slice %arg2[%dma_wait3A_126, %dma_wait3A_127] : memref<10240x128xf32, #tpu.memory_space<hbm>> -> memref<10240x128xf32, #tpu.memory_space<hbm>>
      tpu.wait_indirect_dma semaphore(%arg10 : memref<!tpu.dma_semaphore, #tpu.memory_space<semaphore_mem>>) src(%dma_wait3A_128 : memref<10240x128xf32, #tpu.memory_space<hbm>>) dst(%dma_wait3A_122 : memref<100x128xf32, #tpu.memory_space<vmem>>)
      %add3A_129 = arith.constant 0 : i32
      %add3A_130 = arith.addi %mul3A_116, %add3A_129 : i32
      %run_scoped3A_131 = arith.constant 0 : i32
      "tpu.region"() ({
        %run_scoped3A_177 = tpu.sem_alloc : memref<!tpu.dma_semaphore, #tpu.memory_space<semaphore_mem>>
        %dma_start3A_178 = arith.constant 0 : i32
        %dma_start3A_179 = arith.constant 0 : i32
        %dma_start3A_180 = tpu.memref_slice %arg8[%run_scoped3A_131, %dma_start3A_178, %dma_start3A_179] : memref<2x100x128xf32, #tpu.memory_space<vmem>> -> memref<1x100x128xf32, #tpu.memory_space<vmem>>
        %dma_start3A_181 = tpu.memref_squeeze %dma_start3A_180 : memref<1x100x128xf32, #tpu.memory_space<vmem>> -> memref<100x128xf32, #tpu.memory_space<vmem>>
        %dma_start3A_182 = arith.constant 0 : i32
        %dma_start3A_183 = tpu.memref_slice %arg7[%add3A_130, %dma_start3A_182] : memref<50x100xi32, #tpu.memory_space<vmem>> -> memref<1x100xi32, #tpu.memory_space<vmem>>
        %dma_start3A_184 = tpu.memref_squeeze %dma_start3A_183 : memref<1x100xi32, #tpu.memory_space<vmem>> -> memref<100xi32, #tpu.memory_space<vmem>>
        %dma_start3A_185 = arith.constant 0 : i32
        %dma_start3A_186 = arith.constant 0 : i32
        %dma_start3A_187 = tpu.memref_slice %arg9[%dma_start3A_185, %dma_start3A_186] : memref<10240x128xf32, #tpu.memory_space<vmem_shared>> -> memref<10240x128xf32, #tpu.memory_space<vmem_shared>>
        tpu.enqueue_indirect_dma source(%dma_start3A_181 : memref<100x128xf32, #tpu.memory_space<vmem>>) target(%dma_start3A_187 : memref<10240x128xf32, #tpu.memory_space<vmem_shared>>) offsets(%dma_start3A_184 : memref<100xi32, #tpu.memory_space<vmem>>) semaphore(%run_scoped3A_177 : memref<!tpu.dma_semaphore, #tpu.memory_space<semaphore_mem>>) {add = true}
        %dma_wait3A_188 = arith.constant 0 : i32
        %dma_wait3A_189 = arith.constant 0 : i32
        %dma_wait3A_190 = tpu.memref_slice %arg8[%run_scoped3A_131, %dma_wait3A_188, %dma_wait3A_189] : memref<2x100x128xf32, #tpu.memory_space<vmem>> -> memref<1x100x128xf32, #tpu.memory_space<vmem>>
        %dma_wait3A_191 = tpu.memref_squeeze %dma_wait3A_190 : memref<1x100x128xf32, #tpu.memory_space<vmem>> -> memref<100x128xf32, #tpu.memory_space<vmem>>
        %dma_wait3A_192 = arith.constant 0 : i32
        %dma_wait3A_193 = tpu.memref_slice %arg7[%add3A_130, %dma_wait3A_192] : memref<50x100xi32, #tpu.memory_space<vmem>> -> memref<1x100xi32, #tpu.memory_space<vmem>>
        %dma_wait3A_194 = tpu.memref_squeeze %dma_wait3A_193 : memref<1x100xi32, #tpu.memory_space<vmem>> -> memref<100xi32, #tpu.memory_space<vmem>>
        %dma_wait3A_195 = arith.constant 0 : i32
        %dma_wait3A_196 = arith.constant 0 : i32
        %dma_wait3A_197 = tpu.memref_slice %arg9[%dma_wait3A_195, %dma_wait3A_196] : memref<10240x128xf32, #tpu.memory_space<vmem_shared>> -> memref<10240x128xf32, #tpu.memory_space<vmem_shared>>
        tpu.wait_indirect_dma semaphore(%run_scoped3A_177 : memref<!tpu.dma_semaphore, #tpu.memory_space<semaphore_mem>>) src(%dma_wait3A_191 : memref<100x128xf32, #tpu.memory_space<vmem>>) dst(%dma_wait3A_197 : memref<10240x128xf32, #tpu.memory_space<vmem_shared>>)
        tpu.yield
      }) : () -> ()
      %add3A_132 = arith.constant 0 : i32
      %add3A_133 = arith.addi %mul3A_116, %add3A_132 : i32
      %add3A_134 = arith.constant 2 : i32
      %add3A_135 = arith.addi %add3A_133, %add3A_134 : i32
      %dma_start3A_136 = arith.constant 0 : i32
      %dma_start3A_137 = arith.constant 0 : i32
      %dma_start3A_138 = arith.constant 0 : i32
      %dma_start3A_139 = tpu.memref_slice %arg8[%dma_start3A_136, %dma_start3A_137, %dma_start3A_138] : memref<2x100x128xf32, #tpu.memory_space<vmem>> -> memref<1x100x128xf32, #tpu.memory_space<vmem>>
      %dma_start3A_140 = tpu.memref_squeeze %dma_start3A_139 : memref<1x100x128xf32, #tpu.memory_space<vmem>> -> memref<100x128xf32, #tpu.memory_space<vmem>>
      %dma_start3A_141 = arith.constant 0 : i32
      %dma_start3A_142 = tpu.memref_slice %arg6[%add3A_135, %dma_start3A_141] : memref<50x100xi32, #tpu.memory_space<vmem>> -> memref<1x100xi32, #tpu.memory_space<vmem>>
      %dma_start3A_143 = tpu.memref_squeeze %dma_start3A_142 : memref<1x100xi32, #tpu.memory_space<vmem>> -> memref<100xi32, #tpu.memory_space<vmem>>
      %dma_start3A_144 = arith.constant 0 : i32
      %dma_start3A_145 = arith.constant 0 : i32
      %dma_start3A_146 = tpu.memref_slice %arg2[%dma_start3A_144, %dma_start3A_145] : memref<10240x128xf32, #tpu.memory_space<hbm>> -> memref<10240x128xf32, #tpu.memory_space<hbm>>
      tpu.enqueue_indirect_dma source(%dma_start3A_146 : memref<10240x128xf32, #tpu.memory_space<hbm>>) target(%dma_start3A_140 : memref<100x128xf32, #tpu.memory_space<vmem>>) offsets(%dma_start3A_143 : memref<100xi32, #tpu.memory_space<vmem>>) semaphore(%arg10 : memref<!tpu.dma_semaphore, #tpu.memory_space<semaphore_mem>>)
      %dma_wait3A_147 = arith.constant 0 : i32
      %dma_wait3A_148 = arith.constant 1 : i32
      %dma_wait3A_149 = arith.constant 0 : i32
      %dma_wait3A_150 = arith.constant 0 : i32
      %dma_wait3A_151 = tpu.memref_slice %arg8[%dma_wait3A_148, %dma_wait3A_149, %dma_wait3A_150] : memref<2x100x128xf32, #tpu.memory_space<vmem>> -> memref<1x100x128xf32, #tpu.memory_space<vmem>>
      %dma_wait3A_152 = tpu.memref_squeeze %dma_wait3A_151 : memref<1x100x128xf32, #tpu.memory_space<vmem>> -> memref<100x128xf32, #tpu.memory_space<vmem>>
      %dma_wait3A_153 = arith.constant 0 : i32
      %dma_wait3A_154 = tpu.memref_slice %arg6[%dma_wait3A_147, %dma_wait3A_153] : memref<50x100xi32, #tpu.memory_space<vmem>> -> memref<1x100xi32, #tpu.memory_space<vmem>>
      %dma_wait3A_155 = tpu.memref_squeeze %dma_wait3A_154 : memref<1x100xi32, #tpu.memory_space<vmem>> -> memref<100xi32, #tpu.memory_space<vmem>>
      %dma_wait3A_156 = arith.constant 0 : i32
      %dma_wait3A_157 = arith.constant 0 : i32
      %dma_wait3A_158 = tpu.memref_slice %arg2[%dma_wait3A_156, %dma_wait3A_157] : memref<10240x128xf32, #tpu.memory_space<hbm>> -> memref<10240x128xf32, #tpu.memory_space<hbm>>
      tpu.wait_indirect_dma semaphore(%arg11 : memref<!tpu.dma_semaphore, #tpu.memory_space<semaphore_mem>>) src(%dma_wait3A_158 : memref<10240x128xf32, #tpu.memory_space<hbm>>) dst(%dma_wait3A_152 : memref<100x128xf32, #tpu.memory_space<vmem>>)
      %add3A_159 = arith.constant 1 : i32
      %add3A_160 = arith.addi %mul3A_116, %add3A_159 : i32
      %run_scoped3A_161 = arith.constant 1 : i32
      "tpu.region"() ({
        %run_scoped3A_177 = tpu.sem_alloc : memref<!tpu.dma_semaphore, #tpu.memory_space<semaphore_mem>>
        %dma_start3A_178 = arith.constant 0 : i32
        %dma_start3A_179 = arith.constant 0 : i32
        %dma_start3A_180 = tpu.memref_slice %arg8[%run_scoped3A_161, %dma_start3A_178, %dma_start3A_179] : memref<2x100x128xf32, #tpu.memory_space<vmem>> -> memref<1x100x128xf32, #tpu.memory_space<vmem>>
        %dma_start3A_181 = tpu.memref_squeeze %dma_start3A_180 : memref<1x100x128xf32, #tpu.memory_space<vmem>> -> memref<100x128xf32, #tpu.memory_space<vmem>>
        %dma_start3A_182 = arith.constant 0 : i32
        %dma_start3A_183 = tpu.memref_slice %arg7[%add3A_160, %dma_start3A_182] : memref<50x100xi32, #tpu.memory_space<vmem>> -> memref<1x100xi32, #tpu.memory_space<vmem>>
        %dma_start3A_184 = tpu.memref_squeeze %dma_start3A_183 : memref<1x100xi32, #tpu.memory_space<vmem>> -> memref<100xi32, #tpu.memory_space<vmem>>
        %dma_start3A_185 = arith.constant 0 : i32
        %dma_start3A_186 = arith.constant 0 : i32
        %dma_start3A_187 = tpu.memref_slice %arg9[%dma_start3A_185, %dma_start3A_186] : memref<10240x128xf32, #tpu.memory_space<vmem_shared>> -> memref<10240x128xf32, #tpu.memory_space<vmem_shared>>
        tpu.enqueue_indirect_dma source(%dma_start3A_181 : memref<100x128xf32, #tpu.memory_space<vmem>>) target(%dma_start3A_187 : memref<10240x128xf32, #tpu.memory_space<vmem_shared>>) offsets(%dma_start3A_184 : memref<100xi32, #tpu.memory_space<vmem>>) semaphore(%run_scoped3A_177 : memref<!tpu.dma_semaphore, #tpu.memory_space<semaphore_mem>>) {add = true}
        %dma_wait3A_188 = arith.constant 0 : i32
        %dma_wait3A_189 = arith.constant 0 : i32
        %dma_wait3A_190 = tpu.memref_slice %arg8[%run_scoped3A_161, %dma_wait3A_188, %dma_wait3A_189] : memref<2x100x128xf32, #tpu.memory_space<vmem>> -> memref<1x100x128xf32, #tpu.memory_space<vmem>>
        %dma_wait3A_191 = tpu.memref_squeeze %dma_wait3A_190 : memref<1x100x128xf32, #tpu.memory_space<vmem>> -> memref<100x128xf32, #tpu.memory_space<vmem>>
        %dma_wait3A_192 = arith.constant 0 : i32
        %dma_wait3A_193 = tpu.memref_slice %arg7[%add3A_160, %dma_wait3A_192] : memref<50x100xi32, #tpu.memory_space<vmem>> -> memref<1x100xi32, #tpu.memory_space<vmem>>
        %dma_wait3A_194 = tpu.memref_squeeze %dma_wait3A_193 : memref<1x100xi32, #tpu.memory_space<vmem>> -> memref<100xi32, #tpu.memory_space<vmem>>
        %dma_wait3A_195 = arith.constant 0 : i32
        %dma_wait3A_196 = arith.constant 0 : i32
        %dma_wait3A_197 = tpu.memref_slice %arg9[%dma_wait3A_195, %dma_wait3A_196] : memref<10240x128xf32, #tpu.memory_space<vmem_shared>> -> memref<10240x128xf32, #tpu.memory_space<vmem_shared>>
        tpu.wait_indirect_dma semaphore(%run_scoped3A_177 : memref<!tpu.dma_semaphore, #tpu.memory_space<semaphore_mem>>) src(%dma_wait3A_191 : memref<100x128xf32, #tpu.memory_space<vmem>>) dst(%dma_wait3A_197 : memref<10240x128xf32, #tpu.memory_space<vmem_shared>>)
        tpu.yield
      }) : () -> ()
      %add3A_162 = arith.constant 1 : i32
      %add3A_163 = arith.addi %mul3A_116, %add3A_162 : i32
      %add3A_164 = arith.constant 2 : i32
      %add3A_165 = arith.addi %add3A_163, %add3A_164 : i32
      %dma_start3A_166 = arith.constant 1 : i32
      %dma_start3A_167 = arith.constant 0 : i32
      %dma_start3A_168 = arith.constant 0 : i32
      %dma_start3A_169 = tpu.memref_slice %arg8[%dma_start3A_166, %dma_start3A_167, %dma_start3A_168] : memref<2x100x128xf32, #tpu.memory_space<vmem>> -> memref<1x100x128xf32, #tpu.memory_space<vmem>>
      %dma_start3A_170 = tpu.memref_squeeze %dma_start3A_169 : memref<1x100x128xf32, #tpu.memory_space<vmem>> -> memref<100x128xf32, #tpu.memory_space<vmem>>
      %dma_start3A_171 = arith.constant 0 : i32
      %dma_start3A_172 = tpu.memref_slice %arg6[%add3A_165, %dma_start3A_171] : memref<50x100xi32, #tpu.memory_space<vmem>> -> memref<1x100xi32, #tpu.memory_space<vmem>>
      %dma_start3A_173 = tpu.memref_squeeze %dma_start3A_172 : memref<1x100xi32, #tpu.memory_space<vmem>> -> memref<100xi32, #tpu.memory_space<vmem>>
      %dma_start3A_174 = arith.constant 0 : i32
      %dma_start3A_175 = arith.constant 0 : i32
      %dma_start3A_176 = tpu.memref_slice %arg2[%dma_start3A_174, %dma_start3A_175] : memref<10240x128xf32, #tpu.memory_space<hbm>> -> memref<10240x128xf32, #tpu.memory_space<hbm>>
      tpu.enqueue_indirect_dma source(%dma_start3A_176 : memref<10240x128xf32, #tpu.memory_space<hbm>>) target(%dma_start3A_170 : memref<100x128xf32, #tpu.memory_space<vmem>>) offsets(%dma_start3A_173 : memref<100xi32, #tpu.memory_space<vmem>>) semaphore(%arg11 : memref<!tpu.dma_semaphore, #tpu.memory_space<semaphore_mem>>)
    }
    %scan3A_81 = arith.constant 24 : i32
    %dma_wait3A = arith.constant 0 : i32
    %dma_wait3A_82 = arith.constant 0 : i32
    %dma_wait3A_83 = arith.constant 0 : i32
    %dma_wait3A_84 = arith.constant 0 : i32
    %dma_wait3A_85 = tpu.memref_slice %arg8[%dma_wait3A_82, %dma_wait3A_83, %dma_wait3A_84] : memref<2x100x128xf32, #tpu.memory_space<vmem>> -> memref<1x100x128xf32, #tpu.memory_space<vmem>>
    %dma_wait3A_86 = tpu.memref_squeeze %dma_wait3A_85 : memref<1x100x128xf32, #tpu.memory_space<vmem>> -> memref<100x128xf32, #tpu.memory_space<vmem>>
    %dma_wait3A_87 = arith.constant 0 : i32
    %dma_wait3A_88 = tpu.memref_slice %arg6[%dma_wait3A, %dma_wait3A_87] : memref<50x100xi32, #tpu.memory_space<vmem>> -> memref<1x100xi32, #tpu.memory_space<vmem>>
    %dma_wait3A_89 = tpu.memref_squeeze %dma_wait3A_88 : memref<1x100xi32, #tpu.memory_space<vmem>> -> memref<100xi32, #tpu.memory_space<vmem>>
    %dma_wait3A_90 = arith.constant 0 : i32
    %dma_wait3A_91 = arith.constant 0 : i32
    %dma_wait3A_92 = tpu.memref_slice %arg2[%dma_wait3A_90, %dma_wait3A_91] : memref<10240x128xf32, #tpu.memory_space<hbm>> -> memref<10240x128xf32, #tpu.memory_space<hbm>>
    tpu.wait_indirect_dma semaphore(%arg10 : memref<!tpu.dma_semaphore, #tpu.memory_space<semaphore_mem>>) src(%dma_wait3A_92 : memref<10240x128xf32, #tpu.memory_space<hbm>>) dst(%dma_wait3A_86 : memref<100x128xf32, #tpu.memory_space<vmem>>)
    %run_scoped3A_93 = arith.constant 0 : i32
    %run_scoped3A_94 = arith.constant 48 : i32
    "tpu.region"() ({
      %run_scoped3A_114 = tpu.sem_alloc : memref<!tpu.dma_semaphore, #tpu.memory_space<semaphore_mem>>
      %dma_start3A_115 = arith.constant 0 : i32
      %dma_start3A_116 = arith.constant 0 : i32
      %dma_start3A_117 = tpu.memref_slice %arg8[%run_scoped3A_93, %dma_start3A_115, %dma_start3A_116] : memref<2x100x128xf32, #tpu.memory_space<vmem>> -> memref<1x100x128xf32, #tpu.memory_space<vmem>>
      %dma_start3A_118 = tpu.memref_squeeze %dma_start3A_117 : memref<1x100x128xf32, #tpu.memory_space<vmem>> -> memref<100x128xf32, #tpu.memory_space<vmem>>
      %dma_start3A_119 = arith.constant 0 : i32
      %dma_start3A_120 = tpu.memref_slice %arg7[%run_scoped3A_94, %dma_start3A_119] : memref<50x100xi32, #tpu.memory_space<vmem>> -> memref<1x100xi32, #tpu.memory_space<vmem>>
      %dma_start3A_121 = tpu.memref_squeeze %dma_start3A_120 : memref<1x100xi32, #tpu.memory_space<vmem>> -> memref<100xi32, #tpu.memory_space<vmem>>
      %dma_start3A_122 = arith.constant 0 : i32
      %dma_start3A_123 = arith.constant 0 : i32
      %dma_start3A_124 = tpu.memref_slice %arg9[%dma_start3A_122, %dma_start3A_123] : memref<10240x128xf32, #tpu.memory_space<vmem_shared>> -> memref<10240x128xf32, #tpu.memory_space<vmem_shared>>
      tpu.enqueue_indirect_dma source(%dma_start3A_118 : memref<100x128xf32, #tpu.memory_space<vmem>>) target(%dma_start3A_124 : memref<10240x128xf32, #tpu.memory_space<vmem_shared>>) offsets(%dma_start3A_121 : memref<100xi32, #tpu.memory_space<vmem>>) semaphore(%run_scoped3A_114 : memref<!tpu.dma_semaphore, #tpu.memory_space<semaphore_mem>>) {add = true}
      %dma_wait3A_125 = arith.constant 0 : i32
      %dma_wait3A_126 = arith.constant 0 : i32
      %dma_wait3A_127 = tpu.memref_slice %arg8[%run_scoped3A_93, %dma_wait3A_125, %dma_wait3A_126] : memref<2x100x128xf32, #tpu.memory_space<vmem>> -> memref<1x100x128xf32, #tpu.memory_space<vmem>>
      %dma_wait3A_128 = tpu.memref_squeeze %dma_wait3A_127 : memref<1x100x128xf32, #tpu.memory_space<vmem>> -> memref<100x128xf32, #tpu.memory_space<vmem>>
      %dma_wait3A_129 = arith.constant 0 : i32
      %dma_wait3A_130 = tpu.memref_slice %arg7[%run_scoped3A_94, %dma_wait3A_129] : memref<50x100xi32, #tpu.memory_space<vmem>> -> memref<1x100xi32, #tpu.memory_space<vmem>>
      %dma_wait3A_131 = tpu.memref_squeeze %dma_wait3A_130 : memref<1x100xi32, #tpu.memory_space<vmem>> -> memref<100xi32, #tpu.memory_space<vmem>>
      %dma_wait3A_132 = arith.constant 0 : i32
      %dma_wait3A_133 = arith.constant 0 : i32
      %dma_wait3A_134 = tpu.memref_slice %arg9[%dma_wait3A_132, %dma_wait3A_133] : memref<10240x128xf32, #tpu.memory_space<vmem_shared>> -> memref<10240x128xf32, #tpu.memory_space<vmem_shared>>
      tpu.wait_indirect_dma semaphore(%run_scoped3A_114 : memref<!tpu.dma_semaphore, #tpu.memory_space<semaphore_mem>>) src(%dma_wait3A_128 : memref<100x128xf32, #tpu.memory_space<vmem>>) dst(%dma_wait3A_134 : memref<10240x128xf32, #tpu.memory_space<vmem_shared>>)
      tpu.yield
    }) : () -> ()
    %dma_wait3A_95 = arith.constant 0 : i32
    %dma_wait3A_96 = arith.constant 1 : i32
    %dma_wait3A_97 = arith.constant 0 : i32
    %dma_wait3A_98 = arith.constant 0 : i32
    %dma_wait3A_99 = tpu.memref_slice %arg8[%dma_wait3A_96, %dma_wait3A_97, %dma_wait3A_98] : memref<2x100x128xf32, #tpu.memory_space<vmem>> -> memref<1x100x128xf32, #tpu.memory_space<vmem>>
    %dma_wait3A_100 = tpu.memref_squeeze %dma_wait3A_99 : memref<1x100x128xf32, #tpu.memory_space<vmem>> -> memref<100x128xf32, #tpu.memory_space<vmem>>
    %dma_wait3A_101 = arith.constant 0 : i32
    %dma_wait3A_102 = tpu.memref_slice %arg6[%dma_wait3A_95, %dma_wait3A_101] : memref<50x100xi32, #tpu.memory_space<vmem>> -> memref<1x100xi32, #tpu.memory_space<vmem>>
    %dma_wait3A_103 = tpu.memref_squeeze %dma_wait3A_102 : memref<1x100xi32, #tpu.memory_space<vmem>> -> memref<100xi32, #tpu.memory_space<vmem>>
    %dma_wait3A_104 = arith.constant 0 : i32
    %dma_wait3A_105 = arith.constant 0 : i32
    %dma_wait3A_106 = tpu.memref_slice %arg2[%dma_wait3A_104, %dma_wait3A_105] : memref<10240x128xf32, #tpu.memory_space<hbm>> -> memref<10240x128xf32, #tpu.memory_space<hbm>>
    tpu.wait_indirect_dma semaphore(%arg11 : memref<!tpu.dma_semaphore, #tpu.memory_space<semaphore_mem>>) src(%dma_wait3A_106 : memref<10240x128xf32, #tpu.memory_space<hbm>>) dst(%dma_wait3A_100 : memref<100x128xf32, #tpu.memory_space<vmem>>)
    %run_scoped3A_107 = arith.constant 1 : i32
    %run_scoped3A_108 = arith.constant 49 : i32
    "tpu.region"() ({
      %run_scoped3A_114 = tpu.sem_alloc : memref<!tpu.dma_semaphore, #tpu.memory_space<semaphore_mem>>
      %dma_start3A_115 = arith.constant 0 : i32
      %dma_start3A_116 = arith.constant 0 : i32
      %dma_start3A_117 = tpu.memref_slice %arg8[%run_scoped3A_107, %dma_start3A_115, %dma_start3A_116] : memref<2x100x128xf32, #tpu.memory_space<vmem>> -> memref<1x100x128xf32, #tpu.memory_space<vmem>>
      %dma_start3A_118 = tpu.memref_squeeze %dma_start3A_117 : memref<1x100x128xf32, #tpu.memory_space<vmem>> -> memref<100x128xf32, #tpu.memory_space<vmem>>
      %dma_start3A_119 = arith.constant 0 : i32
      %dma_start3A_120 = tpu.memref_slice %arg7[%run_scoped3A_108, %dma_start3A_119] : memref<50x100xi32, #tpu.memory_space<vmem>> -> memref<1x100xi32, #tpu.memory_space<vmem>>
      %dma_start3A_121 = tpu.memref_squeeze %dma_start3A_120 : memref<1x100xi32, #tpu.memory_space<vmem>> -> memref<100xi32, #tpu.memory_space<vmem>>
      %dma_start3A_122 = arith.constant 0 : i32
      %dma_start3A_123 = arith.constant 0 : i32
      %dma_start3A_124 = tpu.memref_slice %arg9[%dma_start3A_122, %dma_start3A_123] : memref<10240x128xf32, #tpu.memory_space<vmem_shared>> -> memref<10240x128xf32, #tpu.memory_space<vmem_shared>>
      tpu.enqueue_indirect_dma source(%dma_start3A_118 : memref<100x128xf32, #tpu.memory_space<vmem>>) target(%dma_start3A_124 : memref<10240x128xf32, #tpu.memory_space<vmem_shared>>) offsets(%dma_start3A_121 : memref<100xi32, #tpu.memory_space<vmem>>) semaphore(%run_scoped3A_114 : memref<!tpu.dma_semaphore, #tpu.memory_space<semaphore_mem>>) {add = true}
      %dma_wait3A_125 = arith.constant 0 : i32
      %dma_wait3A_126 = arith.constant 0 : i32
      %dma_wait3A_127 = tpu.memref_slice %arg8[%run_scoped3A_107, %dma_wait3A_125, %dma_wait3A_126] : memref<2x100x128xf32, #tpu.memory_space<vmem>> -> memref<1x100x128xf32, #tpu.memory_space<vmem>>
      %dma_wait3A_128 = tpu.memref_squeeze %dma_wait3A_127 : memref<1x100x128xf32, #tpu.memory_space<vmem>> -> memref<100x128xf32, #tpu.memory_space<vmem>>
      %dma_wait3A_129 = arith.constant 0 : i32
      %dma_wait3A_130 = tpu.memref_slice %arg7[%run_scoped3A_108, %dma_wait3A_129] : memref<50x100xi32, #tpu.memory_space<vmem>> -> memref<1x100xi32, #tpu.memory_space<vmem>>
      %dma_wait3A_131 = tpu.memref_squeeze %dma_wait3A_130 : memref<1x100xi32, #tpu.memory_space<vmem>> -> memref<100xi32, #tpu.memory_space<vmem>>
      %dma_wait3A_132 = arith.constant 0 : i32
      %dma_wait3A_133 = arith.constant 0 : i32
      %dma_wait3A_134 = tpu.memref_slice %arg9[%dma_wait3A_132, %dma_wait3A_133] : memref<10240x128xf32, #tpu.memory_space<vmem_shared>> -> memref<10240x128xf32, #tpu.memory_space<vmem_shared>>
      tpu.wait_indirect_dma semaphore(%run_scoped3A_114 : memref<!tpu.dma_semaphore, #tpu.memory_space<semaphore_mem>>) src(%dma_wait3A_128 : memref<100x128xf32, #tpu.memory_space<vmem>>) dst(%dma_wait3A_134 : memref<10240x128xf32, #tpu.memory_space<vmem_shared>>)
      tpu.yield
    }) : () -> ()
    %barrier3A_109 = arith.constant 0 : index
    tpu.barrier barrier_id(%barrier3A_109)
    %mul3A_110 = arith.constant 640 : i32
    %mul3A_111 = arith.muli %arg1, %mul3A_110 : i32
    %mul3A_112 = arith.constant 640 : i32
    %mul3A_113 = arith.muli %arg1, %mul3A_112 : i32
    "tpu.region"() ({
      %run_scoped3A_114 = tpu.sem_alloc : memref<!tpu.dma_semaphore, #tpu.memory_space<semaphore_mem>>
      %dma_start3A_115 = arith.constant 0 : i32
      %dma_start3A_116 = tpu.memref_slice %arg5[%arg0, %mul3A_113, %dma_start3A_115] : memref<2x10240x128xf32, #tpu.memory_space<hbm>> -> memref<1x640x128xf32, #tpu.memory_space<hbm>>
      %dma_start3A_117 = tpu.memref_squeeze %dma_start3A_116 : memref<1x640x128xf32, #tpu.memory_space<hbm>> -> memref<640x128xf32, #tpu.memory_space<hbm>>
      %dma_start3A_118 = arith.constant 0 : i32
      %dma_start3A_119 = tpu.memref_slice %arg9[%mul3A_111, %dma_start3A_118] : memref<10240x128xf32, #tpu.memory_space<vmem_shared>> -> memref<640x128xf32, #tpu.memory_space<vmem_shared>>
      tpu.enqueue_dma source(%dma_start3A_119 : memref<640x128xf32, #tpu.memory_space<vmem_shared>>) target(%dma_start3A_117 : memref<640x128xf32, #tpu.memory_space<hbm>>) target_semaphore(%run_scoped3A_114 : memref<!tpu.dma_semaphore, #tpu.memory_space<semaphore_mem>>)
      %dma_wait3A_120 = arith.constant 0 : i32
      %dma_wait3A_121 = tpu.memref_slice %arg5[%arg0, %mul3A_113, %dma_wait3A_120] : memref<2x10240x128xf32, #tpu.memory_space<hbm>> -> memref<1x640x128xf32, #tpu.memory_space<hbm>>
      %dma_wait3A_122 = tpu.memref_squeeze %dma_wait3A_121 : memref<1x640x128xf32, #tpu.memory_space<hbm>> -> memref<640x128xf32, #tpu.memory_space<hbm>>
      %dma_wait3A_123 = arith.constant 0 : i32
      %dma_wait3A_124 = tpu.memref_slice %arg9[%mul3A_111, %dma_wait3A_123] : memref<10240x128xf32, #tpu.memory_space<vmem_shared>> -> memref<640x128xf32, #tpu.memory_space<vmem_shared>>
      tpu.wait_dma2 semaphore(%run_scoped3A_114 : memref<!tpu.dma_semaphore, #tpu.memory_space<semaphore_mem>>) src(%dma_wait3A_124 : memref<640x128xf32, #tpu.memory_space<vmem_shared>>) dst(%dma_wait3A_122 : memref<640x128xf32, #tpu.memory_space<hbm>>)
      tpu.yield
    }) : () -> ()
    return
  }
}

#map = affine_map<(d0, d1) -> (0, 0)>
#map1 = affine_map<(d0, d1) -> (0, 0, 0)>
module attributes {stable_mosaic.version = 14 : i64} {
  func.func @_sc_segsum_body(%arg0: i32, %arg1: i32, %arg2: memref<10240x128xf32, #tpu.memory_space<hbm>>, %arg3: memref<32x50x100xi32, #tpu.memory_space<hbm>>, %arg4: memref<32x50x100xi32, #tpu.memory_space<hbm>>, %arg5: memref<2x10240x128xf32, #tpu.memory_space<hbm>>, %arg6: memref<50x100xi32, #tpu.memory_space<vmem>>, %arg7: memref<50x100xi32, #tpu.memory_space<vmem>>, %arg8: memref<2x100x128xf32, #tpu.memory_space<vmem>>, %arg9: memref<10240x128xf32, #tpu.memory_space<vmem_shared>>, %arg10: memref<!tpu.dma_semaphore, #tpu.memory_space<semaphore_mem>>, %arg11: memref<!tpu.dma_semaphore, #tpu.memory_space<semaphore_mem>>, %arg12: memref<!tpu.dma_semaphore, #tpu.memory_space<semaphore_mem>>, %arg13: memref<!tpu.dma_semaphore, #tpu.memory_space<semaphore_mem>>) attributes {dimension_semantics = [#tpu.dimension_semantics<core_parallel>, #tpu.dimension_semantics<subcore_parallel>], iteration_bounds = array<i64: 2, 16>, scalar_prefetch = 0 : i64, scratch_operands = 8 : i64, tpu.core_type = #tpu.core_type<sc_vector_subcore>, window_params = [{transform_indices = #map}, {transform_indices = #map1}, {transform_indices = #map1}, {transform_indices = #map1}]} {
    %mul3A = arith.constant 16 : i32
    %mul3A_0 = arith.muli %arg0, %mul3A : i32
    %add3A = arith.addi %mul3A_0, %arg1 : i32
    "tpu.region"() ({
      %run_scoped3A_114 = tpu.sem_alloc : memref<!tpu.dma_semaphore, #tpu.memory_space<semaphore_mem>>
      %dma_start3A_115 = arith.constant 0 : i32
      %dma_start3A_116 = arith.constant 0 : i32
      %dma_start3A_117 = tpu.memref_slice %arg3[%add3A, %dma_start3A_115, %dma_start3A_116] : memref<32x50x100xi32, #tpu.memory_space<hbm>> -> memref<1x50x100xi32, #tpu.memory_space<hbm>>
      %dma_start3A_118 = tpu.memref_squeeze %dma_start3A_117 : memref<1x50x100xi32, #tpu.memory_space<hbm>> -> memref<50x100xi32, #tpu.memory_space<hbm>>
      %dma_start3A_119 = arith.constant 0 : i32
      %dma_start3A_120 = arith.constant 0 : i32
      %dma_start3A_121 = tpu.memref_slice %arg3[%add3A, %dma_start3A_119, %dma_start3A_120] : memref<32x50x100xi32, #tpu.memory_space<hbm>> -> memref<1x50x100xi32, #tpu.memory_space<hbm>>
      %dma_start3A_122 = tpu.memref_squeeze %dma_start3A_121 : memref<1x50x100xi32, #tpu.memory_space<hbm>> -> memref<50x100xi32, #tpu.memory_space<hbm>>
      tpu.enqueue_dma source(%dma_start3A_122 : memref<50x100xi32, #tpu.memory_space<hbm>>) target(%arg6 : memref<50x100xi32, #tpu.memory_space<vmem>>) target_semaphore(%run_scoped3A_114 : memref<!tpu.dma_semaphore, #tpu.memory_space<semaphore_mem>>)
      %dma_wait3A_123 = arith.constant 0 : i32
      %dma_wait3A_124 = arith.constant 0 : i32
      %dma_wait3A_125 = tpu.memref_slice %arg3[%add3A, %dma_wait3A_123, %dma_wait3A_124] : memref<32x50x100xi32, #tpu.memory_space<hbm>> -> memref<1x50x100xi32, #tpu.memory_space<hbm>>
      %dma_wait3A_126 = tpu.memref_squeeze %dma_wait3A_125 : memref<1x50x100xi32, #tpu.memory_space<hbm>> -> memref<50x100xi32, #tpu.memory_space<hbm>>
      %dma_wait3A_127 = arith.constant 0 : i32
      %dma_wait3A_128 = arith.constant 0 : i32
      %dma_wait3A_129 = tpu.memref_slice %arg3[%add3A, %dma_wait3A_127, %dma_wait3A_128] : memref<32x50x100xi32, #tpu.memory_space<hbm>> -> memref<1x50x100xi32, #tpu.memory_space<hbm>>
      %dma_wait3A_130 = tpu.memref_squeeze %dma_wait3A_129 : memref<1x50x100xi32, #tpu.memory_space<hbm>> -> memref<50x100xi32, #tpu.memory_space<hbm>>
      tpu.wait_dma2 semaphore(%run_scoped3A_114 : memref<!tpu.dma_semaphore, #tpu.memory_space<semaphore_mem>>) src(%dma_wait3A_130 : memref<50x100xi32, #tpu.memory_space<hbm>>) dst(%arg6 : memref<50x100xi32, #tpu.memory_space<vmem>>)
      tpu.yield
    }) : () -> ()
    "tpu.region"() ({
      %run_scoped3A_114 = tpu.sem_alloc : memref<!tpu.dma_semaphore, #tpu.memory_space<semaphore_mem>>
      %dma_start3A_115 = arith.constant 0 : i32
      %dma_start3A_116 = arith.constant 0 : i32
      %dma_start3A_117 = tpu.memref_slice %arg4[%add3A, %dma_start3A_115, %dma_start3A_116] : memref<32x50x100xi32, #tpu.memory_space<hbm>> -> memref<1x50x100xi32, #tpu.memory_space<hbm>>
      %dma_start3A_118 = tpu.memref_squeeze %dma_start3A_117 : memref<1x50x100xi32, #tpu.memory_space<hbm>> -> memref<50x100xi32, #tpu.memory_space<hbm>>
      %dma_start3A_119 = arith.constant 0 : i32
      %dma_start3A_120 = arith.constant 0 : i32
      %dma_start3A_121 = tpu.memref_slice %arg4[%add3A, %dma_start3A_119, %dma_start3A_120] : memref<32x50x100xi32, #tpu.memory_space<hbm>> -> memref<1x50x100xi32, #tpu.memory_space<hbm>>
      %dma_start3A_122 = tpu.memref_squeeze %dma_start3A_121 : memref<1x50x100xi32, #tpu.memory_space<hbm>> -> memref<50x100xi32, #tpu.memory_space<hbm>>
      tpu.enqueue_dma source(%dma_start3A_122 : memref<50x100xi32, #tpu.memory_space<hbm>>) target(%arg7 : memref<50x100xi32, #tpu.memory_space<vmem>>) target_semaphore(%run_scoped3A_114 : memref<!tpu.dma_semaphore, #tpu.memory_space<semaphore_mem>>)
      %dma_wait3A_123 = arith.constant 0 : i32
      %dma_wait3A_124 = arith.constant 0 : i32
      %dma_wait3A_125 = tpu.memref_slice %arg4[%add3A, %dma_wait3A_123, %dma_wait3A_124] : memref<32x50x100xi32, #tpu.memory_space<hbm>> -> memref<1x50x100xi32, #tpu.memory_space<hbm>>
      %dma_wait3A_126 = tpu.memref_squeeze %dma_wait3A_125 : memref<1x50x100xi32, #tpu.memory_space<hbm>> -> memref<50x100xi32, #tpu.memory_space<hbm>>
      %dma_wait3A_127 = arith.constant 0 : i32
      %dma_wait3A_128 = arith.constant 0 : i32
      %dma_wait3A_129 = tpu.memref_slice %arg4[%add3A, %dma_wait3A_127, %dma_wait3A_128] : memref<32x50x100xi32, #tpu.memory_space<hbm>> -> memref<1x50x100xi32, #tpu.memory_space<hbm>>
      %dma_wait3A_130 = tpu.memref_squeeze %dma_wait3A_129 : memref<1x50x100xi32, #tpu.memory_space<hbm>> -> memref<50x100xi32, #tpu.memory_space<hbm>>
      tpu.wait_dma2 semaphore(%run_scoped3A_114 : memref<!tpu.dma_semaphore, #tpu.memory_space<semaphore_mem>>) src(%dma_wait3A_130 : memref<50x100xi32, #tpu.memory_space<hbm>>) dst(%arg7 : memref<50x100xi32, #tpu.memory_space<vmem>>)
      tpu.yield
    }) : () -> ()
    %scan3A = arith.constant 0 : i32
    %scan3A_1 = arith.constant 64 : i32
    %scan3A_2 = arith.addi %scan3A, %scan3A_1 : i32
    %scan3A_3 = arith.constant 1 : i32
    scf.for %scan3A_114 = %scan3A to %scan3A_2 step %scan3A_3  : i32 {
      %broadcast_in_dim3A = arith.constant 0.000000e+00 : f32
      %broadcast_in_dim3A_115 = vector.broadcast %broadcast_in_dim3A : f32 to vector<16xf32>
      %swap3A = arith.constant 0 : i32
      %swap3A_116 = arith.index_cast %swap3A : i32 to index
      %swap3A_117 = arith.index_cast %scan3A_114 : i32 to index
      %swap3A_118 = arith.constant 0 : index
      %swap3A_119 = tpu.vector_load %arg8[%swap3A_116, %swap3A_117, %swap3A_118] {strides = array<i32>} : memref<2x100x128xf32, #tpu.memory_space<vmem>>, vector<1x1x16xf32>,
      %swap3A_120 = vector.shape_cast %swap3A_119 : vector<1x1x16xf32> to vector<16xf32>
      %swap3A_121 = vector.shape_cast %broadcast_in_dim3A_115 : vector<16xf32> to vector<1x1x16xf32>
      tpu.vector_store %arg8[%swap3A_116, %swap3A_117, %swap3A_118], %swap3A_121 {strides = array<i32>} : memref<2x100x128xf32, #tpu.memory_space<vmem>>, vector<1x1x16xf32>,
      %broadcast_in_dim3A_122 = arith.constant 0.000000e+00 : f32
      %broadcast_in_dim3A_123 = vector.broadcast %broadcast_in_dim3A_122 : f32 to vector<16xf32>
      %swap3A_124 = arith.constant 0 : i32
      %swap3A_125 = arith.index_cast %swap3A_124 : i32 to index
      %swap3A_126 = arith.index_cast %scan3A_114 : i32 to index
      %swap3A_127 = arith.constant 16 : index
      %swap3A_128 = tpu.vector_load %arg8[%swap3A_125, %swap3A_126, %swap3A_127] {strides = array<i32>} : memref<2x100x128xf32, #tpu.memory_space<vmem>>, vector<1x1x16xf32>,
      %swap3A_129 = vector.shape_cast %swap3A_128 : vector<1x1x16xf32> to vector<16xf32>
      %swap3A_130 = vector.shape_cast %broadcast_in_dim3A_123 : vector<16xf32> to vector<1x1x16xf32>
      tpu.vector_store %arg8[%swap3A_125, %swap3A_126, %swap3A_127], %swap3A_130 {strides = array<i32>} : memref<2x100x128xf32, #tpu.memory_space<vmem>>, vector<1x1x16xf32>,
      %broadcast_in_dim3A_131 = arith.constant 0.000000e+00 : f32
      %broadcast_in_dim3A_132 = vector.broadcast %broadcast_in_dim3A_131 : f32 to vector<16xf32>
      %swap3A_133 = arith.constant 0 : i32
      %swap3A_134 = arith.index_cast %swap3A_133 : i32 to index
      %swap3A_135 = arith.index_cast %scan3A_114 : i32 to index
      %swap3A_136 = arith.constant 32 : index
      %swap3A_137 = tpu.vector_load %arg8[%swap3A_134, %swap3A_135, %swap3A_136] {strides = array<i32>} : memref<2x100x128xf32, #tpu.memory_space<vmem>>, vector<1x1x16xf32>,
      %swap3A_138 = vector.shape_cast %swap3A_137 : vector<1x1x16xf32> to vector<16xf32>
      %swap3A_139 = vector.shape_cast %broadcast_in_dim3A_132 : vector<16xf32> to vector<1x1x16xf32>
      tpu.vector_store %arg8[%swap3A_134, %swap3A_135, %swap3A_136], %swap3A_139 {strides = array<i32>} : memref<2x100x128xf32, #tpu.memory_space<vmem>>, vector<1x1x16xf32>,
      %broadcast_in_dim3A_140 = arith.constant 0.000000e+00 : f32
      %broadcast_in_dim3A_141 = vector.broadcast %broadcast_in_dim3A_140 : f32 to vector<16xf32>
      %swap3A_142 = arith.constant 0 : i32
      %swap3A_143 = arith.index_cast %swap3A_142 : i32 to index
      %swap3A_144 = arith.index_cast %scan3A_114 : i32 to index
      %swap3A_145 = arith.constant 48 : index
      %swap3A_146 = tpu.vector_load %arg8[%swap3A_143, %swap3A_144, %swap3A_145] {strides = array<i32>} : memref<2x100x128xf32, #tpu.memory_space<vmem>>, vector<1x1x16xf32>,
      %swap3A_147 = vector.shape_cast %swap3A_146 : vector<1x1x16xf32> to vector<16xf32>
      %swap3A_148 = vector.shape_cast %broadcast_in_dim3A_141 : vector<16xf32> to vector<1x1x16xf32>
      tpu.vector_store %arg8[%swap3A_143, %swap3A_144, %swap3A_145], %swap3A_148 {strides = array<i32>} : memref<2x100x128xf32, #tpu.memory_space<vmem>>, vector<1x1x16xf32>,
      %broadcast_in_dim3A_149 = arith.constant 0.000000e+00 : f32
      %broadcast_in_dim3A_150 = vector.broadcast %broadcast_in_dim3A_149 : f32 to vector<16xf32>
      %swap3A_151 = arith.constant 0 : i32
      %swap3A_152 = arith.index_cast %swap3A_151 : i32 to index
      %swap3A_153 = arith.index_cast %scan3A_114 : i32 to index
      %swap3A_154 = arith.constant 64 : index
      %swap3A_155 = tpu.vector_load %arg8[%swap3A_152, %swap3A_153, %swap3A_154] {strides = array<i32>} : memref<2x100x128xf32, #tpu.memory_space<vmem>>, vector<1x1x16xf32>,
      %swap3A_156 = vector.shape_cast %swap3A_155 : vector<1x1x16xf32> to vector<16xf32>
      %swap3A_157 = vector.shape_cast %broadcast_in_dim3A_150 : vector<16xf32> to vector<1x1x16xf32>
      tpu.vector_store %arg8[%swap3A_152, %swap3A_153, %swap3A_154], %swap3A_157 {strides = array<i32>} : memref<2x100x128xf32, #tpu.memory_space<vmem>>, vector<1x1x16xf32>,
      %broadcast_in_dim3A_158 = arith.constant 0.000000e+00 : f32
      %broadcast_in_dim3A_159 = vector.broadcast %broadcast_in_dim3A_158 : f32 to vector<16xf32>
      %swap3A_160 = arith.constant 0 : i32
      %swap3A_161 = arith.index_cast %swap3A_160 : i32 to index
      %swap3A_162 = arith.index_cast %scan3A_114 : i32 to index
      %swap3A_163 = arith.constant 80 : index
      %swap3A_164 = tpu.vector_load %arg8[%swap3A_161, %swap3A_162, %swap3A_163] {strides = array<i32>} : memref<2x100x128xf32, #tpu.memory_space<vmem>>, vector<1x1x16xf32>,
      %swap3A_165 = vector.shape_cast %swap3A_164 : vector<1x1x16xf32> to vector<16xf32>
      %swap3A_166 = vector.shape_cast %broadcast_in_dim3A_159 : vector<16xf32> to vector<1x1x16xf32>
      tpu.vector_store %arg8[%swap3A_161, %swap3A_162, %swap3A_163], %swap3A_166 {strides = array<i32>} : memref<2x100x128xf32, #tpu.memory_space<vmem>>, vector<1x1x16xf32>,
      %broadcast_in_dim3A_167 = arith.constant 0.000000e+00 : f32
      %broadcast_in_dim3A_168 = vector.broadcast %broadcast_in_dim3A_167 : f32 to vector<16xf32>
      %swap3A_169 = arith.constant 0 : i32
      %swap3A_170 = arith.index_cast %swap3A_169 : i32 to index
      %swap3A_171 = arith.index_cast %scan3A_114 : i32 to index
      %swap3A_172 = arith.constant 96 : index
      %swap3A_173 = tpu.vector_load %arg8[%swap3A_170, %swap3A_171, %swap3A_172] {strides = array<i32>} : memref<2x100x128xf32, #tpu.memory_space<vmem>>, vector<1x1x16xf32>,
      %swap3A_174 = vector.shape_cast %swap3A_173 : vector<1x1x16xf32> to vector<16xf32>
      %swap3A_175 = vector.shape_cast %broadcast_in_dim3A_168 : vector<16xf32> to vector<1x1x16xf32>
      tpu.vector_store %arg8[%swap3A_170, %swap3A_171, %swap3A_172], %swap3A_175 {strides = array<i32>} : memref<2x100x128xf32, #tpu.memory_space<vmem>>, vector<1x1x16xf32>,
      %broadcast_in_dim3A_176 = arith.constant 0.000000e+00 : f32
      %broadcast_in_dim3A_177 = vector.broadcast %broadcast_in_dim3A_176 : f32 to vector<16xf32>
      %swap3A_178 = arith.constant 0 : i32
      %swap3A_179 = arith.index_cast %swap3A_178 : i32 to index
      %swap3A_180 = arith.index_cast %scan3A_114 : i32 to index
      %swap3A_181 = arith.constant 112 : index
      %swap3A_182 = tpu.vector_load %arg8[%swap3A_179, %swap3A_180, %swap3A_181] {strides = array<i32>} : memref<2x100x128xf32, #tpu.memory_space<vmem>>, vector<1x1x16xf32>,
      %swap3A_183 = vector.shape_cast %swap3A_182 : vector<1x1x16xf32> to vector<16xf32>
      %swap3A_184 = vector.shape_cast %broadcast_in_dim3A_177 : vector<16xf32> to vector<1x1x16xf32>
      tpu.vector_store %arg8[%swap3A_179, %swap3A_180, %swap3A_181], %swap3A_184 {strides = array<i32>} : memref<2x100x128xf32, #tpu.memory_space<vmem>>, vector<1x1x16xf32>,
    }
    %scan3A_4 = arith.constant 64 : i32
    %mul3A_5 = arith.constant 640 : i32
    %mul3A_6 = arith.muli %arg1, %mul3A_5 : i32
    %add3A_7 = arith.constant 0 : i32
    %add3A_8 = arith.addi %mul3A_6, %add3A_7 : i32
    %run_scoped3A = arith.constant 0 : i32
    "tpu.region"() ({
      %run_scoped3A_114 = tpu.sem_alloc : memref<!tpu.dma_semaphore, #tpu.memory_space<semaphore_mem>>
      %dma_start3A_115 = arith.constant 0 : i32
      %dma_start3A_116 = arith.constant 0 : i32
      %dma_start3A_117 = tpu.memref_slice %arg8[%run_scoped3A, %dma_start3A_115, %dma_start3A_116] : memref<2x100x128xf32, #tpu.memory_space<vmem>> -> memref<1x100x128xf32, #tpu.memory_space<vmem>>
      %dma_start3A_118 = tpu.memref_squeeze %dma_start3A_117 : memref<1x100x128xf32, #tpu.memory_space<vmem>> -> memref<100x128xf32, #tpu.memory_space<vmem>>
      %dma_start3A_119 = arith.constant 0 : i32
      %dma_start3A_120 = arith.constant 0 : i32
      %dma_start3A_121 = tpu.memref_slice %dma_start3A_118[%dma_start3A_119, %dma_start3A_120] : memref<100x128xf32, #tpu.memory_space<vmem>> -> memref<64x128xf32, #tpu.memory_space<vmem>>
      %dma_start3A_122 = arith.constant 0 : i32
      %dma_start3A_123 = tpu.memref_slice %arg9[%add3A_8, %dma_start3A_122] : memref<10240x128xf32, #tpu.memory_space<vmem_shared>> -> memref<64x128xf32, #tpu.memory_space<vmem_shared>>
      %dma_start3A_124 = arith.constant 0 : i32
      %dma_start3A_125 = tpu.memref_slice %arg9[%add3A_8, %dma_start3A_124] : memref<10240x128xf32, #tpu.memory_space<vmem_shared>> -> memref<64x128xf32, #tpu.memory_space<vmem_shared>>
      %dma_start3A_126 = arith.constant 0 : i32
      %dma_start3A_127 = arith.constant 0 : i32
      %dma_start3A_128 = tpu.memref_slice %arg8[%run_scoped3A, %dma_start3A_126, %dma_start3A_127] : memref<2x100x128xf32, #tpu.memory_space<vmem>> -> memref<1x100x128xf32, #tpu.memory_space<vmem>>
      %dma_start3A_129 = tpu.memref_squeeze %dma_start3A_128 : memref<1x100x128xf32, #tpu.memory_space<vmem>> -> memref<100x128xf32, #tpu.memory_space<vmem>>
      %dma_start3A_130 = arith.constant 0 : i32
      %dma_start3A_131 = arith.constant 0 : i32
      %dma_start3A_132 = tpu.memref_slice %dma_start3A_129[%dma_start3A_130, %dma_start3A_131] : memref<100x128xf32, #tpu.memory_space<vmem>> -> memref<64x128xf32, #tpu.memory_space<vmem>>
      tpu.enqueue_dma source(%dma_start3A_132 : memref<64x128xf32, #tpu.memory_space<vmem>>) target(%dma_start3A_125 : memref<64x128xf32, #tpu.memory_space<vmem_shared>>) target_semaphore(%run_scoped3A_114 : memref<!tpu.dma_semaphore, #tpu.memory_space<semaphore_mem>>)
      %dma_wait3A_133 = arith.constant 0 : i32
      %dma_wait3A_134 = arith.constant 0 : i32
      %dma_wait3A_135 = tpu.memref_slice %arg8[%run_scoped3A, %dma_wait3A_133, %dma_wait3A_134] : memref<2x100x128xf32, #tpu.memory_space<vmem>> -> memref<1x100x128xf32, #tpu.memory_space<vmem>>
      %dma_wait3A_136 = tpu.memref_squeeze %dma_wait3A_135 : memref<1x100x128xf32, #tpu.memory_space<vmem>> -> memref<100x128xf32, #tpu.memory_space<vmem>>
      %dma_wait3A_137 = arith.constant 0 : i32
      %dma_wait3A_138 = arith.constant 0 : i32
      %dma_wait3A_139 = tpu.memref_slice %dma_wait3A_136[%dma_wait3A_137, %dma_wait3A_138] : memref<100x128xf32, #tpu.memory_space<vmem>> -> memref<64x128xf32, #tpu.memory_space<vmem>>
      %dma_wait3A_140 = arith.constant 0 : i32
      %dma_wait3A_141 = tpu.memref_slice %arg9[%add3A_8, %dma_wait3A_140] : memref<10240x128xf32, #tpu.memory_space<vmem_shared>> -> memref<64x128xf32, #tpu.memory_space<vmem_shared>>
      %dma_wait3A_142 = arith.constant 0 : i32
      %dma_wait3A_143 = tpu.memref_slice %arg9[%add3A_8, %dma_wait3A_142] : memref<10240x128xf32, #tpu.memory_space<vmem_shared>> -> memref<64x128xf32, #tpu.memory_space<vmem_shared>>
      %dma_wait3A_144 = arith.constant 0 : i32
      %dma_wait3A_145 = arith.constant 0 : i32
      %dma_wait3A_146 = tpu.memref_slice %arg8[%run_scoped3A, %dma_wait3A_144, %dma_wait3A_145] : memref<2x100x128xf32, #tpu.memory_space<vmem>> -> memref<1x100x128xf32, #tpu.memory_space<vmem>>
      %dma_wait3A_147 = tpu.memref_squeeze %dma_wait3A_146 : memref<1x100x128xf32, #tpu.memory_space<vmem>> -> memref<100x128xf32, #tpu.memory_space<vmem>>
      %dma_wait3A_148 = arith.constant 0 : i32
      %dma_wait3A_149 = arith.constant 0 : i32
      %dma_wait3A_150 = tpu.memref_slice %dma_wait3A_147[%dma_wait3A_148, %dma_wait3A_149] : memref<100x128xf32, #tpu.memory_space<vmem>> -> memref<64x128xf32, #tpu.memory_space<vmem>>
      tpu.wait_dma2 semaphore(%run_scoped3A_114 : memref<!tpu.dma_semaphore, #tpu.memory_space<semaphore_mem>>) src(%dma_wait3A_150 : memref<64x128xf32, #tpu.memory_space<vmem>>) dst(%dma_wait3A_143 : memref<64x128xf32, #tpu.memory_space<vmem_shared>>)
      tpu.yield
    }) : () -> ()
    %mul3A_9 = arith.constant 640 : i32
    %mul3A_10 = arith.muli %arg1, %mul3A_9 : i32
    %add3A_11 = arith.constant 64 : i32
    %add3A_12 = arith.addi %mul3A_10, %add3A_11 : i32
    %run_scoped3A_13 = arith.constant 0 : i32
    "tpu.region"() ({
      %run_scoped3A_114 = tpu.sem_alloc : memref<!tpu.dma_semaphore, #tpu.memory_space<semaphore_mem>>
      %dma_start3A_115 = arith.constant 0 : i32
      %dma_start3A_116 = arith.constant 0 : i32
      %dma_start3A_117 = tpu.memref_slice %arg8[%run_scoped3A_13, %dma_start3A_115, %dma_start3A_116] : memref<2x100x128xf32, #tpu.memory_space<vmem>> -> memref<1x100x128xf32, #tpu.memory_space<vmem>>
      %dma_start3A_118 = tpu.memref_squeeze %dma_start3A_117 : memref<1x100x128xf32, #tpu.memory_space<vmem>> -> memref<100x128xf32, #tpu.memory_space<vmem>>
      %dma_start3A_119 = arith.constant 0 : i32
      %dma_start3A_120 = arith.constant 0 : i32
      %dma_start3A_121 = tpu.memref_slice %dma_start3A_118[%dma_start3A_119, %dma_start3A_120] : memref<100x128xf32, #tpu.memory_space<vmem>> -> memref<64x128xf32, #tpu.memory_space<vmem>>
      %dma_start3A_122 = arith.constant 0 : i32
      %dma_start3A_123 = tpu.memref_slice %arg9[%add3A_12, %dma_start3A_122] : memref<10240x128xf32, #tpu.memory_space<vmem_shared>> -> memref<64x128xf32, #tpu.memory_space<vmem_shared>>
      %dma_start3A_124 = arith.constant 0 : i32
      %dma_start3A_125 = tpu.memref_slice %arg9[%add3A_12, %dma_start3A_124] : memref<10240x128xf32, #tpu.memory_space<vmem_shared>> -> memref<64x128xf32, #tpu.memory_space<vmem_shared>>
      %dma_start3A_126 = arith.constant 0 : i32
      %dma_start3A_127 = arith.constant 0 : i32
      %dma_start3A_128 = tpu.memref_slice %arg8[%run_scoped3A_13, %dma_start3A_126, %dma_start3A_127] : memref<2x100x128xf32, #tpu.memory_space<vmem>> -> memref<1x100x128xf32, #tpu.memory_space<vmem>>
      %dma_start3A_129 = tpu.memref_squeeze %dma_start3A_128 : memref<1x100x128xf32, #tpu.memory_space<vmem>> -> memref<100x128xf32, #tpu.memory_space<vmem>>
      %dma_start3A_130 = arith.constant 0 : i32
      %dma_start3A_131 = arith.constant 0 : i32
      %dma_start3A_132 = tpu.memref_slice %dma_start3A_129[%dma_start3A_130, %dma_start3A_131] : memref<100x128xf32, #tpu.memory_space<vmem>> -> memref<64x128xf32, #tpu.memory_space<vmem>>
      tpu.enqueue_dma source(%dma_start3A_132 : memref<64x128xf32, #tpu.memory_space<vmem>>) target(%dma_start3A_125 : memref<64x128xf32, #tpu.memory_space<vmem_shared>>) target_semaphore(%run_scoped3A_114 : memref<!tpu.dma_semaphore, #tpu.memory_space<semaphore_mem>>)
      %dma_wait3A_133 = arith.constant 0 : i32
      %dma_wait3A_134 = arith.constant 0 : i32
      %dma_wait3A_135 = tpu.memref_slice %arg8[%run_scoped3A_13, %dma_wait3A_133, %dma_wait3A_134] : memref<2x100x128xf32, #tpu.memory_space<vmem>> -> memref<1x100x128xf32, #tpu.memory_space<vmem>>
      %dma_wait3A_136 = tpu.memref_squeeze %dma_wait3A_135 : memref<1x100x128xf32, #tpu.memory_space<vmem>> -> memref<100x128xf32, #tpu.memory_space<vmem>>
      %dma_wait3A_137 = arith.constant 0 : i32
      %dma_wait3A_138 = arith.constant 0 : i32
      %dma_wait3A_139 = tpu.memref_slice %dma_wait3A_136[%dma_wait3A_137, %dma_wait3A_138] : memref<100x128xf32, #tpu.memory_space<vmem>> -> memref<64x128xf32, #tpu.memory_space<vmem>>
      %dma_wait3A_140 = arith.constant 0 : i32
      %dma_wait3A_141 = tpu.memref_slice %arg9[%add3A_12, %dma_wait3A_140] : memref<10240x128xf32, #tpu.memory_space<vmem_shared>> -> memref<64x128xf32, #tpu.memory_space<vmem_shared>>
      %dma_wait3A_142 = arith.constant 0 : i32
      %dma_wait3A_143 = tpu.memref_slice %arg9[%add3A_12, %dma_wait3A_142] : memref<10240x128xf32, #tpu.memory_space<vmem_shared>> -> memref<64x128xf32, #tpu.memory_space<vmem_shared>>
      %dma_wait3A_144 = arith.constant 0 : i32
      %dma_wait3A_145 = arith.constant 0 : i32
      %dma_wait3A_146 = tpu.memref_slice %arg8[%run_scoped3A_13, %dma_wait3A_144, %dma_wait3A_145] : memref<2x100x128xf32, #tpu.memory_space<vmem>> -> memref<1x100x128xf32, #tpu.memory_space<vmem>>
      %dma_wait3A_147 = tpu.memref_squeeze %dma_wait3A_146 : memref<1x100x128xf32, #tpu.memory_space<vmem>> -> memref<100x128xf32, #tpu.memory_space<vmem>>
      %dma_wait3A_148 = arith.constant 0 : i32
      %dma_wait3A_149 = arith.constant 0 : i32
      %dma_wait3A_150 = tpu.memref_slice %dma_wait3A_147[%dma_wait3A_148, %dma_wait3A_149] : memref<100x128xf32, #tpu.memory_space<vmem>> -> memref<64x128xf32, #tpu.memory_space<vmem>>
      tpu.wait_dma2 semaphore(%run_scoped3A_114 : memref<!tpu.dma_semaphore, #tpu.memory_space<semaphore_mem>>) src(%dma_wait3A_150 : memref<64x128xf32, #tpu.memory_space<vmem>>) dst(%dma_wait3A_143 : memref<64x128xf32, #tpu.memory_space<vmem_shared>>)
      tpu.yield
    }) : () -> ()
    %mul3A_14 = arith.constant 640 : i32
    %mul3A_15 = arith.muli %arg1, %mul3A_14 : i32
    %add3A_16 = arith.constant 128 : i32
    %add3A_17 = arith.addi %mul3A_15, %add3A_16 : i32
    %run_scoped3A_18 = arith.constant 0 : i32
    "tpu.region"() ({
      %run_scoped3A_114 = tpu.sem_alloc : memref<!tpu.dma_semaphore, #tpu.memory_space<semaphore_mem>>
      %dma_start3A_115 = arith.constant 0 : i32
      %dma_start3A_116 = arith.constant 0 : i32
      %dma_start3A_117 = tpu.memref_slice %arg8[%run_scoped3A_18, %dma_start3A_115, %dma_start3A_116] : memref<2x100x128xf32, #tpu.memory_space<vmem>> -> memref<1x100x128xf32, #tpu.memory_space<vmem>>
      %dma_start3A_118 = tpu.memref_squeeze %dma_start3A_117 : memref<1x100x128xf32, #tpu.memory_space<vmem>> -> memref<100x128xf32, #tpu.memory_space<vmem>>
      %dma_start3A_119 = arith.constant 0 : i32
      %dma_start3A_120 = arith.constant 0 : i32
      %dma_start3A_121 = tpu.memref_slice %dma_start3A_118[%dma_start3A_119, %dma_start3A_120] : memref<100x128xf32, #tpu.memory_space<vmem>> -> memref<64x128xf32, #tpu.memory_space<vmem>>
      %dma_start3A_122 = arith.constant 0 : i32
      %dma_start3A_123 = tpu.memref_slice %arg9[%add3A_17, %dma_start3A_122] : memref<10240x128xf32, #tpu.memory_space<vmem_shared>> -> memref<64x128xf32, #tpu.memory_space<vmem_shared>>
      %dma_start3A_124 = arith.constant 0 : i32
      %dma_start3A_125 = tpu.memref_slice %arg9[%add3A_17, %dma_start3A_124] : memref<10240x128xf32, #tpu.memory_space<vmem_shared>> -> memref<64x128xf32, #tpu.memory_space<vmem_shared>>
      %dma_start3A_126 = arith.constant 0 : i32
      %dma_start3A_127 = arith.constant 0 : i32
      %dma_start3A_128 = tpu.memref_slice %arg8[%run_scoped3A_18, %dma_start3A_126, %dma_start3A_127] : memref<2x100x128xf32, #tpu.memory_space<vmem>> -> memref<1x100x128xf32, #tpu.memory_space<vmem>>
      %dma_start3A_129 = tpu.memref_squeeze %dma_start3A_128 : memref<1x100x128xf32, #tpu.memory_space<vmem>> -> memref<100x128xf32, #tpu.memory_space<vmem>>
      %dma_start3A_130 = arith.constant 0 : i32
      %dma_start3A_131 = arith.constant 0 : i32
      %dma_start3A_132 = tpu.memref_slice %dma_start3A_129[%dma_start3A_130, %dma_start3A_131] : memref<100x128xf32, #tpu.memory_space<vmem>> -> memref<64x128xf32, #tpu.memory_space<vmem>>
      tpu.enqueue_dma source(%dma_start3A_132 : memref<64x128xf32, #tpu.memory_space<vmem>>) target(%dma_start3A_125 : memref<64x128xf32, #tpu.memory_space<vmem_shared>>) target_semaphore(%run_scoped3A_114 : memref<!tpu.dma_semaphore, #tpu.memory_space<semaphore_mem>>)
      %dma_wait3A_133 = arith.constant 0 : i32
      %dma_wait3A_134 = arith.constant 0 : i32
      %dma_wait3A_135 = tpu.memref_slice %arg8[%run_scoped3A_18, %dma_wait3A_133, %dma_wait3A_134] : memref<2x100x128xf32, #tpu.memory_space<vmem>> -> memref<1x100x128xf32, #tpu.memory_space<vmem>>
      %dma_wait3A_136 = tpu.memref_squeeze %dma_wait3A_135 : memref<1x100x128xf32, #tpu.memory_space<vmem>> -> memref<100x128xf32, #tpu.memory_space<vmem>>
      %dma_wait3A_137 = arith.constant 0 : i32
      %dma_wait3A_138 = arith.constant 0 : i32
      %dma_wait3A_139 = tpu.memref_slice %dma_wait3A_136[%dma_wait3A_137, %dma_wait3A_138] : memref<100x128xf32, #tpu.memory_space<vmem>> -> memref<64x128xf32, #tpu.memory_space<vmem>>
      %dma_wait3A_140 = arith.constant 0 : i32
      %dma_wait3A_141 = tpu.memref_slice %arg9[%add3A_17, %dma_wait3A_140] : memref<10240x128xf32, #tpu.memory_space<vmem_shared>> -> memref<64x128xf32, #tpu.memory_space<vmem_shared>>
      %dma_wait3A_142 = arith.constant 0 : i32
      %dma_wait3A_143 = tpu.memref_slice %arg9[%add3A_17, %dma_wait3A_142] : memref<10240x128xf32, #tpu.memory_space<vmem_shared>> -> memref<64x128xf32, #tpu.memory_space<vmem_shared>>
      %dma_wait3A_144 = arith.constant 0 : i32
      %dma_wait3A_145 = arith.constant 0 : i32
      %dma_wait3A_146 = tpu.memref_slice %arg8[%run_scoped3A_18, %dma_wait3A_144, %dma_wait3A_145] : memref<2x100x128xf32, #tpu.memory_space<vmem>> -> memref<1x100x128xf32, #tpu.memory_space<vmem>>
      %dma_wait3A_147 = tpu.memref_squeeze %dma_wait3A_146 : memref<1x100x128xf32, #tpu.memory_space<vmem>> -> memref<100x128xf32, #tpu.memory_space<vmem>>
      %dma_wait3A_148 = arith.constant 0 : i32
      %dma_wait3A_149 = arith.constant 0 : i32
      %dma_wait3A_150 = tpu.memref_slice %dma_wait3A_147[%dma_wait3A_148, %dma_wait3A_149] : memref<100x128xf32, #tpu.memory_space<vmem>> -> memref<64x128xf32, #tpu.memory_space<vmem>>
      tpu.wait_dma2 semaphore(%run_scoped3A_114 : memref<!tpu.dma_semaphore, #tpu.memory_space<semaphore_mem>>) src(%dma_wait3A_150 : memref<64x128xf32, #tpu.memory_space<vmem>>) dst(%dma_wait3A_143 : memref<64x128xf32, #tpu.memory_space<vmem_shared>>)
      tpu.yield
    }) : () -> ()
    %mul3A_19 = arith.constant 640 : i32
    %mul3A_20 = arith.muli %arg1, %mul3A_19 : i32
    %add3A_21 = arith.constant 192 : i32
    %add3A_22 = arith.addi %mul3A_20, %add3A_21 : i32
    %run_scoped3A_23 = arith.constant 0 : i32
    "tpu.region"() ({
      %run_scoped3A_114 = tpu.sem_alloc : memref<!tpu.dma_semaphore, #tpu.memory_space<semaphore_mem>>
      %dma_start3A_115 = arith.constant 0 : i32
      %dma_start3A_116 = arith.constant 0 : i32
      %dma_start3A_117 = tpu.memref_slice %arg8[%run_scoped3A_23, %dma_start3A_115, %dma_start3A_116] : memref<2x100x128xf32, #tpu.memory_space<vmem>> -> memref<1x100x128xf32, #tpu.memory_space<vmem>>
      %dma_start3A_118 = tpu.memref_squeeze %dma_start3A_117 : memref<1x100x128xf32, #tpu.memory_space<vmem>> -> memref<100x128xf32, #tpu.memory_space<vmem>>
      %dma_start3A_119 = arith.constant 0 : i32
      %dma_start3A_120 = arith.constant 0 : i32
      %dma_start3A_121 = tpu.memref_slice %dma_start3A_118[%dma_start3A_119, %dma_start3A_120] : memref<100x128xf32, #tpu.memory_space<vmem>> -> memref<64x128xf32, #tpu.memory_space<vmem>>
      %dma_start3A_122 = arith.constant 0 : i32
      %dma_start3A_123 = tpu.memref_slice %arg9[%add3A_22, %dma_start3A_122] : memref<10240x128xf32, #tpu.memory_space<vmem_shared>> -> memref<64x128xf32, #tpu.memory_space<vmem_shared>>
      %dma_start3A_124 = arith.constant 0 : i32
      %dma_start3A_125 = tpu.memref_slice %arg9[%add3A_22, %dma_start3A_124] : memref<10240x128xf32, #tpu.memory_space<vmem_shared>> -> memref<64x128xf32, #tpu.memory_space<vmem_shared>>
      %dma_start3A_126 = arith.constant 0 : i32
      %dma_start3A_127 = arith.constant 0 : i32
      %dma_start3A_128 = tpu.memref_slice %arg8[%run_scoped3A_23, %dma_start3A_126, %dma_start3A_127] : memref<2x100x128xf32, #tpu.memory_space<vmem>> -> memref<1x100x128xf32, #tpu.memory_space<vmem>>
      %dma_start3A_129 = tpu.memref_squeeze %dma_start3A_128 : memref<1x100x128xf32, #tpu.memory_space<vmem>> -> memref<100x128xf32, #tpu.memory_space<vmem>>
      %dma_start3A_130 = arith.constant 0 : i32
      %dma_start3A_131 = arith.constant 0 : i32
      %dma_start3A_132 = tpu.memref_slice %dma_start3A_129[%dma_start3A_130, %dma_start3A_131] : memref<100x128xf32, #tpu.memory_space<vmem>> -> memref<64x128xf32, #tpu.memory_space<vmem>>
      tpu.enqueue_dma source(%dma_start3A_132 : memref<64x128xf32, #tpu.memory_space<vmem>>) target(%dma_start3A_125 : memref<64x128xf32, #tpu.memory_space<vmem_shared>>) target_semaphore(%run_scoped3A_114 : memref<!tpu.dma_semaphore, #tpu.memory_space<semaphore_mem>>)
      %dma_wait3A_133 = arith.constant 0 : i32
      %dma_wait3A_134 = arith.constant 0 : i32
      %dma_wait3A_135 = tpu.memref_slice %arg8[%run_scoped3A_23, %dma_wait3A_133, %dma_wait3A_134] : memref<2x100x128xf32, #tpu.memory_space<vmem>> -> memref<1x100x128xf32, #tpu.memory_space<vmem>>
      %dma_wait3A_136 = tpu.memref_squeeze %dma_wait3A_135 : memref<1x100x128xf32, #tpu.memory_space<vmem>> -> memref<100x128xf32, #tpu.memory_space<vmem>>
      %dma_wait3A_137 = arith.constant 0 : i32
      %dma_wait3A_138 = arith.constant 0 : i32
      %dma_wait3A_139 = tpu.memref_slice %dma_wait3A_136[%dma_wait3A_137, %dma_wait3A_138] : memref<100x128xf32, #tpu.memory_space<vmem>> -> memref<64x128xf32, #tpu.memory_space<vmem>>
      %dma_wait3A_140 = arith.constant 0 : i32
      %dma_wait3A_141 = tpu.memref_slice %arg9[%add3A_22, %dma_wait3A_140] : memref<10240x128xf32, #tpu.memory_space<vmem_shared>> -> memref<64x128xf32, #tpu.memory_space<vmem_shared>>
      %dma_wait3A_142 = arith.constant 0 : i32
      %dma_wait3A_143 = tpu.memref_slice %arg9[%add3A_22, %dma_wait3A_142] : memref<10240x128xf32, #tpu.memory_space<vmem_shared>> -> memref<64x128xf32, #tpu.memory_space<vmem_shared>>
      %dma_wait3A_144 = arith.constant 0 : i32
      %dma_wait3A_145 = arith.constant 0 : i32
      %dma_wait3A_146 = tpu.memref_slice %arg8[%run_scoped3A_23, %dma_wait3A_144, %dma_wait3A_145] : memref<2x100x128xf32, #tpu.memory_space<vmem>> -> memref<1x100x128xf32, #tpu.memory_space<vmem>>
      %dma_wait3A_147 = tpu.memref_squeeze %dma_wait3A_146 : memref<1x100x128xf32, #tpu.memory_space<vmem>> -> memref<100x128xf32, #tpu.memory_space<vmem>>
      %dma_wait3A_148 = arith.constant 0 : i32
      %dma_wait3A_149 = arith.constant 0 : i32
      %dma_wait3A_150 = tpu.memref_slice %dma_wait3A_147[%dma_wait3A_148, %dma_wait3A_149] : memref<100x128xf32, #tpu.memory_space<vmem>> -> memref<64x128xf32, #tpu.memory_space<vmem>>
      tpu.wait_dma2 semaphore(%run_scoped3A_114 : memref<!tpu.dma_semaphore, #tpu.memory_space<semaphore_mem>>) src(%dma_wait3A_150 : memref<64x128xf32, #tpu.memory_space<vmem>>) dst(%dma_wait3A_143 : memref<64x128xf32, #tpu.memory_space<vmem_shared>>)
      tpu.yield
    }) : () -> ()
    %mul3A_24 = arith.constant 640 : i32
    %mul3A_25 = arith.muli %arg1, %mul3A_24 : i32
    %add3A_26 = arith.constant 256 : i32
    %add3A_27 = arith.addi %mul3A_25, %add3A_26 : i32
    %run_scoped3A_28 = arith.constant 0 : i32
    "tpu.region"() ({
      %run_scoped3A_114 = tpu.sem_alloc : memref<!tpu.dma_semaphore, #tpu.memory_space<semaphore_mem>>
      %dma_start3A_115 = arith.constant 0 : i32
      %dma_start3A_116 = arith.constant 0 : i32
      %dma_start3A_117 = tpu.memref_slice %arg8[%run_scoped3A_28, %dma_start3A_115, %dma_start3A_116] : memref<2x100x128xf32, #tpu.memory_space<vmem>> -> memref<1x100x128xf32, #tpu.memory_space<vmem>>
      %dma_start3A_118 = tpu.memref_squeeze %dma_start3A_117 : memref<1x100x128xf32, #tpu.memory_space<vmem>> -> memref<100x128xf32, #tpu.memory_space<vmem>>
      %dma_start3A_119 = arith.constant 0 : i32
      %dma_start3A_120 = arith.constant 0 : i32
      %dma_start3A_121 = tpu.memref_slice %dma_start3A_118[%dma_start3A_119, %dma_start3A_120] : memref<100x128xf32, #tpu.memory_space<vmem>> -> memref<64x128xf32, #tpu.memory_space<vmem>>
      %dma_start3A_122 = arith.constant 0 : i32
      %dma_start3A_123 = tpu.memref_slice %arg9[%add3A_27, %dma_start3A_122] : memref<10240x128xf32, #tpu.memory_space<vmem_shared>> -> memref<64x128xf32, #tpu.memory_space<vmem_shared>>
      %dma_start3A_124 = arith.constant 0 : i32
      %dma_start3A_125 = tpu.memref_slice %arg9[%add3A_27, %dma_start3A_124] : memref<10240x128xf32, #tpu.memory_space<vmem_shared>> -> memref<64x128xf32, #tpu.memory_space<vmem_shared>>
      %dma_start3A_126 = arith.constant 0 : i32
      %dma_start3A_127 = arith.constant 0 : i32
      %dma_start3A_128 = tpu.memref_slice %arg8[%run_scoped3A_28, %dma_start3A_126, %dma_start3A_127] : memref<2x100x128xf32, #tpu.memory_space<vmem>> -> memref<1x100x128xf32, #tpu.memory_space<vmem>>
      %dma_start3A_129 = tpu.memref_squeeze %dma_start3A_128 : memref<1x100x128xf32, #tpu.memory_space<vmem>> -> memref<100x128xf32, #tpu.memory_space<vmem>>
      %dma_start3A_130 = arith.constant 0 : i32
      %dma_start3A_131 = arith.constant 0 : i32
      %dma_start3A_132 = tpu.memref_slice %dma_start3A_129[%dma_start3A_130, %dma_start3A_131] : memref<100x128xf32, #tpu.memory_space<vmem>> -> memref<64x128xf32, #tpu.memory_space<vmem>>
      tpu.enqueue_dma source(%dma_start3A_132 : memref<64x128xf32, #tpu.memory_space<vmem>>) target(%dma_start3A_125 : memref<64x128xf32, #tpu.memory_space<vmem_shared>>) target_semaphore(%run_scoped3A_114 : memref<!tpu.dma_semaphore, #tpu.memory_space<semaphore_mem>>)
      %dma_wait3A_133 = arith.constant 0 : i32
      %dma_wait3A_134 = arith.constant 0 : i32
      %dma_wait3A_135 = tpu.memref_slice %arg8[%run_scoped3A_28, %dma_wait3A_133, %dma_wait3A_134] : memref<2x100x128xf32, #tpu.memory_space<vmem>> -> memref<1x100x128xf32, #tpu.memory_space<vmem>>
      %dma_wait3A_136 = tpu.memref_squeeze %dma_wait3A_135 : memref<1x100x128xf32, #tpu.memory_space<vmem>> -> memref<100x128xf32, #tpu.memory_space<vmem>>
      %dma_wait3A_137 = arith.constant 0 : i32
      %dma_wait3A_138 = arith.constant 0 : i32
      %dma_wait3A_139 = tpu.memref_slice %dma_wait3A_136[%dma_wait3A_137, %dma_wait3A_138] : memref<100x128xf32, #tpu.memory_space<vmem>> -> memref<64x128xf32, #tpu.memory_space<vmem>>
      %dma_wait3A_140 = arith.constant 0 : i32
      %dma_wait3A_141 = tpu.memref_slice %arg9[%add3A_27, %dma_wait3A_140] : memref<10240x128xf32, #tpu.memory_space<vmem_shared>> -> memref<64x128xf32, #tpu.memory_space<vmem_shared>>
      %dma_wait3A_142 = arith.constant 0 : i32
      %dma_wait3A_143 = tpu.memref_slice %arg9[%add3A_27, %dma_wait3A_142] : memref<10240x128xf32, #tpu.memory_space<vmem_shared>> -> memref<64x128xf32, #tpu.memory_space<vmem_shared>>
      %dma_wait3A_144 = arith.constant 0 : i32
      %dma_wait3A_145 = arith.constant 0 : i32
      %dma_wait3A_146 = tpu.memref_slice %arg8[%run_scoped3A_28, %dma_wait3A_144, %dma_wait3A_145] : memref<2x100x128xf32, #tpu.memory_space<vmem>> -> memref<1x100x128xf32, #tpu.memory_space<vmem>>
      %dma_wait3A_147 = tpu.memref_squeeze %dma_wait3A_146 : memref<1x100x128xf32, #tpu.memory_space<vmem>> -> memref<100x128xf32, #tpu.memory_space<vmem>>
      %dma_wait3A_148 = arith.constant 0 : i32
      %dma_wait3A_149 = arith.constant 0 : i32
      %dma_wait3A_150 = tpu.memref_slice %dma_wait3A_147[%dma_wait3A_148, %dma_wait3A_149] : memref<100x128xf32, #tpu.memory_space<vmem>> -> memref<64x128xf32, #tpu.memory_space<vmem>>
      tpu.wait_dma2 semaphore(%run_scoped3A_114 : memref<!tpu.dma_semaphore, #tpu.memory_space<semaphore_mem>>) src(%dma_wait3A_150 : memref<64x128xf32, #tpu.memory_space<vmem>>) dst(%dma_wait3A_143 : memref<64x128xf32, #tpu.memory_space<vmem_shared>>)
      tpu.yield
    }) : () -> ()
    %mul3A_29 = arith.constant 640 : i32
    %mul3A_30 = arith.muli %arg1, %mul3A_29 : i32
    %add3A_31 = arith.constant 320 : i32
    %add3A_32 = arith.addi %mul3A_30, %add3A_31 : i32
    %run_scoped3A_33 = arith.constant 0 : i32
    "tpu.region"() ({
      %run_scoped3A_114 = tpu.sem_alloc : memref<!tpu.dma_semaphore, #tpu.memory_space<semaphore_mem>>
      %dma_start3A_115 = arith.constant 0 : i32
      %dma_start3A_116 = arith.constant 0 : i32
      %dma_start3A_117 = tpu.memref_slice %arg8[%run_scoped3A_33, %dma_start3A_115, %dma_start3A_116] : memref<2x100x128xf32, #tpu.memory_space<vmem>> -> memref<1x100x128xf32, #tpu.memory_space<vmem>>
      %dma_start3A_118 = tpu.memref_squeeze %dma_start3A_117 : memref<1x100x128xf32, #tpu.memory_space<vmem>> -> memref<100x128xf32, #tpu.memory_space<vmem>>
      %dma_start3A_119 = arith.constant 0 : i32
      %dma_start3A_120 = arith.constant 0 : i32
      %dma_start3A_121 = tpu.memref_slice %dma_start3A_118[%dma_start3A_119, %dma_start3A_120] : memref<100x128xf32, #tpu.memory_space<vmem>> -> memref<64x128xf32, #tpu.memory_space<vmem>>
      %dma_start3A_122 = arith.constant 0 : i32
      %dma_start3A_123 = tpu.memref_slice %arg9[%add3A_32, %dma_start3A_122] : memref<10240x128xf32, #tpu.memory_space<vmem_shared>> -> memref<64x128xf32, #tpu.memory_space<vmem_shared>>
      %dma_start3A_124 = arith.constant 0 : i32
      %dma_start3A_125 = tpu.memref_slice %arg9[%add3A_32, %dma_start3A_124] : memref<10240x128xf32, #tpu.memory_space<vmem_shared>> -> memref<64x128xf32, #tpu.memory_space<vmem_shared>>
      %dma_start3A_126 = arith.constant 0 : i32
      %dma_start3A_127 = arith.constant 0 : i32
      %dma_start3A_128 = tpu.memref_slice %arg8[%run_scoped3A_33, %dma_start3A_126, %dma_start3A_127] : memref<2x100x128xf32, #tpu.memory_space<vmem>> -> memref<1x100x128xf32, #tpu.memory_space<vmem>>
      %dma_start3A_129 = tpu.memref_squeeze %dma_start3A_128 : memref<1x100x128xf32, #tpu.memory_space<vmem>> -> memref<100x128xf32, #tpu.memory_space<vmem>>
      %dma_start3A_130 = arith.constant 0 : i32
      %dma_start3A_131 = arith.constant 0 : i32
      %dma_start3A_132 = tpu.memref_slice %dma_start3A_129[%dma_start3A_130, %dma_start3A_131] : memref<100x128xf32, #tpu.memory_space<vmem>> -> memref<64x128xf32, #tpu.memory_space<vmem>>
      tpu.enqueue_dma source(%dma_start3A_132 : memref<64x128xf32, #tpu.memory_space<vmem>>) target(%dma_start3A_125 : memref<64x128xf32, #tpu.memory_space<vmem_shared>>) target_semaphore(%run_scoped3A_114 : memref<!tpu.dma_semaphore, #tpu.memory_space<semaphore_mem>>)
      %dma_wait3A_133 = arith.constant 0 : i32
      %dma_wait3A_134 = arith.constant 0 : i32
      %dma_wait3A_135 = tpu.memref_slice %arg8[%run_scoped3A_33, %dma_wait3A_133, %dma_wait3A_134] : memref<2x100x128xf32, #tpu.memory_space<vmem>> -> memref<1x100x128xf32, #tpu.memory_space<vmem>>
      %dma_wait3A_136 = tpu.memref_squeeze %dma_wait3A_135 : memref<1x100x128xf32, #tpu.memory_space<vmem>> -> memref<100x128xf32, #tpu.memory_space<vmem>>
      %dma_wait3A_137 = arith.constant 0 : i32
      %dma_wait3A_138 = arith.constant 0 : i32
      %dma_wait3A_139 = tpu.memref_slice %dma_wait3A_136[%dma_wait3A_137, %dma_wait3A_138] : memref<100x128xf32, #tpu.memory_space<vmem>> -> memref<64x128xf32, #tpu.memory_space<vmem>>
      %dma_wait3A_140 = arith.constant 0 : i32
      %dma_wait3A_141 = tpu.memref_slice %arg9[%add3A_32, %dma_wait3A_140] : memref<10240x128xf32, #tpu.memory_space<vmem_shared>> -> memref<64x128xf32, #tpu.memory_space<vmem_shared>>
      %dma_wait3A_142 = arith.constant 0 : i32
      %dma_wait3A_143 = tpu.memref_slice %arg9[%add3A_32, %dma_wait3A_142] : memref<10240x128xf32, #tpu.memory_space<vmem_shared>> -> memref<64x128xf32, #tpu.memory_space<vmem_shared>>
      %dma_wait3A_144 = arith.constant 0 : i32
      %dma_wait3A_145 = arith.constant 0 : i32
      %dma_wait3A_146 = tpu.memref_slice %arg8[%run_scoped3A_33, %dma_wait3A_144, %dma_wait3A_145] : memref<2x100x128xf32, #tpu.memory_space<vmem>> -> memref<1x100x128xf32, #tpu.memory_space<vmem>>
      %dma_wait3A_147 = tpu.memref_squeeze %dma_wait3A_146 : memref<1x100x128xf32, #tpu.memory_space<vmem>> -> memref<100x128xf32, #tpu.memory_space<vmem>>
      %dma_wait3A_148 = arith.constant 0 : i32
      %dma_wait3A_149 = arith.constant 0 : i32
      %dma_wait3A_150 = tpu.memref_slice %dma_wait3A_147[%dma_wait3A_148, %dma_wait3A_149] : memref<100x128xf32, #tpu.memory_space<vmem>> -> memref<64x128xf32, #tpu.memory_space<vmem>>
      tpu.wait_dma2 semaphore(%run_scoped3A_114 : memref<!tpu.dma_semaphore, #tpu.memory_space<semaphore_mem>>) src(%dma_wait3A_150 : memref<64x128xf32, #tpu.memory_space<vmem>>) dst(%dma_wait3A_143 : memref<64x128xf32, #tpu.memory_space<vmem_shared>>)
      tpu.yield
    }) : () -> ()
    %mul3A_34 = arith.constant 640 : i32
    %mul3A_35 = arith.muli %arg1, %mul3A_34 : i32
    %add3A_36 = arith.constant 384 : i32
    %add3A_37 = arith.addi %mul3A_35, %add3A_36 : i32
    %run_scoped3A_38 = arith.constant 0 : i32
    "tpu.region"() ({
      %run_scoped3A_114 = tpu.sem_alloc : memref<!tpu.dma_semaphore, #tpu.memory_space<semaphore_mem>>
      %dma_start3A_115 = arith.constant 0 : i32
      %dma_start3A_116 = arith.constant 0 : i32
      %dma_start3A_117 = tpu.memref_slice %arg8[%run_scoped3A_38, %dma_start3A_115, %dma_start3A_116] : memref<2x100x128xf32, #tpu.memory_space<vmem>> -> memref<1x100x128xf32, #tpu.memory_space<vmem>>
      %dma_start3A_118 = tpu.memref_squeeze %dma_start3A_117 : memref<1x100x128xf32, #tpu.memory_space<vmem>> -> memref<100x128xf32, #tpu.memory_space<vmem>>
      %dma_start3A_119 = arith.constant 0 : i32
      %dma_start3A_120 = arith.constant 0 : i32
      %dma_start3A_121 = tpu.memref_slice %dma_start3A_118[%dma_start3A_119, %dma_start3A_120] : memref<100x128xf32, #tpu.memory_space<vmem>> -> memref<64x128xf32, #tpu.memory_space<vmem>>
      %dma_start3A_122 = arith.constant 0 : i32
      %dma_start3A_123 = tpu.memref_slice %arg9[%add3A_37, %dma_start3A_122] : memref<10240x128xf32, #tpu.memory_space<vmem_shared>> -> memref<64x128xf32, #tpu.memory_space<vmem_shared>>
      %dma_start3A_124 = arith.constant 0 : i32
      %dma_start3A_125 = tpu.memref_slice %arg9[%add3A_37, %dma_start3A_124] : memref<10240x128xf32, #tpu.memory_space<vmem_shared>> -> memref<64x128xf32, #tpu.memory_space<vmem_shared>>
      %dma_start3A_126 = arith.constant 0 : i32
      %dma_start3A_127 = arith.constant 0 : i32
      %dma_start3A_128 = tpu.memref_slice %arg8[%run_scoped3A_38, %dma_start3A_126, %dma_start3A_127] : memref<2x100x128xf32, #tpu.memory_space<vmem>> -> memref<1x100x128xf32, #tpu.memory_space<vmem>>
      %dma_start3A_129 = tpu.memref_squeeze %dma_start3A_128 : memref<1x100x128xf32, #tpu.memory_space<vmem>> -> memref<100x128xf32, #tpu.memory_space<vmem>>
      %dma_start3A_130 = arith.constant 0 : i32
      %dma_start3A_131 = arith.constant 0 : i32
      %dma_start3A_132 = tpu.memref_slice %dma_start3A_129[%dma_start3A_130, %dma_start3A_131] : memref<100x128xf32, #tpu.memory_space<vmem>> -> memref<64x128xf32, #tpu.memory_space<vmem>>
      tpu.enqueue_dma source(%dma_start3A_132 : memref<64x128xf32, #tpu.memory_space<vmem>>) target(%dma_start3A_125 : memref<64x128xf32, #tpu.memory_space<vmem_shared>>) target_semaphore(%run_scoped3A_114 : memref<!tpu.dma_semaphore, #tpu.memory_space<semaphore_mem>>)
      %dma_wait3A_133 = arith.constant 0 : i32
      %dma_wait3A_134 = arith.constant 0 : i32
      %dma_wait3A_135 = tpu.memref_slice %arg8[%run_scoped3A_38, %dma_wait3A_133, %dma_wait3A_134] : memref<2x100x128xf32, #tpu.memory_space<vmem>> -> memref<1x100x128xf32, #tpu.memory_space<vmem>>
      %dma_wait3A_136 = tpu.memref_squeeze %dma_wait3A_135 : memref<1x100x128xf32, #tpu.memory_space<vmem>> -> memref<100x128xf32, #tpu.memory_space<vmem>>
      %dma_wait3A_137 = arith.constant 0 : i32
      %dma_wait3A_138 = arith.constant 0 : i32
      %dma_wait3A_139 = tpu.memref_slice %dma_wait3A_136[%dma_wait3A_137, %dma_wait3A_138] : memref<100x128xf32, #tpu.memory_space<vmem>> -> memref<64x128xf32, #tpu.memory_space<vmem>>
      %dma_wait3A_140 = arith.constant 0 : i32
      %dma_wait3A_141 = tpu.memref_slice %arg9[%add3A_37, %dma_wait3A_140] : memref<10240x128xf32, #tpu.memory_space<vmem_shared>> -> memref<64x128xf32, #tpu.memory_space<vmem_shared>>
      %dma_wait3A_142 = arith.constant 0 : i32
      %dma_wait3A_143 = tpu.memref_slice %arg9[%add3A_37, %dma_wait3A_142] : memref<10240x128xf32, #tpu.memory_space<vmem_shared>> -> memref<64x128xf32, #tpu.memory_space<vmem_shared>>
      %dma_wait3A_144 = arith.constant 0 : i32
      %dma_wait3A_145 = arith.constant 0 : i32
      %dma_wait3A_146 = tpu.memref_slice %arg8[%run_scoped3A_38, %dma_wait3A_144, %dma_wait3A_145] : memref<2x100x128xf32, #tpu.memory_space<vmem>> -> memref<1x100x128xf32, #tpu.memory_space<vmem>>
      %dma_wait3A_147 = tpu.memref_squeeze %dma_wait3A_146 : memref<1x100x128xf32, #tpu.memory_space<vmem>> -> memref<100x128xf32, #tpu.memory_space<vmem>>
      %dma_wait3A_148 = arith.constant 0 : i32
      %dma_wait3A_149 = arith.constant 0 : i32
      %dma_wait3A_150 = tpu.memref_slice %dma_wait3A_147[%dma_wait3A_148, %dma_wait3A_149] : memref<100x128xf32, #tpu.memory_space<vmem>> -> memref<64x128xf32, #tpu.memory_space<vmem>>
      tpu.wait_dma2 semaphore(%run_scoped3A_114 : memref<!tpu.dma_semaphore, #tpu.memory_space<semaphore_mem>>) src(%dma_wait3A_150 : memref<64x128xf32, #tpu.memory_space<vmem>>) dst(%dma_wait3A_143 : memref<64x128xf32, #tpu.memory_space<vmem_shared>>)
      tpu.yield
    }) : () -> ()
    %mul3A_39 = arith.constant 640 : i32
    %mul3A_40 = arith.muli %arg1, %mul3A_39 : i32
    %add3A_41 = arith.constant 448 : i32
    %add3A_42 = arith.addi %mul3A_40, %add3A_41 : i32
    %run_scoped3A_43 = arith.constant 0 : i32
    "tpu.region"() ({
      %run_scoped3A_114 = tpu.sem_alloc : memref<!tpu.dma_semaphore, #tpu.memory_space<semaphore_mem>>
      %dma_start3A_115 = arith.constant 0 : i32
      %dma_start3A_116 = arith.constant 0 : i32
      %dma_start3A_117 = tpu.memref_slice %arg8[%run_scoped3A_43, %dma_start3A_115, %dma_start3A_116] : memref<2x100x128xf32, #tpu.memory_space<vmem>> -> memref<1x100x128xf32, #tpu.memory_space<vmem>>
      %dma_start3A_118 = tpu.memref_squeeze %dma_start3A_117 : memref<1x100x128xf32, #tpu.memory_space<vmem>> -> memref<100x128xf32, #tpu.memory_space<vmem>>
      %dma_start3A_119 = arith.constant 0 : i32
      %dma_start3A_120 = arith.constant 0 : i32
      %dma_start3A_121 = tpu.memref_slice %dma_start3A_118[%dma_start3A_119, %dma_start3A_120] : memref<100x128xf32, #tpu.memory_space<vmem>> -> memref<64x128xf32, #tpu.memory_space<vmem>>
      %dma_start3A_122 = arith.constant 0 : i32
      %dma_start3A_123 = tpu.memref_slice %arg9[%add3A_42, %dma_start3A_122] : memref<10240x128xf32, #tpu.memory_space<vmem_shared>> -> memref<64x128xf32, #tpu.memory_space<vmem_shared>>
      %dma_start3A_124 = arith.constant 0 : i32
      %dma_start3A_125 = tpu.memref_slice %arg9[%add3A_42, %dma_start3A_124] : memref<10240x128xf32, #tpu.memory_space<vmem_shared>> -> memref<64x128xf32, #tpu.memory_space<vmem_shared>>
      %dma_start3A_126 = arith.constant 0 : i32
      %dma_start3A_127 = arith.constant 0 : i32
      %dma_start3A_128 = tpu.memref_slice %arg8[%run_scoped3A_43, %dma_start3A_126, %dma_start3A_127] : memref<2x100x128xf32, #tpu.memory_space<vmem>> -> memref<1x100x128xf32, #tpu.memory_space<vmem>>
      %dma_start3A_129 = tpu.memref_squeeze %dma_start3A_128 : memref<1x100x128xf32, #tpu.memory_space<vmem>> -> memref<100x128xf32, #tpu.memory_space<vmem>>
      %dma_start3A_130 = arith.constant 0 : i32
      %dma_start3A_131 = arith.constant 0 : i32
      %dma_start3A_132 = tpu.memref_slice %dma_start3A_129[%dma_start3A_130, %dma_start3A_131] : memref<100x128xf32, #tpu.memory_space<vmem>> -> memref<64x128xf32, #tpu.memory_space<vmem>>
      tpu.enqueue_dma source(%dma_start3A_132 : memref<64x128xf32, #tpu.memory_space<vmem>>) target(%dma_start3A_125 : memref<64x128xf32, #tpu.memory_space<vmem_shared>>) target_semaphore(%run_scoped3A_114 : memref<!tpu.dma_semaphore, #tpu.memory_space<semaphore_mem>>)
      %dma_wait3A_133 = arith.constant 0 : i32
      %dma_wait3A_134 = arith.constant 0 : i32
      %dma_wait3A_135 = tpu.memref_slice %arg8[%run_scoped3A_43, %dma_wait3A_133, %dma_wait3A_134] : memref<2x100x128xf32, #tpu.memory_space<vmem>> -> memref<1x100x128xf32, #tpu.memory_space<vmem>>
      %dma_wait3A_136 = tpu.memref_squeeze %dma_wait3A_135 : memref<1x100x128xf32, #tpu.memory_space<vmem>> -> memref<100x128xf32, #tpu.memory_space<vmem>>
      %dma_wait3A_137 = arith.constant 0 : i32
      %dma_wait3A_138 = arith.constant 0 : i32
      %dma_wait3A_139 = tpu.memref_slice %dma_wait3A_136[%dma_wait3A_137, %dma_wait3A_138] : memref<100x128xf32, #tpu.memory_space<vmem>> -> memref<64x128xf32, #tpu.memory_space<vmem>>
      %dma_wait3A_140 = arith.constant 0 : i32
      %dma_wait3A_141 = tpu.memref_slice %arg9[%add3A_42, %dma_wait3A_140] : memref<10240x128xf32, #tpu.memory_space<vmem_shared>> -> memref<64x128xf32, #tpu.memory_space<vmem_shared>>
      %dma_wait3A_142 = arith.constant 0 : i32
      %dma_wait3A_143 = tpu.memref_slice %arg9[%add3A_42, %dma_wait3A_142] : memref<10240x128xf32, #tpu.memory_space<vmem_shared>> -> memref<64x128xf32, #tpu.memory_space<vmem_shared>>
      %dma_wait3A_144 = arith.constant 0 : i32
      %dma_wait3A_145 = arith.constant 0 : i32
      %dma_wait3A_146 = tpu.memref_slice %arg8[%run_scoped3A_43, %dma_wait3A_144, %dma_wait3A_145] : memref<2x100x128xf32, #tpu.memory_space<vmem>> -> memref<1x100x128xf32, #tpu.memory_space<vmem>>
      %dma_wait3A_147 = tpu.memref_squeeze %dma_wait3A_146 : memref<1x100x128xf32, #tpu.memory_space<vmem>> -> memref<100x128xf32, #tpu.memory_space<vmem>>
      %dma_wait3A_148 = arith.constant 0 : i32
      %dma_wait3A_149 = arith.constant 0 : i32
      %dma_wait3A_150 = tpu.memref_slice %dma_wait3A_147[%dma_wait3A_148, %dma_wait3A_149] : memref<100x128xf32, #tpu.memory_space<vmem>> -> memref<64x128xf32, #tpu.memory_space<vmem>>
      tpu.wait_dma2 semaphore(%run_scoped3A_114 : memref<!tpu.dma_semaphore, #tpu.memory_space<semaphore_mem>>) src(%dma_wait3A_150 : memref<64x128xf32, #tpu.memory_space<vmem>>) dst(%dma_wait3A_143 : memref<64x128xf32, #tpu.memory_space<vmem_shared>>)
      tpu.yield
    }) : () -> ()
    %mul3A_44 = arith.constant 640 : i32
    %mul3A_45 = arith.muli %arg1, %mul3A_44 : i32
    %add3A_46 = arith.constant 512 : i32
    %add3A_47 = arith.addi %mul3A_45, %add3A_46 : i32
    %run_scoped3A_48 = arith.constant 0 : i32
    "tpu.region"() ({
      %run_scoped3A_114 = tpu.sem_alloc : memref<!tpu.dma_semaphore, #tpu.memory_space<semaphore_mem>>
      %dma_start3A_115 = arith.constant 0 : i32
      %dma_start3A_116 = arith.constant 0 : i32
      %dma_start3A_117 = tpu.memref_slice %arg8[%run_scoped3A_48, %dma_start3A_115, %dma_start3A_116] : memref<2x100x128xf32, #tpu.memory_space<vmem>> -> memref<1x100x128xf32, #tpu.memory_space<vmem>>
      %dma_start3A_118 = tpu.memref_squeeze %dma_start3A_117 : memref<1x100x128xf32, #tpu.memory_space<vmem>> -> memref<100x128xf32, #tpu.memory_space<vmem>>
      %dma_start3A_119 = arith.constant 0 : i32
      %dma_start3A_120 = arith.constant 0 : i32
      %dma_start3A_121 = tpu.memref_slice %dma_start3A_118[%dma_start3A_119, %dma_start3A_120] : memref<100x128xf32, #tpu.memory_space<vmem>> -> memref<64x128xf32, #tpu.memory_space<vmem>>
      %dma_start3A_122 = arith.constant 0 : i32
      %dma_start3A_123 = tpu.memref_slice %arg9[%add3A_47, %dma_start3A_122] : memref<10240x128xf32, #tpu.memory_space<vmem_shared>> -> memref<64x128xf32, #tpu.memory_space<vmem_shared>>
      %dma_start3A_124 = arith.constant 0 : i32
      %dma_start3A_125 = tpu.memref_slice %arg9[%add3A_47, %dma_start3A_124] : memref<10240x128xf32, #tpu.memory_space<vmem_shared>> -> memref<64x128xf32, #tpu.memory_space<vmem_shared>>
      %dma_start3A_126 = arith.constant 0 : i32
      %dma_start3A_127 = arith.constant 0 : i32
      %dma_start3A_128 = tpu.memref_slice %arg8[%run_scoped3A_48, %dma_start3A_126, %dma_start3A_127] : memref<2x100x128xf32, #tpu.memory_space<vmem>> -> memref<1x100x128xf32, #tpu.memory_space<vmem>>
      %dma_start3A_129 = tpu.memref_squeeze %dma_start3A_128 : memref<1x100x128xf32, #tpu.memory_space<vmem>> -> memref<100x128xf32, #tpu.memory_space<vmem>>
      %dma_start3A_130 = arith.constant 0 : i32
      %dma_start3A_131 = arith.constant 0 : i32
      %dma_start3A_132 = tpu.memref_slice %dma_start3A_129[%dma_start3A_130, %dma_start3A_131] : memref<100x128xf32, #tpu.memory_space<vmem>> -> memref<64x128xf32, #tpu.memory_space<vmem>>
      tpu.enqueue_dma source(%dma_start3A_132 : memref<64x128xf32, #tpu.memory_space<vmem>>) target(%dma_start3A_125 : memref<64x128xf32, #tpu.memory_space<vmem_shared>>) target_semaphore(%run_scoped3A_114 : memref<!tpu.dma_semaphore, #tpu.memory_space<semaphore_mem>>)
      %dma_wait3A_133 = arith.constant 0 : i32
      %dma_wait3A_134 = arith.constant 0 : i32
      %dma_wait3A_135 = tpu.memref_slice %arg8[%run_scoped3A_48, %dma_wait3A_133, %dma_wait3A_134] : memref<2x100x128xf32, #tpu.memory_space<vmem>> -> memref<1x100x128xf32, #tpu.memory_space<vmem>>
      %dma_wait3A_136 = tpu.memref_squeeze %dma_wait3A_135 : memref<1x100x128xf32, #tpu.memory_space<vmem>> -> memref<100x128xf32, #tpu.memory_space<vmem>>
      %dma_wait3A_137 = arith.constant 0 : i32
      %dma_wait3A_138 = arith.constant 0 : i32
      %dma_wait3A_139 = tpu.memref_slice %dma_wait3A_136[%dma_wait3A_137, %dma_wait3A_138] : memref<100x128xf32, #tpu.memory_space<vmem>> -> memref<64x128xf32, #tpu.memory_space<vmem>>
      %dma_wait3A_140 = arith.constant 0 : i32
      %dma_wait3A_141 = tpu.memref_slice %arg9[%add3A_47, %dma_wait3A_140] : memref<10240x128xf32, #tpu.memory_space<vmem_shared>> -> memref<64x128xf32, #tpu.memory_space<vmem_shared>>
      %dma_wait3A_142 = arith.constant 0 : i32
      %dma_wait3A_143 = tpu.memref_slice %arg9[%add3A_47, %dma_wait3A_142] : memref<10240x128xf32, #tpu.memory_space<vmem_shared>> -> memref<64x128xf32, #tpu.memory_space<vmem_shared>>
      %dma_wait3A_144 = arith.constant 0 : i32
      %dma_wait3A_145 = arith.constant 0 : i32
      %dma_wait3A_146 = tpu.memref_slice %arg8[%run_scoped3A_48, %dma_wait3A_144, %dma_wait3A_145] : memref<2x100x128xf32, #tpu.memory_space<vmem>> -> memref<1x100x128xf32, #tpu.memory_space<vmem>>
      %dma_wait3A_147 = tpu.memref_squeeze %dma_wait3A_146 : memref<1x100x128xf32, #tpu.memory_space<vmem>> -> memref<100x128xf32, #tpu.memory_space<vmem>>
      %dma_wait3A_148 = arith.constant 0 : i32
      %dma_wait3A_149 = arith.constant 0 : i32
      %dma_wait3A_150 = tpu.memref_slice %dma_wait3A_147[%dma_wait3A_148, %dma_wait3A_149] : memref<100x128xf32, #tpu.memory_space<vmem>> -> memref<64x128xf32, #tpu.memory_space<vmem>>
      tpu.wait_dma2 semaphore(%run_scoped3A_114 : memref<!tpu.dma_semaphore, #tpu.memory_space<semaphore_mem>>) src(%dma_wait3A_150 : memref<64x128xf32, #tpu.memory_space<vmem>>) dst(%dma_wait3A_143 : memref<64x128xf32, #tpu.memory_space<vmem_shared>>)
      tpu.yield
    }) : () -> ()
    %mul3A_49 = arith.constant 640 : i32
    %mul3A_50 = arith.muli %arg1, %mul3A_49 : i32
    %add3A_51 = arith.constant 576 : i32
    %add3A_52 = arith.addi %mul3A_50, %add3A_51 : i32
    %run_scoped3A_53 = arith.constant 0 : i32
    "tpu.region"() ({
      %run_scoped3A_114 = tpu.sem_alloc : memref<!tpu.dma_semaphore, #tpu.memory_space<semaphore_mem>>
      %dma_start3A_115 = arith.constant 0 : i32
      %dma_start3A_116 = arith.constant 0 : i32
      %dma_start3A_117 = tpu.memref_slice %arg8[%run_scoped3A_53, %dma_start3A_115, %dma_start3A_116] : memref<2x100x128xf32, #tpu.memory_space<vmem>> -> memref<1x100x128xf32, #tpu.memory_space<vmem>>
      %dma_start3A_118 = tpu.memref_squeeze %dma_start3A_117 : memref<1x100x128xf32, #tpu.memory_space<vmem>> -> memref<100x128xf32, #tpu.memory_space<vmem>>
      %dma_start3A_119 = arith.constant 0 : i32
      %dma_start3A_120 = arith.constant 0 : i32
      %dma_start3A_121 = tpu.memref_slice %dma_start3A_118[%dma_start3A_119, %dma_start3A_120] : memref<100x128xf32, #tpu.memory_space<vmem>> -> memref<64x128xf32, #tpu.memory_space<vmem>>
      %dma_start3A_122 = arith.constant 0 : i32
      %dma_start3A_123 = tpu.memref_slice %arg9[%add3A_52, %dma_start3A_122] : memref<10240x128xf32, #tpu.memory_space<vmem_shared>> -> memref<64x128xf32, #tpu.memory_space<vmem_shared>>
      %dma_start3A_124 = arith.constant 0 : i32
      %dma_start3A_125 = tpu.memref_slice %arg9[%add3A_52, %dma_start3A_124] : memref<10240x128xf32, #tpu.memory_space<vmem_shared>> -> memref<64x128xf32, #tpu.memory_space<vmem_shared>>
      %dma_start3A_126 = arith.constant 0 : i32
      %dma_start3A_127 = arith.constant 0 : i32
      %dma_start3A_128 = tpu.memref_slice %arg8[%run_scoped3A_53, %dma_start3A_126, %dma_start3A_127] : memref<2x100x128xf32, #tpu.memory_space<vmem>> -> memref<1x100x128xf32, #tpu.memory_space<vmem>>
      %dma_start3A_129 = tpu.memref_squeeze %dma_start3A_128 : memref<1x100x128xf32, #tpu.memory_space<vmem>> -> memref<100x128xf32, #tpu.memory_space<vmem>>
      %dma_start3A_130 = arith.constant 0 : i32
      %dma_start3A_131 = arith.constant 0 : i32
      %dma_start3A_132 = tpu.memref_slice %dma_start3A_129[%dma_start3A_130, %dma_start3A_131] : memref<100x128xf32, #tpu.memory_space<vmem>> -> memref<64x128xf32, #tpu.memory_space<vmem>>
      tpu.enqueue_dma source(%dma_start3A_132 : memref<64x128xf32, #tpu.memory_space<vmem>>) target(%dma_start3A_125 : memref<64x128xf32, #tpu.memory_space<vmem_shared>>) target_semaphore(%run_scoped3A_114 : memref<!tpu.dma_semaphore, #tpu.memory_space<semaphore_mem>>)
      %dma_wait3A_133 = arith.constant 0 : i32
      %dma_wait3A_134 = arith.constant 0 : i32
      %dma_wait3A_135 = tpu.memref_slice %arg8[%run_scoped3A_53, %dma_wait3A_133, %dma_wait3A_134] : memref<2x100x128xf32, #tpu.memory_space<vmem>> -> memref<1x100x128xf32, #tpu.memory_space<vmem>>
      %dma_wait3A_136 = tpu.memref_squeeze %dma_wait3A_135 : memref<1x100x128xf32, #tpu.memory_space<vmem>> -> memref<100x128xf32, #tpu.memory_space<vmem>>
      %dma_wait3A_137 = arith.constant 0 : i32
      %dma_wait3A_138 = arith.constant 0 : i32
      %dma_wait3A_139 = tpu.memref_slice %dma_wait3A_136[%dma_wait3A_137, %dma_wait3A_138] : memref<100x128xf32, #tpu.memory_space<vmem>> -> memref<64x128xf32, #tpu.memory_space<vmem>>
      %dma_wait3A_140 = arith.constant 0 : i32
      %dma_wait3A_141 = tpu.memref_slice %arg9[%add3A_52, %dma_wait3A_140] : memref<10240x128xf32, #tpu.memory_space<vmem_shared>> -> memref<64x128xf32, #tpu.memory_space<vmem_shared>>
      %dma_wait3A_142 = arith.constant 0 : i32
      %dma_wait3A_143 = tpu.memref_slice %arg9[%add3A_52, %dma_wait3A_142] : memref<10240x128xf32, #tpu.memory_space<vmem_shared>> -> memref<64x128xf32, #tpu.memory_space<vmem_shared>>
      %dma_wait3A_144 = arith.constant 0 : i32
      %dma_wait3A_145 = arith.constant 0 : i32
      %dma_wait3A_146 = tpu.memref_slice %arg8[%run_scoped3A_53, %dma_wait3A_144, %dma_wait3A_145] : memref<2x100x128xf32, #tpu.memory_space<vmem>> -> memref<1x100x128xf32, #tpu.memory_space<vmem>>
      %dma_wait3A_147 = tpu.memref_squeeze %dma_wait3A_146 : memref<1x100x128xf32, #tpu.memory_space<vmem>> -> memref<100x128xf32, #tpu.memory_space<vmem>>
      %dma_wait3A_148 = arith.constant 0 : i32
      %dma_wait3A_149 = arith.constant 0 : i32
      %dma_wait3A_150 = tpu.memref_slice %dma_wait3A_147[%dma_wait3A_148, %dma_wait3A_149] : memref<100x128xf32, #tpu.memory_space<vmem>> -> memref<64x128xf32, #tpu.memory_space<vmem>>
      tpu.wait_dma2 semaphore(%run_scoped3A_114 : memref<!tpu.dma_semaphore, #tpu.memory_space<semaphore_mem>>) src(%dma_wait3A_150 : memref<64x128xf32, #tpu.memory_space<vmem>>) dst(%dma_wait3A_143 : memref<64x128xf32, #tpu.memory_space<vmem_shared>>)
      tpu.yield
    }) : () -> ()
    %dma_start3A = arith.constant 0 : i32
    %dma_start3A_54 = arith.constant 0 : i32
    %dma_start3A_55 = arith.constant 0 : i32
    %dma_start3A_56 = arith.constant 0 : i32
    %dma_start3A_57 = tpu.memref_slice %arg8[%dma_start3A_54, %dma_start3A_55, %dma_start3A_56] : memref<2x100x128xf32, #tpu.memory_space<vmem>> -> memref<1x100x128xf32, #tpu.memory_space<vmem>>
    %dma_start3A_58 = tpu.memref_squeeze %dma_start3A_57 : memref<1x100x128xf32, #tpu.memory_space<vmem>> -> memref<100x128xf32, #tpu.memory_space<vmem>>
    %dma_start3A_59 = arith.constant 0 : i32
    %dma_start3A_60 = tpu.memref_slice %arg6[%dma_start3A, %dma_start3A_59] : memref<50x100xi32, #tpu.memory_space<vmem>> -> memref<1x100xi32, #tpu.memory_space<vmem>>
    %dma_start3A_61 = tpu.memref_squeeze %dma_start3A_60 : memref<1x100xi32, #tpu.memory_space<vmem>> -> memref<100xi32, #tpu.memory_space<vmem>>
    %dma_start3A_62 = arith.constant 0 : i32
    %dma_start3A_63 = arith.constant 0 : i32
    %dma_start3A_64 = tpu.memref_slice %arg2[%dma_start3A_62, %dma_start3A_63] : memref<10240x128xf32, #tpu.memory_space<hbm>> -> memref<10240x128xf32, #tpu.memory_space<hbm>>
    tpu.enqueue_indirect_dma source(%dma_start3A_64 : memref<10240x128xf32, #tpu.memory_space<hbm>>) target(%dma_start3A_58 : memref<100x128xf32, #tpu.memory_space<vmem>>) offsets(%dma_start3A_61 : memref<100xi32, #tpu.memory_space<vmem>>) semaphore(%arg10 : memref<!tpu.dma_semaphore, #tpu.memory_space<semaphore_mem>>)
    %dma_start3A_65 = arith.constant 1 : i32
    %dma_start3A_66 = arith.constant 1 : i32
    %dma_start3A_67 = arith.constant 0 : i32
    %dma_start3A_68 = arith.constant 0 : i32
    %dma_start3A_69 = tpu.memref_slice %arg8[%dma_start3A_66, %dma_start3A_67, %dma_start3A_68] : memref<2x100x128xf32, #tpu.memory_space<vmem>> -> memref<1x100x128xf32, #tpu.memory_space<vmem>>
    %dma_start3A_70 = tpu.memref_squeeze %dma_start3A_69 : memref<1x100x128xf32, #tpu.memory_space<vmem>> -> memref<100x128xf32, #tpu.memory_space<vmem>>
    %dma_start3A_71 = arith.constant 0 : i32
    %dma_start3A_72 = tpu.memref_slice %arg6[%dma_start3A_65, %dma_start3A_71] : memref<50x100xi32, #tpu.memory_space<vmem>> -> memref<1x100xi32, #tpu.memory_space<vmem>>
    %dma_start3A_73 = tpu.memref_squeeze %dma_start3A_72 : memref<1x100xi32, #tpu.memory_space<vmem>> -> memref<100xi32, #tpu.memory_space<vmem>>
    %dma_start3A_74 = arith.constant 0 : i32
    %dma_start3A_75 = arith.constant 0 : i32
    %dma_start3A_76 = tpu.memref_slice %arg2[%dma_start3A_74, %dma_start3A_75] : memref<10240x128xf32, #tpu.memory_space<hbm>> -> memref<10240x128xf32, #tpu.memory_space<hbm>>
    tpu.enqueue_indirect_dma source(%dma_start3A_76 : memref<10240x128xf32, #tpu.memory_space<hbm>>) target(%dma_start3A_70 : memref<100x128xf32, #tpu.memory_space<vmem>>) offsets(%dma_start3A_73 : memref<100xi32, #tpu.memory_space<vmem>>) semaphore(%arg11 : memref<!tpu.dma_semaphore, #tpu.memory_space<semaphore_mem>>)
    %barrier3A = arith.constant 0 : index
    tpu.barrier barrier_id(%barrier3A)
    %scan3A_77 = arith.constant 0 : i32
    %scan3A_78 = arith.constant 24 : i32
    %scan3A_79 = arith.addi %scan3A_77, %scan3A_78 : i32
    %scan3A_80 = arith.constant 1 : i32
    scf.for %scan3A_114 = %scan3A_77 to %scan3A_79 step %scan3A_80  : i32 {
      %mul3A_115 = arith.constant 2 : i32
      %mul3A_116 = arith.muli %mul3A_115, %scan3A_114 : i32
      %dma_wait3A_117 = arith.constant 0 : i32
      %dma_wait3A_118 = arith.constant 0 : i32
      %dma_wait3A_119 = arith.constant 0 : i32
      %dma_wait3A_120 = arith.constant 0 : i32
      %dma_wait3A_121 = tpu.memref_slice %arg8[%dma_wait3A_118, %dma_wait3A_119, %dma_wait3A_120] : memref<2x100x128xf32, #tpu.memory_space<vmem>> -> memref<1x100x128xf32, #tpu.memory_space<vmem>>
      %dma_wait3A_122 = tpu.memref_squeeze %dma_wait3A_121 : memref<1x100x128xf32, #tpu.memory_space<vmem>> -> memref<100x128xf32, #tpu.memory_space<vmem>>
      %dma_wait3A_123 = arith.constant 0 : i32
      %dma_wait3A_124 = tpu.memref_slice %arg6[%dma_wait3A_117, %dma_wait3A_123] : memref<50x100xi32, #tpu.memory_space<vmem>> -> memref<1x100xi32, #tpu.memory_space<vmem>>
      %dma_wait3A_125 = tpu.memref_squeeze %dma_wait3A_124 : memref<1x100xi32, #tpu.memory_space<vmem>> -> memref<100xi32, #tpu.memory_space<vmem>>
      %dma_wait3A_126 = arith.constant 0 : i32
      %dma_wait3A_127 = arith.constant 0 : i32
      %dma_wait3A_128 = tpu.memref_slice %arg2[%dma_wait3A_126, %dma_wait3A_127] : memref<10240x128xf32, #tpu.memory_space<hbm>> -> memref<10240x128xf32, #tpu.memory_space<hbm>>
      tpu.wait_indirect_dma semaphore(%arg10 : memref<!tpu.dma_semaphore, #tpu.memory_space<semaphore_mem>>) src(%dma_wait3A_128 : memref<10240x128xf32, #tpu.memory_space<hbm>>) dst(%dma_wait3A_122 : memref<100x128xf32, #tpu.memory_space<vmem>>)
      %add3A_129 = arith.constant 0 : i32
      %add3A_130 = arith.addi %mul3A_116, %add3A_129 : i32
      %run_scoped3A_131 = arith.constant 0 : i32
      "tpu.region"() ({
        %run_scoped3A_177 = tpu.sem_alloc : memref<!tpu.dma_semaphore, #tpu.memory_space<semaphore_mem>>
        %dma_start3A_178 = arith.constant 0 : i32
        %dma_start3A_179 = arith.constant 0 : i32
        %dma_start3A_180 = tpu.memref_slice %arg8[%run_scoped3A_131, %dma_start3A_178, %dma_start3A_179] : memref<2x100x128xf32, #tpu.memory_space<vmem>> -> memref<1x100x128xf32, #tpu.memory_space<vmem>>
        %dma_start3A_181 = tpu.memref_squeeze %dma_start3A_180 : memref<1x100x128xf32, #tpu.memory_space<vmem>> -> memref<100x128xf32, #tpu.memory_space<vmem>>
        %dma_start3A_182 = arith.constant 0 : i32
        %dma_start3A_183 = tpu.memref_slice %arg7[%add3A_130, %dma_start3A_182] : memref<50x100xi32, #tpu.memory_space<vmem>> -> memref<1x100xi32, #tpu.memory_space<vmem>>
        %dma_start3A_184 = tpu.memref_squeeze %dma_start3A_183 : memref<1x100xi32, #tpu.memory_space<vmem>> -> memref<100xi32, #tpu.memory_space<vmem>>
        %dma_start3A_185 = arith.constant 0 : i32
        %dma_start3A_186 = arith.constant 0 : i32
        %dma_start3A_187 = tpu.memref_slice %arg9[%dma_start3A_185, %dma_start3A_186] : memref<10240x128xf32, #tpu.memory_space<vmem_shared>> -> memref<10240x128xf32, #tpu.memory_space<vmem_shared>>
        tpu.enqueue_indirect_dma source(%dma_start3A_181 : memref<100x128xf32, #tpu.memory_space<vmem>>) target(%dma_start3A_187 : memref<10240x128xf32, #tpu.memory_space<vmem_shared>>) offsets(%dma_start3A_184 : memref<100xi32, #tpu.memory_space<vmem>>) semaphore(%run_scoped3A_177 : memref<!tpu.dma_semaphore, #tpu.memory_space<semaphore_mem>>) {add = true}
        %dma_wait3A_188 = arith.constant 0 : i32
        %dma_wait3A_189 = arith.constant 0 : i32
        %dma_wait3A_190 = tpu.memref_slice %arg8[%run_scoped3A_131, %dma_wait3A_188, %dma_wait3A_189] : memref<2x100x128xf32, #tpu.memory_space<vmem>> -> memref<1x100x128xf32, #tpu.memory_space<vmem>>
        %dma_wait3A_191 = tpu.memref_squeeze %dma_wait3A_190 : memref<1x100x128xf32, #tpu.memory_space<vmem>> -> memref<100x128xf32, #tpu.memory_space<vmem>>
        %dma_wait3A_192 = arith.constant 0 : i32
        %dma_wait3A_193 = tpu.memref_slice %arg7[%add3A_130, %dma_wait3A_192] : memref<50x100xi32, #tpu.memory_space<vmem>> -> memref<1x100xi32, #tpu.memory_space<vmem>>
        %dma_wait3A_194 = tpu.memref_squeeze %dma_wait3A_193 : memref<1x100xi32, #tpu.memory_space<vmem>> -> memref<100xi32, #tpu.memory_space<vmem>>
        %dma_wait3A_195 = arith.constant 0 : i32
        %dma_wait3A_196 = arith.constant 0 : i32
        %dma_wait3A_197 = tpu.memref_slice %arg9[%dma_wait3A_195, %dma_wait3A_196] : memref<10240x128xf32, #tpu.memory_space<vmem_shared>> -> memref<10240x128xf32, #tpu.memory_space<vmem_shared>>
        tpu.wait_indirect_dma semaphore(%run_scoped3A_177 : memref<!tpu.dma_semaphore, #tpu.memory_space<semaphore_mem>>) src(%dma_wait3A_191 : memref<100x128xf32, #tpu.memory_space<vmem>>) dst(%dma_wait3A_197 : memref<10240x128xf32, #tpu.memory_space<vmem_shared>>)
        tpu.yield
      }) : () -> ()
      %add3A_132 = arith.constant 0 : i32
      %add3A_133 = arith.addi %mul3A_116, %add3A_132 : i32
      %add3A_134 = arith.constant 2 : i32
      %add3A_135 = arith.addi %add3A_133, %add3A_134 : i32
      %dma_start3A_136 = arith.constant 0 : i32
      %dma_start3A_137 = arith.constant 0 : i32
      %dma_start3A_138 = arith.constant 0 : i32
      %dma_start3A_139 = tpu.memref_slice %arg8[%dma_start3A_136, %dma_start3A_137, %dma_start3A_138] : memref<2x100x128xf32, #tpu.memory_space<vmem>> -> memref<1x100x128xf32, #tpu.memory_space<vmem>>
      %dma_start3A_140 = tpu.memref_squeeze %dma_start3A_139 : memref<1x100x128xf32, #tpu.memory_space<vmem>> -> memref<100x128xf32, #tpu.memory_space<vmem>>
      %dma_start3A_141 = arith.constant 0 : i32
      %dma_start3A_142 = tpu.memref_slice %arg6[%add3A_135, %dma_start3A_141] : memref<50x100xi32, #tpu.memory_space<vmem>> -> memref<1x100xi32, #tpu.memory_space<vmem>>
      %dma_start3A_143 = tpu.memref_squeeze %dma_start3A_142 : memref<1x100xi32, #tpu.memory_space<vmem>> -> memref<100xi32, #tpu.memory_space<vmem>>
      %dma_start3A_144 = arith.constant 0 : i32
      %dma_start3A_145 = arith.constant 0 : i32
      %dma_start3A_146 = tpu.memref_slice %arg2[%dma_start3A_144, %dma_start3A_145] : memref<10240x128xf32, #tpu.memory_space<hbm>> -> memref<10240x128xf32, #tpu.memory_space<hbm>>
      tpu.enqueue_indirect_dma source(%dma_start3A_146 : memref<10240x128xf32, #tpu.memory_space<hbm>>) target(%dma_start3A_140 : memref<100x128xf32, #tpu.memory_space<vmem>>) offsets(%dma_start3A_143 : memref<100xi32, #tpu.memory_space<vmem>>) semaphore(%arg10 : memref<!tpu.dma_semaphore, #tpu.memory_space<semaphore_mem>>)
      %dma_wait3A_147 = arith.constant 0 : i32
      %dma_wait3A_148 = arith.constant 1 : i32
      %dma_wait3A_149 = arith.constant 0 : i32
      %dma_wait3A_150 = arith.constant 0 : i32
      %dma_wait3A_151 = tpu.memref_slice %arg8[%dma_wait3A_148, %dma_wait3A_149, %dma_wait3A_150] : memref<2x100x128xf32, #tpu.memory_space<vmem>> -> memref<1x100x128xf32, #tpu.memory_space<vmem>>
      %dma_wait3A_152 = tpu.memref_squeeze %dma_wait3A_151 : memref<1x100x128xf32, #tpu.memory_space<vmem>> -> memref<100x128xf32, #tpu.memory_space<vmem>>
      %dma_wait3A_153 = arith.constant 0 : i32
      %dma_wait3A_154 = tpu.memref_slice %arg6[%dma_wait3A_147, %dma_wait3A_153] : memref<50x100xi32, #tpu.memory_space<vmem>> -> memref<1x100xi32, #tpu.memory_space<vmem>>
      %dma_wait3A_155 = tpu.memref_squeeze %dma_wait3A_154 : memref<1x100xi32, #tpu.memory_space<vmem>> -> memref<100xi32, #tpu.memory_space<vmem>>
      %dma_wait3A_156 = arith.constant 0 : i32
      %dma_wait3A_157 = arith.constant 0 : i32
      %dma_wait3A_158 = tpu.memref_slice %arg2[%dma_wait3A_156, %dma_wait3A_157] : memref<10240x128xf32, #tpu.memory_space<hbm>> -> memref<10240x128xf32, #tpu.memory_space<hbm>>
      tpu.wait_indirect_dma semaphore(%arg11 : memref<!tpu.dma_semaphore, #tpu.memory_space<semaphore_mem>>) src(%dma_wait3A_158 : memref<10240x128xf32, #tpu.memory_space<hbm>>) dst(%dma_wait3A_152 : memref<100x128xf32, #tpu.memory_space<vmem>>)
      %add3A_159 = arith.constant 1 : i32
      %add3A_160 = arith.addi %mul3A_116, %add3A_159 : i32
      %run_scoped3A_161 = arith.constant 1 : i32
      "tpu.region"() ({
        %run_scoped3A_177 = tpu.sem_alloc : memref<!tpu.dma_semaphore, #tpu.memory_space<semaphore_mem>>
        %dma_start3A_178 = arith.constant 0 : i32
        %dma_start3A_179 = arith.constant 0 : i32
        %dma_start3A_180 = tpu.memref_slice %arg8[%run_scoped3A_161, %dma_start3A_178, %dma_start3A_179] : memref<2x100x128xf32, #tpu.memory_space<vmem>> -> memref<1x100x128xf32, #tpu.memory_space<vmem>>
        %dma_start3A_181 = tpu.memref_squeeze %dma_start3A_180 : memref<1x100x128xf32, #tpu.memory_space<vmem>> -> memref<100x128xf32, #tpu.memory_space<vmem>>
        %dma_start3A_182 = arith.constant 0 : i32
        %dma_start3A_183 = tpu.memref_slice %arg7[%add3A_160, %dma_start3A_182] : memref<50x100xi32, #tpu.memory_space<vmem>> -> memref<1x100xi32, #tpu.memory_space<vmem>>
        %dma_start3A_184 = tpu.memref_squeeze %dma_start3A_183 : memref<1x100xi32, #tpu.memory_space<vmem>> -> memref<100xi32, #tpu.memory_space<vmem>>
        %dma_start3A_185 = arith.constant 0 : i32
        %dma_start3A_186 = arith.constant 0 : i32
        %dma_start3A_187 = tpu.memref_slice %arg9[%dma_start3A_185, %dma_start3A_186] : memref<10240x128xf32, #tpu.memory_space<vmem_shared>> -> memref<10240x128xf32, #tpu.memory_space<vmem_shared>>
        tpu.enqueue_indirect_dma source(%dma_start3A_181 : memref<100x128xf32, #tpu.memory_space<vmem>>) target(%dma_start3A_187 : memref<10240x128xf32, #tpu.memory_space<vmem_shared>>) offsets(%dma_start3A_184 : memref<100xi32, #tpu.memory_space<vmem>>) semaphore(%run_scoped3A_177 : memref<!tpu.dma_semaphore, #tpu.memory_space<semaphore_mem>>) {add = true}
        %dma_wait3A_188 = arith.constant 0 : i32
        %dma_wait3A_189 = arith.constant 0 : i32
        %dma_wait3A_190 = tpu.memref_slice %arg8[%run_scoped3A_161, %dma_wait3A_188, %dma_wait3A_189] : memref<2x100x128xf32, #tpu.memory_space<vmem>> -> memref<1x100x128xf32, #tpu.memory_space<vmem>>
        %dma_wait3A_191 = tpu.memref_squeeze %dma_wait3A_190 : memref<1x100x128xf32, #tpu.memory_space<vmem>> -> memref<100x128xf32, #tpu.memory_space<vmem>>
        %dma_wait3A_192 = arith.constant 0 : i32
        %dma_wait3A_193 = tpu.memref_slice %arg7[%add3A_160, %dma_wait3A_192] : memref<50x100xi32, #tpu.memory_space<vmem>> -> memref<1x100xi32, #tpu.memory_space<vmem>>
        %dma_wait3A_194 = tpu.memref_squeeze %dma_wait3A_193 : memref<1x100xi32, #tpu.memory_space<vmem>> -> memref<100xi32, #tpu.memory_space<vmem>>
        %dma_wait3A_195 = arith.constant 0 : i32
        %dma_wait3A_196 = arith.constant 0 : i32
        %dma_wait3A_197 = tpu.memref_slice %arg9[%dma_wait3A_195, %dma_wait3A_196] : memref<10240x128xf32, #tpu.memory_space<vmem_shared>> -> memref<10240x128xf32, #tpu.memory_space<vmem_shared>>
        tpu.wait_indirect_dma semaphore(%run_scoped3A_177 : memref<!tpu.dma_semaphore, #tpu.memory_space<semaphore_mem>>) src(%dma_wait3A_191 : memref<100x128xf32, #tpu.memory_space<vmem>>) dst(%dma_wait3A_197 : memref<10240x128xf32, #tpu.memory_space<vmem_shared>>)
        tpu.yield
      }) : () -> ()
      %add3A_162 = arith.constant 1 : i32
      %add3A_163 = arith.addi %mul3A_116, %add3A_162 : i32
      %add3A_164 = arith.constant 2 : i32
      %add3A_165 = arith.addi %add3A_163, %add3A_164 : i32
      %dma_start3A_166 = arith.constant 1 : i32
      %dma_start3A_167 = arith.constant 0 : i32
      %dma_start3A_168 = arith.constant 0 : i32
      %dma_start3A_169 = tpu.memref_slice %arg8[%dma_start3A_166, %dma_start3A_167, %dma_start3A_168] : memref<2x100x128xf32, #tpu.memory_space<vmem>> -> memref<1x100x128xf32, #tpu.memory_space<vmem>>
      %dma_start3A_170 = tpu.memref_squeeze %dma_start3A_169 : memref<1x100x128xf32, #tpu.memory_space<vmem>> -> memref<100x128xf32, #tpu.memory_space<vmem>>
      %dma_start3A_171 = arith.constant 0 : i32
      %dma_start3A_172 = tpu.memref_slice %arg6[%add3A_165, %dma_start3A_171] : memref<50x100xi32, #tpu.memory_space<vmem>> -> memref<1x100xi32, #tpu.memory_space<vmem>>
      %dma_start3A_173 = tpu.memref_squeeze %dma_start3A_172 : memref<1x100xi32, #tpu.memory_space<vmem>> -> memref<100xi32, #tpu.memory_space<vmem>>
      %dma_start3A_174 = arith.constant 0 : i32
      %dma_start3A_175 = arith.constant 0 : i32
      %dma_start3A_176 = tpu.memref_slice %arg2[%dma_start3A_174, %dma_start3A_175] : memref<10240x128xf32, #tpu.memory_space<hbm>> -> memref<10240x128xf32, #tpu.memory_space<hbm>>
      tpu.enqueue_indirect_dma source(%dma_start3A_176 : memref<10240x128xf32, #tpu.memory_space<hbm>>) target(%dma_start3A_170 : memref<100x128xf32, #tpu.memory_space<vmem>>) offsets(%dma_start3A_173 : memref<100xi32, #tpu.memory_space<vmem>>) semaphore(%arg11 : memref<!tpu.dma_semaphore, #tpu.memory_space<semaphore_mem>>)
    }
    %scan3A_81 = arith.constant 24 : i32
    %dma_wait3A = arith.constant 0 : i32
    %dma_wait3A_82 = arith.constant 0 : i32
    %dma_wait3A_83 = arith.constant 0 : i32
    %dma_wait3A_84 = arith.constant 0 : i32
    %dma_wait3A_85 = tpu.memref_slice %arg8[%dma_wait3A_82, %dma_wait3A_83, %dma_wait3A_84] : memref<2x100x128xf32, #tpu.memory_space<vmem>> -> memref<1x100x128xf32, #tpu.memory_space<vmem>>
    %dma_wait3A_86 = tpu.memref_squeeze %dma_wait3A_85 : memref<1x100x128xf32, #tpu.memory_space<vmem>> -> memref<100x128xf32, #tpu.memory_space<vmem>>
    %dma_wait3A_87 = arith.constant 0 : i32
    %dma_wait3A_88 = tpu.memref_slice %arg6[%dma_wait3A, %dma_wait3A_87] : memref<50x100xi32, #tpu.memory_space<vmem>> -> memref<1x100xi32, #tpu.memory_space<vmem>>
    %dma_wait3A_89 = tpu.memref_squeeze %dma_wait3A_88 : memref<1x100xi32, #tpu.memory_space<vmem>> -> memref<100xi32, #tpu.memory_space<vmem>>
    %dma_wait3A_90 = arith.constant 0 : i32
    %dma_wait3A_91 = arith.constant 0 : i32
    %dma_wait3A_92 = tpu.memref_slice %arg2[%dma_wait3A_90, %dma_wait3A_91] : memref<10240x128xf32, #tpu.memory_space<hbm>> -> memref<10240x128xf32, #tpu.memory_space<hbm>>
    tpu.wait_indirect_dma semaphore(%arg10 : memref<!tpu.dma_semaphore, #tpu.memory_space<semaphore_mem>>) src(%dma_wait3A_92 : memref<10240x128xf32, #tpu.memory_space<hbm>>) dst(%dma_wait3A_86 : memref<100x128xf32, #tpu.memory_space<vmem>>)
    %run_scoped3A_93 = arith.constant 0 : i32
    %run_scoped3A_94 = arith.constant 48 : i32
    "tpu.region"() ({
      %run_scoped3A_114 = tpu.sem_alloc : memref<!tpu.dma_semaphore, #tpu.memory_space<semaphore_mem>>
      %dma_start3A_115 = arith.constant 0 : i32
      %dma_start3A_116 = arith.constant 0 : i32
      %dma_start3A_117 = tpu.memref_slice %arg8[%run_scoped3A_93, %dma_start3A_115, %dma_start3A_116] : memref<2x100x128xf32, #tpu.memory_space<vmem>> -> memref<1x100x128xf32, #tpu.memory_space<vmem>>
      %dma_start3A_118 = tpu.memref_squeeze %dma_start3A_117 : memref<1x100x128xf32, #tpu.memory_space<vmem>> -> memref<100x128xf32, #tpu.memory_space<vmem>>
      %dma_start3A_119 = arith.constant 0 : i32
      %dma_start3A_120 = tpu.memref_slice %arg7[%run_scoped3A_94, %dma_start3A_119] : memref<50x100xi32, #tpu.memory_space<vmem>> -> memref<1x100xi32, #tpu.memory_space<vmem>>
      %dma_start3A_121 = tpu.memref_squeeze %dma_start3A_120 : memref<1x100xi32, #tpu.memory_space<vmem>> -> memref<100xi32, #tpu.memory_space<vmem>>
      %dma_start3A_122 = arith.constant 0 : i32
      %dma_start3A_123 = arith.constant 0 : i32
      %dma_start3A_124 = tpu.memref_slice %arg9[%dma_start3A_122, %dma_start3A_123] : memref<10240x128xf32, #tpu.memory_space<vmem_shared>> -> memref<10240x128xf32, #tpu.memory_space<vmem_shared>>
      tpu.enqueue_indirect_dma source(%dma_start3A_118 : memref<100x128xf32, #tpu.memory_space<vmem>>) target(%dma_start3A_124 : memref<10240x128xf32, #tpu.memory_space<vmem_shared>>) offsets(%dma_start3A_121 : memref<100xi32, #tpu.memory_space<vmem>>) semaphore(%run_scoped3A_114 : memref<!tpu.dma_semaphore, #tpu.memory_space<semaphore_mem>>) {add = true}
      %dma_wait3A_125 = arith.constant 0 : i32
      %dma_wait3A_126 = arith.constant 0 : i32
      %dma_wait3A_127 = tpu.memref_slice %arg8[%run_scoped3A_93, %dma_wait3A_125, %dma_wait3A_126] : memref<2x100x128xf32, #tpu.memory_space<vmem>> -> memref<1x100x128xf32, #tpu.memory_space<vmem>>
      %dma_wait3A_128 = tpu.memref_squeeze %dma_wait3A_127 : memref<1x100x128xf32, #tpu.memory_space<vmem>> -> memref<100x128xf32, #tpu.memory_space<vmem>>
      %dma_wait3A_129 = arith.constant 0 : i32
      %dma_wait3A_130 = tpu.memref_slice %arg7[%run_scoped3A_94, %dma_wait3A_129] : memref<50x100xi32, #tpu.memory_space<vmem>> -> memref<1x100xi32, #tpu.memory_space<vmem>>
      %dma_wait3A_131 = tpu.memref_squeeze %dma_wait3A_130 : memref<1x100xi32, #tpu.memory_space<vmem>> -> memref<100xi32, #tpu.memory_space<vmem>>
      %dma_wait3A_132 = arith.constant 0 : i32
      %dma_wait3A_133 = arith.constant 0 : i32
      %dma_wait3A_134 = tpu.memref_slice %arg9[%dma_wait3A_132, %dma_wait3A_133] : memref<10240x128xf32, #tpu.memory_space<vmem_shared>> -> memref<10240x128xf32, #tpu.memory_space<vmem_shared>>
      tpu.wait_indirect_dma semaphore(%run_scoped3A_114 : memref<!tpu.dma_semaphore, #tpu.memory_space<semaphore_mem>>) src(%dma_wait3A_128 : memref<100x128xf32, #tpu.memory_space<vmem>>) dst(%dma_wait3A_134 : memref<10240x128xf32, #tpu.memory_space<vmem_shared>>)
      tpu.yield
    }) : () -> ()
    %dma_wait3A_95 = arith.constant 0 : i32
    %dma_wait3A_96 = arith.constant 1 : i32
    %dma_wait3A_97 = arith.constant 0 : i32
    %dma_wait3A_98 = arith.constant 0 : i32
    %dma_wait3A_99 = tpu.memref_slice %arg8[%dma_wait3A_96, %dma_wait3A_97, %dma_wait3A_98] : memref<2x100x128xf32, #tpu.memory_space<vmem>> -> memref<1x100x128xf32, #tpu.memory_space<vmem>>
    %dma_wait3A_100 = tpu.memref_squeeze %dma_wait3A_99 : memref<1x100x128xf32, #tpu.memory_space<vmem>> -> memref<100x128xf32, #tpu.memory_space<vmem>>
    %dma_wait3A_101 = arith.constant 0 : i32
    %dma_wait3A_102 = tpu.memref_slice %arg6[%dma_wait3A_95, %dma_wait3A_101] : memref<50x100xi32, #tpu.memory_space<vmem>> -> memref<1x100xi32, #tpu.memory_space<vmem>>
    %dma_wait3A_103 = tpu.memref_squeeze %dma_wait3A_102 : memref<1x100xi32, #tpu.memory_space<vmem>> -> memref<100xi32, #tpu.memory_space<vmem>>
    %dma_wait3A_104 = arith.constant 0 : i32
    %dma_wait3A_105 = arith.constant 0 : i32
    %dma_wait3A_106 = tpu.memref_slice %arg2[%dma_wait3A_104, %dma_wait3A_105] : memref<10240x128xf32, #tpu.memory_space<hbm>> -> memref<10240x128xf32, #tpu.memory_space<hbm>>
    tpu.wait_indirect_dma semaphore(%arg11 : memref<!tpu.dma_semaphore, #tpu.memory_space<semaphore_mem>>) src(%dma_wait3A_106 : memref<10240x128xf32, #tpu.memory_space<hbm>>) dst(%dma_wait3A_100 : memref<100x128xf32, #tpu.memory_space<vmem>>)
    %run_scoped3A_107 = arith.constant 1 : i32
    %run_scoped3A_108 = arith.constant 49 : i32
    "tpu.region"() ({
      %run_scoped3A_114 = tpu.sem_alloc : memref<!tpu.dma_semaphore, #tpu.memory_space<semaphore_mem>>
      %dma_start3A_115 = arith.constant 0 : i32
      %dma_start3A_116 = arith.constant 0 : i32
      %dma_start3A_117 = tpu.memref_slice %arg8[%run_scoped3A_107, %dma_start3A_115, %dma_start3A_116] : memref<2x100x128xf32, #tpu.memory_space<vmem>> -> memref<1x100x128xf32, #tpu.memory_space<vmem>>
      %dma_start3A_118 = tpu.memref_squeeze %dma_start3A_117 : memref<1x100x128xf32, #tpu.memory_space<vmem>> -> memref<100x128xf32, #tpu.memory_space<vmem>>
      %dma_start3A_119 = arith.constant 0 : i32
      %dma_start3A_120 = tpu.memref_slice %arg7[%run_scoped3A_108, %dma_start3A_119] : memref<50x100xi32, #tpu.memory_space<vmem>> -> memref<1x100xi32, #tpu.memory_space<vmem>>
      %dma_start3A_121 = tpu.memref_squeeze %dma_start3A_120 : memref<1x100xi32, #tpu.memory_space<vmem>> -> memref<100xi32, #tpu.memory_space<vmem>>
      %dma_start3A_122 = arith.constant 0 : i32
      %dma_start3A_123 = arith.constant 0 : i32
      %dma_start3A_124 = tpu.memref_slice %arg9[%dma_start3A_122, %dma_start3A_123] : memref<10240x128xf32, #tpu.memory_space<vmem_shared>> -> memref<10240x128xf32, #tpu.memory_space<vmem_shared>>
      tpu.enqueue_indirect_dma source(%dma_start3A_118 : memref<100x128xf32, #tpu.memory_space<vmem>>) target(%dma_start3A_124 : memref<10240x128xf32, #tpu.memory_space<vmem_shared>>) offsets(%dma_start3A_121 : memref<100xi32, #tpu.memory_space<vmem>>) semaphore(%run_scoped3A_114 : memref<!tpu.dma_semaphore, #tpu.memory_space<semaphore_mem>>) {add = true}
      %dma_wait3A_125 = arith.constant 0 : i32
      %dma_wait3A_126 = arith.constant 0 : i32
      %dma_wait3A_127 = tpu.memref_slice %arg8[%run_scoped3A_107, %dma_wait3A_125, %dma_wait3A_126] : memref<2x100x128xf32, #tpu.memory_space<vmem>> -> memref<1x100x128xf32, #tpu.memory_space<vmem>>
      %dma_wait3A_128 = tpu.memref_squeeze %dma_wait3A_127 : memref<1x100x128xf32, #tpu.memory_space<vmem>> -> memref<100x128xf32, #tpu.memory_space<vmem>>
      %dma_wait3A_129 = arith.constant 0 : i32
      %dma_wait3A_130 = tpu.memref_slice %arg7[%run_scoped3A_108, %dma_wait3A_129] : memref<50x100xi32, #tpu.memory_space<vmem>> -> memref<1x100xi32, #tpu.memory_space<vmem>>
      %dma_wait3A_131 = tpu.memref_squeeze %dma_wait3A_130 : memref<1x100xi32, #tpu.memory_space<vmem>> -> memref<100xi32, #tpu.memory_space<vmem>>
      %dma_wait3A_132 = arith.constant 0 : i32
      %dma_wait3A_133 = arith.constant 0 : i32
      %dma_wait3A_134 = tpu.memref_slice %arg9[%dma_wait3A_132, %dma_wait3A_133] : memref<10240x128xf32, #tpu.memory_space<vmem_shared>> -> memref<10240x128xf32, #tpu.memory_space<vmem_shared>>
      tpu.wait_indirect_dma semaphore(%run_scoped3A_114 : memref<!tpu.dma_semaphore, #tpu.memory_space<semaphore_mem>>) src(%dma_wait3A_128 : memref<100x128xf32, #tpu.memory_space<vmem>>) dst(%dma_wait3A_134 : memref<10240x128xf32, #tpu.memory_space<vmem_shared>>)
      tpu.yield
    }) : () -> ()
    %barrier3A_109 = arith.constant 0 : index
    tpu.barrier barrier_id(%barrier3A_109)
    %mul3A_110 = arith.constant 640 : i32
    %mul3A_111 = arith.muli %arg1, %mul3A_110 : i32
    %mul3A_112 = arith.constant 640 : i32
    %mul3A_113 = arith.muli %arg1, %mul3A_112 : i32
    "tpu.region"() ({
      %run_scoped3A_114 = tpu.sem_alloc : memref<!tpu.dma_semaphore, #tpu.memory_space<semaphore_mem>>
      %dma_start3A_115 = arith.constant 0 : i32
      %dma_start3A_116 = tpu.memref_slice %arg5[%arg0, %mul3A_113, %dma_start3A_115] : memref<2x10240x128xf32, #tpu.memory_space<hbm>> -> memref<1x640x128xf32, #tpu.memory_space<hbm>>
      %dma_start3A_117 = tpu.memref_squeeze %dma_start3A_116 : memref<1x640x128xf32, #tpu.memory_space<hbm>> -> memref<640x128xf32, #tpu.memory_space<hbm>>
      %dma_start3A_118 = arith.constant 0 : i32
      %dma_start3A_119 = tpu.memref_slice %arg9[%mul3A_111, %dma_start3A_118] : memref<10240x128xf32, #tpu.memory_space<vmem_shared>> -> memref<640x128xf32, #tpu.memory_space<vmem_shared>>
      tpu.enqueue_dma source(%dma_start3A_119 : memref<640x128xf32, #tpu.memory_space<vmem_shared>>) target(%dma_start3A_117 : memref<640x128xf32, #tpu.memory_space<hbm>>) target_semaphore(%run_scoped3A_114 : memref<!tpu.dma_semaphore, #tpu.memory_space<semaphore_mem>>)
      %dma_wait3A_120 = arith.constant 0 : i32
      %dma_wait3A_121 = tpu.memref_slice %arg5[%arg0, %mul3A_113, %dma_wait3A_120] : memref<2x10240x128xf32, #tpu.memory_space<hbm>> -> memref<1x640x128xf32, #tpu.memory_space<hbm>>
      %dma_wait3A_122 = tpu.memref_squeeze %dma_wait3A_121 : memref<1x640x128xf32, #tpu.memory_space<hbm>> -> memref<640x128xf32, #tpu.memory_space<hbm>>
      %dma_wait3A_123 = arith.constant 0 : i32
      %dma_wait3A_124 = tpu.memref_slice %arg9[%mul3A_111, %dma_wait3A_123] : memref<10240x128xf32, #tpu.memory_space<vmem_shared>> -> memref<640x128xf32, #tpu.memory_space<vmem_shared>>
      tpu.wait_dma2 semaphore(%run_scoped3A_114 : memref<!tpu.dma_semaphore, #tpu.memory_space<semaphore_mem>>) src(%dma_wait3A_124 : memref<640x128xf32, #tpu.memory_space<vmem_shared>>) dst(%dma_wait3A_122 : memref<640x128xf32, #tpu.memory_space<hbm>>)
      tpu.yield
    }) : () -> ()
    return
  }
}

#map = affine_map<(d0, d1) -> (0, 0)>
#map1 = affine_map<(d0, d1) -> (0, 0, 0)>
module attributes {stable_mosaic.version = 14 : i64} {
  func.func @_sc_segsum_body(%arg0: i32, %arg1: i32, %arg2: memref<10240x128xf32, #tpu.memory_space<hbm>>, %arg3: memref<32x50x100xi32, #tpu.memory_space<hbm>>, %arg4: memref<32x50x100xi32, #tpu.memory_space<hbm>>, %arg5: memref<2x10240x128xf32, #tpu.memory_space<hbm>>, %arg6: memref<50x100xi32, #tpu.memory_space<vmem>>, %arg7: memref<50x100xi32, #tpu.memory_space<vmem>>, %arg8: memref<2x100x128xf32, #tpu.memory_space<vmem>>, %arg9: memref<10240x128xf32, #tpu.memory_space<vmem_shared>>, %arg10: memref<!tpu.dma_semaphore, #tpu.memory_space<semaphore_mem>>, %arg11: memref<!tpu.dma_semaphore, #tpu.memory_space<semaphore_mem>>, %arg12: memref<!tpu.dma_semaphore, #tpu.memory_space<semaphore_mem>>, %arg13: memref<!tpu.dma_semaphore, #tpu.memory_space<semaphore_mem>>) attributes {dimension_semantics = [#tpu.dimension_semantics<core_parallel>, #tpu.dimension_semantics<subcore_parallel>], iteration_bounds = array<i64: 2, 16>, scalar_prefetch = 0 : i64, scratch_operands = 8 : i64, tpu.core_type = #tpu.core_type<sc_vector_subcore>, window_params = [{transform_indices = #map}, {transform_indices = #map1}, {transform_indices = #map1}, {transform_indices = #map1}]} {
    %mul3A = arith.constant 16 : i32
    %mul3A_0 = arith.muli %arg0, %mul3A : i32
    %add3A = arith.addi %mul3A_0, %arg1 : i32
    "tpu.region"() ({
      %run_scoped3A_114 = tpu.sem_alloc : memref<!tpu.dma_semaphore, #tpu.memory_space<semaphore_mem>>
      %dma_start3A_115 = arith.constant 0 : i32
      %dma_start3A_116 = arith.constant 0 : i32
      %dma_start3A_117 = tpu.memref_slice %arg3[%add3A, %dma_start3A_115, %dma_start3A_116] : memref<32x50x100xi32, #tpu.memory_space<hbm>> -> memref<1x50x100xi32, #tpu.memory_space<hbm>>
      %dma_start3A_118 = tpu.memref_squeeze %dma_start3A_117 : memref<1x50x100xi32, #tpu.memory_space<hbm>> -> memref<50x100xi32, #tpu.memory_space<hbm>>
      %dma_start3A_119 = arith.constant 0 : i32
      %dma_start3A_120 = arith.constant 0 : i32
      %dma_start3A_121 = tpu.memref_slice %arg3[%add3A, %dma_start3A_119, %dma_start3A_120] : memref<32x50x100xi32, #tpu.memory_space<hbm>> -> memref<1x50x100xi32, #tpu.memory_space<hbm>>
      %dma_start3A_122 = tpu.memref_squeeze %dma_start3A_121 : memref<1x50x100xi32, #tpu.memory_space<hbm>> -> memref<50x100xi32, #tpu.memory_space<hbm>>
      tpu.enqueue_dma source(%dma_start3A_122 : memref<50x100xi32, #tpu.memory_space<hbm>>) target(%arg6 : memref<50x100xi32, #tpu.memory_space<vmem>>) target_semaphore(%run_scoped3A_114 : memref<!tpu.dma_semaphore, #tpu.memory_space<semaphore_mem>>)
      %dma_wait3A_123 = arith.constant 0 : i32
      %dma_wait3A_124 = arith.constant 0 : i32
      %dma_wait3A_125 = tpu.memref_slice %arg3[%add3A, %dma_wait3A_123, %dma_wait3A_124] : memref<32x50x100xi32, #tpu.memory_space<hbm>> -> memref<1x50x100xi32, #tpu.memory_space<hbm>>
      %dma_wait3A_126 = tpu.memref_squeeze %dma_wait3A_125 : memref<1x50x100xi32, #tpu.memory_space<hbm>> -> memref<50x100xi32, #tpu.memory_space<hbm>>
      %dma_wait3A_127 = arith.constant 0 : i32
      %dma_wait3A_128 = arith.constant 0 : i32
      %dma_wait3A_129 = tpu.memref_slice %arg3[%add3A, %dma_wait3A_127, %dma_wait3A_128] : memref<32x50x100xi32, #tpu.memory_space<hbm>> -> memref<1x50x100xi32, #tpu.memory_space<hbm>>
      %dma_wait3A_130 = tpu.memref_squeeze %dma_wait3A_129 : memref<1x50x100xi32, #tpu.memory_space<hbm>> -> memref<50x100xi32, #tpu.memory_space<hbm>>
      tpu.wait_dma2 semaphore(%run_scoped3A_114 : memref<!tpu.dma_semaphore, #tpu.memory_space<semaphore_mem>>) src(%dma_wait3A_130 : memref<50x100xi32, #tpu.memory_space<hbm>>) dst(%arg6 : memref<50x100xi32, #tpu.memory_space<vmem>>)
      tpu.yield
    }) : () -> ()
    "tpu.region"() ({
      %run_scoped3A_114 = tpu.sem_alloc : memref<!tpu.dma_semaphore, #tpu.memory_space<semaphore_mem>>
      %dma_start3A_115 = arith.constant 0 : i32
      %dma_start3A_116 = arith.constant 0 : i32
      %dma_start3A_117 = tpu.memref_slice %arg4[%add3A, %dma_start3A_115, %dma_start3A_116] : memref<32x50x100xi32, #tpu.memory_space<hbm>> -> memref<1x50x100xi32, #tpu.memory_space<hbm>>
      %dma_start3A_118 = tpu.memref_squeeze %dma_start3A_117 : memref<1x50x100xi32, #tpu.memory_space<hbm>> -> memref<50x100xi32, #tpu.memory_space<hbm>>
      %dma_start3A_119 = arith.constant 0 : i32
      %dma_start3A_120 = arith.constant 0 : i32
      %dma_start3A_121 = tpu.memref_slice %arg4[%add3A, %dma_start3A_119, %dma_start3A_120] : memref<32x50x100xi32, #tpu.memory_space<hbm>> -> memref<1x50x100xi32, #tpu.memory_space<hbm>>
      %dma_start3A_122 = tpu.memref_squeeze %dma_start3A_121 : memref<1x50x100xi32, #tpu.memory_space<hbm>> -> memref<50x100xi32, #tpu.memory_space<hbm>>
      tpu.enqueue_dma source(%dma_start3A_122 : memref<50x100xi32, #tpu.memory_space<hbm>>) target(%arg7 : memref<50x100xi32, #tpu.memory_space<vmem>>) target_semaphore(%run_scoped3A_114 : memref<!tpu.dma_semaphore, #tpu.memory_space<semaphore_mem>>)
      %dma_wait3A_123 = arith.constant 0 : i32
      %dma_wait3A_124 = arith.constant 0 : i32
      %dma_wait3A_125 = tpu.memref_slice %arg4[%add3A, %dma_wait3A_123, %dma_wait3A_124] : memref<32x50x100xi32, #tpu.memory_space<hbm>> -> memref<1x50x100xi32, #tpu.memory_space<hbm>>
      %dma_wait3A_126 = tpu.memref_squeeze %dma_wait3A_125 : memref<1x50x100xi32, #tpu.memory_space<hbm>> -> memref<50x100xi32, #tpu.memory_space<hbm>>
      %dma_wait3A_127 = arith.constant 0 : i32
      %dma_wait3A_128 = arith.constant 0 : i32
      %dma_wait3A_129 = tpu.memref_slice %arg4[%add3A, %dma_wait3A_127, %dma_wait3A_128] : memref<32x50x100xi32, #tpu.memory_space<hbm>> -> memref<1x50x100xi32, #tpu.memory_space<hbm>>
      %dma_wait3A_130 = tpu.memref_squeeze %dma_wait3A_129 : memref<1x50x100xi32, #tpu.memory_space<hbm>> -> memref<50x100xi32, #tpu.memory_space<hbm>>
      tpu.wait_dma2 semaphore(%run_scoped3A_114 : memref<!tpu.dma_semaphore, #tpu.memory_space<semaphore_mem>>) src(%dma_wait3A_130 : memref<50x100xi32, #tpu.memory_space<hbm>>) dst(%arg7 : memref<50x100xi32, #tpu.memory_space<vmem>>)
      tpu.yield
    }) : () -> ()
    %scan3A = arith.constant 0 : i32
    %scan3A_1 = arith.constant 64 : i32
    %scan3A_2 = arith.addi %scan3A, %scan3A_1 : i32
    %scan3A_3 = arith.constant 1 : i32
    scf.for %scan3A_114 = %scan3A to %scan3A_2 step %scan3A_3  : i32 {
      %broadcast_in_dim3A = arith.constant 0.000000e+00 : f32
      %broadcast_in_dim3A_115 = vector.broadcast %broadcast_in_dim3A : f32 to vector<16xf32>
      %swap3A = arith.constant 0 : i32
      %swap3A_116 = arith.index_cast %swap3A : i32 to index
      %swap3A_117 = arith.index_cast %scan3A_114 : i32 to index
      %swap3A_118 = arith.constant 0 : index
      %swap3A_119 = tpu.vector_load %arg8[%swap3A_116, %swap3A_117, %swap3A_118] {strides = array<i32>} : memref<2x100x128xf32, #tpu.memory_space<vmem>>, vector<1x1x16xf32>,
      %swap3A_120 = vector.shape_cast %swap3A_119 : vector<1x1x16xf32> to vector<16xf32>
      %swap3A_121 = vector.shape_cast %broadcast_in_dim3A_115 : vector<16xf32> to vector<1x1x16xf32>
      tpu.vector_store %arg8[%swap3A_116, %swap3A_117, %swap3A_118], %swap3A_121 {strides = array<i32>} : memref<2x100x128xf32, #tpu.memory_space<vmem>>, vector<1x1x16xf32>,
      %broadcast_in_dim3A_122 = arith.constant 0.000000e+00 : f32
      %broadcast_in_dim3A_123 = vector.broadcast %broadcast_in_dim3A_122 : f32 to vector<16xf32>
      %swap3A_124 = arith.constant 0 : i32
      %swap3A_125 = arith.index_cast %swap3A_124 : i32 to index
      %swap3A_126 = arith.index_cast %scan3A_114 : i32 to index
      %swap3A_127 = arith.constant 16 : index
      %swap3A_128 = tpu.vector_load %arg8[%swap3A_125, %swap3A_126, %swap3A_127] {strides = array<i32>} : memref<2x100x128xf32, #tpu.memory_space<vmem>>, vector<1x1x16xf32>,
      %swap3A_129 = vector.shape_cast %swap3A_128 : vector<1x1x16xf32> to vector<16xf32>
      %swap3A_130 = vector.shape_cast %broadcast_in_dim3A_123 : vector<16xf32> to vector<1x1x16xf32>
      tpu.vector_store %arg8[%swap3A_125, %swap3A_126, %swap3A_127], %swap3A_130 {strides = array<i32>} : memref<2x100x128xf32, #tpu.memory_space<vmem>>, vector<1x1x16xf32>,
      %broadcast_in_dim3A_131 = arith.constant 0.000000e+00 : f32
      %broadcast_in_dim3A_132 = vector.broadcast %broadcast_in_dim3A_131 : f32 to vector<16xf32>
      %swap3A_133 = arith.constant 0 : i32
      %swap3A_134 = arith.index_cast %swap3A_133 : i32 to index
      %swap3A_135 = arith.index_cast %scan3A_114 : i32 to index
      %swap3A_136 = arith.constant 32 : index
      %swap3A_137 = tpu.vector_load %arg8[%swap3A_134, %swap3A_135, %swap3A_136] {strides = array<i32>} : memref<2x100x128xf32, #tpu.memory_space<vmem>>, vector<1x1x16xf32>,
      %swap3A_138 = vector.shape_cast %swap3A_137 : vector<1x1x16xf32> to vector<16xf32>
      %swap3A_139 = vector.shape_cast %broadcast_in_dim3A_132 : vector<16xf32> to vector<1x1x16xf32>
      tpu.vector_store %arg8[%swap3A_134, %swap3A_135, %swap3A_136], %swap3A_139 {strides = array<i32>} : memref<2x100x128xf32, #tpu.memory_space<vmem>>, vector<1x1x16xf32>,
      %broadcast_in_dim3A_140 = arith.constant 0.000000e+00 : f32
      %broadcast_in_dim3A_141 = vector.broadcast %broadcast_in_dim3A_140 : f32 to vector<16xf32>
      %swap3A_142 = arith.constant 0 : i32
      %swap3A_143 = arith.index_cast %swap3A_142 : i32 to index
      %swap3A_144 = arith.index_cast %scan3A_114 : i32 to index
      %swap3A_145 = arith.constant 48 : index
      %swap3A_146 = tpu.vector_load %arg8[%swap3A_143, %swap3A_144, %swap3A_145] {strides = array<i32>} : memref<2x100x128xf32, #tpu.memory_space<vmem>>, vector<1x1x16xf32>,
      %swap3A_147 = vector.shape_cast %swap3A_146 : vector<1x1x16xf32> to vector<16xf32>
      %swap3A_148 = vector.shape_cast %broadcast_in_dim3A_141 : vector<16xf32> to vector<1x1x16xf32>
      tpu.vector_store %arg8[%swap3A_143, %swap3A_144, %swap3A_145], %swap3A_148 {strides = array<i32>} : memref<2x100x128xf32, #tpu.memory_space<vmem>>, vector<1x1x16xf32>,
      %broadcast_in_dim3A_149 = arith.constant 0.000000e+00 : f32
      %broadcast_in_dim3A_150 = vector.broadcast %broadcast_in_dim3A_149 : f32 to vector<16xf32>
      %swap3A_151 = arith.constant 0 : i32
      %swap3A_152 = arith.index_cast %swap3A_151 : i32 to index
      %swap3A_153 = arith.index_cast %scan3A_114 : i32 to index
      %swap3A_154 = arith.constant 64 : index
      %swap3A_155 = tpu.vector_load %arg8[%swap3A_152, %swap3A_153, %swap3A_154] {strides = array<i32>} : memref<2x100x128xf32, #tpu.memory_space<vmem>>, vector<1x1x16xf32>,
      %swap3A_156 = vector.shape_cast %swap3A_155 : vector<1x1x16xf32> to vector<16xf32>
      %swap3A_157 = vector.shape_cast %broadcast_in_dim3A_150 : vector<16xf32> to vector<1x1x16xf32>
      tpu.vector_store %arg8[%swap3A_152, %swap3A_153, %swap3A_154], %swap3A_157 {strides = array<i32>} : memref<2x100x128xf32, #tpu.memory_space<vmem>>, vector<1x1x16xf32>,
      %broadcast_in_dim3A_158 = arith.constant 0.000000e+00 : f32
      %broadcast_in_dim3A_159 = vector.broadcast %broadcast_in_dim3A_158 : f32 to vector<16xf32>
      %swap3A_160 = arith.constant 0 : i32
      %swap3A_161 = arith.index_cast %swap3A_160 : i32 to index
      %swap3A_162 = arith.index_cast %scan3A_114 : i32 to index
      %swap3A_163 = arith.constant 80 : index
      %swap3A_164 = tpu.vector_load %arg8[%swap3A_161, %swap3A_162, %swap3A_163] {strides = array<i32>} : memref<2x100x128xf32, #tpu.memory_space<vmem>>, vector<1x1x16xf32>,
      %swap3A_165 = vector.shape_cast %swap3A_164 : vector<1x1x16xf32> to vector<16xf32>
      %swap3A_166 = vector.shape_cast %broadcast_in_dim3A_159 : vector<16xf32> to vector<1x1x16xf32>
      tpu.vector_store %arg8[%swap3A_161, %swap3A_162, %swap3A_163], %swap3A_166 {strides = array<i32>} : memref<2x100x128xf32, #tpu.memory_space<vmem>>, vector<1x1x16xf32>,
      %broadcast_in_dim3A_167 = arith.constant 0.000000e+00 : f32
      %broadcast_in_dim3A_168 = vector.broadcast %broadcast_in_dim3A_167 : f32 to vector<16xf32>
      %swap3A_169 = arith.constant 0 : i32
      %swap3A_170 = arith.index_cast %swap3A_169 : i32 to index
      %swap3A_171 = arith.index_cast %scan3A_114 : i32 to index
      %swap3A_172 = arith.constant 96 : index
      %swap3A_173 = tpu.vector_load %arg8[%swap3A_170, %swap3A_171, %swap3A_172] {strides = array<i32>} : memref<2x100x128xf32, #tpu.memory_space<vmem>>, vector<1x1x16xf32>,
      %swap3A_174 = vector.shape_cast %swap3A_173 : vector<1x1x16xf32> to vector<16xf32>
      %swap3A_175 = vector.shape_cast %broadcast_in_dim3A_168 : vector<16xf32> to vector<1x1x16xf32>
      tpu.vector_store %arg8[%swap3A_170, %swap3A_171, %swap3A_172], %swap3A_175 {strides = array<i32>} : memref<2x100x128xf32, #tpu.memory_space<vmem>>, vector<1x1x16xf32>,
      %broadcast_in_dim3A_176 = arith.constant 0.000000e+00 : f32
      %broadcast_in_dim3A_177 = vector.broadcast %broadcast_in_dim3A_176 : f32 to vector<16xf32>
      %swap3A_178 = arith.constant 0 : i32
      %swap3A_179 = arith.index_cast %swap3A_178 : i32 to index
      %swap3A_180 = arith.index_cast %scan3A_114 : i32 to index
      %swap3A_181 = arith.constant 112 : index
      %swap3A_182 = tpu.vector_load %arg8[%swap3A_179, %swap3A_180, %swap3A_181] {strides = array<i32>} : memref<2x100x128xf32, #tpu.memory_space<vmem>>, vector<1x1x16xf32>,
      %swap3A_183 = vector.shape_cast %swap3A_182 : vector<1x1x16xf32> to vector<16xf32>
      %swap3A_184 = vector.shape_cast %broadcast_in_dim3A_177 : vector<16xf32> to vector<1x1x16xf32>
      tpu.vector_store %arg8[%swap3A_179, %swap3A_180, %swap3A_181], %swap3A_184 {strides = array<i32>} : memref<2x100x128xf32, #tpu.memory_space<vmem>>, vector<1x1x16xf32>,
    }
    %scan3A_4 = arith.constant 64 : i32
    %mul3A_5 = arith.constant 640 : i32
    %mul3A_6 = arith.muli %arg1, %mul3A_5 : i32
    %add3A_7 = arith.constant 0 : i32
    %add3A_8 = arith.addi %mul3A_6, %add3A_7 : i32
    %run_scoped3A = arith.constant 0 : i32
    "tpu.region"() ({
      %run_scoped3A_114 = tpu.sem_alloc : memref<!tpu.dma_semaphore, #tpu.memory_space<semaphore_mem>>
      %dma_start3A_115 = arith.constant 0 : i32
      %dma_start3A_116 = arith.constant 0 : i32
      %dma_start3A_117 = tpu.memref_slice %arg8[%run_scoped3A, %dma_start3A_115, %dma_start3A_116] : memref<2x100x128xf32, #tpu.memory_space<vmem>> -> memref<1x100x128xf32, #tpu.memory_space<vmem>>
      %dma_start3A_118 = tpu.memref_squeeze %dma_start3A_117 : memref<1x100x128xf32, #tpu.memory_space<vmem>> -> memref<100x128xf32, #tpu.memory_space<vmem>>
      %dma_start3A_119 = arith.constant 0 : i32
      %dma_start3A_120 = arith.constant 0 : i32
      %dma_start3A_121 = tpu.memref_slice %dma_start3A_118[%dma_start3A_119, %dma_start3A_120] : memref<100x128xf32, #tpu.memory_space<vmem>> -> memref<64x128xf32, #tpu.memory_space<vmem>>
      %dma_start3A_122 = arith.constant 0 : i32
      %dma_start3A_123 = tpu.memref_slice %arg9[%add3A_8, %dma_start3A_122] : memref<10240x128xf32, #tpu.memory_space<vmem_shared>> -> memref<64x128xf32, #tpu.memory_space<vmem_shared>>
      %dma_start3A_124 = arith.constant 0 : i32
      %dma_start3A_125 = tpu.memref_slice %arg9[%add3A_8, %dma_start3A_124] : memref<10240x128xf32, #tpu.memory_space<vmem_shared>> -> memref<64x128xf32, #tpu.memory_space<vmem_shared>>
      %dma_start3A_126 = arith.constant 0 : i32
      %dma_start3A_127 = arith.constant 0 : i32
      %dma_start3A_128 = tpu.memref_slice %arg8[%run_scoped3A, %dma_start3A_126, %dma_start3A_127] : memref<2x100x128xf32, #tpu.memory_space<vmem>> -> memref<1x100x128xf32, #tpu.memory_space<vmem>>
      %dma_start3A_129 = tpu.memref_squeeze %dma_start3A_128 : memref<1x100x128xf32, #tpu.memory_space<vmem>> -> memref<100x128xf32, #tpu.memory_space<vmem>>
      %dma_start3A_130 = arith.constant 0 : i32
      %dma_start3A_131 = arith.constant 0 : i32
      %dma_start3A_132 = tpu.memref_slice %dma_start3A_129[%dma_start3A_130, %dma_start3A_131] : memref<100x128xf32, #tpu.memory_space<vmem>> -> memref<64x128xf32, #tpu.memory_space<vmem>>
      tpu.enqueue_dma source(%dma_start3A_132 : memref<64x128xf32, #tpu.memory_space<vmem>>) target(%dma_start3A_125 : memref<64x128xf32, #tpu.memory_space<vmem_shared>>) target_semaphore(%run_scoped3A_114 : memref<!tpu.dma_semaphore, #tpu.memory_space<semaphore_mem>>)
      %dma_wait3A_133 = arith.constant 0 : i32
      %dma_wait3A_134 = arith.constant 0 : i32
      %dma_wait3A_135 = tpu.memref_slice %arg8[%run_scoped3A, %dma_wait3A_133, %dma_wait3A_134] : memref<2x100x128xf32, #tpu.memory_space<vmem>> -> memref<1x100x128xf32, #tpu.memory_space<vmem>>
      %dma_wait3A_136 = tpu.memref_squeeze %dma_wait3A_135 : memref<1x100x128xf32, #tpu.memory_space<vmem>> -> memref<100x128xf32, #tpu.memory_space<vmem>>
      %dma_wait3A_137 = arith.constant 0 : i32
      %dma_wait3A_138 = arith.constant 0 : i32
      %dma_wait3A_139 = tpu.memref_slice %dma_wait3A_136[%dma_wait3A_137, %dma_wait3A_138] : memref<100x128xf32, #tpu.memory_space<vmem>> -> memref<64x128xf32, #tpu.memory_space<vmem>>
      %dma_wait3A_140 = arith.constant 0 : i32
      %dma_wait3A_141 = tpu.memref_slice %arg9[%add3A_8, %dma_wait3A_140] : memref<10240x128xf32, #tpu.memory_space<vmem_shared>> -> memref<64x128xf32, #tpu.memory_space<vmem_shared>>
      %dma_wait3A_142 = arith.constant 0 : i32
      %dma_wait3A_143 = tpu.memref_slice %arg9[%add3A_8, %dma_wait3A_142] : memref<10240x128xf32, #tpu.memory_space<vmem_shared>> -> memref<64x128xf32, #tpu.memory_space<vmem_shared>>
      %dma_wait3A_144 = arith.constant 0 : i32
      %dma_wait3A_145 = arith.constant 0 : i32
      %dma_wait3A_146 = tpu.memref_slice %arg8[%run_scoped3A, %dma_wait3A_144, %dma_wait3A_145] : memref<2x100x128xf32, #tpu.memory_space<vmem>> -> memref<1x100x128xf32, #tpu.memory_space<vmem>>
      %dma_wait3A_147 = tpu.memref_squeeze %dma_wait3A_146 : memref<1x100x128xf32, #tpu.memory_space<vmem>> -> memref<100x128xf32, #tpu.memory_space<vmem>>
      %dma_wait3A_148 = arith.constant 0 : i32
      %dma_wait3A_149 = arith.constant 0 : i32
      %dma_wait3A_150 = tpu.memref_slice %dma_wait3A_147[%dma_wait3A_148, %dma_wait3A_149] : memref<100x128xf32, #tpu.memory_space<vmem>> -> memref<64x128xf32, #tpu.memory_space<vmem>>
      tpu.wait_dma2 semaphore(%run_scoped3A_114 : memref<!tpu.dma_semaphore, #tpu.memory_space<semaphore_mem>>) src(%dma_wait3A_150 : memref<64x128xf32, #tpu.memory_space<vmem>>) dst(%dma_wait3A_143 : memref<64x128xf32, #tpu.memory_space<vmem_shared>>)
      tpu.yield
    }) : () -> ()
    %mul3A_9 = arith.constant 640 : i32
    %mul3A_10 = arith.muli %arg1, %mul3A_9 : i32
    %add3A_11 = arith.constant 64 : i32
    %add3A_12 = arith.addi %mul3A_10, %add3A_11 : i32
    %run_scoped3A_13 = arith.constant 0 : i32
    "tpu.region"() ({
      %run_scoped3A_114 = tpu.sem_alloc : memref<!tpu.dma_semaphore, #tpu.memory_space<semaphore_mem>>
      %dma_start3A_115 = arith.constant 0 : i32
      %dma_start3A_116 = arith.constant 0 : i32
      %dma_start3A_117 = tpu.memref_slice %arg8[%run_scoped3A_13, %dma_start3A_115, %dma_start3A_116] : memref<2x100x128xf32, #tpu.memory_space<vmem>> -> memref<1x100x128xf32, #tpu.memory_space<vmem>>
      %dma_start3A_118 = tpu.memref_squeeze %dma_start3A_117 : memref<1x100x128xf32, #tpu.memory_space<vmem>> -> memref<100x128xf32, #tpu.memory_space<vmem>>
      %dma_start3A_119 = arith.constant 0 : i32
      %dma_start3A_120 = arith.constant 0 : i32
      %dma_start3A_121 = tpu.memref_slice %dma_start3A_118[%dma_start3A_119, %dma_start3A_120] : memref<100x128xf32, #tpu.memory_space<vmem>> -> memref<64x128xf32, #tpu.memory_space<vmem>>
      %dma_start3A_122 = arith.constant 0 : i32
      %dma_start3A_123 = tpu.memref_slice %arg9[%add3A_12, %dma_start3A_122] : memref<10240x128xf32, #tpu.memory_space<vmem_shared>> -> memref<64x128xf32, #tpu.memory_space<vmem_shared>>
      %dma_start3A_124 = arith.constant 0 : i32
      %dma_start3A_125 = tpu.memref_slice %arg9[%add3A_12, %dma_start3A_124] : memref<10240x128xf32, #tpu.memory_space<vmem_shared>> -> memref<64x128xf32, #tpu.memory_space<vmem_shared>>
      %dma_start3A_126 = arith.constant 0 : i32
      %dma_start3A_127 = arith.constant 0 : i32
      %dma_start3A_128 = tpu.memref_slice %arg8[%run_scoped3A_13, %dma_start3A_126, %dma_start3A_127] : memref<2x100x128xf32, #tpu.memory_space<vmem>> -> memref<1x100x128xf32, #tpu.memory_space<vmem>>
      %dma_start3A_129 = tpu.memref_squeeze %dma_start3A_128 : memref<1x100x128xf32, #tpu.memory_space<vmem>> -> memref<100x128xf32, #tpu.memory_space<vmem>>
      %dma_start3A_130 = arith.constant 0 : i32
      %dma_start3A_131 = arith.constant 0 : i32
      %dma_start3A_132 = tpu.memref_slice %dma_start3A_129[%dma_start3A_130, %dma_start3A_131] : memref<100x128xf32, #tpu.memory_space<vmem>> -> memref<64x128xf32, #tpu.memory_space<vmem>>
      tpu.enqueue_dma source(%dma_start3A_132 : memref<64x128xf32, #tpu.memory_space<vmem>>) target(%dma_start3A_125 : memref<64x128xf32, #tpu.memory_space<vmem_shared>>) target_semaphore(%run_scoped3A_114 : memref<!tpu.dma_semaphore, #tpu.memory_space<semaphore_mem>>)
      %dma_wait3A_133 = arith.constant 0 : i32
      %dma_wait3A_134 = arith.constant 0 : i32
      %dma_wait3A_135 = tpu.memref_slice %arg8[%run_scoped3A_13, %dma_wait3A_133, %dma_wait3A_134] : memref<2x100x128xf32, #tpu.memory_space<vmem>> -> memref<1x100x128xf32, #tpu.memory_space<vmem>>
      %dma_wait3A_136 = tpu.memref_squeeze %dma_wait3A_135 : memref<1x100x128xf32, #tpu.memory_space<vmem>> -> memref<100x128xf32, #tpu.memory_space<vmem>>
      %dma_wait3A_137 = arith.constant 0 : i32
      %dma_wait3A_138 = arith.constant 0 : i32
      %dma_wait3A_139 = tpu.memref_slice %dma_wait3A_136[%dma_wait3A_137, %dma_wait3A_138] : memref<100x128xf32, #tpu.memory_space<vmem>> -> memref<64x128xf32, #tpu.memory_space<vmem>>
      %dma_wait3A_140 = arith.constant 0 : i32
      %dma_wait3A_141 = tpu.memref_slice %arg9[%add3A_12, %dma_wait3A_140] : memref<10240x128xf32, #tpu.memory_space<vmem_shared>> -> memref<64x128xf32, #tpu.memory_space<vmem_shared>>
      %dma_wait3A_142 = arith.constant 0 : i32
      %dma_wait3A_143 = tpu.memref_slice %arg9[%add3A_12, %dma_wait3A_142] : memref<10240x128xf32, #tpu.memory_space<vmem_shared>> -> memref<64x128xf32, #tpu.memory_space<vmem_shared>>
      %dma_wait3A_144 = arith.constant 0 : i32
      %dma_wait3A_145 = arith.constant 0 : i32
      %dma_wait3A_146 = tpu.memref_slice %arg8[%run_scoped3A_13, %dma_wait3A_144, %dma_wait3A_145] : memref<2x100x128xf32, #tpu.memory_space<vmem>> -> memref<1x100x128xf32, #tpu.memory_space<vmem>>
      %dma_wait3A_147 = tpu.memref_squeeze %dma_wait3A_146 : memref<1x100x128xf32, #tpu.memory_space<vmem>> -> memref<100x128xf32, #tpu.memory_space<vmem>>
      %dma_wait3A_148 = arith.constant 0 : i32
      %dma_wait3A_149 = arith.constant 0 : i32
      %dma_wait3A_150 = tpu.memref_slice %dma_wait3A_147[%dma_wait3A_148, %dma_wait3A_149] : memref<100x128xf32, #tpu.memory_space<vmem>> -> memref<64x128xf32, #tpu.memory_space<vmem>>
      tpu.wait_dma2 semaphore(%run_scoped3A_114 : memref<!tpu.dma_semaphore, #tpu.memory_space<semaphore_mem>>) src(%dma_wait3A_150 : memref<64x128xf32, #tpu.memory_space<vmem>>) dst(%dma_wait3A_143 : memref<64x128xf32, #tpu.memory_space<vmem_shared>>)
      tpu.yield
    }) : () -> ()
    %mul3A_14 = arith.constant 640 : i32
    %mul3A_15 = arith.muli %arg1, %mul3A_14 : i32
    %add3A_16 = arith.constant 128 : i32
    %add3A_17 = arith.addi %mul3A_15, %add3A_16 : i32
    %run_scoped3A_18 = arith.constant 0 : i32
    "tpu.region"() ({
      %run_scoped3A_114 = tpu.sem_alloc : memref<!tpu.dma_semaphore, #tpu.memory_space<semaphore_mem>>
      %dma_start3A_115 = arith.constant 0 : i32
      %dma_start3A_116 = arith.constant 0 : i32
      %dma_start3A_117 = tpu.memref_slice %arg8[%run_scoped3A_18, %dma_start3A_115, %dma_start3A_116] : memref<2x100x128xf32, #tpu.memory_space<vmem>> -> memref<1x100x128xf32, #tpu.memory_space<vmem>>
      %dma_start3A_118 = tpu.memref_squeeze %dma_start3A_117 : memref<1x100x128xf32, #tpu.memory_space<vmem>> -> memref<100x128xf32, #tpu.memory_space<vmem>>
      %dma_start3A_119 = arith.constant 0 : i32
      %dma_start3A_120 = arith.constant 0 : i32
      %dma_start3A_121 = tpu.memref_slice %dma_start3A_118[%dma_start3A_119, %dma_start3A_120] : memref<100x128xf32, #tpu.memory_space<vmem>> -> memref<64x128xf32, #tpu.memory_space<vmem>>
      %dma_start3A_122 = arith.constant 0 : i32
      %dma_start3A_123 = tpu.memref_slice %arg9[%add3A_17, %dma_start3A_122] : memref<10240x128xf32, #tpu.memory_space<vmem_shared>> -> memref<64x128xf32, #tpu.memory_space<vmem_shared>>
      %dma_start3A_124 = arith.constant 0 : i32
      %dma_start3A_125 = tpu.memref_slice %arg9[%add3A_17, %dma_start3A_124] : memref<10240x128xf32, #tpu.memory_space<vmem_shared>> -> memref<64x128xf32, #tpu.memory_space<vmem_shared>>
      %dma_start3A_126 = arith.constant 0 : i32
      %dma_start3A_127 = arith.constant 0 : i32
      %dma_start3A_128 = tpu.memref_slice %arg8[%run_scoped3A_18, %dma_start3A_126, %dma_start3A_127] : memref<2x100x128xf32, #tpu.memory_space<vmem>> -> memref<1x100x128xf32, #tpu.memory_space<vmem>>
      %dma_start3A_129 = tpu.memref_squeeze %dma_start3A_128 : memref<1x100x128xf32, #tpu.memory_space<vmem>> -> memref<100x128xf32, #tpu.memory_space<vmem>>
      %dma_start3A_130 = arith.constant 0 : i32
      %dma_start3A_131 = arith.constant 0 : i32
      %dma_start3A_132 = tpu.memref_slice %dma_start3A_129[%dma_start3A_130, %dma_start3A_131] : memref<100x128xf32, #tpu.memory_space<vmem>> -> memref<64x128xf32, #tpu.memory_space<vmem>>
      tpu.enqueue_dma source(%dma_start3A_132 : memref<64x128xf32, #tpu.memory_space<vmem>>) target(%dma_start3A_125 : memref<64x128xf32, #tpu.memory_space<vmem_shared>>) target_semaphore(%run_scoped3A_114 : memref<!tpu.dma_semaphore, #tpu.memory_space<semaphore_mem>>)
      %dma_wait3A_133 = arith.constant 0 : i32
      %dma_wait3A_134 = arith.constant 0 : i32
      %dma_wait3A_135 = tpu.memref_slice %arg8[%run_scoped3A_18, %dma_wait3A_133, %dma_wait3A_134] : memref<2x100x128xf32, #tpu.memory_space<vmem>> -> memref<1x100x128xf32, #tpu.memory_space<vmem>>
      %dma_wait3A_136 = tpu.memref_squeeze %dma_wait3A_135 : memref<1x100x128xf32, #tpu.memory_space<vmem>> -> memref<100x128xf32, #tpu.memory_space<vmem>>
      %dma_wait3A_137 = arith.constant 0 : i32
      %dma_wait3A_138 = arith.constant 0 : i32
      %dma_wait3A_139 = tpu.memref_slice %dma_wait3A_136[%dma_wait3A_137, %dma_wait3A_138] : memref<100x128xf32, #tpu.memory_space<vmem>> -> memref<64x128xf32, #tpu.memory_space<vmem>>
      %dma_wait3A_140 = arith.constant 0 : i32
      %dma_wait3A_141 = tpu.memref_slice %arg9[%add3A_17, %dma_wait3A_140] : memref<10240x128xf32, #tpu.memory_space<vmem_shared>> -> memref<64x128xf32, #tpu.memory_space<vmem_shared>>
      %dma_wait3A_142 = arith.constant 0 : i32
      %dma_wait3A_143 = tpu.memref_slice %arg9[%add3A_17, %dma_wait3A_142] : memref<10240x128xf32, #tpu.memory_space<vmem_shared>> -> memref<64x128xf32, #tpu.memory_space<vmem_shared>>
      %dma_wait3A_144 = arith.constant 0 : i32
      %dma_wait3A_145 = arith.constant 0 : i32
      %dma_wait3A_146 = tpu.memref_slice %arg8[%run_scoped3A_18, %dma_wait3A_144, %dma_wait3A_145] : memref<2x100x128xf32, #tpu.memory_space<vmem>> -> memref<1x100x128xf32, #tpu.memory_space<vmem>>
      %dma_wait3A_147 = tpu.memref_squeeze %dma_wait3A_146 : memref<1x100x128xf32, #tpu.memory_space<vmem>> -> memref<100x128xf32, #tpu.memory_space<vmem>>
      %dma_wait3A_148 = arith.constant 0 : i32
      %dma_wait3A_149 = arith.constant 0 : i32
      %dma_wait3A_150 = tpu.memref_slice %dma_wait3A_147[%dma_wait3A_148, %dma_wait3A_149] : memref<100x128xf32, #tpu.memory_space<vmem>> -> memref<64x128xf32, #tpu.memory_space<vmem>>
      tpu.wait_dma2 semaphore(%run_scoped3A_114 : memref<!tpu.dma_semaphore, #tpu.memory_space<semaphore_mem>>) src(%dma_wait3A_150 : memref<64x128xf32, #tpu.memory_space<vmem>>) dst(%dma_wait3A_143 : memref<64x128xf32, #tpu.memory_space<vmem_shared>>)
      tpu.yield
    }) : () -> ()
    %mul3A_19 = arith.constant 640 : i32
    %mul3A_20 = arith.muli %arg1, %mul3A_19 : i32
    %add3A_21 = arith.constant 192 : i32
    %add3A_22 = arith.addi %mul3A_20, %add3A_21 : i32
    %run_scoped3A_23 = arith.constant 0 : i32
    "tpu.region"() ({
      %run_scoped3A_114 = tpu.sem_alloc : memref<!tpu.dma_semaphore, #tpu.memory_space<semaphore_mem>>
      %dma_start3A_115 = arith.constant 0 : i32
      %dma_start3A_116 = arith.constant 0 : i32
      %dma_start3A_117 = tpu.memref_slice %arg8[%run_scoped3A_23, %dma_start3A_115, %dma_start3A_116] : memref<2x100x128xf32, #tpu.memory_space<vmem>> -> memref<1x100x128xf32, #tpu.memory_space<vmem>>
      %dma_start3A_118 = tpu.memref_squeeze %dma_start3A_117 : memref<1x100x128xf32, #tpu.memory_space<vmem>> -> memref<100x128xf32, #tpu.memory_space<vmem>>
      %dma_start3A_119 = arith.constant 0 : i32
      %dma_start3A_120 = arith.constant 0 : i32
      %dma_start3A_121 = tpu.memref_slice %dma_start3A_118[%dma_start3A_119, %dma_start3A_120] : memref<100x128xf32, #tpu.memory_space<vmem>> -> memref<64x128xf32, #tpu.memory_space<vmem>>
      %dma_start3A_122 = arith.constant 0 : i32
      %dma_start3A_123 = tpu.memref_slice %arg9[%add3A_22, %dma_start3A_122] : memref<10240x128xf32, #tpu.memory_space<vmem_shared>> -> memref<64x128xf32, #tpu.memory_space<vmem_shared>>
      %dma_start3A_124 = arith.constant 0 : i32
      %dma_start3A_125 = tpu.memref_slice %arg9[%add3A_22, %dma_start3A_124] : memref<10240x128xf32, #tpu.memory_space<vmem_shared>> -> memref<64x128xf32, #tpu.memory_space<vmem_shared>>
      %dma_start3A_126 = arith.constant 0 : i32
      %dma_start3A_127 = arith.constant 0 : i32
      %dma_start3A_128 = tpu.memref_slice %arg8[%run_scoped3A_23, %dma_start3A_126, %dma_start3A_127] : memref<2x100x128xf32, #tpu.memory_space<vmem>> -> memref<1x100x128xf32, #tpu.memory_space<vmem>>
      %dma_start3A_129 = tpu.memref_squeeze %dma_start3A_128 : memref<1x100x128xf32, #tpu.memory_space<vmem>> -> memref<100x128xf32, #tpu.memory_space<vmem>>
      %dma_start3A_130 = arith.constant 0 : i32
      %dma_start3A_131 = arith.constant 0 : i32
      %dma_start3A_132 = tpu.memref_slice %dma_start3A_129[%dma_start3A_130, %dma_start3A_131] : memref<100x128xf32, #tpu.memory_space<vmem>> -> memref<64x128xf32, #tpu.memory_space<vmem>>
      tpu.enqueue_dma source(%dma_start3A_132 : memref<64x128xf32, #tpu.memory_space<vmem>>) target(%dma_start3A_125 : memref<64x128xf32, #tpu.memory_space<vmem_shared>>) target_semaphore(%run_scoped3A_114 : memref<!tpu.dma_semaphore, #tpu.memory_space<semaphore_mem>>)
      %dma_wait3A_133 = arith.constant 0 : i32
      %dma_wait3A_134 = arith.constant 0 : i32
      %dma_wait3A_135 = tpu.memref_slice %arg8[%run_scoped3A_23, %dma_wait3A_133, %dma_wait3A_134] : memref<2x100x128xf32, #tpu.memory_space<vmem>> -> memref<1x100x128xf32, #tpu.memory_space<vmem>>
      %dma_wait3A_136 = tpu.memref_squeeze %dma_wait3A_135 : memref<1x100x128xf32, #tpu.memory_space<vmem>> -> memref<100x128xf32, #tpu.memory_space<vmem>>
      %dma_wait3A_137 = arith.constant 0 : i32
      %dma_wait3A_138 = arith.constant 0 : i32
      %dma_wait3A_139 = tpu.memref_slice %dma_wait3A_136[%dma_wait3A_137, %dma_wait3A_138] : memref<100x128xf32, #tpu.memory_space<vmem>> -> memref<64x128xf32, #tpu.memory_space<vmem>>
      %dma_wait3A_140 = arith.constant 0 : i32
      %dma_wait3A_141 = tpu.memref_slice %arg9[%add3A_22, %dma_wait3A_140] : memref<10240x128xf32, #tpu.memory_space<vmem_shared>> -> memref<64x128xf32, #tpu.memory_space<vmem_shared>>
      %dma_wait3A_142 = arith.constant 0 : i32
      %dma_wait3A_143 = tpu.memref_slice %arg9[%add3A_22, %dma_wait3A_142] : memref<10240x128xf32, #tpu.memory_space<vmem_shared>> -> memref<64x128xf32, #tpu.memory_space<vmem_shared>>
      %dma_wait3A_144 = arith.constant 0 : i32
      %dma_wait3A_145 = arith.constant 0 : i32
      %dma_wait3A_146 = tpu.memref_slice %arg8[%run_scoped3A_23, %dma_wait3A_144, %dma_wait3A_145] : memref<2x100x128xf32, #tpu.memory_space<vmem>> -> memref<1x100x128xf32, #tpu.memory_space<vmem>>
      %dma_wait3A_147 = tpu.memref_squeeze %dma_wait3A_146 : memref<1x100x128xf32, #tpu.memory_space<vmem>> -> memref<100x128xf32, #tpu.memory_space<vmem>>
      %dma_wait3A_148 = arith.constant 0 : i32
      %dma_wait3A_149 = arith.constant 0 : i32
      %dma_wait3A_150 = tpu.memref_slice %dma_wait3A_147[%dma_wait3A_148, %dma_wait3A_149] : memref<100x128xf32, #tpu.memory_space<vmem>> -> memref<64x128xf32, #tpu.memory_space<vmem>>
      tpu.wait_dma2 semaphore(%run_scoped3A_114 : memref<!tpu.dma_semaphore, #tpu.memory_space<semaphore_mem>>) src(%dma_wait3A_150 : memref<64x128xf32, #tpu.memory_space<vmem>>) dst(%dma_wait3A_143 : memref<64x128xf32, #tpu.memory_space<vmem_shared>>)
      tpu.yield
    }) : () -> ()
    %mul3A_24 = arith.constant 640 : i32
    %mul3A_25 = arith.muli %arg1, %mul3A_24 : i32
    %add3A_26 = arith.constant 256 : i32
    %add3A_27 = arith.addi %mul3A_25, %add3A_26 : i32
    %run_scoped3A_28 = arith.constant 0 : i32
    "tpu.region"() ({
      %run_scoped3A_114 = tpu.sem_alloc : memref<!tpu.dma_semaphore, #tpu.memory_space<semaphore_mem>>
      %dma_start3A_115 = arith.constant 0 : i32
      %dma_start3A_116 = arith.constant 0 : i32
      %dma_start3A_117 = tpu.memref_slice %arg8[%run_scoped3A_28, %dma_start3A_115, %dma_start3A_116] : memref<2x100x128xf32, #tpu.memory_space<vmem>> -> memref<1x100x128xf32, #tpu.memory_space<vmem>>
      %dma_start3A_118 = tpu.memref_squeeze %dma_start3A_117 : memref<1x100x128xf32, #tpu.memory_space<vmem>> -> memref<100x128xf32, #tpu.memory_space<vmem>>
      %dma_start3A_119 = arith.constant 0 : i32
      %dma_start3A_120 = arith.constant 0 : i32
      %dma_start3A_121 = tpu.memref_slice %dma_start3A_118[%dma_start3A_119, %dma_start3A_120] : memref<100x128xf32, #tpu.memory_space<vmem>> -> memref<64x128xf32, #tpu.memory_space<vmem>>
      %dma_start3A_122 = arith.constant 0 : i32
      %dma_start3A_123 = tpu.memref_slice %arg9[%add3A_27, %dma_start3A_122] : memref<10240x128xf32, #tpu.memory_space<vmem_shared>> -> memref<64x128xf32, #tpu.memory_space<vmem_shared>>
      %dma_start3A_124 = arith.constant 0 : i32
      %dma_start3A_125 = tpu.memref_slice %arg9[%add3A_27, %dma_start3A_124] : memref<10240x128xf32, #tpu.memory_space<vmem_shared>> -> memref<64x128xf32, #tpu.memory_space<vmem_shared>>
      %dma_start3A_126 = arith.constant 0 : i32
      %dma_start3A_127 = arith.constant 0 : i32
      %dma_start3A_128 = tpu.memref_slice %arg8[%run_scoped3A_28, %dma_start3A_126, %dma_start3A_127] : memref<2x100x128xf32, #tpu.memory_space<vmem>> -> memref<1x100x128xf32, #tpu.memory_space<vmem>>
      %dma_start3A_129 = tpu.memref_squeeze %dma_start3A_128 : memref<1x100x128xf32, #tpu.memory_space<vmem>> -> memref<100x128xf32, #tpu.memory_space<vmem>>
      %dma_start3A_130 = arith.constant 0 : i32
      %dma_start3A_131 = arith.constant 0 : i32
      %dma_start3A_132 = tpu.memref_slice %dma_start3A_129[%dma_start3A_130, %dma_start3A_131] : memref<100x128xf32, #tpu.memory_space<vmem>> -> memref<64x128xf32, #tpu.memory_space<vmem>>
      tpu.enqueue_dma source(%dma_start3A_132 : memref<64x128xf32, #tpu.memory_space<vmem>>) target(%dma_start3A_125 : memref<64x128xf32, #tpu.memory_space<vmem_shared>>) target_semaphore(%run_scoped3A_114 : memref<!tpu.dma_semaphore, #tpu.memory_space<semaphore_mem>>)
      %dma_wait3A_133 = arith.constant 0 : i32
      %dma_wait3A_134 = arith.constant 0 : i32
      %dma_wait3A_135 = tpu.memref_slice %arg8[%run_scoped3A_28, %dma_wait3A_133, %dma_wait3A_134] : memref<2x100x128xf32, #tpu.memory_space<vmem>> -> memref<1x100x128xf32, #tpu.memory_space<vmem>>
      %dma_wait3A_136 = tpu.memref_squeeze %dma_wait3A_135 : memref<1x100x128xf32, #tpu.memory_space<vmem>> -> memref<100x128xf32, #tpu.memory_space<vmem>>
      %dma_wait3A_137 = arith.constant 0 : i32
      %dma_wait3A_138 = arith.constant 0 : i32
      %dma_wait3A_139 = tpu.memref_slice %dma_wait3A_136[%dma_wait3A_137, %dma_wait3A_138] : memref<100x128xf32, #tpu.memory_space<vmem>> -> memref<64x128xf32, #tpu.memory_space<vmem>>
      %dma_wait3A_140 = arith.constant 0 : i32
      %dma_wait3A_141 = tpu.memref_slice %arg9[%add3A_27, %dma_wait3A_140] : memref<10240x128xf32, #tpu.memory_space<vmem_shared>> -> memref<64x128xf32, #tpu.memory_space<vmem_shared>>
      %dma_wait3A_142 = arith.constant 0 : i32
      %dma_wait3A_143 = tpu.memref_slice %arg9[%add3A_27, %dma_wait3A_142] : memref<10240x128xf32, #tpu.memory_space<vmem_shared>> -> memref<64x128xf32, #tpu.memory_space<vmem_shared>>
      %dma_wait3A_144 = arith.constant 0 : i32
      %dma_wait3A_145 = arith.constant 0 : i32
      %dma_wait3A_146 = tpu.memref_slice %arg8[%run_scoped3A_28, %dma_wait3A_144, %dma_wait3A_145] : memref<2x100x128xf32, #tpu.memory_space<vmem>> -> memref<1x100x128xf32, #tpu.memory_space<vmem>>
      %dma_wait3A_147 = tpu.memref_squeeze %dma_wait3A_146 : memref<1x100x128xf32, #tpu.memory_space<vmem>> -> memref<100x128xf32, #tpu.memory_space<vmem>>
      %dma_wait3A_148 = arith.constant 0 : i32
      %dma_wait3A_149 = arith.constant 0 : i32
      %dma_wait3A_150 = tpu.memref_slice %dma_wait3A_147[%dma_wait3A_148, %dma_wait3A_149] : memref<100x128xf32, #tpu.memory_space<vmem>> -> memref<64x128xf32, #tpu.memory_space<vmem>>
      tpu.wait_dma2 semaphore(%run_scoped3A_114 : memref<!tpu.dma_semaphore, #tpu.memory_space<semaphore_mem>>) src(%dma_wait3A_150 : memref<64x128xf32, #tpu.memory_space<vmem>>) dst(%dma_wait3A_143 : memref<64x128xf32, #tpu.memory_space<vmem_shared>>)
      tpu.yield
    }) : () -> ()
    %mul3A_29 = arith.constant 640 : i32
    %mul3A_30 = arith.muli %arg1, %mul3A_29 : i32
    %add3A_31 = arith.constant 320 : i32
    %add3A_32 = arith.addi %mul3A_30, %add3A_31 : i32
    %run_scoped3A_33 = arith.constant 0 : i32
    "tpu.region"() ({
      %run_scoped3A_114 = tpu.sem_alloc : memref<!tpu.dma_semaphore, #tpu.memory_space<semaphore_mem>>
      %dma_start3A_115 = arith.constant 0 : i32
      %dma_start3A_116 = arith.constant 0 : i32
      %dma_start3A_117 = tpu.memref_slice %arg8[%run_scoped3A_33, %dma_start3A_115, %dma_start3A_116] : memref<2x100x128xf32, #tpu.memory_space<vmem>> -> memref<1x100x128xf32, #tpu.memory_space<vmem>>
      %dma_start3A_118 = tpu.memref_squeeze %dma_start3A_117 : memref<1x100x128xf32, #tpu.memory_space<vmem>> -> memref<100x128xf32, #tpu.memory_space<vmem>>
      %dma_start3A_119 = arith.constant 0 : i32
      %dma_start3A_120 = arith.constant 0 : i32
      %dma_start3A_121 = tpu.memref_slice %dma_start3A_118[%dma_start3A_119, %dma_start3A_120] : memref<100x128xf32, #tpu.memory_space<vmem>> -> memref<64x128xf32, #tpu.memory_space<vmem>>
      %dma_start3A_122 = arith.constant 0 : i32
      %dma_start3A_123 = tpu.memref_slice %arg9[%add3A_32, %dma_start3A_122] : memref<10240x128xf32, #tpu.memory_space<vmem_shared>> -> memref<64x128xf32, #tpu.memory_space<vmem_shared>>
      %dma_start3A_124 = arith.constant 0 : i32
      %dma_start3A_125 = tpu.memref_slice %arg9[%add3A_32, %dma_start3A_124] : memref<10240x128xf32, #tpu.memory_space<vmem_shared>> -> memref<64x128xf32, #tpu.memory_space<vmem_shared>>
      %dma_start3A_126 = arith.constant 0 : i32
      %dma_start3A_127 = arith.constant 0 : i32
      %dma_start3A_128 = tpu.memref_slice %arg8[%run_scoped3A_33, %dma_start3A_126, %dma_start3A_127] : memref<2x100x128xf32, #tpu.memory_space<vmem>> -> memref<1x100x128xf32, #tpu.memory_space<vmem>>
      %dma_start3A_129 = tpu.memref_squeeze %dma_start3A_128 : memref<1x100x128xf32, #tpu.memory_space<vmem>> -> memref<100x128xf32, #tpu.memory_space<vmem>>
      %dma_start3A_130 = arith.constant 0 : i32
      %dma_start3A_131 = arith.constant 0 : i32
      %dma_start3A_132 = tpu.memref_slice %dma_start3A_129[%dma_start3A_130, %dma_start3A_131] : memref<100x128xf32, #tpu.memory_space<vmem>> -> memref<64x128xf32, #tpu.memory_space<vmem>>
      tpu.enqueue_dma source(%dma_start3A_132 : memref<64x128xf32, #tpu.memory_space<vmem>>) target(%dma_start3A_125 : memref<64x128xf32, #tpu.memory_space<vmem_shared>>) target_semaphore(%run_scoped3A_114 : memref<!tpu.dma_semaphore, #tpu.memory_space<semaphore_mem>>)
      %dma_wait3A_133 = arith.constant 0 : i32
      %dma_wait3A_134 = arith.constant 0 : i32
      %dma_wait3A_135 = tpu.memref_slice %arg8[%run_scoped3A_33, %dma_wait3A_133, %dma_wait3A_134] : memref<2x100x128xf32, #tpu.memory_space<vmem>> -> memref<1x100x128xf32, #tpu.memory_space<vmem>>
      %dma_wait3A_136 = tpu.memref_squeeze %dma_wait3A_135 : memref<1x100x128xf32, #tpu.memory_space<vmem>> -> memref<100x128xf32, #tpu.memory_space<vmem>>
      %dma_wait3A_137 = arith.constant 0 : i32
      %dma_wait3A_138 = arith.constant 0 : i32
      %dma_wait3A_139 = tpu.memref_slice %dma_wait3A_136[%dma_wait3A_137, %dma_wait3A_138] : memref<100x128xf32, #tpu.memory_space<vmem>> -> memref<64x128xf32, #tpu.memory_space<vmem>>
      %dma_wait3A_140 = arith.constant 0 : i32
      %dma_wait3A_141 = tpu.memref_slice %arg9[%add3A_32, %dma_wait3A_140] : memref<10240x128xf32, #tpu.memory_space<vmem_shared>> -> memref<64x128xf32, #tpu.memory_space<vmem_shared>>
      %dma_wait3A_142 = arith.constant 0 : i32
      %dma_wait3A_143 = tpu.memref_slice %arg9[%add3A_32, %dma_wait3A_142] : memref<10240x128xf32, #tpu.memory_space<vmem_shared>> -> memref<64x128xf32, #tpu.memory_space<vmem_shared>>
      %dma_wait3A_144 = arith.constant 0 : i32
      %dma_wait3A_145 = arith.constant 0 : i32
      %dma_wait3A_146 = tpu.memref_slice %arg8[%run_scoped3A_33, %dma_wait3A_144, %dma_wait3A_145] : memref<2x100x128xf32, #tpu.memory_space<vmem>> -> memref<1x100x128xf32, #tpu.memory_space<vmem>>
      %dma_wait3A_147 = tpu.memref_squeeze %dma_wait3A_146 : memref<1x100x128xf32, #tpu.memory_space<vmem>> -> memref<100x128xf32, #tpu.memory_space<vmem>>
      %dma_wait3A_148 = arith.constant 0 : i32
      %dma_wait3A_149 = arith.constant 0 : i32
      %dma_wait3A_150 = tpu.memref_slice %dma_wait3A_147[%dma_wait3A_148, %dma_wait3A_149] : memref<100x128xf32, #tpu.memory_space<vmem>> -> memref<64x128xf32, #tpu.memory_space<vmem>>
      tpu.wait_dma2 semaphore(%run_scoped3A_114 : memref<!tpu.dma_semaphore, #tpu.memory_space<semaphore_mem>>) src(%dma_wait3A_150 : memref<64x128xf32, #tpu.memory_space<vmem>>) dst(%dma_wait3A_143 : memref<64x128xf32, #tpu.memory_space<vmem_shared>>)
      tpu.yield
    }) : () -> ()
    %mul3A_34 = arith.constant 640 : i32
    %mul3A_35 = arith.muli %arg1, %mul3A_34 : i32
    %add3A_36 = arith.constant 384 : i32
    %add3A_37 = arith.addi %mul3A_35, %add3A_36 : i32
    %run_scoped3A_38 = arith.constant 0 : i32
    "tpu.region"() ({
      %run_scoped3A_114 = tpu.sem_alloc : memref<!tpu.dma_semaphore, #tpu.memory_space<semaphore_mem>>
      %dma_start3A_115 = arith.constant 0 : i32
      %dma_start3A_116 = arith.constant 0 : i32
      %dma_start3A_117 = tpu.memref_slice %arg8[%run_scoped3A_38, %dma_start3A_115, %dma_start3A_116] : memref<2x100x128xf32, #tpu.memory_space<vmem>> -> memref<1x100x128xf32, #tpu.memory_space<vmem>>
      %dma_start3A_118 = tpu.memref_squeeze %dma_start3A_117 : memref<1x100x128xf32, #tpu.memory_space<vmem>> -> memref<100x128xf32, #tpu.memory_space<vmem>>
      %dma_start3A_119 = arith.constant 0 : i32
      %dma_start3A_120 = arith.constant 0 : i32
      %dma_start3A_121 = tpu.memref_slice %dma_start3A_118[%dma_start3A_119, %dma_start3A_120] : memref<100x128xf32, #tpu.memory_space<vmem>> -> memref<64x128xf32, #tpu.memory_space<vmem>>
      %dma_start3A_122 = arith.constant 0 : i32
      %dma_start3A_123 = tpu.memref_slice %arg9[%add3A_37, %dma_start3A_122] : memref<10240x128xf32, #tpu.memory_space<vmem_shared>> -> memref<64x128xf32, #tpu.memory_space<vmem_shared>>
      %dma_start3A_124 = arith.constant 0 : i32
      %dma_start3A_125 = tpu.memref_slice %arg9[%add3A_37, %dma_start3A_124] : memref<10240x128xf32, #tpu.memory_space<vmem_shared>> -> memref<64x128xf32, #tpu.memory_space<vmem_shared>>
      %dma_start3A_126 = arith.constant 0 : i32
      %dma_start3A_127 = arith.constant 0 : i32
      %dma_start3A_128 = tpu.memref_slice %arg8[%run_scoped3A_38, %dma_start3A_126, %dma_start3A_127] : memref<2x100x128xf32, #tpu.memory_space<vmem>> -> memref<1x100x128xf32, #tpu.memory_space<vmem>>
      %dma_start3A_129 = tpu.memref_squeeze %dma_start3A_128 : memref<1x100x128xf32, #tpu.memory_space<vmem>> -> memref<100x128xf32, #tpu.memory_space<vmem>>
      %dma_start3A_130 = arith.constant 0 : i32
      %dma_start3A_131 = arith.constant 0 : i32
      %dma_start3A_132 = tpu.memref_slice %dma_start3A_129[%dma_start3A_130, %dma_start3A_131] : memref<100x128xf32, #tpu.memory_space<vmem>> -> memref<64x128xf32, #tpu.memory_space<vmem>>
      tpu.enqueue_dma source(%dma_start3A_132 : memref<64x128xf32, #tpu.memory_space<vmem>>) target(%dma_start3A_125 : memref<64x128xf32, #tpu.memory_space<vmem_shared>>) target_semaphore(%run_scoped3A_114 : memref<!tpu.dma_semaphore, #tpu.memory_space<semaphore_mem>>)
      %dma_wait3A_133 = arith.constant 0 : i32
      %dma_wait3A_134 = arith.constant 0 : i32
      %dma_wait3A_135 = tpu.memref_slice %arg8[%run_scoped3A_38, %dma_wait3A_133, %dma_wait3A_134] : memref<2x100x128xf32, #tpu.memory_space<vmem>> -> memref<1x100x128xf32, #tpu.memory_space<vmem>>
      %dma_wait3A_136 = tpu.memref_squeeze %dma_wait3A_135 : memref<1x100x128xf32, #tpu.memory_space<vmem>> -> memref<100x128xf32, #tpu.memory_space<vmem>>
      %dma_wait3A_137 = arith.constant 0 : i32
      %dma_wait3A_138 = arith.constant 0 : i32
      %dma_wait3A_139 = tpu.memref_slice %dma_wait3A_136[%dma_wait3A_137, %dma_wait3A_138] : memref<100x128xf32, #tpu.memory_space<vmem>> -> memref<64x128xf32, #tpu.memory_space<vmem>>
      %dma_wait3A_140 = arith.constant 0 : i32
      %dma_wait3A_141 = tpu.memref_slice %arg9[%add3A_37, %dma_wait3A_140] : memref<10240x128xf32, #tpu.memory_space<vmem_shared>> -> memref<64x128xf32, #tpu.memory_space<vmem_shared>>
      %dma_wait3A_142 = arith.constant 0 : i32
      %dma_wait3A_143 = tpu.memref_slice %arg9[%add3A_37, %dma_wait3A_142] : memref<10240x128xf32, #tpu.memory_space<vmem_shared>> -> memref<64x128xf32, #tpu.memory_space<vmem_shared>>
      %dma_wait3A_144 = arith.constant 0 : i32
      %dma_wait3A_145 = arith.constant 0 : i32
      %dma_wait3A_146 = tpu.memref_slice %arg8[%run_scoped3A_38, %dma_wait3A_144, %dma_wait3A_145] : memref<2x100x128xf32, #tpu.memory_space<vmem>> -> memref<1x100x128xf32, #tpu.memory_space<vmem>>
      %dma_wait3A_147 = tpu.memref_squeeze %dma_wait3A_146 : memref<1x100x128xf32, #tpu.memory_space<vmem>> -> memref<100x128xf32, #tpu.memory_space<vmem>>
      %dma_wait3A_148 = arith.constant 0 : i32
      %dma_wait3A_149 = arith.constant 0 : i32
      %dma_wait3A_150 = tpu.memref_slice %dma_wait3A_147[%dma_wait3A_148, %dma_wait3A_149] : memref<100x128xf32, #tpu.memory_space<vmem>> -> memref<64x128xf32, #tpu.memory_space<vmem>>
      tpu.wait_dma2 semaphore(%run_scoped3A_114 : memref<!tpu.dma_semaphore, #tpu.memory_space<semaphore_mem>>) src(%dma_wait3A_150 : memref<64x128xf32, #tpu.memory_space<vmem>>) dst(%dma_wait3A_143 : memref<64x128xf32, #tpu.memory_space<vmem_shared>>)
      tpu.yield
    }) : () -> ()
    %mul3A_39 = arith.constant 640 : i32
    %mul3A_40 = arith.muli %arg1, %mul3A_39 : i32
    %add3A_41 = arith.constant 448 : i32
    %add3A_42 = arith.addi %mul3A_40, %add3A_41 : i32
    %run_scoped3A_43 = arith.constant 0 : i32
    "tpu.region"() ({
      %run_scoped3A_114 = tpu.sem_alloc : memref<!tpu.dma_semaphore, #tpu.memory_space<semaphore_mem>>
      %dma_start3A_115 = arith.constant 0 : i32
      %dma_start3A_116 = arith.constant 0 : i32
      %dma_start3A_117 = tpu.memref_slice %arg8[%run_scoped3A_43, %dma_start3A_115, %dma_start3A_116] : memref<2x100x128xf32, #tpu.memory_space<vmem>> -> memref<1x100x128xf32, #tpu.memory_space<vmem>>
      %dma_start3A_118 = tpu.memref_squeeze %dma_start3A_117 : memref<1x100x128xf32, #tpu.memory_space<vmem>> -> memref<100x128xf32, #tpu.memory_space<vmem>>
      %dma_start3A_119 = arith.constant 0 : i32
      %dma_start3A_120 = arith.constant 0 : i32
      %dma_start3A_121 = tpu.memref_slice %dma_start3A_118[%dma_start3A_119, %dma_start3A_120] : memref<100x128xf32, #tpu.memory_space<vmem>> -> memref<64x128xf32, #tpu.memory_space<vmem>>
      %dma_start3A_122 = arith.constant 0 : i32
      %dma_start3A_123 = tpu.memref_slice %arg9[%add3A_42, %dma_start3A_122] : memref<10240x128xf32, #tpu.memory_space<vmem_shared>> -> memref<64x128xf32, #tpu.memory_space<vmem_shared>>
      %dma_start3A_124 = arith.constant 0 : i32
      %dma_start3A_125 = tpu.memref_slice %arg9[%add3A_42, %dma_start3A_124] : memref<10240x128xf32, #tpu.memory_space<vmem_shared>> -> memref<64x128xf32, #tpu.memory_space<vmem_shared>>
      %dma_start3A_126 = arith.constant 0 : i32
      %dma_start3A_127 = arith.constant 0 : i32
      %dma_start3A_128 = tpu.memref_slice %arg8[%run_scoped3A_43, %dma_start3A_126, %dma_start3A_127] : memref<2x100x128xf32, #tpu.memory_space<vmem>> -> memref<1x100x128xf32, #tpu.memory_space<vmem>>
      %dma_start3A_129 = tpu.memref_squeeze %dma_start3A_128 : memref<1x100x128xf32, #tpu.memory_space<vmem>> -> memref<100x128xf32, #tpu.memory_space<vmem>>
      %dma_start3A_130 = arith.constant 0 : i32
      %dma_start3A_131 = arith.constant 0 : i32
      %dma_start3A_132 = tpu.memref_slice %dma_start3A_129[%dma_start3A_130, %dma_start3A_131] : memref<100x128xf32, #tpu.memory_space<vmem>> -> memref<64x128xf32, #tpu.memory_space<vmem>>
      tpu.enqueue_dma source(%dma_start3A_132 : memref<64x128xf32, #tpu.memory_space<vmem>>) target(%dma_start3A_125 : memref<64x128xf32, #tpu.memory_space<vmem_shared>>) target_semaphore(%run_scoped3A_114 : memref<!tpu.dma_semaphore, #tpu.memory_space<semaphore_mem>>)
      %dma_wait3A_133 = arith.constant 0 : i32
      %dma_wait3A_134 = arith.constant 0 : i32
      %dma_wait3A_135 = tpu.memref_slice %arg8[%run_scoped3A_43, %dma_wait3A_133, %dma_wait3A_134] : memref<2x100x128xf32, #tpu.memory_space<vmem>> -> memref<1x100x128xf32, #tpu.memory_space<vmem>>
      %dma_wait3A_136 = tpu.memref_squeeze %dma_wait3A_135 : memref<1x100x128xf32, #tpu.memory_space<vmem>> -> memref<100x128xf32, #tpu.memory_space<vmem>>
      %dma_wait3A_137 = arith.constant 0 : i32
      %dma_wait3A_138 = arith.constant 0 : i32
      %dma_wait3A_139 = tpu.memref_slice %dma_wait3A_136[%dma_wait3A_137, %dma_wait3A_138] : memref<100x128xf32, #tpu.memory_space<vmem>> -> memref<64x128xf32, #tpu.memory_space<vmem>>
      %dma_wait3A_140 = arith.constant 0 : i32
      %dma_wait3A_141 = tpu.memref_slice %arg9[%add3A_42, %dma_wait3A_140] : memref<10240x128xf32, #tpu.memory_space<vmem_shared>> -> memref<64x128xf32, #tpu.memory_space<vmem_shared>>
      %dma_wait3A_142 = arith.constant 0 : i32
      %dma_wait3A_143 = tpu.memref_slice %arg9[%add3A_42, %dma_wait3A_142] : memref<10240x128xf32, #tpu.memory_space<vmem_shared>> -> memref<64x128xf32, #tpu.memory_space<vmem_shared>>
      %dma_wait3A_144 = arith.constant 0 : i32
      %dma_wait3A_145 = arith.constant 0 : i32
      %dma_wait3A_146 = tpu.memref_slice %arg8[%run_scoped3A_43, %dma_wait3A_144, %dma_wait3A_145] : memref<2x100x128xf32, #tpu.memory_space<vmem>> -> memref<1x100x128xf32, #tpu.memory_space<vmem>>
      %dma_wait3A_147 = tpu.memref_squeeze %dma_wait3A_146 : memref<1x100x128xf32, #tpu.memory_space<vmem>> -> memref<100x128xf32, #tpu.memory_space<vmem>>
      %dma_wait3A_148 = arith.constant 0 : i32
      %dma_wait3A_149 = arith.constant 0 : i32
      %dma_wait3A_150 = tpu.memref_slice %dma_wait3A_147[%dma_wait3A_148, %dma_wait3A_149] : memref<100x128xf32, #tpu.memory_space<vmem>> -> memref<64x128xf32, #tpu.memory_space<vmem>>
      tpu.wait_dma2 semaphore(%run_scoped3A_114 : memref<!tpu.dma_semaphore, #tpu.memory_space<semaphore_mem>>) src(%dma_wait3A_150 : memref<64x128xf32, #tpu.memory_space<vmem>>) dst(%dma_wait3A_143 : memref<64x128xf32, #tpu.memory_space<vmem_shared>>)
      tpu.yield
    }) : () -> ()
    %mul3A_44 = arith.constant 640 : i32
    %mul3A_45 = arith.muli %arg1, %mul3A_44 : i32
    %add3A_46 = arith.constant 512 : i32
    %add3A_47 = arith.addi %mul3A_45, %add3A_46 : i32
    %run_scoped3A_48 = arith.constant 0 : i32
    "tpu.region"() ({
      %run_scoped3A_114 = tpu.sem_alloc : memref<!tpu.dma_semaphore, #tpu.memory_space<semaphore_mem>>
      %dma_start3A_115 = arith.constant 0 : i32
      %dma_start3A_116 = arith.constant 0 : i32
      %dma_start3A_117 = tpu.memref_slice %arg8[%run_scoped3A_48, %dma_start3A_115, %dma_start3A_116] : memref<2x100x128xf32, #tpu.memory_space<vmem>> -> memref<1x100x128xf32, #tpu.memory_space<vmem>>
      %dma_start3A_118 = tpu.memref_squeeze %dma_start3A_117 : memref<1x100x128xf32, #tpu.memory_space<vmem>> -> memref<100x128xf32, #tpu.memory_space<vmem>>
      %dma_start3A_119 = arith.constant 0 : i32
      %dma_start3A_120 = arith.constant 0 : i32
      %dma_start3A_121 = tpu.memref_slice %dma_start3A_118[%dma_start3A_119, %dma_start3A_120] : memref<100x128xf32, #tpu.memory_space<vmem>> -> memref<64x128xf32, #tpu.memory_space<vmem>>
      %dma_start3A_122 = arith.constant 0 : i32
      %dma_start3A_123 = tpu.memref_slice %arg9[%add3A_47, %dma_start3A_122] : memref<10240x128xf32, #tpu.memory_space<vmem_shared>> -> memref<64x128xf32, #tpu.memory_space<vmem_shared>>
      %dma_start3A_124 = arith.constant 0 : i32
      %dma_start3A_125 = tpu.memref_slice %arg9[%add3A_47, %dma_start3A_124] : memref<10240x128xf32, #tpu.memory_space<vmem_shared>> -> memref<64x128xf32, #tpu.memory_space<vmem_shared>>
      %dma_start3A_126 = arith.constant 0 : i32
      %dma_start3A_127 = arith.constant 0 : i32
      %dma_start3A_128 = tpu.memref_slice %arg8[%run_scoped3A_48, %dma_start3A_126, %dma_start3A_127] : memref<2x100x128xf32, #tpu.memory_space<vmem>> -> memref<1x100x128xf32, #tpu.memory_space<vmem>>
      %dma_start3A_129 = tpu.memref_squeeze %dma_start3A_128 : memref<1x100x128xf32, #tpu.memory_space<vmem>> -> memref<100x128xf32, #tpu.memory_space<vmem>>
      %dma_start3A_130 = arith.constant 0 : i32
      %dma_start3A_131 = arith.constant 0 : i32
      %dma_start3A_132 = tpu.memref_slice %dma_start3A_129[%dma_start3A_130, %dma_start3A_131] : memref<100x128xf32, #tpu.memory_space<vmem>> -> memref<64x128xf32, #tpu.memory_space<vmem>>
      tpu.enqueue_dma source(%dma_start3A_132 : memref<64x128xf32, #tpu.memory_space<vmem>>) target(%dma_start3A_125 : memref<64x128xf32, #tpu.memory_space<vmem_shared>>) target_semaphore(%run_scoped3A_114 : memref<!tpu.dma_semaphore, #tpu.memory_space<semaphore_mem>>)
      %dma_wait3A_133 = arith.constant 0 : i32
      %dma_wait3A_134 = arith.constant 0 : i32
      %dma_wait3A_135 = tpu.memref_slice %arg8[%run_scoped3A_48, %dma_wait3A_133, %dma_wait3A_134] : memref<2x100x128xf32, #tpu.memory_space<vmem>> -> memref<1x100x128xf32, #tpu.memory_space<vmem>>
      %dma_wait3A_136 = tpu.memref_squeeze %dma_wait3A_135 : memref<1x100x128xf32, #tpu.memory_space<vmem>> -> memref<100x128xf32, #tpu.memory_space<vmem>>
      %dma_wait3A_137 = arith.constant 0 : i32
      %dma_wait3A_138 = arith.constant 0 : i32
      %dma_wait3A_139 = tpu.memref_slice %dma_wait3A_136[%dma_wait3A_137, %dma_wait3A_138] : memref<100x128xf32, #tpu.memory_space<vmem>> -> memref<64x128xf32, #tpu.memory_space<vmem>>
      %dma_wait3A_140 = arith.constant 0 : i32
      %dma_wait3A_141 = tpu.memref_slice %arg9[%add3A_47, %dma_wait3A_140] : memref<10240x128xf32, #tpu.memory_space<vmem_shared>> -> memref<64x128xf32, #tpu.memory_space<vmem_shared>>
      %dma_wait3A_142 = arith.constant 0 : i32
      %dma_wait3A_143 = tpu.memref_slice %arg9[%add3A_47, %dma_wait3A_142] : memref<10240x128xf32, #tpu.memory_space<vmem_shared>> -> memref<64x128xf32, #tpu.memory_space<vmem_shared>>
      %dma_wait3A_144 = arith.constant 0 : i32
      %dma_wait3A_145 = arith.constant 0 : i32
      %dma_wait3A_146 = tpu.memref_slice %arg8[%run_scoped3A_48, %dma_wait3A_144, %dma_wait3A_145] : memref<2x100x128xf32, #tpu.memory_space<vmem>> -> memref<1x100x128xf32, #tpu.memory_space<vmem>>
      %dma_wait3A_147 = tpu.memref_squeeze %dma_wait3A_146 : memref<1x100x128xf32, #tpu.memory_space<vmem>> -> memref<100x128xf32, #tpu.memory_space<vmem>>
      %dma_wait3A_148 = arith.constant 0 : i32
      %dma_wait3A_149 = arith.constant 0 : i32
      %dma_wait3A_150 = tpu.memref_slice %dma_wait3A_147[%dma_wait3A_148, %dma_wait3A_149] : memref<100x128xf32, #tpu.memory_space<vmem>> -> memref<64x128xf32, #tpu.memory_space<vmem>>
      tpu.wait_dma2 semaphore(%run_scoped3A_114 : memref<!tpu.dma_semaphore, #tpu.memory_space<semaphore_mem>>) src(%dma_wait3A_150 : memref<64x128xf32, #tpu.memory_space<vmem>>) dst(%dma_wait3A_143 : memref<64x128xf32, #tpu.memory_space<vmem_shared>>)
      tpu.yield
    }) : () -> ()
    %mul3A_49 = arith.constant 640 : i32
    %mul3A_50 = arith.muli %arg1, %mul3A_49 : i32
    %add3A_51 = arith.constant 576 : i32
    %add3A_52 = arith.addi %mul3A_50, %add3A_51 : i32
    %run_scoped3A_53 = arith.constant 0 : i32
    "tpu.region"() ({
      %run_scoped3A_114 = tpu.sem_alloc : memref<!tpu.dma_semaphore, #tpu.memory_space<semaphore_mem>>
      %dma_start3A_115 = arith.constant 0 : i32
      %dma_start3A_116 = arith.constant 0 : i32
      %dma_start3A_117 = tpu.memref_slice %arg8[%run_scoped3A_53, %dma_start3A_115, %dma_start3A_116] : memref<2x100x128xf32, #tpu.memory_space<vmem>> -> memref<1x100x128xf32, #tpu.memory_space<vmem>>
      %dma_start3A_118 = tpu.memref_squeeze %dma_start3A_117 : memref<1x100x128xf32, #tpu.memory_space<vmem>> -> memref<100x128xf32, #tpu.memory_space<vmem>>
      %dma_start3A_119 = arith.constant 0 : i32
      %dma_start3A_120 = arith.constant 0 : i32
      %dma_start3A_121 = tpu.memref_slice %dma_start3A_118[%dma_start3A_119, %dma_start3A_120] : memref<100x128xf32, #tpu.memory_space<vmem>> -> memref<64x128xf32, #tpu.memory_space<vmem>>
      %dma_start3A_122 = arith.constant 0 : i32
      %dma_start3A_123 = tpu.memref_slice %arg9[%add3A_52, %dma_start3A_122] : memref<10240x128xf32, #tpu.memory_space<vmem_shared>> -> memref<64x128xf32, #tpu.memory_space<vmem_shared>>
      %dma_start3A_124 = arith.constant 0 : i32
      %dma_start3A_125 = tpu.memref_slice %arg9[%add3A_52, %dma_start3A_124] : memref<10240x128xf32, #tpu.memory_space<vmem_shared>> -> memref<64x128xf32, #tpu.memory_space<vmem_shared>>
      %dma_start3A_126 = arith.constant 0 : i32
      %dma_start3A_127 = arith.constant 0 : i32
      %dma_start3A_128 = tpu.memref_slice %arg8[%run_scoped3A_53, %dma_start3A_126, %dma_start3A_127] : memref<2x100x128xf32, #tpu.memory_space<vmem>> -> memref<1x100x128xf32, #tpu.memory_space<vmem>>
      %dma_start3A_129 = tpu.memref_squeeze %dma_start3A_128 : memref<1x100x128xf32, #tpu.memory_space<vmem>> -> memref<100x128xf32, #tpu.memory_space<vmem>>
      %dma_start3A_130 = arith.constant 0 : i32
      %dma_start3A_131 = arith.constant 0 : i32
      %dma_start3A_132 = tpu.memref_slice %dma_start3A_129[%dma_start3A_130, %dma_start3A_131] : memref<100x128xf32, #tpu.memory_space<vmem>> -> memref<64x128xf32, #tpu.memory_space<vmem>>
      tpu.enqueue_dma source(%dma_start3A_132 : memref<64x128xf32, #tpu.memory_space<vmem>>) target(%dma_start3A_125 : memref<64x128xf32, #tpu.memory_space<vmem_shared>>) target_semaphore(%run_scoped3A_114 : memref<!tpu.dma_semaphore, #tpu.memory_space<semaphore_mem>>)
      %dma_wait3A_133 = arith.constant 0 : i32
      %dma_wait3A_134 = arith.constant 0 : i32
      %dma_wait3A_135 = tpu.memref_slice %arg8[%run_scoped3A_53, %dma_wait3A_133, %dma_wait3A_134] : memref<2x100x128xf32, #tpu.memory_space<vmem>> -> memref<1x100x128xf32, #tpu.memory_space<vmem>>
      %dma_wait3A_136 = tpu.memref_squeeze %dma_wait3A_135 : memref<1x100x128xf32, #tpu.memory_space<vmem>> -> memref<100x128xf32, #tpu.memory_space<vmem>>
      %dma_wait3A_137 = arith.constant 0 : i32
      %dma_wait3A_138 = arith.constant 0 : i32
      %dma_wait3A_139 = tpu.memref_slice %dma_wait3A_136[%dma_wait3A_137, %dma_wait3A_138] : memref<100x128xf32, #tpu.memory_space<vmem>> -> memref<64x128xf32, #tpu.memory_space<vmem>>
      %dma_wait3A_140 = arith.constant 0 : i32
      %dma_wait3A_141 = tpu.memref_slice %arg9[%add3A_52, %dma_wait3A_140] : memref<10240x128xf32, #tpu.memory_space<vmem_shared>> -> memref<64x128xf32, #tpu.memory_space<vmem_shared>>
      %dma_wait3A_142 = arith.constant 0 : i32
      %dma_wait3A_143 = tpu.memref_slice %arg9[%add3A_52, %dma_wait3A_142] : memref<10240x128xf32, #tpu.memory_space<vmem_shared>> -> memref<64x128xf32, #tpu.memory_space<vmem_shared>>
      %dma_wait3A_144 = arith.constant 0 : i32
      %dma_wait3A_145 = arith.constant 0 : i32
      %dma_wait3A_146 = tpu.memref_slice %arg8[%run_scoped3A_53, %dma_wait3A_144, %dma_wait3A_145] : memref<2x100x128xf32, #tpu.memory_space<vmem>> -> memref<1x100x128xf32, #tpu.memory_space<vmem>>
      %dma_wait3A_147 = tpu.memref_squeeze %dma_wait3A_146 : memref<1x100x128xf32, #tpu.memory_space<vmem>> -> memref<100x128xf32, #tpu.memory_space<vmem>>
      %dma_wait3A_148 = arith.constant 0 : i32
      %dma_wait3A_149 = arith.constant 0 : i32
      %dma_wait3A_150 = tpu.memref_slice %dma_wait3A_147[%dma_wait3A_148, %dma_wait3A_149] : memref<100x128xf32, #tpu.memory_space<vmem>> -> memref<64x128xf32, #tpu.memory_space<vmem>>
      tpu.wait_dma2 semaphore(%run_scoped3A_114 : memref<!tpu.dma_semaphore, #tpu.memory_space<semaphore_mem>>) src(%dma_wait3A_150 : memref<64x128xf32, #tpu.memory_space<vmem>>) dst(%dma_wait3A_143 : memref<64x128xf32, #tpu.memory_space<vmem_shared>>)
      tpu.yield
    }) : () -> ()
    %dma_start3A = arith.constant 0 : i32
    %dma_start3A_54 = arith.constant 0 : i32
    %dma_start3A_55 = arith.constant 0 : i32
    %dma_start3A_56 = arith.constant 0 : i32
    %dma_start3A_57 = tpu.memref_slice %arg8[%dma_start3A_54, %dma_start3A_55, %dma_start3A_56] : memref<2x100x128xf32, #tpu.memory_space<vmem>> -> memref<1x100x128xf32, #tpu.memory_space<vmem>>
    %dma_start3A_58 = tpu.memref_squeeze %dma_start3A_57 : memref<1x100x128xf32, #tpu.memory_space<vmem>> -> memref<100x128xf32, #tpu.memory_space<vmem>>
    %dma_start3A_59 = arith.constant 0 : i32
    %dma_start3A_60 = tpu.memref_slice %arg6[%dma_start3A, %dma_start3A_59] : memref<50x100xi32, #tpu.memory_space<vmem>> -> memref<1x100xi32, #tpu.memory_space<vmem>>
    %dma_start3A_61 = tpu.memref_squeeze %dma_start3A_60 : memref<1x100xi32, #tpu.memory_space<vmem>> -> memref<100xi32, #tpu.memory_space<vmem>>
    %dma_start3A_62 = arith.constant 0 : i32
    %dma_start3A_63 = arith.constant 0 : i32
    %dma_start3A_64 = tpu.memref_slice %arg2[%dma_start3A_62, %dma_start3A_63] : memref<10240x128xf32, #tpu.memory_space<hbm>> -> memref<10240x128xf32, #tpu.memory_space<hbm>>
    tpu.enqueue_indirect_dma source(%dma_start3A_64 : memref<10240x128xf32, #tpu.memory_space<hbm>>) target(%dma_start3A_58 : memref<100x128xf32, #tpu.memory_space<vmem>>) offsets(%dma_start3A_61 : memref<100xi32, #tpu.memory_space<vmem>>) semaphore(%arg10 : memref<!tpu.dma_semaphore, #tpu.memory_space<semaphore_mem>>)
    %dma_start3A_65 = arith.constant 1 : i32
    %dma_start3A_66 = arith.constant 1 : i32
    %dma_start3A_67 = arith.constant 0 : i32
    %dma_start3A_68 = arith.constant 0 : i32
    %dma_start3A_69 = tpu.memref_slice %arg8[%dma_start3A_66, %dma_start3A_67, %dma_start3A_68] : memref<2x100x128xf32, #tpu.memory_space<vmem>> -> memref<1x100x128xf32, #tpu.memory_space<vmem>>
    %dma_start3A_70 = tpu.memref_squeeze %dma_start3A_69 : memref<1x100x128xf32, #tpu.memory_space<vmem>> -> memref<100x128xf32, #tpu.memory_space<vmem>>
    %dma_start3A_71 = arith.constant 0 : i32
    %dma_start3A_72 = tpu.memref_slice %arg6[%dma_start3A_65, %dma_start3A_71] : memref<50x100xi32, #tpu.memory_space<vmem>> -> memref<1x100xi32, #tpu.memory_space<vmem>>
    %dma_start3A_73 = tpu.memref_squeeze %dma_start3A_72 : memref<1x100xi32, #tpu.memory_space<vmem>> -> memref<100xi32, #tpu.memory_space<vmem>>
    %dma_start3A_74 = arith.constant 0 : i32
    %dma_start3A_75 = arith.constant 0 : i32
    %dma_start3A_76 = tpu.memref_slice %arg2[%dma_start3A_74, %dma_start3A_75] : memref<10240x128xf32, #tpu.memory_space<hbm>> -> memref<10240x128xf32, #tpu.memory_space<hbm>>
    tpu.enqueue_indirect_dma source(%dma_start3A_76 : memref<10240x128xf32, #tpu.memory_space<hbm>>) target(%dma_start3A_70 : memref<100x128xf32, #tpu.memory_space<vmem>>) offsets(%dma_start3A_73 : memref<100xi32, #tpu.memory_space<vmem>>) semaphore(%arg11 : memref<!tpu.dma_semaphore, #tpu.memory_space<semaphore_mem>>)
    %barrier3A = arith.constant 0 : index
    tpu.barrier barrier_id(%barrier3A)
    %scan3A_77 = arith.constant 0 : i32
    %scan3A_78 = arith.constant 24 : i32
    %scan3A_79 = arith.addi %scan3A_77, %scan3A_78 : i32
    %scan3A_80 = arith.constant 1 : i32
    scf.for %scan3A_114 = %scan3A_77 to %scan3A_79 step %scan3A_80  : i32 {
      %mul3A_115 = arith.constant 2 : i32
      %mul3A_116 = arith.muli %mul3A_115, %scan3A_114 : i32
      %dma_wait3A_117 = arith.constant 0 : i32
      %dma_wait3A_118 = arith.constant 0 : i32
      %dma_wait3A_119 = arith.constant 0 : i32
      %dma_wait3A_120 = arith.constant 0 : i32
      %dma_wait3A_121 = tpu.memref_slice %arg8[%dma_wait3A_118, %dma_wait3A_119, %dma_wait3A_120] : memref<2x100x128xf32, #tpu.memory_space<vmem>> -> memref<1x100x128xf32, #tpu.memory_space<vmem>>
      %dma_wait3A_122 = tpu.memref_squeeze %dma_wait3A_121 : memref<1x100x128xf32, #tpu.memory_space<vmem>> -> memref<100x128xf32, #tpu.memory_space<vmem>>
      %dma_wait3A_123 = arith.constant 0 : i32
      %dma_wait3A_124 = tpu.memref_slice %arg6[%dma_wait3A_117, %dma_wait3A_123] : memref<50x100xi32, #tpu.memory_space<vmem>> -> memref<1x100xi32, #tpu.memory_space<vmem>>
      %dma_wait3A_125 = tpu.memref_squeeze %dma_wait3A_124 : memref<1x100xi32, #tpu.memory_space<vmem>> -> memref<100xi32, #tpu.memory_space<vmem>>
      %dma_wait3A_126 = arith.constant 0 : i32
      %dma_wait3A_127 = arith.constant 0 : i32
      %dma_wait3A_128 = tpu.memref_slice %arg2[%dma_wait3A_126, %dma_wait3A_127] : memref<10240x128xf32, #tpu.memory_space<hbm>> -> memref<10240x128xf32, #tpu.memory_space<hbm>>
      tpu.wait_indirect_dma semaphore(%arg10 : memref<!tpu.dma_semaphore, #tpu.memory_space<semaphore_mem>>) src(%dma_wait3A_128 : memref<10240x128xf32, #tpu.memory_space<hbm>>) dst(%dma_wait3A_122 : memref<100x128xf32, #tpu.memory_space<vmem>>)
      %add3A_129 = arith.constant 0 : i32
      %add3A_130 = arith.addi %mul3A_116, %add3A_129 : i32
      %run_scoped3A_131 = arith.constant 0 : i32
      "tpu.region"() ({
        %run_scoped3A_177 = tpu.sem_alloc : memref<!tpu.dma_semaphore, #tpu.memory_space<semaphore_mem>>
        %dma_start3A_178 = arith.constant 0 : i32
        %dma_start3A_179 = arith.constant 0 : i32
        %dma_start3A_180 = tpu.memref_slice %arg8[%run_scoped3A_131, %dma_start3A_178, %dma_start3A_179] : memref<2x100x128xf32, #tpu.memory_space<vmem>> -> memref<1x100x128xf32, #tpu.memory_space<vmem>>
        %dma_start3A_181 = tpu.memref_squeeze %dma_start3A_180 : memref<1x100x128xf32, #tpu.memory_space<vmem>> -> memref<100x128xf32, #tpu.memory_space<vmem>>
        %dma_start3A_182 = arith.constant 0 : i32
        %dma_start3A_183 = tpu.memref_slice %arg7[%add3A_130, %dma_start3A_182] : memref<50x100xi32, #tpu.memory_space<vmem>> -> memref<1x100xi32, #tpu.memory_space<vmem>>
        %dma_start3A_184 = tpu.memref_squeeze %dma_start3A_183 : memref<1x100xi32, #tpu.memory_space<vmem>> -> memref<100xi32, #tpu.memory_space<vmem>>
        %dma_start3A_185 = arith.constant 0 : i32
        %dma_start3A_186 = arith.constant 0 : i32
        %dma_start3A_187 = tpu.memref_slice %arg9[%dma_start3A_185, %dma_start3A_186] : memref<10240x128xf32, #tpu.memory_space<vmem_shared>> -> memref<10240x128xf32, #tpu.memory_space<vmem_shared>>
        tpu.enqueue_indirect_dma source(%dma_start3A_181 : memref<100x128xf32, #tpu.memory_space<vmem>>) target(%dma_start3A_187 : memref<10240x128xf32, #tpu.memory_space<vmem_shared>>) offsets(%dma_start3A_184 : memref<100xi32, #tpu.memory_space<vmem>>) semaphore(%run_scoped3A_177 : memref<!tpu.dma_semaphore, #tpu.memory_space<semaphore_mem>>) {add = true}
        %dma_wait3A_188 = arith.constant 0 : i32
        %dma_wait3A_189 = arith.constant 0 : i32
        %dma_wait3A_190 = tpu.memref_slice %arg8[%run_scoped3A_131, %dma_wait3A_188, %dma_wait3A_189] : memref<2x100x128xf32, #tpu.memory_space<vmem>> -> memref<1x100x128xf32, #tpu.memory_space<vmem>>
        %dma_wait3A_191 = tpu.memref_squeeze %dma_wait3A_190 : memref<1x100x128xf32, #tpu.memory_space<vmem>> -> memref<100x128xf32, #tpu.memory_space<vmem>>
        %dma_wait3A_192 = arith.constant 0 : i32
        %dma_wait3A_193 = tpu.memref_slice %arg7[%add3A_130, %dma_wait3A_192] : memref<50x100xi32, #tpu.memory_space<vmem>> -> memref<1x100xi32, #tpu.memory_space<vmem>>
        %dma_wait3A_194 = tpu.memref_squeeze %dma_wait3A_193 : memref<1x100xi32, #tpu.memory_space<vmem>> -> memref<100xi32, #tpu.memory_space<vmem>>
        %dma_wait3A_195 = arith.constant 0 : i32
        %dma_wait3A_196 = arith.constant 0 : i32
        %dma_wait3A_197 = tpu.memref_slice %arg9[%dma_wait3A_195, %dma_wait3A_196] : memref<10240x128xf32, #tpu.memory_space<vmem_shared>> -> memref<10240x128xf32, #tpu.memory_space<vmem_shared>>
        tpu.wait_indirect_dma semaphore(%run_scoped3A_177 : memref<!tpu.dma_semaphore, #tpu.memory_space<semaphore_mem>>) src(%dma_wait3A_191 : memref<100x128xf32, #tpu.memory_space<vmem>>) dst(%dma_wait3A_197 : memref<10240x128xf32, #tpu.memory_space<vmem_shared>>)
        tpu.yield
      }) : () -> ()
      %add3A_132 = arith.constant 0 : i32
      %add3A_133 = arith.addi %mul3A_116, %add3A_132 : i32
      %add3A_134 = arith.constant 2 : i32
      %add3A_135 = arith.addi %add3A_133, %add3A_134 : i32
      %dma_start3A_136 = arith.constant 0 : i32
      %dma_start3A_137 = arith.constant 0 : i32
      %dma_start3A_138 = arith.constant 0 : i32
      %dma_start3A_139 = tpu.memref_slice %arg8[%dma_start3A_136, %dma_start3A_137, %dma_start3A_138] : memref<2x100x128xf32, #tpu.memory_space<vmem>> -> memref<1x100x128xf32, #tpu.memory_space<vmem>>
      %dma_start3A_140 = tpu.memref_squeeze %dma_start3A_139 : memref<1x100x128xf32, #tpu.memory_space<vmem>> -> memref<100x128xf32, #tpu.memory_space<vmem>>
      %dma_start3A_141 = arith.constant 0 : i32
      %dma_start3A_142 = tpu.memref_slice %arg6[%add3A_135, %dma_start3A_141] : memref<50x100xi32, #tpu.memory_space<vmem>> -> memref<1x100xi32, #tpu.memory_space<vmem>>
      %dma_start3A_143 = tpu.memref_squeeze %dma_start3A_142 : memref<1x100xi32, #tpu.memory_space<vmem>> -> memref<100xi32, #tpu.memory_space<vmem>>
      %dma_start3A_144 = arith.constant 0 : i32
      %dma_start3A_145 = arith.constant 0 : i32
      %dma_start3A_146 = tpu.memref_slice %arg2[%dma_start3A_144, %dma_start3A_145] : memref<10240x128xf32, #tpu.memory_space<hbm>> -> memref<10240x128xf32, #tpu.memory_space<hbm>>
      tpu.enqueue_indirect_dma source(%dma_start3A_146 : memref<10240x128xf32, #tpu.memory_space<hbm>>) target(%dma_start3A_140 : memref<100x128xf32, #tpu.memory_space<vmem>>) offsets(%dma_start3A_143 : memref<100xi32, #tpu.memory_space<vmem>>) semaphore(%arg10 : memref<!tpu.dma_semaphore, #tpu.memory_space<semaphore_mem>>)
      %dma_wait3A_147 = arith.constant 0 : i32
      %dma_wait3A_148 = arith.constant 1 : i32
      %dma_wait3A_149 = arith.constant 0 : i32
      %dma_wait3A_150 = arith.constant 0 : i32
      %dma_wait3A_151 = tpu.memref_slice %arg8[%dma_wait3A_148, %dma_wait3A_149, %dma_wait3A_150] : memref<2x100x128xf32, #tpu.memory_space<vmem>> -> memref<1x100x128xf32, #tpu.memory_space<vmem>>
      %dma_wait3A_152 = tpu.memref_squeeze %dma_wait3A_151 : memref<1x100x128xf32, #tpu.memory_space<vmem>> -> memref<100x128xf32, #tpu.memory_space<vmem>>
      %dma_wait3A_153 = arith.constant 0 : i32
      %dma_wait3A_154 = tpu.memref_slice %arg6[%dma_wait3A_147, %dma_wait3A_153] : memref<50x100xi32, #tpu.memory_space<vmem>> -> memref<1x100xi32, #tpu.memory_space<vmem>>
      %dma_wait3A_155 = tpu.memref_squeeze %dma_wait3A_154 : memref<1x100xi32, #tpu.memory_space<vmem>> -> memref<100xi32, #tpu.memory_space<vmem>>
      %dma_wait3A_156 = arith.constant 0 : i32
      %dma_wait3A_157 = arith.constant 0 : i32
      %dma_wait3A_158 = tpu.memref_slice %arg2[%dma_wait3A_156, %dma_wait3A_157] : memref<10240x128xf32, #tpu.memory_space<hbm>> -> memref<10240x128xf32, #tpu.memory_space<hbm>>
      tpu.wait_indirect_dma semaphore(%arg11 : memref<!tpu.dma_semaphore, #tpu.memory_space<semaphore_mem>>) src(%dma_wait3A_158 : memref<10240x128xf32, #tpu.memory_space<hbm>>) dst(%dma_wait3A_152 : memref<100x128xf32, #tpu.memory_space<vmem>>)
      %add3A_159 = arith.constant 1 : i32
      %add3A_160 = arith.addi %mul3A_116, %add3A_159 : i32
      %run_scoped3A_161 = arith.constant 1 : i32
      "tpu.region"() ({
        %run_scoped3A_177 = tpu.sem_alloc : memref<!tpu.dma_semaphore, #tpu.memory_space<semaphore_mem>>
        %dma_start3A_178 = arith.constant 0 : i32
        %dma_start3A_179 = arith.constant 0 : i32
        %dma_start3A_180 = tpu.memref_slice %arg8[%run_scoped3A_161, %dma_start3A_178, %dma_start3A_179] : memref<2x100x128xf32, #tpu.memory_space<vmem>> -> memref<1x100x128xf32, #tpu.memory_space<vmem>>
        %dma_start3A_181 = tpu.memref_squeeze %dma_start3A_180 : memref<1x100x128xf32, #tpu.memory_space<vmem>> -> memref<100x128xf32, #tpu.memory_space<vmem>>
        %dma_start3A_182 = arith.constant 0 : i32
        %dma_start3A_183 = tpu.memref_slice %arg7[%add3A_160, %dma_start3A_182] : memref<50x100xi32, #tpu.memory_space<vmem>> -> memref<1x100xi32, #tpu.memory_space<vmem>>
        %dma_start3A_184 = tpu.memref_squeeze %dma_start3A_183 : memref<1x100xi32, #tpu.memory_space<vmem>> -> memref<100xi32, #tpu.memory_space<vmem>>
        %dma_start3A_185 = arith.constant 0 : i32
        %dma_start3A_186 = arith.constant 0 : i32
        %dma_start3A_187 = tpu.memref_slice %arg9[%dma_start3A_185, %dma_start3A_186] : memref<10240x128xf32, #tpu.memory_space<vmem_shared>> -> memref<10240x128xf32, #tpu.memory_space<vmem_shared>>
        tpu.enqueue_indirect_dma source(%dma_start3A_181 : memref<100x128xf32, #tpu.memory_space<vmem>>) target(%dma_start3A_187 : memref<10240x128xf32, #tpu.memory_space<vmem_shared>>) offsets(%dma_start3A_184 : memref<100xi32, #tpu.memory_space<vmem>>) semaphore(%run_scoped3A_177 : memref<!tpu.dma_semaphore, #tpu.memory_space<semaphore_mem>>) {add = true}
        %dma_wait3A_188 = arith.constant 0 : i32
        %dma_wait3A_189 = arith.constant 0 : i32
        %dma_wait3A_190 = tpu.memref_slice %arg8[%run_scoped3A_161, %dma_wait3A_188, %dma_wait3A_189] : memref<2x100x128xf32, #tpu.memory_space<vmem>> -> memref<1x100x128xf32, #tpu.memory_space<vmem>>
        %dma_wait3A_191 = tpu.memref_squeeze %dma_wait3A_190 : memref<1x100x128xf32, #tpu.memory_space<vmem>> -> memref<100x128xf32, #tpu.memory_space<vmem>>
        %dma_wait3A_192 = arith.constant 0 : i32
        %dma_wait3A_193 = tpu.memref_slice %arg7[%add3A_160, %dma_wait3A_192] : memref<50x100xi32, #tpu.memory_space<vmem>> -> memref<1x100xi32, #tpu.memory_space<vmem>>
        %dma_wait3A_194 = tpu.memref_squeeze %dma_wait3A_193 : memref<1x100xi32, #tpu.memory_space<vmem>> -> memref<100xi32, #tpu.memory_space<vmem>>
        %dma_wait3A_195 = arith.constant 0 : i32
        %dma_wait3A_196 = arith.constant 0 : i32
        %dma_wait3A_197 = tpu.memref_slice %arg9[%dma_wait3A_195, %dma_wait3A_196] : memref<10240x128xf32, #tpu.memory_space<vmem_shared>> -> memref<10240x128xf32, #tpu.memory_space<vmem_shared>>
        tpu.wait_indirect_dma semaphore(%run_scoped3A_177 : memref<!tpu.dma_semaphore, #tpu.memory_space<semaphore_mem>>) src(%dma_wait3A_191 : memref<100x128xf32, #tpu.memory_space<vmem>>) dst(%dma_wait3A_197 : memref<10240x128xf32, #tpu.memory_space<vmem_shared>>)
        tpu.yield
      }) : () -> ()
      %add3A_162 = arith.constant 1 : i32
      %add3A_163 = arith.addi %mul3A_116, %add3A_162 : i32
      %add3A_164 = arith.constant 2 : i32
      %add3A_165 = arith.addi %add3A_163, %add3A_164 : i32
      %dma_start3A_166 = arith.constant 1 : i32
      %dma_start3A_167 = arith.constant 0 : i32
      %dma_start3A_168 = arith.constant 0 : i32
      %dma_start3A_169 = tpu.memref_slice %arg8[%dma_start3A_166, %dma_start3A_167, %dma_start3A_168] : memref<2x100x128xf32, #tpu.memory_space<vmem>> -> memref<1x100x128xf32, #tpu.memory_space<vmem>>
      %dma_start3A_170 = tpu.memref_squeeze %dma_start3A_169 : memref<1x100x128xf32, #tpu.memory_space<vmem>> -> memref<100x128xf32, #tpu.memory_space<vmem>>
      %dma_start3A_171 = arith.constant 0 : i32
      %dma_start3A_172 = tpu.memref_slice %arg6[%add3A_165, %dma_start3A_171] : memref<50x100xi32, #tpu.memory_space<vmem>> -> memref<1x100xi32, #tpu.memory_space<vmem>>
      %dma_start3A_173 = tpu.memref_squeeze %dma_start3A_172 : memref<1x100xi32, #tpu.memory_space<vmem>> -> memref<100xi32, #tpu.memory_space<vmem>>
      %dma_start3A_174 = arith.constant 0 : i32
      %dma_start3A_175 = arith.constant 0 : i32
      %dma_start3A_176 = tpu.memref_slice %arg2[%dma_start3A_174, %dma_start3A_175] : memref<10240x128xf32, #tpu.memory_space<hbm>> -> memref<10240x128xf32, #tpu.memory_space<hbm>>
      tpu.enqueue_indirect_dma source(%dma_start3A_176 : memref<10240x128xf32, #tpu.memory_space<hbm>>) target(%dma_start3A_170 : memref<100x128xf32, #tpu.memory_space<vmem>>) offsets(%dma_start3A_173 : memref<100xi32, #tpu.memory_space<vmem>>) semaphore(%arg11 : memref<!tpu.dma_semaphore, #tpu.memory_space<semaphore_mem>>)
    }
    %scan3A_81 = arith.constant 24 : i32
    %dma_wait3A = arith.constant 0 : i32
    %dma_wait3A_82 = arith.constant 0 : i32
    %dma_wait3A_83 = arith.constant 0 : i32
    %dma_wait3A_84 = arith.constant 0 : i32
    %dma_wait3A_85 = tpu.memref_slice %arg8[%dma_wait3A_82, %dma_wait3A_83, %dma_wait3A_84] : memref<2x100x128xf32, #tpu.memory_space<vmem>> -> memref<1x100x128xf32, #tpu.memory_space<vmem>>
    %dma_wait3A_86 = tpu.memref_squeeze %dma_wait3A_85 : memref<1x100x128xf32, #tpu.memory_space<vmem>> -> memref<100x128xf32, #tpu.memory_space<vmem>>
    %dma_wait3A_87 = arith.constant 0 : i32
    %dma_wait3A_88 = tpu.memref_slice %arg6[%dma_wait3A, %dma_wait3A_87] : memref<50x100xi32, #tpu.memory_space<vmem>> -> memref<1x100xi32, #tpu.memory_space<vmem>>
    %dma_wait3A_89 = tpu.memref_squeeze %dma_wait3A_88 : memref<1x100xi32, #tpu.memory_space<vmem>> -> memref<100xi32, #tpu.memory_space<vmem>>
    %dma_wait3A_90 = arith.constant 0 : i32
    %dma_wait3A_91 = arith.constant 0 : i32
    %dma_wait3A_92 = tpu.memref_slice %arg2[%dma_wait3A_90, %dma_wait3A_91] : memref<10240x128xf32, #tpu.memory_space<hbm>> -> memref<10240x128xf32, #tpu.memory_space<hbm>>
    tpu.wait_indirect_dma semaphore(%arg10 : memref<!tpu.dma_semaphore, #tpu.memory_space<semaphore_mem>>) src(%dma_wait3A_92 : memref<10240x128xf32, #tpu.memory_space<hbm>>) dst(%dma_wait3A_86 : memref<100x128xf32, #tpu.memory_space<vmem>>)
    %run_scoped3A_93 = arith.constant 0 : i32
    %run_scoped3A_94 = arith.constant 48 : i32
    "tpu.region"() ({
      %run_scoped3A_114 = tpu.sem_alloc : memref<!tpu.dma_semaphore, #tpu.memory_space<semaphore_mem>>
      %dma_start3A_115 = arith.constant 0 : i32
      %dma_start3A_116 = arith.constant 0 : i32
      %dma_start3A_117 = tpu.memref_slice %arg8[%run_scoped3A_93, %dma_start3A_115, %dma_start3A_116] : memref<2x100x128xf32, #tpu.memory_space<vmem>> -> memref<1x100x128xf32, #tpu.memory_space<vmem>>
      %dma_start3A_118 = tpu.memref_squeeze %dma_start3A_117 : memref<1x100x128xf32, #tpu.memory_space<vmem>> -> memref<100x128xf32, #tpu.memory_space<vmem>>
      %dma_start3A_119 = arith.constant 0 : i32
      %dma_start3A_120 = tpu.memref_slice %arg7[%run_scoped3A_94, %dma_start3A_119] : memref<50x100xi32, #tpu.memory_space<vmem>> -> memref<1x100xi32, #tpu.memory_space<vmem>>
      %dma_start3A_121 = tpu.memref_squeeze %dma_start3A_120 : memref<1x100xi32, #tpu.memory_space<vmem>> -> memref<100xi32, #tpu.memory_space<vmem>>
      %dma_start3A_122 = arith.constant 0 : i32
      %dma_start3A_123 = arith.constant 0 : i32
      %dma_start3A_124 = tpu.memref_slice %arg9[%dma_start3A_122, %dma_start3A_123] : memref<10240x128xf32, #tpu.memory_space<vmem_shared>> -> memref<10240x128xf32, #tpu.memory_space<vmem_shared>>
      tpu.enqueue_indirect_dma source(%dma_start3A_118 : memref<100x128xf32, #tpu.memory_space<vmem>>) target(%dma_start3A_124 : memref<10240x128xf32, #tpu.memory_space<vmem_shared>>) offsets(%dma_start3A_121 : memref<100xi32, #tpu.memory_space<vmem>>) semaphore(%run_scoped3A_114 : memref<!tpu.dma_semaphore, #tpu.memory_space<semaphore_mem>>) {add = true}
      %dma_wait3A_125 = arith.constant 0 : i32
      %dma_wait3A_126 = arith.constant 0 : i32
      %dma_wait3A_127 = tpu.memref_slice %arg8[%run_scoped3A_93, %dma_wait3A_125, %dma_wait3A_126] : memref<2x100x128xf32, #tpu.memory_space<vmem>> -> memref<1x100x128xf32, #tpu.memory_space<vmem>>
      %dma_wait3A_128 = tpu.memref_squeeze %dma_wait3A_127 : memref<1x100x128xf32, #tpu.memory_space<vmem>> -> memref<100x128xf32, #tpu.memory_space<vmem>>
      %dma_wait3A_129 = arith.constant 0 : i32
      %dma_wait3A_130 = tpu.memref_slice %arg7[%run_scoped3A_94, %dma_wait3A_129] : memref<50x100xi32, #tpu.memory_space<vmem>> -> memref<1x100xi32, #tpu.memory_space<vmem>>
      %dma_wait3A_131 = tpu.memref_squeeze %dma_wait3A_130 : memref<1x100xi32, #tpu.memory_space<vmem>> -> memref<100xi32, #tpu.memory_space<vmem>>
      %dma_wait3A_132 = arith.constant 0 : i32
      %dma_wait3A_133 = arith.constant 0 : i32
      %dma_wait3A_134 = tpu.memref_slice %arg9[%dma_wait3A_132, %dma_wait3A_133] : memref<10240x128xf32, #tpu.memory_space<vmem_shared>> -> memref<10240x128xf32, #tpu.memory_space<vmem_shared>>
      tpu.wait_indirect_dma semaphore(%run_scoped3A_114 : memref<!tpu.dma_semaphore, #tpu.memory_space<semaphore_mem>>) src(%dma_wait3A_128 : memref<100x128xf32, #tpu.memory_space<vmem>>) dst(%dma_wait3A_134 : memref<10240x128xf32, #tpu.memory_space<vmem_shared>>)
      tpu.yield
    }) : () -> ()
    %dma_wait3A_95 = arith.constant 0 : i32
    %dma_wait3A_96 = arith.constant 1 : i32
    %dma_wait3A_97 = arith.constant 0 : i32
    %dma_wait3A_98 = arith.constant 0 : i32
    %dma_wait3A_99 = tpu.memref_slice %arg8[%dma_wait3A_96, %dma_wait3A_97, %dma_wait3A_98] : memref<2x100x128xf32, #tpu.memory_space<vmem>> -> memref<1x100x128xf32, #tpu.memory_space<vmem>>
    %dma_wait3A_100 = tpu.memref_squeeze %dma_wait3A_99 : memref<1x100x128xf32, #tpu.memory_space<vmem>> -> memref<100x128xf32, #tpu.memory_space<vmem>>
    %dma_wait3A_101 = arith.constant 0 : i32
    %dma_wait3A_102 = tpu.memref_slice %arg6[%dma_wait3A_95, %dma_wait3A_101] : memref<50x100xi32, #tpu.memory_space<vmem>> -> memref<1x100xi32, #tpu.memory_space<vmem>>
    %dma_wait3A_103 = tpu.memref_squeeze %dma_wait3A_102 : memref<1x100xi32, #tpu.memory_space<vmem>> -> memref<100xi32, #tpu.memory_space<vmem>>
    %dma_wait3A_104 = arith.constant 0 : i32
    %dma_wait3A_105 = arith.constant 0 : i32
    %dma_wait3A_106 = tpu.memref_slice %arg2[%dma_wait3A_104, %dma_wait3A_105] : memref<10240x128xf32, #tpu.memory_space<hbm>> -> memref<10240x128xf32, #tpu.memory_space<hbm>>
    tpu.wait_indirect_dma semaphore(%arg11 : memref<!tpu.dma_semaphore, #tpu.memory_space<semaphore_mem>>) src(%dma_wait3A_106 : memref<10240x128xf32, #tpu.memory_space<hbm>>) dst(%dma_wait3A_100 : memref<100x128xf32, #tpu.memory_space<vmem>>)
    %run_scoped3A_107 = arith.constant 1 : i32
    %run_scoped3A_108 = arith.constant 49 : i32
    "tpu.region"() ({
      %run_scoped3A_114 = tpu.sem_alloc : memref<!tpu.dma_semaphore, #tpu.memory_space<semaphore_mem>>
      %dma_start3A_115 = arith.constant 0 : i32
      %dma_start3A_116 = arith.constant 0 : i32
      %dma_start3A_117 = tpu.memref_slice %arg8[%run_scoped3A_107, %dma_start3A_115, %dma_start3A_116] : memref<2x100x128xf32, #tpu.memory_space<vmem>> -> memref<1x100x128xf32, #tpu.memory_space<vmem>>
      %dma_start3A_118 = tpu.memref_squeeze %dma_start3A_117 : memref<1x100x128xf32, #tpu.memory_space<vmem>> -> memref<100x128xf32, #tpu.memory_space<vmem>>
      %dma_start3A_119 = arith.constant 0 : i32
      %dma_start3A_120 = tpu.memref_slice %arg7[%run_scoped3A_108, %dma_start3A_119] : memref<50x100xi32, #tpu.memory_space<vmem>> -> memref<1x100xi32, #tpu.memory_space<vmem>>
      %dma_start3A_121 = tpu.memref_squeeze %dma_start3A_120 : memref<1x100xi32, #tpu.memory_space<vmem>> -> memref<100xi32, #tpu.memory_space<vmem>>
      %dma_start3A_122 = arith.constant 0 : i32
      %dma_start3A_123 = arith.constant 0 : i32
      %dma_start3A_124 = tpu.memref_slice %arg9[%dma_start3A_122, %dma_start3A_123] : memref<10240x128xf32, #tpu.memory_space<vmem_shared>> -> memref<10240x128xf32, #tpu.memory_space<vmem_shared>>
      tpu.enqueue_indirect_dma source(%dma_start3A_118 : memref<100x128xf32, #tpu.memory_space<vmem>>) target(%dma_start3A_124 : memref<10240x128xf32, #tpu.memory_space<vmem_shared>>) offsets(%dma_start3A_121 : memref<100xi32, #tpu.memory_space<vmem>>) semaphore(%run_scoped3A_114 : memref<!tpu.dma_semaphore, #tpu.memory_space<semaphore_mem>>) {add = true}
      %dma_wait3A_125 = arith.constant 0 : i32
      %dma_wait3A_126 = arith.constant 0 : i32
      %dma_wait3A_127 = tpu.memref_slice %arg8[%run_scoped3A_107, %dma_wait3A_125, %dma_wait3A_126] : memref<2x100x128xf32, #tpu.memory_space<vmem>> -> memref<1x100x128xf32, #tpu.memory_space<vmem>>
      %dma_wait3A_128 = tpu.memref_squeeze %dma_wait3A_127 : memref<1x100x128xf32, #tpu.memory_space<vmem>> -> memref<100x128xf32, #tpu.memory_space<vmem>>
      %dma_wait3A_129 = arith.constant 0 : i32
      %dma_wait3A_130 = tpu.memref_slice %arg7[%run_scoped3A_108, %dma_wait3A_129] : memref<50x100xi32, #tpu.memory_space<vmem>> -> memref<1x100xi32, #tpu.memory_space<vmem>>
      %dma_wait3A_131 = tpu.memref_squeeze %dma_wait3A_130 : memref<1x100xi32, #tpu.memory_space<vmem>> -> memref<100xi32, #tpu.memory_space<vmem>>
      %dma_wait3A_132 = arith.constant 0 : i32
      %dma_wait3A_133 = arith.constant 0 : i32
      %dma_wait3A_134 = tpu.memref_slice %arg9[%dma_wait3A_132, %dma_wait3A_133] : memref<10240x128xf32, #tpu.memory_space<vmem_shared>> -> memref<10240x128xf32, #tpu.memory_space<vmem_shared>>
      tpu.wait_indirect_dma semaphore(%run_scoped3A_114 : memref<!tpu.dma_semaphore, #tpu.memory_space<semaphore_mem>>) src(%dma_wait3A_128 : memref<100x128xf32, #tpu.memory_space<vmem>>) dst(%dma_wait3A_134 : memref<10240x128xf32, #tpu.memory_space<vmem_shared>>)
      tpu.yield
    }) : () -> ()
    %barrier3A_109 = arith.constant 0 : index
    tpu.barrier barrier_id(%barrier3A_109)
    %mul3A_110 = arith.constant 640 : i32
    %mul3A_111 = arith.muli %arg1, %mul3A_110 : i32
    %mul3A_112 = arith.constant 640 : i32
    %mul3A_113 = arith.muli %arg1, %mul3A_112 : i32
    "tpu.region"() ({
      %run_scoped3A_114 = tpu.sem_alloc : memref<!tpu.dma_semaphore, #tpu.memory_space<semaphore_mem>>
      %dma_start3A_115 = arith.constant 0 : i32
      %dma_start3A_116 = tpu.memref_slice %arg5[%arg0, %mul3A_113, %dma_start3A_115] : memref<2x10240x128xf32, #tpu.memory_space<hbm>> -> memref<1x640x128xf32, #tpu.memory_space<hbm>>
      %dma_start3A_117 = tpu.memref_squeeze %dma_start3A_116 : memref<1x640x128xf32, #tpu.memory_space<hbm>> -> memref<640x128xf32, #tpu.memory_space<hbm>>
      %dma_start3A_118 = arith.constant 0 : i32
      %dma_start3A_119 = tpu.memref_slice %arg9[%mul3A_111, %dma_start3A_118] : memref<10240x128xf32, #tpu.memory_space<vmem_shared>> -> memref<640x128xf32, #tpu.memory_space<vmem_shared>>
      tpu.enqueue_dma source(%dma_start3A_119 : memref<640x128xf32, #tpu.memory_space<vmem_shared>>) target(%dma_start3A_117 : memref<640x128xf32, #tpu.memory_space<hbm>>) target_semaphore(%run_scoped3A_114 : memref<!tpu.dma_semaphore, #tpu.memory_space<semaphore_mem>>)
      %dma_wait3A_120 = arith.constant 0 : i32
      %dma_wait3A_121 = tpu.memref_slice %arg5[%arg0, %mul3A_113, %dma_wait3A_120] : memref<2x10240x128xf32, #tpu.memory_space<hbm>> -> memref<1x640x128xf32, #tpu.memory_space<hbm>>
      %dma_wait3A_122 = tpu.memref_squeeze %dma_wait3A_121 : memref<1x640x128xf32, #tpu.memory_space<hbm>> -> memref<640x128xf32, #tpu.memory_space<hbm>>
      %dma_wait3A_123 = arith.constant 0 : i32
      %dma_wait3A_124 = tpu.memref_slice %arg9[%mul3A_111, %dma_wait3A_123] : memref<10240x128xf32, #tpu.memory_space<vmem_shared>> -> memref<640x128xf32, #tpu.memory_space<vmem_shared>>
      tpu.wait_dma2 semaphore(%run_scoped3A_114 : memref<!tpu.dma_semaphore, #tpu.memory_space<semaphore_mem>>) src(%dma_wait3A_124 : memref<640x128xf32, #tpu.memory_space<vmem_shared>>) dst(%dma_wait3A_122 : memref<640x128xf32, #tpu.memory_space<hbm>>)
      tpu.yield
    }) : () -> ()
    return
  }
}

module attributes {stable_mosaic.version = 14 : i64} {
  func.func @_proj_body(%arg0: i32, %arg1: memref<5120x384xf32, #tpu.memory_space<vmem>>, %arg2: memref<384x128xf32, #tpu.memory_space<vmem>>, %arg3: memref<5120x128xf32, #tpu.memory_space<vmem>>) attributes {dimension_semantics = [#tpu.dimension_semantics<arbitrary>], iteration_bounds = array<i64: 2>, scalar_prefetch = 0 : i64, scratch_operands = 0 : i64, tpu.core_type = #tpu.core_type<tc>, window_params = [{transform_indices = @transform_0, window_bounds = array<i64: 5120, 384>}, {pipeline_mode = #tpu.pipeline_mode<synchronous>, transform_indices = @transform_1, window_bounds = array<i64: 384, 128>}, {transform_indices = @transform_2, window_bounds = array<i64: 5120, 128>}]} {
    %get3A = arith.constant 0 : index
    %get3A_0 = arith.constant 0 : index
    %get3A_1 = vector.load %arg1[%get3A, %get3A_0] : memref<5120x384xf32, #tpu.memory_space<vmem>>, vector<5120x384xf32>
    %get3A_2 = arith.constant 0 : index
    %get3A_3 = arith.constant 0 : index
    %get3A_4 = vector.load %arg2[%get3A_2, %get3A_3] : memref<384x128xf32, #tpu.memory_space<vmem>>, vector<384x128xf32>
    %dot_general3A = arith.constant dense<0.000000e+00> : vector<5120x128xf32>
    %dot_general3A_5 = tpu.matmul %get3A_1, %get3A_4, %dot_general3A {dimension_numbers = #tpu.dot_dimension_numbers<[1], [0], [0], [1], [0, 0, 1, 1], [], []>, transpose_lhs_hint = false} : vector<5120x384xf32>, vector<384x128xf32>, vector<5120x128xf32> -> vector<5120x128xf32>
    %swap3A = arith.constant 0 : index
    %swap3A_6 = arith.constant 0 : index
    %swap3A_7 = vector.load %arg3[%swap3A, %swap3A_6] : memref<5120x128xf32, #tpu.memory_space<vmem>>, vector<5120x128xf32>
    tpu.vector_store %arg3[%swap3A, %swap3A_6], %dot_general3A_5 {strides = array<i32>} : memref<5120x128xf32, #tpu.memory_space<vmem>>, vector<5120x128xf32>,
    return
  }
  func.func @transform_0(%arg0: i32) -> (i32, i32) {
    %c0_i32 = arith.constant 0 : i32
    %c0_i32_0 = arith.constant 0 : i32
    return %arg0, %c0_i32 : i32, i32
  }
  func.func @transform_1(%arg0: i32) -> (i32, i32) {
    %c0_i32 = arith.constant 0 : i32
    %c0_i32_0 = arith.constant 0 : i32
    %c0_i32_1 = arith.constant 0 : i32
    return %c0_i32, %c0_i32_0 : i32, i32
  }
  func.func @transform_2(%arg0: i32) -> (i32, i32) {
    %c0_i32 = arith.constant 0 : i32
    %c0_i32_0 = arith.constant 0 : i32
    return %arg0, %c0_i32 : i32, i32
  }
}

module attributes {stable_mosaic.version = 14 : i64} {
  func.func @_tail_body(%arg0: i32, %arg1: memref<5120x128xf32, #tpu.memory_space<vmem>>, %arg2: memref<2x5120x128xf32, #tpu.memory_space<vmem>>, %arg3: memref<1x128xf32, #tpu.memory_space<vmem>>, %arg4: memref<128x128xf32, #tpu.memory_space<vmem>>, %arg5: memref<1x128xf32, #tpu.memory_space<vmem>>, %arg6: memref<128x128xf32, #tpu.memory_space<vmem>>, %arg7: memref<5120x128xf32, #tpu.memory_space<vmem>>) attributes {dimension_semantics = [#tpu.dimension_semantics<arbitrary>], iteration_bounds = array<i64: 2>, scalar_prefetch = 0 : i64, scratch_operands = 0 : i64, tpu.core_type = #tpu.core_type<tc>, window_params = [{transform_indices = @transform_0, window_bounds = array<i64: 5120, 128>}, {transform_indices = @transform_1, window_bounds = array<i64: 2, 5120, 128>}, {pipeline_mode = #tpu.pipeline_mode<synchronous>, transform_indices = @transform_2, window_bounds = array<i64: 1, 128>}, {pipeline_mode = #tpu.pipeline_mode<synchronous>, transform_indices = @transform_3, window_bounds = array<i64: 128, 128>}, {pipeline_mode = #tpu.pipeline_mode<synchronous>, transform_indices = @transform_4, window_bounds = array<i64: 1, 128>}, {pipeline_mode = #tpu.pipeline_mode<synchronous>, transform_indices = @transform_5, window_bounds = array<i64: 128, 128>}, {transform_indices = @transform_6, window_bounds = array<i64: 5120, 128>}]} {
    %get3A = arith.constant 0 : index
    %get3A_0 = arith.constant 0 : index
    %get3A_1 = vector.load %arg1[%get3A, %get3A_0] : memref<5120x128xf32, #tpu.memory_space<vmem>>, vector<5120x128xf32>
    %get3A_2 = arith.constant 0 : index
    %get3A_3 = arith.constant 0 : index
    %get3A_4 = arith.constant 0 : index
    %get3A_5 = vector.load %arg2[%get3A_2, %get3A_3, %get3A_4] : memref<2x5120x128xf32, #tpu.memory_space<vmem>>, vector<1x5120x128xf32>
    %get3A_6 = vector.shape_cast %get3A_5 : vector<1x5120x128xf32> to vector<5120x128xf32>
    %add3A = arith.addf %get3A_1, %get3A_6 : vector<5120x128xf32>
    %get3A_7 = arith.constant 1 : index
    %get3A_8 = arith.constant 0 : index
    %get3A_9 = arith.constant 0 : index
    %get3A_10 = vector.load %arg2[%get3A_7, %get3A_8, %get3A_9] : memref<2x5120x128xf32, #tpu.memory_space<vmem>>, vector<1x5120x128xf32>
    %get3A_11 = vector.shape_cast %get3A_10 : vector<1x5120x128xf32> to vector<5120x128xf32>
    %add3A_12 = arith.addf %add3A, %get3A_11 : vector<5120x128xf32>
    %get3A_13 = arith.constant 0 : index
    %get3A_14 = arith.constant 0 : index
    %get3A_15 = vector.load %arg3[%get3A_13, %get3A_14] : memref<1x128xf32, #tpu.memory_space<vmem>>, vector<1x128xf32>
    %add3A_16 = vector.broadcast %get3A_15 : vector<1x128xf32> to vector<5120x128xf32>
    %add3A_17 = arith.addf %add3A_12, %add3A_16 : vector<5120x128xf32>
    %max3A = arith.constant 0.000000e+00 : f32
    %max3A_18 = vector.broadcast %max3A : f32 to vector<5120x128xf32>
    %max3A_19 = arith.maximumf %add3A_17, %max3A_18 : vector<5120x128xf32>
    %get3A_20 = arith.constant 0 : index
    %get3A_21 = arith.constant 0 : index
    %get3A_22 = vector.load %arg4[%get3A_20, %get3A_21] : memref<128x128xf32, #tpu.memory_space<vmem>>, vector<128x128xf32>
    %dot_general3A = arith.constant dense<0.000000e+00> : vector<5120x128xf32>
    %dot_general3A_23 = tpu.matmul %max3A_19, %get3A_22, %dot_general3A {dimension_numbers = #tpu.dot_dimension_numbers<[1], [0], [0], [1], [0, 0, 1, 1], [], []>, transpose_lhs_hint = false} : vector<5120x128xf32>, vector<128x128xf32>, vector<5120x128xf32> -> vector<5120x128xf32>
    %get3A_24 = arith.constant 0 : index
    %get3A_25 = arith.constant 0 : index
    %get3A_26 = vector.load %arg5[%get3A_24, %get3A_25] : memref<1x128xf32, #tpu.memory_space<vmem>>, vector<1x128xf32>
    %add3A_27 = vector.broadcast %get3A_26 : vector<1x128xf32> to vector<5120x128xf32>
    %add3A_28 = arith.addf %dot_general3A_23, %add3A_27 : vector<5120x128xf32>
    %max3A_29 = arith.constant 0.000000e+00 : f32
    %max3A_30 = vector.broadcast %max3A_29 : f32 to vector<5120x128xf32>
    %max3A_31 = arith.maximumf %add3A_28, %max3A_30 : vector<5120x128xf32>
    %get3A_32 = arith.constant 0 : index
    %get3A_33 = arith.constant 0 : index
    %get3A_34 = vector.load %arg6[%get3A_32, %get3A_33] : memref<128x128xf32, #tpu.memory_space<vmem>>, vector<128x128xf32>
    %dot_general3A_35 = arith.constant dense<0.000000e+00> : vector<5120x128xf32>
    %dot_general3A_36 = tpu.matmul %max3A_31, %get3A_34, %dot_general3A_35 {dimension_numbers = #tpu.dot_dimension_numbers<[1], [0], [0], [1], [0, 0, 1, 1], [], []>, transpose_lhs_hint = false} : vector<5120x128xf32>, vector<128x128xf32>, vector<5120x128xf32> -> vector<5120x128xf32>
    %swap3A = arith.constant 0 : index
    %swap3A_37 = arith.constant 0 : index
    %swap3A_38 = vector.load %arg7[%swap3A, %swap3A_37] : memref<5120x128xf32, #tpu.memory_space<vmem>>, vector<5120x128xf32>
    tpu.vector_store %arg7[%swap3A, %swap3A_37], %dot_general3A_36 {strides = array<i32>} : memref<5120x128xf32, #tpu.memory_space<vmem>>, vector<5120x128xf32>,
    return
  }
  func.func @transform_0(%arg0: i32) -> (i32, i32) {
    %c0_i32 = arith.constant 0 : i32
    %c0_i32_0 = arith.constant 0 : i32
    return %arg0, %c0_i32 : i32, i32
  }
  func.func @transform_1(%arg0: i32) -> (i32, i32, i32) {
    %c0_i32 = arith.constant 0 : i32
    %c0_i32_0 = arith.constant 0 : i32
    %c0_i32_1 = arith.constant 0 : i32
    return %c0_i32, %arg0, %c0_i32_0 : i32, i32, i32
  }
  func.func @transform_2(%arg0: i32) -> (i32, i32) {
    %c0_i32 = arith.constant 0 : i32
    %c0_i32_0 = arith.constant 0 : i32
    %c0_i32_1 = arith.constant 0 : i32
    return %c0_i32, %c0_i32_0 : i32, i32
  }
  func.func @transform_3(%arg0: i32) -> (i32, i32) {
    %c0_i32 = arith.constant 0 : i32
    %c0_i32_0 = arith.constant 0 : i32
    %c0_i32_1 = arith.constant 0 : i32
    return %c0_i32, %c0_i32_0 : i32, i32
  }
  func.func @transform_4(%arg0: i32) -> (i32, i32) {
    %c0_i32 = arith.constant 0 : i32
    %c0_i32_0 = arith.constant 0 : i32
    %c0_i32_1 = arith.constant 0 : i32
    return %c0_i32, %c0_i32_0 : i32, i32
  }
  func.func @transform_5(%arg0: i32) -> (i32, i32) {
    %c0_i32 = arith.constant 0 : i32
    %c0_i32_0 = arith.constant 0 : i32
    %c0_i32_1 = arith.constant 0 : i32
    return %c0_i32, %c0_i32_0 : i32, i32
  }
  func.func @transform_6(%arg0: i32) -> (i32, i32) {
    %c0_i32 = arith.constant 0 : i32
    %c0_i32_0 = arith.constant 0 : i32
    return %arg0, %c0_i32 : i32, i32
  }
}

module attributes {stable_mosaic.version = 14 : i64} {
  func.func @_pool_body(%arg0: i32, %arg1: memref<5120x128xf32, #tpu.memory_space<vmem>>, %arg2: memref<2x5120x128xf32, #tpu.memory_space<vmem>>, %arg3: memref<1x128xf32, #tpu.memory_space<vmem>>, %arg4: memref<128x128xf32, #tpu.memory_space<vmem>>, %arg5: memref<1x128xf32, #tpu.memory_space<vmem>>, %arg6: memref<40x128xi32, #tpu.memory_space<vmem>>, %arg7: memref<128x64xf32, #tpu.memory_space<vmem>>, %arg8: memref<1x64xf32, #tpu.memory_space<vmem>>, %arg9: memref<64x128xf32, #tpu.memory_space<vmem>>, %arg10: memref<1x128xf32, #tpu.memory_space<vmem>>, %arg11: memref<64x128xf32, #tpu.memory_space<vmem>>, %arg12: memref<64x128xf32, #tpu.memory_space<vmem>>) attributes {dimension_semantics = [#tpu.dimension_semantics<arbitrary>], iteration_bounds = array<i64: 2>, scalar_prefetch = 0 : i64, scratch_operands = 0 : i64, tpu.core_type = #tpu.core_type<tc>, window_params = [{transform_indices = @transform_0, window_bounds = array<i64: 5120, 128>}, {transform_indices = @transform_1, window_bounds = array<i64: 2, 5120, 128>}, {pipeline_mode = #tpu.pipeline_mode<synchronous>, transform_indices = @transform_2, window_bounds = array<i64: 1, 128>}, {pipeline_mode = #tpu.pipeline_mode<synchronous>, transform_indices = @transform_3, window_bounds = array<i64: 128, 128>}, {pipeline_mode = #tpu.pipeline_mode<synchronous>, transform_indices = @transform_4, window_bounds = array<i64: 1, 128>}, {transform_indices = @transform_5, window_bounds = array<i64: 40, 128>}, {pipeline_mode = #tpu.pipeline_mode<synchronous>, transform_indices = @transform_6, window_bounds = array<i64: 128, 64>}, {pipeline_mode = #tpu.pipeline_mode<synchronous>, transform_indices = @transform_7, window_bounds = array<i64: 1, 64>}, {pipeline_mode = #tpu.pipeline_mode<synchronous>, transform_indices = @transform_8, window_bounds = array<i64: 64, 128>}, {pipeline_mode = #tpu.pipeline_mode<synchronous>, transform_indices = @transform_9, window_bounds = array<i64: 1, 128>}, {pipeline_mode = #tpu.pipeline_mode<synchronous>, transform_indices = @transform_10, window_bounds = array<i64: 64, 128>}, {pipeline_mode = #tpu.pipeline_mode<synchronous>, transform_indices = @transform_11, window_bounds = array<i64: 64, 128>}]} {
    %get3A = arith.constant 0 : index
    %get3A_0 = arith.constant 0 : index
    %get3A_1 = vector.load %arg1[%get3A, %get3A_0] : memref<5120x128xf32, #tpu.memory_space<vmem>>, vector<5120x128xf32>
    %get3A_2 = arith.constant 0 : index
    %get3A_3 = arith.constant 0 : index
    %get3A_4 = arith.constant 0 : index
    %get3A_5 = vector.load %arg2[%get3A_2, %get3A_3, %get3A_4] : memref<2x5120x128xf32, #tpu.memory_space<vmem>>, vector<1x5120x128xf32>
    %get3A_6 = vector.shape_cast %get3A_5 : vector<1x5120x128xf32> to vector<5120x128xf32>
    %add3A = arith.addf %get3A_1, %get3A_6 : vector<5120x128xf32>
    %get3A_7 = arith.constant 1 : index
    %get3A_8 = arith.constant 0 : index
    %get3A_9 = arith.constant 0 : index
    %get3A_10 = vector.load %arg2[%get3A_7, %get3A_8, %get3A_9] : memref<2x5120x128xf32, #tpu.memory_space<vmem>>, vector<1x5120x128xf32>
    %get3A_11 = vector.shape_cast %get3A_10 : vector<1x5120x128xf32> to vector<5120x128xf32>
    %add3A_12 = arith.addf %add3A, %get3A_11 : vector<5120x128xf32>
    %get3A_13 = arith.constant 0 : index
    %get3A_14 = arith.constant 0 : index
    %get3A_15 = vector.load %arg3[%get3A_13, %get3A_14] : memref<1x128xf32, #tpu.memory_space<vmem>>, vector<1x128xf32>
    %add3A_16 = vector.broadcast %get3A_15 : vector<1x128xf32> to vector<5120x128xf32>
    %add3A_17 = arith.addf %add3A_12, %add3A_16 : vector<5120x128xf32>
    %max3A = arith.constant 0.000000e+00 : f32
    %max3A_18 = vector.broadcast %max3A : f32 to vector<5120x128xf32>
    %max3A_19 = arith.maximumf %add3A_17, %max3A_18 : vector<5120x128xf32>
    %get3A_20 = arith.constant 0 : index
    %get3A_21 = arith.constant 0 : index
    %get3A_22 = vector.load %arg4[%get3A_20, %get3A_21] : memref<128x128xf32, #tpu.memory_space<vmem>>, vector<128x128xf32>
    %dot_general3A = arith.constant dense<0.000000e+00> : vector<5120x128xf32>
    %dot_general3A_23 = tpu.matmul %max3A_19, %get3A_22, %dot_general3A {dimension_numbers = #tpu.dot_dimension_numbers<[1], [0], [0], [1], [0, 0, 1, 1], [], []>, transpose_lhs_hint = false} : vector<5120x128xf32>, vector<128x128xf32>, vector<5120x128xf32> -> vector<5120x128xf32>
    %get3A_24 = arith.constant 0 : index
    %get3A_25 = arith.constant 0 : index
    %get3A_26 = vector.load %arg5[%get3A_24, %get3A_25] : memref<1x128xf32, #tpu.memory_space<vmem>>, vector<1x128xf32>
    %add3A_27 = vector.broadcast %get3A_26 : vector<1x128xf32> to vector<5120x128xf32>
    %add3A_28 = arith.addf %dot_general3A_23, %add3A_27 : vector<5120x128xf32>
    %max3A_29 = arith.constant 0.000000e+00 : f32
    %max3A_30 = vector.broadcast %max3A_29 : f32 to vector<5120x128xf32>
    %max3A_31 = arith.maximumf %add3A_28, %max3A_30 : vector<5120x128xf32>
    %eq3A = arith.constant 0 : i32
    %eq3A_32 = arith.cmpi eq, %arg0, %eq3A : i32
    %convert_element_type3A = arith.extui %eq3A_32 : i1 to i32
    %cond3A = arith.constant 0 : i32
    %cond3A_33 = arith.cmpi ne, %convert_element_type3A, %cond3A : i32
    scf.if %cond3A_33 {
      %broadcast_in_dim3A_562 = arith.constant 0.000000e+00 : f32
      %broadcast_in_dim3A_563 = vector.broadcast %broadcast_in_dim3A_562 : f32 to vector<64x128xf32>
      %swap3A_564 = arith.constant 0 : index
      %swap3A_565 = arith.constant 0 : index
      %swap3A_566 = vector.load %arg11[%swap3A_564, %swap3A_565] : memref<64x128xf32, #tpu.memory_space<vmem>>, vector<64x128xf32>
      tpu.vector_store %arg11[%swap3A_564, %swap3A_565], %broadcast_in_dim3A_563 {strides = array<i32>} : memref<64x128xf32, #tpu.memory_space<vmem>>, vector<64x128xf32>,
    } else {
    }
    %iota3A = tpu.iota {dimensions = array<i32: 0>} : vector<64x128xi32>
    %get3A_34 = arith.constant 0 : index
    %get3A_35 = arith.constant 0 : index
    %get3A_36 = vector.load %arg11[%get3A_34, %get3A_35] : memref<64x128xf32, #tpu.memory_space<vmem>>, vector<64x128xf32>
    %get3A_37 = arith.constant 0 : index
    %get3A_38 = arith.constant 0 : index
    %get3A_39 = vector.load %arg6[%get3A_37, %get3A_38] : memref<40x128xi32, #tpu.memory_space<vmem>>, vector<1x128xi32>
    %get3A_40 = vector.shape_cast %get3A_39 : vector<1x128xi32> to vector<128xi32>
    %broadcast_in_dim3A = vector.shape_cast %get3A_40 : vector<128xi32> to vector<1x128xi32>
    %eq3A_41 = vector.broadcast %broadcast_in_dim3A : vector<1x128xi32> to vector<64x128xi32>
    %eq3A_42 = arith.cmpi eq, %eq3A_41, %iota3A : vector<64x128xi32>
    %convert_element_type3A_43 = arith.extui %eq3A_42 : vector<64x128xi1> to vector<64x128xi32>
    %convert_element_type3A_44 = arith.sitofp %convert_element_type3A_43 : vector<64x128xi32> to vector<64x128xf32>
    %slice3A = vector.extract_strided_slice %max3A_31 {offsets = [0, 0], sizes = [128, 128], strides = [1, 1]} : vector<5120x128xf32> to vector<128x128xf32>
    %dot_general3A_45 = arith.constant dense<0.000000e+00> : vector<64x128xf32>
    %dot_general3A_46 = tpu.matmul %convert_element_type3A_44, %slice3A, %dot_general3A_45 {dimension_numbers = #tpu.dot_dimension_numbers<[1], [0], [0], [1], [0, 0, 1, 1], [], []>, precision = #tpu.contract_precision<fp32>, transpose_lhs_hint = false} : vector<64x128xf32>, vector<128x128xf32>, vector<64x128xf32> -> vector<64x128xf32>
    %add3A_47 = arith.addf %get3A_36, %dot_general3A_46 : vector<64x128xf32>
    %get3A_48 = arith.constant 1 : index
    %get3A_49 = arith.constant 0 : index
    %get3A_50 = vector.load %arg6[%get3A_48, %get3A_49] : memref<40x128xi32, #tpu.memory_space<vmem>>, vector<1x128xi32>
    %get3A_51 = vector.shape_cast %get3A_50 : vector<1x128xi32> to vector<128xi32>
    %broadcast_in_dim3A_52 = vector.shape_cast %get3A_51 : vector<128xi32> to vector<1x128xi32>
    %eq3A_53 = vector.broadcast %broadcast_in_dim3A_52 : vector<1x128xi32> to vector<64x128xi32>
    %eq3A_54 = arith.cmpi eq, %eq3A_53, %iota3A : vector<64x128xi32>
    %convert_element_type3A_55 = arith.extui %eq3A_54 : vector<64x128xi1> to vector<64x128xi32>
    %convert_element_type3A_56 = arith.sitofp %convert_element_type3A_55 : vector<64x128xi32> to vector<64x128xf32>
    %slice3A_57 = vector.extract_strided_slice %max3A_31 {offsets = [128, 0], sizes = [128, 128], strides = [1, 1]} : vector<5120x128xf32> to vector<128x128xf32>
    %dot_general3A_58 = arith.constant dense<0.000000e+00> : vector<64x128xf32>
    %dot_general3A_59 = tpu.matmul %convert_element_type3A_56, %slice3A_57, %dot_general3A_58 {dimension_numbers = #tpu.dot_dimension_numbers<[1], [0], [0], [1], [0, 0, 1, 1], [], []>, precision = #tpu.contract_precision<fp32>, transpose_lhs_hint = false} : vector<64x128xf32>, vector<128x128xf32>, vector<64x128xf32> -> vector<64x128xf32>
    %add3A_60 = arith.addf %add3A_47, %dot_general3A_59 : vector<64x128xf32>
    %get3A_61 = arith.constant 2 : index
    %get3A_62 = arith.constant 0 : index
    %get3A_63 = vector.load %arg6[%get3A_61, %get3A_62] : memref<40x128xi32, #tpu.memory_space<vmem>>, vector<1x128xi32>
    %get3A_64 = vector.shape_cast %get3A_63 : vector<1x128xi32> to vector<128xi32>
    %broadcast_in_dim3A_65 = vector.shape_cast %get3A_64 : vector<128xi32> to vector<1x128xi32>
    %eq3A_66 = vector.broadcast %broadcast_in_dim3A_65 : vector<1x128xi32> to vector<64x128xi32>
    %eq3A_67 = arith.cmpi eq, %eq3A_66, %iota3A : vector<64x128xi32>
    %convert_element_type3A_68 = arith.extui %eq3A_67 : vector<64x128xi1> to vector<64x128xi32>
    %convert_element_type3A_69 = arith.sitofp %convert_element_type3A_68 : vector<64x128xi32> to vector<64x128xf32>
    %slice3A_70 = vector.extract_strided_slice %max3A_31 {offsets = [256, 0], sizes = [128, 128], strides = [1, 1]} : vector<5120x128xf32> to vector<128x128xf32>
    %dot_general3A_71 = arith.constant dense<0.000000e+00> : vector<64x128xf32>
    %dot_general3A_72 = tpu.matmul %convert_element_type3A_69, %slice3A_70, %dot_general3A_71 {dimension_numbers = #tpu.dot_dimension_numbers<[1], [0], [0], [1], [0, 0, 1, 1], [], []>, precision = #tpu.contract_precision<fp32>, transpose_lhs_hint = false} : vector<64x128xf32>, vector<128x128xf32>, vector<64x128xf32> -> vector<64x128xf32>
    %add3A_73 = arith.addf %add3A_60, %dot_general3A_72 : vector<64x128xf32>
    %get3A_74 = arith.constant 3 : index
    %get3A_75 = arith.constant 0 : index
    %get3A_76 = vector.load %arg6[%get3A_74, %get3A_75] : memref<40x128xi32, #tpu.memory_space<vmem>>, vector<1x128xi32>
    %get3A_77 = vector.shape_cast %get3A_76 : vector<1x128xi32> to vector<128xi32>
    %broadcast_in_dim3A_78 = vector.shape_cast %get3A_77 : vector<128xi32> to vector<1x128xi32>
    %eq3A_79 = vector.broadcast %broadcast_in_dim3A_78 : vector<1x128xi32> to vector<64x128xi32>
    %eq3A_80 = arith.cmpi eq, %eq3A_79, %iota3A : vector<64x128xi32>
    %convert_element_type3A_81 = arith.extui %eq3A_80 : vector<64x128xi1> to vector<64x128xi32>
    %convert_element_type3A_82 = arith.sitofp %convert_element_type3A_81 : vector<64x128xi32> to vector<64x128xf32>
    %slice3A_83 = vector.extract_strided_slice %max3A_31 {offsets = [384, 0], sizes = [128, 128], strides = [1, 1]} : vector<5120x128xf32> to vector<128x128xf32>
    %dot_general3A_84 = arith.constant dense<0.000000e+00> : vector<64x128xf32>
    %dot_general3A_85 = tpu.matmul %convert_element_type3A_82, %slice3A_83, %dot_general3A_84 {dimension_numbers = #tpu.dot_dimension_numbers<[1], [0], [0], [1], [0, 0, 1, 1], [], []>, precision = #tpu.contract_precision<fp32>, transpose_lhs_hint = false} : vector<64x128xf32>, vector<128x128xf32>, vector<64x128xf32> -> vector<64x128xf32>
    %add3A_86 = arith.addf %add3A_73, %dot_general3A_85 : vector<64x128xf32>
    %get3A_87 = arith.constant 4 : index
    %get3A_88 = arith.constant 0 : index
    %get3A_89 = vector.load %arg6[%get3A_87, %get3A_88] : memref<40x128xi32, #tpu.memory_space<vmem>>, vector<1x128xi32>
    %get3A_90 = vector.shape_cast %get3A_89 : vector<1x128xi32> to vector<128xi32>
    %broadcast_in_dim3A_91 = vector.shape_cast %get3A_90 : vector<128xi32> to vector<1x128xi32>
    %eq3A_92 = vector.broadcast %broadcast_in_dim3A_91 : vector<1x128xi32> to vector<64x128xi32>
    %eq3A_93 = arith.cmpi eq, %eq3A_92, %iota3A : vector<64x128xi32>
    %convert_element_type3A_94 = arith.extui %eq3A_93 : vector<64x128xi1> to vector<64x128xi32>
    %convert_element_type3A_95 = arith.sitofp %convert_element_type3A_94 : vector<64x128xi32> to vector<64x128xf32>
    %slice3A_96 = vector.extract_strided_slice %max3A_31 {offsets = [512, 0], sizes = [128, 128], strides = [1, 1]} : vector<5120x128xf32> to vector<128x128xf32>
    %dot_general3A_97 = arith.constant dense<0.000000e+00> : vector<64x128xf32>
    %dot_general3A_98 = tpu.matmul %convert_element_type3A_95, %slice3A_96, %dot_general3A_97 {dimension_numbers = #tpu.dot_dimension_numbers<[1], [0], [0], [1], [0, 0, 1, 1], [], []>, precision = #tpu.contract_precision<fp32>, transpose_lhs_hint = false} : vector<64x128xf32>, vector<128x128xf32>, vector<64x128xf32> -> vector<64x128xf32>
    %add3A_99 = arith.addf %add3A_86, %dot_general3A_98 : vector<64x128xf32>
    %get3A_100 = arith.constant 5 : index
    %get3A_101 = arith.constant 0 : index
    %get3A_102 = vector.load %arg6[%get3A_100, %get3A_101] : memref<40x128xi32, #tpu.memory_space<vmem>>, vector<1x128xi32>
    %get3A_103 = vector.shape_cast %get3A_102 : vector<1x128xi32> to vector<128xi32>
    %broadcast_in_dim3A_104 = vector.shape_cast %get3A_103 : vector<128xi32> to vector<1x128xi32>
    %eq3A_105 = vector.broadcast %broadcast_in_dim3A_104 : vector<1x128xi32> to vector<64x128xi32>
    %eq3A_106 = arith.cmpi eq, %eq3A_105, %iota3A : vector<64x128xi32>
    %convert_element_type3A_107 = arith.extui %eq3A_106 : vector<64x128xi1> to vector<64x128xi32>
    %convert_element_type3A_108 = arith.sitofp %convert_element_type3A_107 : vector<64x128xi32> to vector<64x128xf32>
    %slice3A_109 = vector.extract_strided_slice %max3A_31 {offsets = [640, 0], sizes = [128, 128], strides = [1, 1]} : vector<5120x128xf32> to vector<128x128xf32>
    %dot_general3A_110 = arith.constant dense<0.000000e+00> : vector<64x128xf32>
    %dot_general3A_111 = tpu.matmul %convert_element_type3A_108, %slice3A_109, %dot_general3A_110 {dimension_numbers = #tpu.dot_dimension_numbers<[1], [0], [0], [1], [0, 0, 1, 1], [], []>, precision = #tpu.contract_precision<fp32>, transpose_lhs_hint = false} : vector<64x128xf32>, vector<128x128xf32>, vector<64x128xf32> -> vector<64x128xf32>
    %add3A_112 = arith.addf %add3A_99, %dot_general3A_111 : vector<64x128xf32>
    %get3A_113 = arith.constant 6 : index
    %get3A_114 = arith.constant 0 : index
    %get3A_115 = vector.load %arg6[%get3A_113, %get3A_114] : memref<40x128xi32, #tpu.memory_space<vmem>>, vector<1x128xi32>
    %get3A_116 = vector.shape_cast %get3A_115 : vector<1x128xi32> to vector<128xi32>
    %broadcast_in_dim3A_117 = vector.shape_cast %get3A_116 : vector<128xi32> to vector<1x128xi32>
    %eq3A_118 = vector.broadcast %broadcast_in_dim3A_117 : vector<1x128xi32> to vector<64x128xi32>
    %eq3A_119 = arith.cmpi eq, %eq3A_118, %iota3A : vector<64x128xi32>
    %convert_element_type3A_120 = arith.extui %eq3A_119 : vector<64x128xi1> to vector<64x128xi32>
    %convert_element_type3A_121 = arith.sitofp %convert_element_type3A_120 : vector<64x128xi32> to vector<64x128xf32>
    %slice3A_122 = vector.extract_strided_slice %max3A_31 {offsets = [768, 0], sizes = [128, 128], strides = [1, 1]} : vector<5120x128xf32> to vector<128x128xf32>
    %dot_general3A_123 = arith.constant dense<0.000000e+00> : vector<64x128xf32>
    %dot_general3A_124 = tpu.matmul %convert_element_type3A_121, %slice3A_122, %dot_general3A_123 {dimension_numbers = #tpu.dot_dimension_numbers<[1], [0], [0], [1], [0, 0, 1, 1], [], []>, precision = #tpu.contract_precision<fp32>, transpose_lhs_hint = false} : vector<64x128xf32>, vector<128x128xf32>, vector<64x128xf32> -> vector<64x128xf32>
    %add3A_125 = arith.addf %add3A_112, %dot_general3A_124 : vector<64x128xf32>
    %get3A_126 = arith.constant 7 : index
    %get3A_127 = arith.constant 0 : index
    %get3A_128 = vector.load %arg6[%get3A_126, %get3A_127] : memref<40x128xi32, #tpu.memory_space<vmem>>, vector<1x128xi32>
    %get3A_129 = vector.shape_cast %get3A_128 : vector<1x128xi32> to vector<128xi32>
    %broadcast_in_dim3A_130 = vector.shape_cast %get3A_129 : vector<128xi32> to vector<1x128xi32>
    %eq3A_131 = vector.broadcast %broadcast_in_dim3A_130 : vector<1x128xi32> to vector<64x128xi32>
    %eq3A_132 = arith.cmpi eq, %eq3A_131, %iota3A : vector<64x128xi32>
    %convert_element_type3A_133 = arith.extui %eq3A_132 : vector<64x128xi1> to vector<64x128xi32>
    %convert_element_type3A_134 = arith.sitofp %convert_element_type3A_133 : vector<64x128xi32> to vector<64x128xf32>
    %slice3A_135 = vector.extract_strided_slice %max3A_31 {offsets = [896, 0], sizes = [128, 128], strides = [1, 1]} : vector<5120x128xf32> to vector<128x128xf32>
    %dot_general3A_136 = arith.constant dense<0.000000e+00> : vector<64x128xf32>
    %dot_general3A_137 = tpu.matmul %convert_element_type3A_134, %slice3A_135, %dot_general3A_136 {dimension_numbers = #tpu.dot_dimension_numbers<[1], [0], [0], [1], [0, 0, 1, 1], [], []>, precision = #tpu.contract_precision<fp32>, transpose_lhs_hint = false} : vector<64x128xf32>, vector<128x128xf32>, vector<64x128xf32> -> vector<64x128xf32>
    %add3A_138 = arith.addf %add3A_125, %dot_general3A_137 : vector<64x128xf32>
    %get3A_139 = arith.constant 8 : index
    %get3A_140 = arith.constant 0 : index
    %get3A_141 = vector.load %arg6[%get3A_139, %get3A_140] : memref<40x128xi32, #tpu.memory_space<vmem>>, vector<1x128xi32>
    %get3A_142 = vector.shape_cast %get3A_141 : vector<1x128xi32> to vector<128xi32>
    %broadcast_in_dim3A_143 = vector.shape_cast %get3A_142 : vector<128xi32> to vector<1x128xi32>
    %eq3A_144 = vector.broadcast %broadcast_in_dim3A_143 : vector<1x128xi32> to vector<64x128xi32>
    %eq3A_145 = arith.cmpi eq, %eq3A_144, %iota3A : vector<64x128xi32>
    %convert_element_type3A_146 = arith.extui %eq3A_145 : vector<64x128xi1> to vector<64x128xi32>
    %convert_element_type3A_147 = arith.sitofp %convert_element_type3A_146 : vector<64x128xi32> to vector<64x128xf32>
    %slice3A_148 = vector.extract_strided_slice %max3A_31 {offsets = [1024, 0], sizes = [128, 128], strides = [1, 1]} : vector<5120x128xf32> to vector<128x128xf32>
    %dot_general3A_149 = arith.constant dense<0.000000e+00> : vector<64x128xf32>
    %dot_general3A_150 = tpu.matmul %convert_element_type3A_147, %slice3A_148, %dot_general3A_149 {dimension_numbers = #tpu.dot_dimension_numbers<[1], [0], [0], [1], [0, 0, 1, 1], [], []>, precision = #tpu.contract_precision<fp32>, transpose_lhs_hint = false} : vector<64x128xf32>, vector<128x128xf32>, vector<64x128xf32> -> vector<64x128xf32>
    %add3A_151 = arith.addf %add3A_138, %dot_general3A_150 : vector<64x128xf32>
    %get3A_152 = arith.constant 9 : index
    %get3A_153 = arith.constant 0 : index
    %get3A_154 = vector.load %arg6[%get3A_152, %get3A_153] : memref<40x128xi32, #tpu.memory_space<vmem>>, vector<1x128xi32>
    %get3A_155 = vector.shape_cast %get3A_154 : vector<1x128xi32> to vector<128xi32>
    %broadcast_in_dim3A_156 = vector.shape_cast %get3A_155 : vector<128xi32> to vector<1x128xi32>
    %eq3A_157 = vector.broadcast %broadcast_in_dim3A_156 : vector<1x128xi32> to vector<64x128xi32>
    %eq3A_158 = arith.cmpi eq, %eq3A_157, %iota3A : vector<64x128xi32>
    %convert_element_type3A_159 = arith.extui %eq3A_158 : vector<64x128xi1> to vector<64x128xi32>
    %convert_element_type3A_160 = arith.sitofp %convert_element_type3A_159 : vector<64x128xi32> to vector<64x128xf32>
    %slice3A_161 = vector.extract_strided_slice %max3A_31 {offsets = [1152, 0], sizes = [128, 128], strides = [1, 1]} : vector<5120x128xf32> to vector<128x128xf32>
    %dot_general3A_162 = arith.constant dense<0.000000e+00> : vector<64x128xf32>
    %dot_general3A_163 = tpu.matmul %convert_element_type3A_160, %slice3A_161, %dot_general3A_162 {dimension_numbers = #tpu.dot_dimension_numbers<[1], [0], [0], [1], [0, 0, 1, 1], [], []>, precision = #tpu.contract_precision<fp32>, transpose_lhs_hint = false} : vector<64x128xf32>, vector<128x128xf32>, vector<64x128xf32> -> vector<64x128xf32>
    %add3A_164 = arith.addf %add3A_151, %dot_general3A_163 : vector<64x128xf32>
    %get3A_165 = arith.constant 10 : index
    %get3A_166 = arith.constant 0 : index
    %get3A_167 = vector.load %arg6[%get3A_165, %get3A_166] : memref<40x128xi32, #tpu.memory_space<vmem>>, vector<1x128xi32>
    %get3A_168 = vector.shape_cast %get3A_167 : vector<1x128xi32> to vector<128xi32>
    %broadcast_in_dim3A_169 = vector.shape_cast %get3A_168 : vector<128xi32> to vector<1x128xi32>
    %eq3A_170 = vector.broadcast %broadcast_in_dim3A_169 : vector<1x128xi32> to vector<64x128xi32>
    %eq3A_171 = arith.cmpi eq, %eq3A_170, %iota3A : vector<64x128xi32>
    %convert_element_type3A_172 = arith.extui %eq3A_171 : vector<64x128xi1> to vector<64x128xi32>
    %convert_element_type3A_173 = arith.sitofp %convert_element_type3A_172 : vector<64x128xi32> to vector<64x128xf32>
    %slice3A_174 = vector.extract_strided_slice %max3A_31 {offsets = [1280, 0], sizes = [128, 128], strides = [1, 1]} : vector<5120x128xf32> to vector<128x128xf32>
    %dot_general3A_175 = arith.constant dense<0.000000e+00> : vector<64x128xf32>
    %dot_general3A_176 = tpu.matmul %convert_element_type3A_173, %slice3A_174, %dot_general3A_175 {dimension_numbers = #tpu.dot_dimension_numbers<[1], [0], [0], [1], [0, 0, 1, 1], [], []>, precision = #tpu.contract_precision<fp32>, transpose_lhs_hint = false} : vector<64x128xf32>, vector<128x128xf32>, vector<64x128xf32> -> vector<64x128xf32>
    %add3A_177 = arith.addf %add3A_164, %dot_general3A_176 : vector<64x128xf32>
    %get3A_178 = arith.constant 11 : index
    %get3A_179 = arith.constant 0 : index
    %get3A_180 = vector.load %arg6[%get3A_178, %get3A_179] : memref<40x128xi32, #tpu.memory_space<vmem>>, vector<1x128xi32>
    %get3A_181 = vector.shape_cast %get3A_180 : vector<1x128xi32> to vector<128xi32>
    %broadcast_in_dim3A_182 = vector.shape_cast %get3A_181 : vector<128xi32> to vector<1x128xi32>
    %eq3A_183 = vector.broadcast %broadcast_in_dim3A_182 : vector<1x128xi32> to vector<64x128xi32>
    %eq3A_184 = arith.cmpi eq, %eq3A_183, %iota3A : vector<64x128xi32>
    %convert_element_type3A_185 = arith.extui %eq3A_184 : vector<64x128xi1> to vector<64x128xi32>
    %convert_element_type3A_186 = arith.sitofp %convert_element_type3A_185 : vector<64x128xi32> to vector<64x128xf32>
    %slice3A_187 = vector.extract_strided_slice %max3A_31 {offsets = [1408, 0], sizes = [128, 128], strides = [1, 1]} : vector<5120x128xf32> to vector<128x128xf32>
    %dot_general3A_188 = arith.constant dense<0.000000e+00> : vector<64x128xf32>
    %dot_general3A_189 = tpu.matmul %convert_element_type3A_186, %slice3A_187, %dot_general3A_188 {dimension_numbers = #tpu.dot_dimension_numbers<[1], [0], [0], [1], [0, 0, 1, 1], [], []>, precision = #tpu.contract_precision<fp32>, transpose_lhs_hint = false} : vector<64x128xf32>, vector<128x128xf32>, vector<64x128xf32> -> vector<64x128xf32>
    %add3A_190 = arith.addf %add3A_177, %dot_general3A_189 : vector<64x128xf32>
    %get3A_191 = arith.constant 12 : index
    %get3A_192 = arith.constant 0 : index
    %get3A_193 = vector.load %arg6[%get3A_191, %get3A_192] : memref<40x128xi32, #tpu.memory_space<vmem>>, vector<1x128xi32>
    %get3A_194 = vector.shape_cast %get3A_193 : vector<1x128xi32> to vector<128xi32>
    %broadcast_in_dim3A_195 = vector.shape_cast %get3A_194 : vector<128xi32> to vector<1x128xi32>
    %eq3A_196 = vector.broadcast %broadcast_in_dim3A_195 : vector<1x128xi32> to vector<64x128xi32>
    %eq3A_197 = arith.cmpi eq, %eq3A_196, %iota3A : vector<64x128xi32>
    %convert_element_type3A_198 = arith.extui %eq3A_197 : vector<64x128xi1> to vector<64x128xi32>
    %convert_element_type3A_199 = arith.sitofp %convert_element_type3A_198 : vector<64x128xi32> to vector<64x128xf32>
    %slice3A_200 = vector.extract_strided_slice %max3A_31 {offsets = [1536, 0], sizes = [128, 128], strides = [1, 1]} : vector<5120x128xf32> to vector<128x128xf32>
    %dot_general3A_201 = arith.constant dense<0.000000e+00> : vector<64x128xf32>
    %dot_general3A_202 = tpu.matmul %convert_element_type3A_199, %slice3A_200, %dot_general3A_201 {dimension_numbers = #tpu.dot_dimension_numbers<[1], [0], [0], [1], [0, 0, 1, 1], [], []>, precision = #tpu.contract_precision<fp32>, transpose_lhs_hint = false} : vector<64x128xf32>, vector<128x128xf32>, vector<64x128xf32> -> vector<64x128xf32>
    %add3A_203 = arith.addf %add3A_190, %dot_general3A_202 : vector<64x128xf32>
    %get3A_204 = arith.constant 13 : index
    %get3A_205 = arith.constant 0 : index
    %get3A_206 = vector.load %arg6[%get3A_204, %get3A_205] : memref<40x128xi32, #tpu.memory_space<vmem>>, vector<1x128xi32>
    %get3A_207 = vector.shape_cast %get3A_206 : vector<1x128xi32> to vector<128xi32>
    %broadcast_in_dim3A_208 = vector.shape_cast %get3A_207 : vector<128xi32> to vector<1x128xi32>
    %eq3A_209 = vector.broadcast %broadcast_in_dim3A_208 : vector<1x128xi32> to vector<64x128xi32>
    %eq3A_210 = arith.cmpi eq, %eq3A_209, %iota3A : vector<64x128xi32>
    %convert_element_type3A_211 = arith.extui %eq3A_210 : vector<64x128xi1> to vector<64x128xi32>
    %convert_element_type3A_212 = arith.sitofp %convert_element_type3A_211 : vector<64x128xi32> to vector<64x128xf32>
    %slice3A_213 = vector.extract_strided_slice %max3A_31 {offsets = [1664, 0], sizes = [128, 128], strides = [1, 1]} : vector<5120x128xf32> to vector<128x128xf32>
    %dot_general3A_214 = arith.constant dense<0.000000e+00> : vector<64x128xf32>
    %dot_general3A_215 = tpu.matmul %convert_element_type3A_212, %slice3A_213, %dot_general3A_214 {dimension_numbers = #tpu.dot_dimension_numbers<[1], [0], [0], [1], [0, 0, 1, 1], [], []>, precision = #tpu.contract_precision<fp32>, transpose_lhs_hint = false} : vector<64x128xf32>, vector<128x128xf32>, vector<64x128xf32> -> vector<64x128xf32>
    %add3A_216 = arith.addf %add3A_203, %dot_general3A_215 : vector<64x128xf32>
    %get3A_217 = arith.constant 14 : index
    %get3A_218 = arith.constant 0 : index
    %get3A_219 = vector.load %arg6[%get3A_217, %get3A_218] : memref<40x128xi32, #tpu.memory_space<vmem>>, vector<1x128xi32>
    %get3A_220 = vector.shape_cast %get3A_219 : vector<1x128xi32> to vector<128xi32>
    %broadcast_in_dim3A_221 = vector.shape_cast %get3A_220 : vector<128xi32> to vector<1x128xi32>
    %eq3A_222 = vector.broadcast %broadcast_in_dim3A_221 : vector<1x128xi32> to vector<64x128xi32>
    %eq3A_223 = arith.cmpi eq, %eq3A_222, %iota3A : vector<64x128xi32>
    %convert_element_type3A_224 = arith.extui %eq3A_223 : vector<64x128xi1> to vector<64x128xi32>
    %convert_element_type3A_225 = arith.sitofp %convert_element_type3A_224 : vector<64x128xi32> to vector<64x128xf32>
    %slice3A_226 = vector.extract_strided_slice %max3A_31 {offsets = [1792, 0], sizes = [128, 128], strides = [1, 1]} : vector<5120x128xf32> to vector<128x128xf32>
    %dot_general3A_227 = arith.constant dense<0.000000e+00> : vector<64x128xf32>
    %dot_general3A_228 = tpu.matmul %convert_element_type3A_225, %slice3A_226, %dot_general3A_227 {dimension_numbers = #tpu.dot_dimension_numbers<[1], [0], [0], [1], [0, 0, 1, 1], [], []>, precision = #tpu.contract_precision<fp32>, transpose_lhs_hint = false} : vector<64x128xf32>, vector<128x128xf32>, vector<64x128xf32> -> vector<64x128xf32>
    %add3A_229 = arith.addf %add3A_216, %dot_general3A_228 : vector<64x128xf32>
    %get3A_230 = arith.constant 15 : index
    %get3A_231 = arith.constant 0 : index
    %get3A_232 = vector.load %arg6[%get3A_230, %get3A_231] : memref<40x128xi32, #tpu.memory_space<vmem>>, vector<1x128xi32>
    %get3A_233 = vector.shape_cast %get3A_232 : vector<1x128xi32> to vector<128xi32>
    %broadcast_in_dim3A_234 = vector.shape_cast %get3A_233 : vector<128xi32> to vector<1x128xi32>
    %eq3A_235 = vector.broadcast %broadcast_in_dim3A_234 : vector<1x128xi32> to vector<64x128xi32>
    %eq3A_236 = arith.cmpi eq, %eq3A_235, %iota3A : vector<64x128xi32>
    %convert_element_type3A_237 = arith.extui %eq3A_236 : vector<64x128xi1> to vector<64x128xi32>
    %convert_element_type3A_238 = arith.sitofp %convert_element_type3A_237 : vector<64x128xi32> to vector<64x128xf32>
    %slice3A_239 = vector.extract_strided_slice %max3A_31 {offsets = [1920, 0], sizes = [128, 128], strides = [1, 1]} : vector<5120x128xf32> to vector<128x128xf32>
    %dot_general3A_240 = arith.constant dense<0.000000e+00> : vector<64x128xf32>
    %dot_general3A_241 = tpu.matmul %convert_element_type3A_238, %slice3A_239, %dot_general3A_240 {dimension_numbers = #tpu.dot_dimension_numbers<[1], [0], [0], [1], [0, 0, 1, 1], [], []>, precision = #tpu.contract_precision<fp32>, transpose_lhs_hint = false} : vector<64x128xf32>, vector<128x128xf32>, vector<64x128xf32> -> vector<64x128xf32>
    %add3A_242 = arith.addf %add3A_229, %dot_general3A_241 : vector<64x128xf32>
    %get3A_243 = arith.constant 16 : index
    %get3A_244 = arith.constant 0 : index
    %get3A_245 = vector.load %arg6[%get3A_243, %get3A_244] : memref<40x128xi32, #tpu.memory_space<vmem>>, vector<1x128xi32>
    %get3A_246 = vector.shape_cast %get3A_245 : vector<1x128xi32> to vector<128xi32>
    %broadcast_in_dim3A_247 = vector.shape_cast %get3A_246 : vector<128xi32> to vector<1x128xi32>
    %eq3A_248 = vector.broadcast %broadcast_in_dim3A_247 : vector<1x128xi32> to vector<64x128xi32>
    %eq3A_249 = arith.cmpi eq, %eq3A_248, %iota3A : vector<64x128xi32>
    %convert_element_type3A_250 = arith.extui %eq3A_249 : vector<64x128xi1> to vector<64x128xi32>
    %convert_element_type3A_251 = arith.sitofp %convert_element_type3A_250 : vector<64x128xi32> to vector<64x128xf32>
    %slice3A_252 = vector.extract_strided_slice %max3A_31 {offsets = [2048, 0], sizes = [128, 128], strides = [1, 1]} : vector<5120x128xf32> to vector<128x128xf32>
    %dot_general3A_253 = arith.constant dense<0.000000e+00> : vector<64x128xf32>
    %dot_general3A_254 = tpu.matmul %convert_element_type3A_251, %slice3A_252, %dot_general3A_253 {dimension_numbers = #tpu.dot_dimension_numbers<[1], [0], [0], [1], [0, 0, 1, 1], [], []>, precision = #tpu.contract_precision<fp32>, transpose_lhs_hint = false} : vector<64x128xf32>, vector<128x128xf32>, vector<64x128xf32> -> vector<64x128xf32>
    %add3A_255 = arith.addf %add3A_242, %dot_general3A_254 : vector<64x128xf32>
    %get3A_256 = arith.constant 17 : index
    %get3A_257 = arith.constant 0 : index
    %get3A_258 = vector.load %arg6[%get3A_256, %get3A_257] : memref<40x128xi32, #tpu.memory_space<vmem>>, vector<1x128xi32>
    %get3A_259 = vector.shape_cast %get3A_258 : vector<1x128xi32> to vector<128xi32>
    %broadcast_in_dim3A_260 = vector.shape_cast %get3A_259 : vector<128xi32> to vector<1x128xi32>
    %eq3A_261 = vector.broadcast %broadcast_in_dim3A_260 : vector<1x128xi32> to vector<64x128xi32>
    %eq3A_262 = arith.cmpi eq, %eq3A_261, %iota3A : vector<64x128xi32>
    %convert_element_type3A_263 = arith.extui %eq3A_262 : vector<64x128xi1> to vector<64x128xi32>
    %convert_element_type3A_264 = arith.sitofp %convert_element_type3A_263 : vector<64x128xi32> to vector<64x128xf32>
    %slice3A_265 = vector.extract_strided_slice %max3A_31 {offsets = [2176, 0], sizes = [128, 128], strides = [1, 1]} : vector<5120x128xf32> to vector<128x128xf32>
    %dot_general3A_266 = arith.constant dense<0.000000e+00> : vector<64x128xf32>
    %dot_general3A_267 = tpu.matmul %convert_element_type3A_264, %slice3A_265, %dot_general3A_266 {dimension_numbers = #tpu.dot_dimension_numbers<[1], [0], [0], [1], [0, 0, 1, 1], [], []>, precision = #tpu.contract_precision<fp32>, transpose_lhs_hint = false} : vector<64x128xf32>, vector<128x128xf32>, vector<64x128xf32> -> vector<64x128xf32>
    %add3A_268 = arith.addf %add3A_255, %dot_general3A_267 : vector<64x128xf32>
    %get3A_269 = arith.constant 18 : index
    %get3A_270 = arith.constant 0 : index
    %get3A_271 = vector.load %arg6[%get3A_269, %get3A_270] : memref<40x128xi32, #tpu.memory_space<vmem>>, vector<1x128xi32>
    %get3A_272 = vector.shape_cast %get3A_271 : vector<1x128xi32> to vector<128xi32>
    %broadcast_in_dim3A_273 = vector.shape_cast %get3A_272 : vector<128xi32> to vector<1x128xi32>
    %eq3A_274 = vector.broadcast %broadcast_in_dim3A_273 : vector<1x128xi32> to vector<64x128xi32>
    %eq3A_275 = arith.cmpi eq, %eq3A_274, %iota3A : vector<64x128xi32>
    %convert_element_type3A_276 = arith.extui %eq3A_275 : vector<64x128xi1> to vector<64x128xi32>
    %convert_element_type3A_277 = arith.sitofp %convert_element_type3A_276 : vector<64x128xi32> to vector<64x128xf32>
    %slice3A_278 = vector.extract_strided_slice %max3A_31 {offsets = [2304, 0], sizes = [128, 128], strides = [1, 1]} : vector<5120x128xf32> to vector<128x128xf32>
    %dot_general3A_279 = arith.constant dense<0.000000e+00> : vector<64x128xf32>
    %dot_general3A_280 = tpu.matmul %convert_element_type3A_277, %slice3A_278, %dot_general3A_279 {dimension_numbers = #tpu.dot_dimension_numbers<[1], [0], [0], [1], [0, 0, 1, 1], [], []>, precision = #tpu.contract_precision<fp32>, transpose_lhs_hint = false} : vector<64x128xf32>, vector<128x128xf32>, vector<64x128xf32> -> vector<64x128xf32>
    %add3A_281 = arith.addf %add3A_268, %dot_general3A_280 : vector<64x128xf32>
    %get3A_282 = arith.constant 19 : index
    %get3A_283 = arith.constant 0 : index
    %get3A_284 = vector.load %arg6[%get3A_282, %get3A_283] : memref<40x128xi32, #tpu.memory_space<vmem>>, vector<1x128xi32>
    %get3A_285 = vector.shape_cast %get3A_284 : vector<1x128xi32> to vector<128xi32>
    %broadcast_in_dim3A_286 = vector.shape_cast %get3A_285 : vector<128xi32> to vector<1x128xi32>
    %eq3A_287 = vector.broadcast %broadcast_in_dim3A_286 : vector<1x128xi32> to vector<64x128xi32>
    %eq3A_288 = arith.cmpi eq, %eq3A_287, %iota3A : vector<64x128xi32>
    %convert_element_type3A_289 = arith.extui %eq3A_288 : vector<64x128xi1> to vector<64x128xi32>
    %convert_element_type3A_290 = arith.sitofp %convert_element_type3A_289 : vector<64x128xi32> to vector<64x128xf32>
    %slice3A_291 = vector.extract_strided_slice %max3A_31 {offsets = [2432, 0], sizes = [128, 128], strides = [1, 1]} : vector<5120x128xf32> to vector<128x128xf32>
    %dot_general3A_292 = arith.constant dense<0.000000e+00> : vector<64x128xf32>
    %dot_general3A_293 = tpu.matmul %convert_element_type3A_290, %slice3A_291, %dot_general3A_292 {dimension_numbers = #tpu.dot_dimension_numbers<[1], [0], [0], [1], [0, 0, 1, 1], [], []>, precision = #tpu.contract_precision<fp32>, transpose_lhs_hint = false} : vector<64x128xf32>, vector<128x128xf32>, vector<64x128xf32> -> vector<64x128xf32>
    %add3A_294 = arith.addf %add3A_281, %dot_general3A_293 : vector<64x128xf32>
    %get3A_295 = arith.constant 20 : index
    %get3A_296 = arith.constant 0 : index
    %get3A_297 = vector.load %arg6[%get3A_295, %get3A_296] : memref<40x128xi32, #tpu.memory_space<vmem>>, vector<1x128xi32>
    %get3A_298 = vector.shape_cast %get3A_297 : vector<1x128xi32> to vector<128xi32>
    %broadcast_in_dim3A_299 = vector.shape_cast %get3A_298 : vector<128xi32> to vector<1x128xi32>
    %eq3A_300 = vector.broadcast %broadcast_in_dim3A_299 : vector<1x128xi32> to vector<64x128xi32>
    %eq3A_301 = arith.cmpi eq, %eq3A_300, %iota3A : vector<64x128xi32>
    %convert_element_type3A_302 = arith.extui %eq3A_301 : vector<64x128xi1> to vector<64x128xi32>
    %convert_element_type3A_303 = arith.sitofp %convert_element_type3A_302 : vector<64x128xi32> to vector<64x128xf32>
    %slice3A_304 = vector.extract_strided_slice %max3A_31 {offsets = [2560, 0], sizes = [128, 128], strides = [1, 1]} : vector<5120x128xf32> to vector<128x128xf32>
    %dot_general3A_305 = arith.constant dense<0.000000e+00> : vector<64x128xf32>
    %dot_general3A_306 = tpu.matmul %convert_element_type3A_303, %slice3A_304, %dot_general3A_305 {dimension_numbers = #tpu.dot_dimension_numbers<[1], [0], [0], [1], [0, 0, 1, 1], [], []>, precision = #tpu.contract_precision<fp32>, transpose_lhs_hint = false} : vector<64x128xf32>, vector<128x128xf32>, vector<64x128xf32> -> vector<64x128xf32>
    %add3A_307 = arith.addf %add3A_294, %dot_general3A_306 : vector<64x128xf32>
    %get3A_308 = arith.constant 21 : index
    %get3A_309 = arith.constant 0 : index
    %get3A_310 = vector.load %arg6[%get3A_308, %get3A_309] : memref<40x128xi32, #tpu.memory_space<vmem>>, vector<1x128xi32>
    %get3A_311 = vector.shape_cast %get3A_310 : vector<1x128xi32> to vector<128xi32>
    %broadcast_in_dim3A_312 = vector.shape_cast %get3A_311 : vector<128xi32> to vector<1x128xi32>
    %eq3A_313 = vector.broadcast %broadcast_in_dim3A_312 : vector<1x128xi32> to vector<64x128xi32>
    %eq3A_314 = arith.cmpi eq, %eq3A_313, %iota3A : vector<64x128xi32>
    %convert_element_type3A_315 = arith.extui %eq3A_314 : vector<64x128xi1> to vector<64x128xi32>
    %convert_element_type3A_316 = arith.sitofp %convert_element_type3A_315 : vector<64x128xi32> to vector<64x128xf32>
    %slice3A_317 = vector.extract_strided_slice %max3A_31 {offsets = [2688, 0], sizes = [128, 128], strides = [1, 1]} : vector<5120x128xf32> to vector<128x128xf32>
    %dot_general3A_318 = arith.constant dense<0.000000e+00> : vector<64x128xf32>
    %dot_general3A_319 = tpu.matmul %convert_element_type3A_316, %slice3A_317, %dot_general3A_318 {dimension_numbers = #tpu.dot_dimension_numbers<[1], [0], [0], [1], [0, 0, 1, 1], [], []>, precision = #tpu.contract_precision<fp32>, transpose_lhs_hint = false} : vector<64x128xf32>, vector<128x128xf32>, vector<64x128xf32> -> vector<64x128xf32>
    %add3A_320 = arith.addf %add3A_307, %dot_general3A_319 : vector<64x128xf32>
    %get3A_321 = arith.constant 22 : index
    %get3A_322 = arith.constant 0 : index
    %get3A_323 = vector.load %arg6[%get3A_321, %get3A_322] : memref<40x128xi32, #tpu.memory_space<vmem>>, vector<1x128xi32>
    %get3A_324 = vector.shape_cast %get3A_323 : vector<1x128xi32> to vector<128xi32>
    %broadcast_in_dim3A_325 = vector.shape_cast %get3A_324 : vector<128xi32> to vector<1x128xi32>
    %eq3A_326 = vector.broadcast %broadcast_in_dim3A_325 : vector<1x128xi32> to vector<64x128xi32>
    %eq3A_327 = arith.cmpi eq, %eq3A_326, %iota3A : vector<64x128xi32>
    %convert_element_type3A_328 = arith.extui %eq3A_327 : vector<64x128xi1> to vector<64x128xi32>
    %convert_element_type3A_329 = arith.sitofp %convert_element_type3A_328 : vector<64x128xi32> to vector<64x128xf32>
    %slice3A_330 = vector.extract_strided_slice %max3A_31 {offsets = [2816, 0], sizes = [128, 128], strides = [1, 1]} : vector<5120x128xf32> to vector<128x128xf32>
    %dot_general3A_331 = arith.constant dense<0.000000e+00> : vector<64x128xf32>
    %dot_general3A_332 = tpu.matmul %convert_element_type3A_329, %slice3A_330, %dot_general3A_331 {dimension_numbers = #tpu.dot_dimension_numbers<[1], [0], [0], [1], [0, 0, 1, 1], [], []>, precision = #tpu.contract_precision<fp32>, transpose_lhs_hint = false} : vector<64x128xf32>, vector<128x128xf32>, vector<64x128xf32> -> vector<64x128xf32>
    %add3A_333 = arith.addf %add3A_320, %dot_general3A_332 : vector<64x128xf32>
    %get3A_334 = arith.constant 23 : index
    %get3A_335 = arith.constant 0 : index
    %get3A_336 = vector.load %arg6[%get3A_334, %get3A_335] : memref<40x128xi32, #tpu.memory_space<vmem>>, vector<1x128xi32>
    %get3A_337 = vector.shape_cast %get3A_336 : vector<1x128xi32> to vector<128xi32>
    %broadcast_in_dim3A_338 = vector.shape_cast %get3A_337 : vector<128xi32> to vector<1x128xi32>
    %eq3A_339 = vector.broadcast %broadcast_in_dim3A_338 : vector<1x128xi32> to vector<64x128xi32>
    %eq3A_340 = arith.cmpi eq, %eq3A_339, %iota3A : vector<64x128xi32>
    %convert_element_type3A_341 = arith.extui %eq3A_340 : vector<64x128xi1> to vector<64x128xi32>
    %convert_element_type3A_342 = arith.sitofp %convert_element_type3A_341 : vector<64x128xi32> to vector<64x128xf32>
    %slice3A_343 = vector.extract_strided_slice %max3A_31 {offsets = [2944, 0], sizes = [128, 128], strides = [1, 1]} : vector<5120x128xf32> to vector<128x128xf32>
    %dot_general3A_344 = arith.constant dense<0.000000e+00> : vector<64x128xf32>
    %dot_general3A_345 = tpu.matmul %convert_element_type3A_342, %slice3A_343, %dot_general3A_344 {dimension_numbers = #tpu.dot_dimension_numbers<[1], [0], [0], [1], [0, 0, 1, 1], [], []>, precision = #tpu.contract_precision<fp32>, transpose_lhs_hint = false} : vector<64x128xf32>, vector<128x128xf32>, vector<64x128xf32> -> vector<64x128xf32>
    %add3A_346 = arith.addf %add3A_333, %dot_general3A_345 : vector<64x128xf32>
    %get3A_347 = arith.constant 24 : index
    %get3A_348 = arith.constant 0 : index
    %get3A_349 = vector.load %arg6[%get3A_347, %get3A_348] : memref<40x128xi32, #tpu.memory_space<vmem>>, vector<1x128xi32>
    %get3A_350 = vector.shape_cast %get3A_349 : vector<1x128xi32> to vector<128xi32>
    %broadcast_in_dim3A_351 = vector.shape_cast %get3A_350 : vector<128xi32> to vector<1x128xi32>
    %eq3A_352 = vector.broadcast %broadcast_in_dim3A_351 : vector<1x128xi32> to vector<64x128xi32>
    %eq3A_353 = arith.cmpi eq, %eq3A_352, %iota3A : vector<64x128xi32>
    %convert_element_type3A_354 = arith.extui %eq3A_353 : vector<64x128xi1> to vector<64x128xi32>
    %convert_element_type3A_355 = arith.sitofp %convert_element_type3A_354 : vector<64x128xi32> to vector<64x128xf32>
    %slice3A_356 = vector.extract_strided_slice %max3A_31 {offsets = [3072, 0], sizes = [128, 128], strides = [1, 1]} : vector<5120x128xf32> to vector<128x128xf32>
    %dot_general3A_357 = arith.constant dense<0.000000e+00> : vector<64x128xf32>
    %dot_general3A_358 = tpu.matmul %convert_element_type3A_355, %slice3A_356, %dot_general3A_357 {dimension_numbers = #tpu.dot_dimension_numbers<[1], [0], [0], [1], [0, 0, 1, 1], [], []>, precision = #tpu.contract_precision<fp32>, transpose_lhs_hint = false} : vector<64x128xf32>, vector<128x128xf32>, vector<64x128xf32> -> vector<64x128xf32>
    %add3A_359 = arith.addf %add3A_346, %dot_general3A_358 : vector<64x128xf32>
    %get3A_360 = arith.constant 25 : index
    %get3A_361 = arith.constant 0 : index
    %get3A_362 = vector.load %arg6[%get3A_360, %get3A_361] : memref<40x128xi32, #tpu.memory_space<vmem>>, vector<1x128xi32>
    %get3A_363 = vector.shape_cast %get3A_362 : vector<1x128xi32> to vector<128xi32>
    %broadcast_in_dim3A_364 = vector.shape_cast %get3A_363 : vector<128xi32> to vector<1x128xi32>
    %eq3A_365 = vector.broadcast %broadcast_in_dim3A_364 : vector<1x128xi32> to vector<64x128xi32>
    %eq3A_366 = arith.cmpi eq, %eq3A_365, %iota3A : vector<64x128xi32>
    %convert_element_type3A_367 = arith.extui %eq3A_366 : vector<64x128xi1> to vector<64x128xi32>
    %convert_element_type3A_368 = arith.sitofp %convert_element_type3A_367 : vector<64x128xi32> to vector<64x128xf32>
    %slice3A_369 = vector.extract_strided_slice %max3A_31 {offsets = [3200, 0], sizes = [128, 128], strides = [1, 1]} : vector<5120x128xf32> to vector<128x128xf32>
    %dot_general3A_370 = arith.constant dense<0.000000e+00> : vector<64x128xf32>
    %dot_general3A_371 = tpu.matmul %convert_element_type3A_368, %slice3A_369, %dot_general3A_370 {dimension_numbers = #tpu.dot_dimension_numbers<[1], [0], [0], [1], [0, 0, 1, 1], [], []>, precision = #tpu.contract_precision<fp32>, transpose_lhs_hint = false} : vector<64x128xf32>, vector<128x128xf32>, vector<64x128xf32> -> vector<64x128xf32>
    %add3A_372 = arith.addf %add3A_359, %dot_general3A_371 : vector<64x128xf32>
    %get3A_373 = arith.constant 26 : index
    %get3A_374 = arith.constant 0 : index
    %get3A_375 = vector.load %arg6[%get3A_373, %get3A_374] : memref<40x128xi32, #tpu.memory_space<vmem>>, vector<1x128xi32>
    %get3A_376 = vector.shape_cast %get3A_375 : vector<1x128xi32> to vector<128xi32>
    %broadcast_in_dim3A_377 = vector.shape_cast %get3A_376 : vector<128xi32> to vector<1x128xi32>
    %eq3A_378 = vector.broadcast %broadcast_in_dim3A_377 : vector<1x128xi32> to vector<64x128xi32>
    %eq3A_379 = arith.cmpi eq, %eq3A_378, %iota3A : vector<64x128xi32>
    %convert_element_type3A_380 = arith.extui %eq3A_379 : vector<64x128xi1> to vector<64x128xi32>
    %convert_element_type3A_381 = arith.sitofp %convert_element_type3A_380 : vector<64x128xi32> to vector<64x128xf32>
    %slice3A_382 = vector.extract_strided_slice %max3A_31 {offsets = [3328, 0], sizes = [128, 128], strides = [1, 1]} : vector<5120x128xf32> to vector<128x128xf32>
    %dot_general3A_383 = arith.constant dense<0.000000e+00> : vector<64x128xf32>
    %dot_general3A_384 = tpu.matmul %convert_element_type3A_381, %slice3A_382, %dot_general3A_383 {dimension_numbers = #tpu.dot_dimension_numbers<[1], [0], [0], [1], [0, 0, 1, 1], [], []>, precision = #tpu.contract_precision<fp32>, transpose_lhs_hint = false} : vector<64x128xf32>, vector<128x128xf32>, vector<64x128xf32> -> vector<64x128xf32>
    %add3A_385 = arith.addf %add3A_372, %dot_general3A_384 : vector<64x128xf32>
    %get3A_386 = arith.constant 27 : index
    %get3A_387 = arith.constant 0 : index
    %get3A_388 = vector.load %arg6[%get3A_386, %get3A_387] : memref<40x128xi32, #tpu.memory_space<vmem>>, vector<1x128xi32>
    %get3A_389 = vector.shape_cast %get3A_388 : vector<1x128xi32> to vector<128xi32>
    %broadcast_in_dim3A_390 = vector.shape_cast %get3A_389 : vector<128xi32> to vector<1x128xi32>
    %eq3A_391 = vector.broadcast %broadcast_in_dim3A_390 : vector<1x128xi32> to vector<64x128xi32>
    %eq3A_392 = arith.cmpi eq, %eq3A_391, %iota3A : vector<64x128xi32>
    %convert_element_type3A_393 = arith.extui %eq3A_392 : vector<64x128xi1> to vector<64x128xi32>
    %convert_element_type3A_394 = arith.sitofp %convert_element_type3A_393 : vector<64x128xi32> to vector<64x128xf32>
    %slice3A_395 = vector.extract_strided_slice %max3A_31 {offsets = [3456, 0], sizes = [128, 128], strides = [1, 1]} : vector<5120x128xf32> to vector<128x128xf32>
    %dot_general3A_396 = arith.constant dense<0.000000e+00> : vector<64x128xf32>
    %dot_general3A_397 = tpu.matmul %convert_element_type3A_394, %slice3A_395, %dot_general3A_396 {dimension_numbers = #tpu.dot_dimension_numbers<[1], [0], [0], [1], [0, 0, 1, 1], [], []>, precision = #tpu.contract_precision<fp32>, transpose_lhs_hint = false} : vector<64x128xf32>, vector<128x128xf32>, vector<64x128xf32> -> vector<64x128xf32>
    %add3A_398 = arith.addf %add3A_385, %dot_general3A_397 : vector<64x128xf32>
    %get3A_399 = arith.constant 28 : index
    %get3A_400 = arith.constant 0 : index
    %get3A_401 = vector.load %arg6[%get3A_399, %get3A_400] : memref<40x128xi32, #tpu.memory_space<vmem>>, vector<1x128xi32>
    %get3A_402 = vector.shape_cast %get3A_401 : vector<1x128xi32> to vector<128xi32>
    %broadcast_in_dim3A_403 = vector.shape_cast %get3A_402 : vector<128xi32> to vector<1x128xi32>
    %eq3A_404 = vector.broadcast %broadcast_in_dim3A_403 : vector<1x128xi32> to vector<64x128xi32>
    %eq3A_405 = arith.cmpi eq, %eq3A_404, %iota3A : vector<64x128xi32>
    %convert_element_type3A_406 = arith.extui %eq3A_405 : vector<64x128xi1> to vector<64x128xi32>
    %convert_element_type3A_407 = arith.sitofp %convert_element_type3A_406 : vector<64x128xi32> to vector<64x128xf32>
    %slice3A_408 = vector.extract_strided_slice %max3A_31 {offsets = [3584, 0], sizes = [128, 128], strides = [1, 1]} : vector<5120x128xf32> to vector<128x128xf32>
    %dot_general3A_409 = arith.constant dense<0.000000e+00> : vector<64x128xf32>
    %dot_general3A_410 = tpu.matmul %convert_element_type3A_407, %slice3A_408, %dot_general3A_409 {dimension_numbers = #tpu.dot_dimension_numbers<[1], [0], [0], [1], [0, 0, 1, 1], [], []>, precision = #tpu.contract_precision<fp32>, transpose_lhs_hint = false} : vector<64x128xf32>, vector<128x128xf32>, vector<64x128xf32> -> vector<64x128xf32>
    %add3A_411 = arith.addf %add3A_398, %dot_general3A_410 : vector<64x128xf32>
    %get3A_412 = arith.constant 29 : index
    %get3A_413 = arith.constant 0 : index
    %get3A_414 = vector.load %arg6[%get3A_412, %get3A_413] : memref<40x128xi32, #tpu.memory_space<vmem>>, vector<1x128xi32>
    %get3A_415 = vector.shape_cast %get3A_414 : vector<1x128xi32> to vector<128xi32>
    %broadcast_in_dim3A_416 = vector.shape_cast %get3A_415 : vector<128xi32> to vector<1x128xi32>
    %eq3A_417 = vector.broadcast %broadcast_in_dim3A_416 : vector<1x128xi32> to vector<64x128xi32>
    %eq3A_418 = arith.cmpi eq, %eq3A_417, %iota3A : vector<64x128xi32>
    %convert_element_type3A_419 = arith.extui %eq3A_418 : vector<64x128xi1> to vector<64x128xi32>
    %convert_element_type3A_420 = arith.sitofp %convert_element_type3A_419 : vector<64x128xi32> to vector<64x128xf32>
    %slice3A_421 = vector.extract_strided_slice %max3A_31 {offsets = [3712, 0], sizes = [128, 128], strides = [1, 1]} : vector<5120x128xf32> to vector<128x128xf32>
    %dot_general3A_422 = arith.constant dense<0.000000e+00> : vector<64x128xf32>
    %dot_general3A_423 = tpu.matmul %convert_element_type3A_420, %slice3A_421, %dot_general3A_422 {dimension_numbers = #tpu.dot_dimension_numbers<[1], [0], [0], [1], [0, 0, 1, 1], [], []>, precision = #tpu.contract_precision<fp32>, transpose_lhs_hint = false} : vector<64x128xf32>, vector<128x128xf32>, vector<64x128xf32> -> vector<64x128xf32>
    %add3A_424 = arith.addf %add3A_411, %dot_general3A_423 : vector<64x128xf32>
    %get3A_425 = arith.constant 30 : index
    %get3A_426 = arith.constant 0 : index
    %get3A_427 = vector.load %arg6[%get3A_425, %get3A_426] : memref<40x128xi32, #tpu.memory_space<vmem>>, vector<1x128xi32>
    %get3A_428 = vector.shape_cast %get3A_427 : vector<1x128xi32> to vector<128xi32>
    %broadcast_in_dim3A_429 = vector.shape_cast %get3A_428 : vector<128xi32> to vector<1x128xi32>
    %eq3A_430 = vector.broadcast %broadcast_in_dim3A_429 : vector<1x128xi32> to vector<64x128xi32>
    %eq3A_431 = arith.cmpi eq, %eq3A_430, %iota3A : vector<64x128xi32>
    %convert_element_type3A_432 = arith.extui %eq3A_431 : vector<64x128xi1> to vector<64x128xi32>
    %convert_element_type3A_433 = arith.sitofp %convert_element_type3A_432 : vector<64x128xi32> to vector<64x128xf32>
    %slice3A_434 = vector.extract_strided_slice %max3A_31 {offsets = [3840, 0], sizes = [128, 128], strides = [1, 1]} : vector<5120x128xf32> to vector<128x128xf32>
    %dot_general3A_435 = arith.constant dense<0.000000e+00> : vector<64x128xf32>
    %dot_general3A_436 = tpu.matmul %convert_element_type3A_433, %slice3A_434, %dot_general3A_435 {dimension_numbers = #tpu.dot_dimension_numbers<[1], [0], [0], [1], [0, 0, 1, 1], [], []>, precision = #tpu.contract_precision<fp32>, transpose_lhs_hint = false} : vector<64x128xf32>, vector<128x128xf32>, vector<64x128xf32> -> vector<64x128xf32>
    %add3A_437 = arith.addf %add3A_424, %dot_general3A_436 : vector<64x128xf32>
    %get3A_438 = arith.constant 31 : index
    %get3A_439 = arith.constant 0 : index
    %get3A_440 = vector.load %arg6[%get3A_438, %get3A_439] : memref<40x128xi32, #tpu.memory_space<vmem>>, vector<1x128xi32>
    %get3A_441 = vector.shape_cast %get3A_440 : vector<1x128xi32> to vector<128xi32>
    %broadcast_in_dim3A_442 = vector.shape_cast %get3A_441 : vector<128xi32> to vector<1x128xi32>
    %eq3A_443 = vector.broadcast %broadcast_in_dim3A_442 : vector<1x128xi32> to vector<64x128xi32>
    %eq3A_444 = arith.cmpi eq, %eq3A_443, %iota3A : vector<64x128xi32>
    %convert_element_type3A_445 = arith.extui %eq3A_444 : vector<64x128xi1> to vector<64x128xi32>
    %convert_element_type3A_446 = arith.sitofp %convert_element_type3A_445 : vector<64x128xi32> to vector<64x128xf32>
    %slice3A_447 = vector.extract_strided_slice %max3A_31 {offsets = [3968, 0], sizes = [128, 128], strides = [1, 1]} : vector<5120x128xf32> to vector<128x128xf32>
    %dot_general3A_448 = arith.constant dense<0.000000e+00> : vector<64x128xf32>
    %dot_general3A_449 = tpu.matmul %convert_element_type3A_446, %slice3A_447, %dot_general3A_448 {dimension_numbers = #tpu.dot_dimension_numbers<[1], [0], [0], [1], [0, 0, 1, 1], [], []>, precision = #tpu.contract_precision<fp32>, transpose_lhs_hint = false} : vector<64x128xf32>, vector<128x128xf32>, vector<64x128xf32> -> vector<64x128xf32>
    %add3A_450 = arith.addf %add3A_437, %dot_general3A_449 : vector<64x128xf32>
    %get3A_451 = arith.constant 32 : index
    %get3A_452 = arith.constant 0 : index
    %get3A_453 = vector.load %arg6[%get3A_451, %get3A_452] : memref<40x128xi32, #tpu.memory_space<vmem>>, vector<1x128xi32>
    %get3A_454 = vector.shape_cast %get3A_453 : vector<1x128xi32> to vector<128xi32>
    %broadcast_in_dim3A_455 = vector.shape_cast %get3A_454 : vector<128xi32> to vector<1x128xi32>
    %eq3A_456 = vector.broadcast %broadcast_in_dim3A_455 : vector<1x128xi32> to vector<64x128xi32>
    %eq3A_457 = arith.cmpi eq, %eq3A_456, %iota3A : vector<64x128xi32>
    %convert_element_type3A_458 = arith.extui %eq3A_457 : vector<64x128xi1> to vector<64x128xi32>
    %convert_element_type3A_459 = arith.sitofp %convert_element_type3A_458 : vector<64x128xi32> to vector<64x128xf32>
    %slice3A_460 = vector.extract_strided_slice %max3A_31 {offsets = [4096, 0], sizes = [128, 128], strides = [1, 1]} : vector<5120x128xf32> to vector<128x128xf32>
    %dot_general3A_461 = arith.constant dense<0.000000e+00> : vector<64x128xf32>
    %dot_general3A_462 = tpu.matmul %convert_element_type3A_459, %slice3A_460, %dot_general3A_461 {dimension_numbers = #tpu.dot_dimension_numbers<[1], [0], [0], [1], [0, 0, 1, 1], [], []>, precision = #tpu.contract_precision<fp32>, transpose_lhs_hint = false} : vector<64x128xf32>, vector<128x128xf32>, vector<64x128xf32> -> vector<64x128xf32>
    %add3A_463 = arith.addf %add3A_450, %dot_general3A_462 : vector<64x128xf32>
    %get3A_464 = arith.constant 33 : index
    %get3A_465 = arith.constant 0 : index
    %get3A_466 = vector.load %arg6[%get3A_464, %get3A_465] : memref<40x128xi32, #tpu.memory_space<vmem>>, vector<1x128xi32>
    %get3A_467 = vector.shape_cast %get3A_466 : vector<1x128xi32> to vector<128xi32>
    %broadcast_in_dim3A_468 = vector.shape_cast %get3A_467 : vector<128xi32> to vector<1x128xi32>
    %eq3A_469 = vector.broadcast %broadcast_in_dim3A_468 : vector<1x128xi32> to vector<64x128xi32>
    %eq3A_470 = arith.cmpi eq, %eq3A_469, %iota3A : vector<64x128xi32>
    %convert_element_type3A_471 = arith.extui %eq3A_470 : vector<64x128xi1> to vector<64x128xi32>
    %convert_element_type3A_472 = arith.sitofp %convert_element_type3A_471 : vector<64x128xi32> to vector<64x128xf32>
    %slice3A_473 = vector.extract_strided_slice %max3A_31 {offsets = [4224, 0], sizes = [128, 128], strides = [1, 1]} : vector<5120x128xf32> to vector<128x128xf32>
    %dot_general3A_474 = arith.constant dense<0.000000e+00> : vector<64x128xf32>
    %dot_general3A_475 = tpu.matmul %convert_element_type3A_472, %slice3A_473, %dot_general3A_474 {dimension_numbers = #tpu.dot_dimension_numbers<[1], [0], [0], [1], [0, 0, 1, 1], [], []>, precision = #tpu.contract_precision<fp32>, transpose_lhs_hint = false} : vector<64x128xf32>, vector<128x128xf32>, vector<64x128xf32> -> vector<64x128xf32>
    %add3A_476 = arith.addf %add3A_463, %dot_general3A_475 : vector<64x128xf32>
    %get3A_477 = arith.constant 34 : index
    %get3A_478 = arith.constant 0 : index
    %get3A_479 = vector.load %arg6[%get3A_477, %get3A_478] : memref<40x128xi32, #tpu.memory_space<vmem>>, vector<1x128xi32>
    %get3A_480 = vector.shape_cast %get3A_479 : vector<1x128xi32> to vector<128xi32>
    %broadcast_in_dim3A_481 = vector.shape_cast %get3A_480 : vector<128xi32> to vector<1x128xi32>
    %eq3A_482 = vector.broadcast %broadcast_in_dim3A_481 : vector<1x128xi32> to vector<64x128xi32>
    %eq3A_483 = arith.cmpi eq, %eq3A_482, %iota3A : vector<64x128xi32>
    %convert_element_type3A_484 = arith.extui %eq3A_483 : vector<64x128xi1> to vector<64x128xi32>
    %convert_element_type3A_485 = arith.sitofp %convert_element_type3A_484 : vector<64x128xi32> to vector<64x128xf32>
    %slice3A_486 = vector.extract_strided_slice %max3A_31 {offsets = [4352, 0], sizes = [128, 128], strides = [1, 1]} : vector<5120x128xf32> to vector<128x128xf32>
    %dot_general3A_487 = arith.constant dense<0.000000e+00> : vector<64x128xf32>
    %dot_general3A_488 = tpu.matmul %convert_element_type3A_485, %slice3A_486, %dot_general3A_487 {dimension_numbers = #tpu.dot_dimension_numbers<[1], [0], [0], [1], [0, 0, 1, 1], [], []>, precision = #tpu.contract_precision<fp32>, transpose_lhs_hint = false} : vector<64x128xf32>, vector<128x128xf32>, vector<64x128xf32> -> vector<64x128xf32>
    %add3A_489 = arith.addf %add3A_476, %dot_general3A_488 : vector<64x128xf32>
    %get3A_490 = arith.constant 35 : index
    %get3A_491 = arith.constant 0 : index
    %get3A_492 = vector.load %arg6[%get3A_490, %get3A_491] : memref<40x128xi32, #tpu.memory_space<vmem>>, vector<1x128xi32>
    %get3A_493 = vector.shape_cast %get3A_492 : vector<1x128xi32> to vector<128xi32>
    %broadcast_in_dim3A_494 = vector.shape_cast %get3A_493 : vector<128xi32> to vector<1x128xi32>
    %eq3A_495 = vector.broadcast %broadcast_in_dim3A_494 : vector<1x128xi32> to vector<64x128xi32>
    %eq3A_496 = arith.cmpi eq, %eq3A_495, %iota3A : vector<64x128xi32>
    %convert_element_type3A_497 = arith.extui %eq3A_496 : vector<64x128xi1> to vector<64x128xi32>
    %convert_element_type3A_498 = arith.sitofp %convert_element_type3A_497 : vector<64x128xi32> to vector<64x128xf32>
    %slice3A_499 = vector.extract_strided_slice %max3A_31 {offsets = [4480, 0], sizes = [128, 128], strides = [1, 1]} : vector<5120x128xf32> to vector<128x128xf32>
    %dot_general3A_500 = arith.constant dense<0.000000e+00> : vector<64x128xf32>
    %dot_general3A_501 = tpu.matmul %convert_element_type3A_498, %slice3A_499, %dot_general3A_500 {dimension_numbers = #tpu.dot_dimension_numbers<[1], [0], [0], [1], [0, 0, 1, 1], [], []>, precision = #tpu.contract_precision<fp32>, transpose_lhs_hint = false} : vector<64x128xf32>, vector<128x128xf32>, vector<64x128xf32> -> vector<64x128xf32>
    %add3A_502 = arith.addf %add3A_489, %dot_general3A_501 : vector<64x128xf32>
    %get3A_503 = arith.constant 36 : index
    %get3A_504 = arith.constant 0 : index
    %get3A_505 = vector.load %arg6[%get3A_503, %get3A_504] : memref<40x128xi32, #tpu.memory_space<vmem>>, vector<1x128xi32>
    %get3A_506 = vector.shape_cast %get3A_505 : vector<1x128xi32> to vector<128xi32>
    %broadcast_in_dim3A_507 = vector.shape_cast %get3A_506 : vector<128xi32> to vector<1x128xi32>
    %eq3A_508 = vector.broadcast %broadcast_in_dim3A_507 : vector<1x128xi32> to vector<64x128xi32>
    %eq3A_509 = arith.cmpi eq, %eq3A_508, %iota3A : vector<64x128xi32>
    %convert_element_type3A_510 = arith.extui %eq3A_509 : vector<64x128xi1> to vector<64x128xi32>
    %convert_element_type3A_511 = arith.sitofp %convert_element_type3A_510 : vector<64x128xi32> to vector<64x128xf32>
    %slice3A_512 = vector.extract_strided_slice %max3A_31 {offsets = [4608, 0], sizes = [128, 128], strides = [1, 1]} : vector<5120x128xf32> to vector<128x128xf32>
    %dot_general3A_513 = arith.constant dense<0.000000e+00> : vector<64x128xf32>
    %dot_general3A_514 = tpu.matmul %convert_element_type3A_511, %slice3A_512, %dot_general3A_513 {dimension_numbers = #tpu.dot_dimension_numbers<[1], [0], [0], [1], [0, 0, 1, 1], [], []>, precision = #tpu.contract_precision<fp32>, transpose_lhs_hint = false} : vector<64x128xf32>, vector<128x128xf32>, vector<64x128xf32> -> vector<64x128xf32>
    %add3A_515 = arith.addf %add3A_502, %dot_general3A_514 : vector<64x128xf32>
    %get3A_516 = arith.constant 37 : index
    %get3A_517 = arith.constant 0 : index
    %get3A_518 = vector.load %arg6[%get3A_516, %get3A_517] : memref<40x128xi32, #tpu.memory_space<vmem>>, vector<1x128xi32>
    %get3A_519 = vector.shape_cast %get3A_518 : vector<1x128xi32> to vector<128xi32>
    %broadcast_in_dim3A_520 = vector.shape_cast %get3A_519 : vector<128xi32> to vector<1x128xi32>
    %eq3A_521 = vector.broadcast %broadcast_in_dim3A_520 : vector<1x128xi32> to vector<64x128xi32>
    %eq3A_522 = arith.cmpi eq, %eq3A_521, %iota3A : vector<64x128xi32>
    %convert_element_type3A_523 = arith.extui %eq3A_522 : vector<64x128xi1> to vector<64x128xi32>
    %convert_element_type3A_524 = arith.sitofp %convert_element_type3A_523 : vector<64x128xi32> to vector<64x128xf32>
    %slice3A_525 = vector.extract_strided_slice %max3A_31 {offsets = [4736, 0], sizes = [128, 128], strides = [1, 1]} : vector<5120x128xf32> to vector<128x128xf32>
    %dot_general3A_526 = arith.constant dense<0.000000e+00> : vector<64x128xf32>
    %dot_general3A_527 = tpu.matmul %convert_element_type3A_524, %slice3A_525, %dot_general3A_526 {dimension_numbers = #tpu.dot_dimension_numbers<[1], [0], [0], [1], [0, 0, 1, 1], [], []>, precision = #tpu.contract_precision<fp32>, transpose_lhs_hint = false} : vector<64x128xf32>, vector<128x128xf32>, vector<64x128xf32> -> vector<64x128xf32>
    %add3A_528 = arith.addf %add3A_515, %dot_general3A_527 : vector<64x128xf32>
    %get3A_529 = arith.constant 38 : index
    %get3A_530 = arith.constant 0 : index
    %get3A_531 = vector.load %arg6[%get3A_529, %get3A_530] : memref<40x128xi32, #tpu.memory_space<vmem>>, vector<1x128xi32>
    %get3A_532 = vector.shape_cast %get3A_531 : vector<1x128xi32> to vector<128xi32>
    %broadcast_in_dim3A_533 = vector.shape_cast %get3A_532 : vector<128xi32> to vector<1x128xi32>
    %eq3A_534 = vector.broadcast %broadcast_in_dim3A_533 : vector<1x128xi32> to vector<64x128xi32>
    %eq3A_535 = arith.cmpi eq, %eq3A_534, %iota3A : vector<64x128xi32>
    %convert_element_type3A_536 = arith.extui %eq3A_535 : vector<64x128xi1> to vector<64x128xi32>
    %convert_element_type3A_537 = arith.sitofp %convert_element_type3A_536 : vector<64x128xi32> to vector<64x128xf32>
    %slice3A_538 = vector.extract_strided_slice %max3A_31 {offsets = [4864, 0], sizes = [128, 128], strides = [1, 1]} : vector<5120x128xf32> to vector<128x128xf32>
    %dot_general3A_539 = arith.constant dense<0.000000e+00> : vector<64x128xf32>
    %dot_general3A_540 = tpu.matmul %convert_element_type3A_537, %slice3A_538, %dot_general3A_539 {dimension_numbers = #tpu.dot_dimension_numbers<[1], [0], [0], [1], [0, 0, 1, 1], [], []>, precision = #tpu.contract_precision<fp32>, transpose_lhs_hint = false} : vector<64x128xf32>, vector<128x128xf32>, vector<64x128xf32> -> vector<64x128xf32>
    %add3A_541 = arith.addf %add3A_528, %dot_general3A_540 : vector<64x128xf32>
    %get3A_542 = arith.constant 39 : index
    %get3A_543 = arith.constant 0 : index
    %get3A_544 = vector.load %arg6[%get3A_542, %get3A_543] : memref<40x128xi32, #tpu.memory_space<vmem>>, vector<1x128xi32>
    %get3A_545 = vector.shape_cast %get3A_544 : vector<1x128xi32> to vector<128xi32>
    %broadcast_in_dim3A_546 = vector.shape_cast %get3A_545 : vector<128xi32> to vector<1x128xi32>
    %eq3A_547 = vector.broadcast %broadcast_in_dim3A_546 : vector<1x128xi32> to vector<64x128xi32>
    %eq3A_548 = arith.cmpi eq, %eq3A_547, %iota3A : vector<64x128xi32>
    %convert_element_type3A_549 = arith.extui %eq3A_548 : vector<64x128xi1> to vector<64x128xi32>
    %convert_element_type3A_550 = arith.sitofp %convert_element_type3A_549 : vector<64x128xi32> to vector<64x128xf32>
    %slice3A_551 = vector.extract_strided_slice %max3A_31 {offsets = [4992, 0], sizes = [128, 128], strides = [1, 1]} : vector<5120x128xf32> to vector<128x128xf32>
    %dot_general3A_552 = arith.constant dense<0.000000e+00> : vector<64x128xf32>
    %dot_general3A_553 = tpu.matmul %convert_element_type3A_550, %slice3A_551, %dot_general3A_552 {dimension_numbers = #tpu.dot_dimension_numbers<[1], [0], [0], [1], [0, 0, 1, 1], [], []>, precision = #tpu.contract_precision<fp32>, transpose_lhs_hint = false} : vector<64x128xf32>, vector<128x128xf32>, vector<64x128xf32> -> vector<64x128xf32>
    %add3A_554 = arith.addf %add3A_541, %dot_general3A_553 : vector<64x128xf32>
    %swap3A = arith.constant 0 : index
    %swap3A_555 = arith.constant 0 : index
    %swap3A_556 = vector.load %arg11[%swap3A, %swap3A_555] : memref<64x128xf32, #tpu.memory_space<vmem>>, vector<64x128xf32>
    tpu.vector_store %arg11[%swap3A, %swap3A_555], %add3A_554 {strides = array<i32>} : memref<64x128xf32, #tpu.memory_space<vmem>>, vector<64x128xf32>,
    %eq3A_557 = arith.constant 1 : i32
    %eq3A_558 = arith.cmpi eq, %arg0, %eq3A_557 : i32
    %convert_element_type3A_559 = arith.extui %eq3A_558 : i1 to i32
    %cond3A_560 = arith.constant 0 : i32
    %cond3A_561 = arith.cmpi ne, %convert_element_type3A_559, %cond3A_560 : i32
    scf.if %cond3A_561 {
      %get3A_562 = arith.constant 0 : index
      %get3A_563 = arith.constant 0 : index
      %get3A_564 = vector.load %arg7[%get3A_562, %get3A_563] : memref<128x64xf32, #tpu.memory_space<vmem>>, vector<128x64xf32>
      %dot_general3A_565 = arith.constant dense<0.000000e+00> : vector<64x64xf32>
      %dot_general3A_566 = tpu.matmul %add3A_554, %get3A_564, %dot_general3A_565 {dimension_numbers = #tpu.dot_dimension_numbers<[1], [0], [0], [1], [0, 0, 1, 1], [], []>, transpose_lhs_hint = false} : vector<64x128xf32>, vector<128x64xf32>, vector<64x64xf32> -> vector<64x64xf32>
      %get3A_567 = arith.constant 0 : index
      %get3A_568 = arith.constant 0 : index
      %get3A_569 = vector.load %arg8[%get3A_567, %get3A_568] : memref<1x64xf32, #tpu.memory_space<vmem>>, vector<1x64xf32>
      %add3A_570 = vector.broadcast %get3A_569 : vector<1x64xf32> to vector<64x64xf32>
      %add3A_571 = arith.addf %dot_general3A_566, %add3A_570 : vector<64x64xf32>
      %max3A_572 = arith.constant 0.000000e+00 : f32
      %max3A_573 = vector.broadcast %max3A_572 : f32 to vector<64x64xf32>
      %max3A_574 = arith.maximumf %add3A_571, %max3A_573 : vector<64x64xf32>
      %get3A_575 = arith.constant 0 : index
      %get3A_576 = arith.constant 0 : index
      %get3A_577 = vector.load %arg9[%get3A_575, %get3A_576] : memref<64x128xf32, #tpu.memory_space<vmem>>, vector<64x128xf32>
      %dot_general3A_578 = arith.constant dense<0.000000e+00> : vector<64x128xf32>
      %dot_general3A_579 = tpu.matmul %max3A_574, %get3A_577, %dot_general3A_578 {dimension_numbers = #tpu.dot_dimension_numbers<[1], [0], [0], [1], [0, 0, 1, 1], [], []>, transpose_lhs_hint = false} : vector<64x64xf32>, vector<64x128xf32>, vector<64x128xf32> -> vector<64x128xf32>
      %get3A_580 = arith.constant 0 : index
      %get3A_581 = arith.constant 0 : index
      %get3A_582 = vector.load %arg10[%get3A_580, %get3A_581] : memref<1x128xf32, #tpu.memory_space<vmem>>, vector<1x128xf32>
      %add3A_583 = vector.broadcast %get3A_582 : vector<1x128xf32> to vector<64x128xf32>
      %add3A_584 = arith.addf %dot_general3A_579, %add3A_583 : vector<64x128xf32>
      %reduce_max3A = arith.constant dense<0xFF800000> : vector<64xf32>
      %reduce_max3A_585 = vector.multi_reduction <maximumf>, %add3A_584, %reduce_max3A [1] : vector<64x128xf32> to vector<64xf32>
      %broadcast_in_dim3A_586 = vector.shape_cast %reduce_max3A_585 : vector<64xf32> to vector<64x1xf32>
      %sub3A = vector.broadcast %broadcast_in_dim3A_586 : vector<64x1xf32> to vector<64x128xf32>
      %sub3A_587 = arith.subf %add3A_584, %sub3A : vector<64x128xf32>
      %exp3A = math.exp %sub3A_587 : vector<64x128xf32>
      %reduce_sum3A = arith.constant dense<0.000000e+00> : vector<64xf32>
      %reduce_sum3A_588 = vector.multi_reduction <add>, %exp3A, %reduce_sum3A [1] : vector<64x128xf32> to vector<64xf32>
      %broadcast_in_dim3A_589 = vector.shape_cast %reduce_sum3A_588 : vector<64xf32> to vector<64x1xf32>
      %log3A = math.log %broadcast_in_dim3A_589 : vector<64x1xf32>
      %add3A_590 = arith.addf %broadcast_in_dim3A_586, %log3A : vector<64x1xf32>
      %sub3A_591 = vector.broadcast %add3A_590 : vector<64x1xf32> to vector<64x128xf32>
      %sub3A_592 = arith.subf %add3A_584, %sub3A_591 : vector<64x128xf32>
      %swap3A_593 = arith.constant 0 : index
      %swap3A_594 = arith.constant 0 : index
      %swap3A_595 = vector.load %arg12[%swap3A_593, %swap3A_594] : memref<64x128xf32, #tpu.memory_space<vmem>>, vector<64x128xf32>
      tpu.vector_store %arg12[%swap3A_593, %swap3A_594], %sub3A_592 {strides = array<i32>} : memref<64x128xf32, #tpu.memory_space<vmem>>, vector<64x128xf32>,
    } else {
    }
    return
  }
  func.func @transform_0(%arg0: i32) -> (i32, i32) {
    %c0_i32 = arith.constant 0 : i32
    %c0_i32_0 = arith.constant 0 : i32
    return %arg0, %c0_i32 : i32, i32
  }
  func.func @transform_1(%arg0: i32) -> (i32, i32, i32) {
    %c0_i32 = arith.constant 0 : i32
    %c0_i32_0 = arith.constant 0 : i32
    %c0_i32_1 = arith.constant 0 : i32
    return %c0_i32, %arg0, %c0_i32_0 : i32, i32, i32
  }
  func.func @transform_2(%arg0: i32) -> (i32, i32) {
    %c0_i32 = arith.constant 0 : i32
    %c0_i32_0 = arith.constant 0 : i32
    %c0_i32_1 = arith.constant 0 : i32
    return %c0_i32, %c0_i32_0 : i32, i32
  }
  func.func @transform_3(%arg0: i32) -> (i32, i32) {
    %c0_i32 = arith.constant 0 : i32
    %c0_i32_0 = arith.constant 0 : i32
    %c0_i32_1 = arith.constant 0 : i32
    return %c0_i32, %c0_i32_0 : i32, i32
  }
  func.func @transform_4(%arg0: i32) -> (i32, i32) {
    %c0_i32 = arith.constant 0 : i32
    %c0_i32_0 = arith.constant 0 : i32
    %c0_i32_1 = arith.constant 0 : i32
    return %c0_i32, %c0_i32_0 : i32, i32
  }
  func.func @transform_5(%arg0: i32) -> (i32, i32) {
    %c0_i32 = arith.constant 0 : i32
    %c0_i32_0 = arith.constant 0 : i32
    return %arg0, %c0_i32 : i32, i32
  }
  func.func @transform_6(%arg0: i32) -> (i32, i32) {
    %c0_i32 = arith.constant 0 : i32
    %c0_i32_0 = arith.constant 0 : i32
    %c0_i32_1 = arith.constant 0 : i32
    return %c0_i32, %c0_i32_0 : i32, i32
  }
  func.func @transform_7(%arg0: i32) -> (i32, i32) {
    %c0_i32 = arith.constant 0 : i32
    %c0_i32_0 = arith.constant 0 : i32
    %c0_i32_1 = arith.constant 0 : i32
    return %c0_i32, %c0_i32_0 : i32, i32
  }
  func.func @transform_8(%arg0: i32) -> (i32, i32) {
    %c0_i32 = arith.constant 0 : i32
    %c0_i32_0 = arith.constant 0 : i32
    %c0_i32_1 = arith.constant 0 : i32
    return %c0_i32, %c0_i32_0 : i32, i32
  }
  func.func @transform_9(%arg0: i32) -> (i32, i32) {
    %c0_i32 = arith.constant 0 : i32
    %c0_i32_0 = arith.constant 0 : i32
    %c0_i32_1 = arith.constant 0 : i32
    return %c0_i32, %c0_i32_0 : i32, i32
  }
  func.func @transform_10(%arg0: i32) -> (i32, i32) {
    %c0_i32 = arith.constant 0 : i32
    %c0_i32_0 = arith.constant 0 : i32
    %c0_i32_1 = arith.constant 0 : i32
    return %c0_i32, %c0_i32_0 : i32, i32
  }
  func.func @transform_11(%arg0: i32) -> (i32, i32) {
    %c0_i32 = arith.constant 0 : i32
    %c0_i32_0 = arith.constant 0 : i32
    %c0_i32_1 = arith.constant 0 : i32
    return %c0_i32, %c0_i32_0 : i32, i32
  }
}

</mosaic_0001>

<sc_bundles>
// kernel: kernel.12.cloned.1.call-start
scs
__scs_entry_jumppad:
0x0: {  	(pc) =	sbr.rel $0x88, $3  }
0x1: {  	(tag) =	ssettag $0x0;
	lr =	simm.s32 $0x1  }
0x2: {  	[smem:$0x3F8E] =	sst lr;
	_ =	strace $0xD0000000  }
0x3: {  	_ = 	snop  }
0x4: {  	_ = 	snop  }
0x5: {  	_ = 	snop  }
0x6: {  	_ = 	snop  }
0x7: {  	_ = 	snop  }
__scs_overlays_trampoline_lowered:
0x8: {  	[smem:$0x3F9D] =	sst s0  }
0x9: {  	[smem:$0x3F9E] =	sst s1  }
0xa: {  	[smem:$0x3F9F] =	sst s2  }
0xb: {  	[smem:$0x3FA0] =	sst s3  }
0xc: {  	[smem:$0x3FA1] =	sst s4  }
0xd: {  	[smem:$0x3FA2] =	sst s5  }
0xe: {  	[smem:$0x3FA3] =	sst s6  }
0xf: {  	[smem:$0x3FA4] =	sst s7  }
0x10: {  	[smem:$0x3FA5] =	sst s8  }
0x11: {  	[smem:$0x3FA6] =	sst s9;
	s0 =	simm.s32 @!p0 $0x0  }
0x12: {  	s1 =	sld [smem:$0x3F8C];
	s0 =	simm.s32 @p0 $0x1  }
0x13: {  	[smem:$0x3FA7] =	sst s0;
	s0 =	simm.s32 @!p1 $0x0  }
0x14: {  	s2 =	sld [smem:$0x3F8B];
	s0 =	simm.s32 @p1 $0x1  }
0x15: {  	[smem:$0x3FA8] =	sst s0;
	s0 =	simm.s32 @!p2 $0x0  }
0x16: {  	s3 =	sld [smem:$0x3FDB];
	s0 =	simm.s32 @p2 $0x1  }
0x17: {  	s4 =	simm.s32 $0x1BF5;
	[smem:$0x3FAA] =	sst s0  }
0x18: {  	s0 =	sld [smem:$0x3F8D];
	_ =	swait.ge [sflag:s4], $0x0  }
0x19: {  	s7 =	sld [smem:$0x3F8E]  }
0x1a: {  	s8 =	sadd.s32 $0xFFFFE003, lr  }
0x1b: {  	s9 =	sadd.s32 $0xFFFFFEF7, lr;
	s5 =	simm.s32 $0xFFFFFFFF;
	p2 =	slt.u32 s8, $0xFFFFF086  }
0x1c: {  	p1 =	slt.u32 s9, $0xF7A;
	s5 =	simm.s32 @!p2 $0x0  }
0x1d: {  	s5 =	simm.s32 @p1 $0x1;
	p0 =	seq.s32 s7, s2  }
0x1e: {  	s7 =	smul.u32 @!p0 $0xF7A, s2;
	p2 =	seq.s32 @!p0 s5, $0x0  }
0x1f: {  	s9 =	smul.u32 $0xF7A, s1;
	s8 =	simm.s32 @!p0 $0x1BF5;
	p2 =	por !p2, p0  }
0x20: {  	[sflag:s8] =	ssyncset.s32 @!p0 $0xFFFFF086;
	s6 =	sadd.s32 @!p0 s3, s7;
	s7 =	simm.s32 @!p0 $0x108  }
0x21: {  	s3 =	sadd.s32 s3, s9;
	s6 =	sadd.s32 @!p0 $0x88, s6;
	s7 =	simm.s32 @p2 $0x1082  }
0x22: {  	[simem:s7], [sflag:s8] =	dma.local @!p0 [hbm:s6], $0xF7A  }
0x23: {  	s9 =	sor.u32 $0xD0000000, s2;
	s6 =	simm.s32 $0x108;
	_ =	swait.ge @!p0 [sflag:s8], $0x0  }
0x24: {  	s3 =	sadd.s32 $0x88, s3;
	s6 =	simm.s32 @!p1 $0x1082;
	[sflag:s4] =	ssyncset.s32 $0xFFFFF086  }
0x25: {  	[simem:s6], [sflag:s4] =	dma.local [hbm:s3], $0xF7A  }
0x26: {  	[smem:$0x3F8E] =	sst s1;
	(tag) =	ssettag s2;
	_ =	strace s9  }
0x27: {  	s1 =	sld [smem:$0x3F9E]  }
0x28: {  	s2 =	sld [smem:$0x3F9F]  }
0x29: {  	s4 =	sld [smem:$0x3FA1]  }
0x2a: {  	p0 =	seq.s32 s5, $0x0;
	s5 =	sld [smem:$0x3FA2]  }
0x2b: {  	s6 =	sld [smem:$0x3FA3]  }
0x2c: {  	s7 =	sld [smem:$0x3FA4]  }
0x2d: {  	s3 =	simm.s32 $0x108;
	s8 =	sld [smem:$0x3FA5]  }
0x2e: {  	s3 =	simm.s32 @!p0 $0x1082;
	s9 =	sld [smem:$0x3FA6]  }
0x2f: {  	lr =	sadd.s32 s0, s3;
	s0 =	sld [smem:$0x3F9D]  }
0x30: {  	s3 =	sld [smem:$0x3FA0]  }
0x31: {  	[smem:$0x3FA9] =	sst s10  }
0x32: {  	s10 =	sld [smem:$0x3FA7];
	_ =	sdelay $0x3  }
0x33: {  	p0 =	seq.s32 s10, $0x1;
	s10 =	sld [smem:$0x3FA9];
	_ =	sdelay $0x3  }
0x34: {  	[smem:$0x3FA9] =	sst s10  }
0x35: {  	s10 =	sld [smem:$0x3FA8];
	_ =	sdelay $0x3  }
0x36: {  	p1 =	seq.s32 s10, $0x1;
	s10 =	sld [smem:$0x3FA9];
	_ =	sdelay $0x3  }
0x37: {  	[smem:$0x3FA9] =	sst s10  }
0x38: {  	s10 =	sld [smem:$0x3FAA]  }
0x39: {  	_ = 	snop;
	(pc) =	sbr.ind lr, $3  }
0x3a: {  	_ = 	snop  }
0x3b: {  	_ = 	snop  }
0x3c: {  	p2 =	seq.s32 s10, $0x1;
	s10 =	sld [smem:$0x3FA9]  }
0x3d: {  	_ =	shalt  }
0x3e: {  	_ =	shalt  }
0x3f: {  	_ =	shalt  }
0x40: {  	_ =	shalt  }
0x41: {  	_ =	shalt  }
0x42: {  	_ =	shalt  }
0x43: {  	_ =	shalt  }
0x44: {  	_ =	shalt  }
0x45: {  	_ =	shalt  }
0x46: {  	_ =	shalt  }
0x47: {  	_ =	shalt  }
0x48: {  	_ =	shalt  }
0x49: {  	_ =	shalt  }
0x4a: {  	_ =	shalt  }
0x4b: {  	_ =	shalt  }
0x4c: {  	_ =	shalt  }
0x4d: {  	_ =	shalt  }
0x4e: {  	_ =	shalt  }
0x4f: {  	_ =	shalt  }
0x50: {  	_ =	shalt  }
0x51: {  	_ =	shalt  }
0x52: {  	_ =	shalt  }
0x53: {  	_ =	shalt  }
0x54: {  	_ =	shalt  }
0x55: {  	_ =	shalt  }
0x56: {  	_ =	shalt  }
0x57: {  	_ =	shalt  }
0x58: {  	_ =	shalt  }
0x59: {  	_ =	shalt  }
0x5a: {  	_ =	shalt  }
0x5b: {  	_ =	shalt  }
0x5c: {  	_ =	shalt  }
0x5d: {  	_ =	shalt  }
0x5e: {  	_ =	shalt  }
0x5f: {  	_ =	shalt  }
0x60: {  	_ =	shalt  }
0x61: {  	_ =	shalt  }
0x62: {  	_ =	shalt  }
0x63: {  	_ =	shalt  }
0x64: {  	_ =	shalt  }
0x65: {  	_ =	shalt  }
0x66: {  	_ =	shalt  }
0x67: {  	_ =	shalt  }
0x68: {  	_ =	shalt  }
0x69: {  	_ =	shalt  }
0x6a: {  	_ =	shalt  }
0x6b: {  	_ =	shalt  }
0x6c: {  	_ =	shalt  }
0x6d: {  	_ =	shalt  }
0x6e: {  	_ =	shalt  }
0x6f: {  	_ =	shalt  }
0x70: {  	_ =	shalt  }
0x71: {  	_ =	shalt  }
0x72: {  	_ =	shalt  }
0x73: {  	_ =	shalt  }
0x74: {  	_ =	shalt  }
0x75: {  	_ =	shalt  }
0x76: {  	_ =	shalt  }
0x77: {  	_ =	shalt  }
0x78: {  	_ =	shalt  }
0x79: {  	_ =	shalt  }
0x7a: {  	_ =	shalt  }
0x7b: {  	_ =	shalt  }
0x7c: {  	_ =	shalt  }
0x7d: {  	_ =	shalt  }
0x7e: {  	_ =	shalt  }
0x7f: {  	_ =	shalt  }
0x80: {  	_ =	shalt  }
0x81: {  	_ =	shalt  }
0x82: {  	_ =	shalt  }
0x83: {  	_ =	shalt  }
0x84: {  	_ =	shalt  }
0x85: {  	_ =	shalt  }
0x86: {  	_ =	shalt  }
0x87: {  	_ =	shalt  }
.Lfunc_end0:
.L_simem_size_0:
called_computation.1_lowered:
.L_overlay_start_0:
0x88: {  	s2 =	sld [smem:$0x3FD9]  }
0x89: {  	s3 =	sld [smem:$0x3FFE];
	_ =	sdelay $0x1  }
0x8a: {  	s1 =	srdreg.scid  }
0x8b: {  	s0 =	sand.u32 $0x1, s1  }
0x8c: {  	s16 =	sshll.u32 s0, $0xA;
	s2 =	sadd.s32 s3, s2  }
0x8d: {  	s2 =	sadd.s32 s2, s16  }
0x8e: {  	[smem:$0x3FB5] =	sst s2  }
0x8f: {  	_ = 	snop  }
0x90: {  	(tm) =	ssettm $0x1  }
0x91: {  	s17 =	sld [smem:$0x3FFB];
	_ =	sdelay $0x3  }
0x92: {  	_ =	strace s17  }
0x93: {  	s2 =	sld [smem:$0x3FFC];
	_ =	sdelay $0x3  }
0x94: {  	_ =	strace s2  }
0x95: {  	s2 =	sld [smem:$0x3FFD];
	_ =	sdelay $0x3  }
0x96: {  	_ =	strace s2  }
0x97: {  	_ =	strace $0x8FFFFFFF  }
0x98: {  	s18 =	sld [smem:$0x3FDB];
	_ =	sdelay $0x1  }
0x99: {  	s19 =	simm.s32 $_scs_section_size  }
0x9a: {  	s4 =	simm.s32 $_size__tile_overlayer_lowered;
	s5 =	simm.s32 $_tile_overlayer_lowered  }
0x9b: {  	s22 =	simm.s32 $0x1BFF;
	s21 =	sshll.u32 s5, $0x1;
	s2 =	sadd.s32 s19, s18  }
0x9c: {  	s6 =	simm.s32 $0x0;
	s20 =	sshll.u32 s4, $0x1;
	s4 =	sadd.s32 s21, s2  }
0x9d: {  	[timem:s6], [sflag:s22] =	dma.local [hbm:s4], s20  }
0x9e: {  	_ =	swait.ge [sflag:s22], s20  }
0x9f: {  	s3 =	ssub.s32 $0x0, s20;
	[sflag:s22] =	ssyncset.done $0x0  }
0xa0: {  	[sflag:s22] =	ssyncadd.s32 s3;
	_ =	sdelay $0x1  }
0xa1: {  	s23 =	simm.s32 $0x1B8B  }
0xa2: {  	_ =	swait.ge [sflag:s23], $0x1  }
0xa3: {  	[sflag:s23] =	ssyncset.done $0x0  }
0xa4: {  	s25 =	simm.s32 $0x1B8E;
	s24 =	sld [smem:$0x3FFE];
	[sflag:s23] =	ssyncadd.s32 $0xFFFFFFFF  }
0xa5: {  	s26 =	simm.s32 $execute0_lowered;
	[smem:$0x3FD2] =	sst s25  }
0xa6: {  	s4 =	sshll.u32 s26, $0x1;
	_ =	strace $0x80000049;
	[dreg:$0x1] =	wrdreg $0xFFFFFFFF  }
0xa7: {  	s28 =	simm.s32 $_size_execute0_lowered;
	s2 =	sadd.s32 s2, s4;
	[dreg:$0x0] =	wrdreg $0x0  }
0xa8: {  	s4 =	sshll.u32 s28, $0x1;
	[dreg:$0x2] =	wrdreg s2  }
0xa9: {  	[dreg:$0x3] =	wrdreg s4  }
0xaa: {  	[dreg:$0x4] =	wrdreg $0xC0  }
0xab: {  	_ =	task [dreg:s6], $0x5FFFF  }
0xac: {  	[dreg:$0x1] =	wrdreg $0xFFFFFFFF  }
0xad: {  	[dreg:$0x0] =	wrdreg $0x60  }
0xae: {  	[dreg:$0x2] =	wrdreg s24  }
0xaf: {  	[dreg:$0x3] =	wrdreg $0xA0000  }
0xb0: {  	[dreg:$0x4] =	wrdreg $0x9  }
0xb1: {  	_ =	task.clear_ibuf [dreg:s6], $0x5FFFF;
	_ =	strace $0x90000049  }
0xb2: {  	s29 =	simm.s32 $0x9;
	_ =	strace $0x8000004B  }
0xb3: {  	_ =	swait.ge [sflag:s29], $0x1  }
0xb4: {  	[sflag:s29] =	ssyncadd.s32 $0xFFFFFFFF  }
0xb5: {  	_ =	strace $0x9000004B  }
0xb6: {  	_ =	sfence  }
0xb7: {  	s30 =	sld [smem:$0x0];
	_ =	sdelay $0x2  }
0xb8: {  	s31 =	sshll.u32 s1, $0xD;
	s1 =	sshrl.u32 s1, $0x2  }
0xb9: {  	s3 =	sand.u32 $0x4000, s31;
	s1 =	sadd.s32 s1, s30  }
0xba: {  	s0 =	sor.u32 s3, s0;
	s1 =	sshll.u32 s1, $0x11  }
0xbb: {  	s0 =	sor.u32 s1, s0  }
0xbc: {  	s0 =	sadd.s32 $0x8F2B, s0  }
0xbd: {  	[sflag:s0] =	ssyncadd.remote.s32 $0x1  }
0xbe: {  	_ =	sfence.sel $0xFFFF  }
0xbf: {  	[dreg:$0x0] =	wrdreg $0xFFFFFFFF;
	(pc) =	sbr.abs _section_cstart, $3  }
0xc0: {  	[dreg:$0x1] =	wrdreg $0xFFFFFFFF  }
0xc1: {  	_ =	task.clear_ibuf [dreg:s6], $0x2FFFF;
	_ =	strace $0x9FFFFFFF  }
0xc2: {  	(tm) =	ssettm $0x7FFFFFFF  }
0xc3: {  	_ =	shalt  }
tec
execute0_lowered:
.L_overlay_start_1:
0x0: {  	(tag) =	ssettag $0x1  }
0x1: {  	s0 =	srdreg.scid  }
0x2: {  	s24 =	stileid.u32;
	s5 =	rddreg [dreg:$0x0]  }
0x3: {  	s19 =	simm.s32 $0x3;
	s20 =	simm.s32 $0x1C00;
	s21 =	simm.s32 $0x3800  }
0x4: {  	s22 =	simm.s32 $0x64;
	s23 =	simm.s32 $0x80;
	s28 =	simm.s32 $0x3400  }
0x5: {  	s29 =	simm.s32 $0x3480;
	s30 =	simm.s32 $0x0;
	s8 =	smul.u32 $0x14000, s24  }
0x6: {  	s1 =	sand.u32 $0x1, s0;
	s4 =	sadd.s32 $0x11400, s5;
	s9 =	smul.u32 $0x50000, s24  }
0x7: {  	s2 =	sshll.u32 s1, $0x4;
	s7 =	smul.u32 $0x140000, s1;
	s1 =	ssub.s32 $0x2, s1  }
0x8: {  	s3 =	sor.u32 s24, s2;
	s2 =	rddreg [dreg:$0x1];
	s26 =	sshrl.u32 s1, $0x1  }
0x9: {  	s31 =	sshrl.u32 s9, $0x2;
	s24 =	simm.s32 $0x6C00;
	s6 =	smul.u32 $0x380, s3  }
0xa: {  	s3 =	simm.s32 $0x0;
	s25 =	sadd.s32 s8, s7;
	s1 =	ssub.s32 s1, s26  }
0xb: {  	s26 =	simm.s32 $0x2;
	[smem:$0x7FF] =	sst s3;
	s18 =	smax.u32 s1, $0x1  }
0xc: {  	_ =	strace $0x8000004A;
	s10 =	sadd.s32 s6, s5;
	s6 =	sshrl.u32 s25, $0x3  }
0xd: {  	s25 =	simm.s32 $0x1;
	s17 =	sadd.s32 s6, s5;
	s5 =	sadd.s32 s31, s2  }
0xe: {  	s6 =	sadd.s32 $0x3400, s10;
	s7 =	sadd.s32 $0xA400, s10;
	s8 =	sadd.s32 $0x2000, s5  }
0xf: {  	s9 =	sadd.s32 $0x4000, s5;
	s10 =	sadd.s32 $0x6000, s5;
	s11 =	sadd.s32 $0x8000, s5  }
0x10: {  	s12 =	sadd.s32 $0xA000, s5;
	s13 =	sadd.s32 $0xC000, s5;
	s14 =	sadd.s32 $0xE000, s5  }
0x11: {  	v0 =	vimm.f32 $0.0e+00;
	s15 =	sadd.s32 $0x10000, s5;
	s16 =	sadd.s32 $0x12000, s5;
	s17 =	sadd.s32 $0x39400, s17  }
.LBB2_1:
0x12: {  	[tilespmem:s3], [sflag:$0x3] =	stream.linear.gather [hbm4b:s6+s3], $0x1900, $0x38;
	[tilespmem:$0x1E000] =	vst v63  }
0x13: {  	_ =	swait.ge [sflag:s19], $0x1900  }
0x14: {  	[sflag:s19] =	ssyncset.done $0x0  }
0x15: {  	[sflag:s19] =	ssyncadd.s32 $0xFFFFE700  }
0x16: {  	[tilespmem:s20], [sflag:$0x3] =	stream.linear.gather [hbm4b:s7+s3], $0x1900, $0x38;
	[tilespmem:$0x1E000] =	vst v63  }
0x17: {  	_ =	swait.ge [sflag:s19], $0x1900  }
0x18: {  	[sflag:s19] =	ssyncset.done $0x0  }
0x19: {  	s31 =	simm.s32 $0x0;
	s1 =	simm.s32 $0x200;
	[sflag:s19] =	ssyncadd.s32 $0xFFFFE700  }
.LBB2_2:
0x1a: {  	p0 =	sne.s32 s1, $0x7E00;
	[tilespmem:s31+$0x3870] =	vst v0  }
0x1b: {  	[tilespmem:s31+$0x3800] =	vst v0  }
0x1c: {  	[tilespmem:s31+$0x3810] =	vst v0  }
.Ltmp0:
0x1d: {  	[tilespmem:s31+$0x3820] =	vst v0;
	(pc) =	sbr.rel @p0 .LBB2_2-.Ltmp0, $4  }
0x1e: {  	[tilespmem:s31+$0x3830] =	vst v0  }
0x1f: {  	[tilespmem:s31+$0x3840] =	vst v0  }
0x20: {  	[tilespmem:s31+$0x3850] =	vst v0  }
0x21: {  	[tilespmem:s31+$0x3860] =	vst v0;
	s31 =	sshra.s32 s1, $0x2;
	s1 =	sadd.s32 $0x200, s1  }
0x22: {  	[tilespmem:s31+$0x3870] =	vst v0  }
0x23: {  	[tilespmem:s31+$0x3800] =	vst v0  }
0x24: {  	[tilespmem:s31+$0x3810] =	vst v0  }
0x25: {  	[tilespmem:s31+$0x3820] =	vst v0  }
0x26: {  	[tilespmem:s31+$0x3830] =	vst v0  }
0x27: {  	[tilespmem:s31+$0x3840] =	vst v0  }
0x28: {  	[tilespmem:s31+$0x3850] =	vst v0  }
0x29: {  	[tilespmem:s31+$0x3860] =	vst v0  }
0x2a: {  	[spmem:s5] =	stream.linear.scatter [tilespmem:s21], [sflag:$0x3], $0x2000, $0x38;
	[tilespmem:$0x1E000] =	vst v63  }
0x2b: {  	_ =	swait.ge [sflag:s19], $0x2000  }
0x2c: {  	[sflag:s19] =	ssyncset.done $0x0  }
0x2d: {  	[sflag:s19] =	ssyncadd.s32 $0xFFFFE000  }
0x2e: {  	[spmem:s8] =	stream.linear.scatter [tilespmem:s21], [sflag:$0x3], $0x2000, $0x38;
	[tilespmem:$0x1E000] =	vst v63  }
0x2f: {  	_ =	swait.ge [sflag:s19], $0x2000  }
0x30: {  	[sflag:s19] =	ssyncset.done $0x0  }
0x31: {  	[sflag:s19] =	ssyncadd.s32 $0xFFFFE000  }
0x32: {  	[spmem:s9] =	stream.linear.scatter [tilespmem:s21], [sflag:$0x3], $0x2000, $0x38;
	[tilespmem:$0x1E000] =	vst v63  }
0x33: {  	_ =	swait.ge [sflag:s19], $0x2000  }
0x34: {  	[sflag:s19] =	ssyncset.done $0x0  }
0x35: {  	[sflag:s19] =	ssyncadd.s32 $0xFFFFE000  }
0x36: {  	[spmem:s10] =	stream.linear.scatter [tilespmem:s21], [sflag:$0x3], $0x2000, $0x38;
	[tilespmem:$0x1E000] =	vst v63  }
0x37: {  	_ =	swait.ge [sflag:s19], $0x2000  }
0x38: {  	[sflag:s19] =	ssyncset.done $0x0  }
0x39: {  	[sflag:s19] =	ssyncadd.s32 $0xFFFFE000  }
0x3a: {  	[spmem:s11] =	stream.linear.scatter [tilespmem:s21], [sflag:$0x3], $0x2000, $0x38;
	[tilespmem:$0x1E000] =	vst v63  }
0x3b: {  	_ =	swait.ge [sflag:s19], $0x2000  }
0x3c: {  	[sflag:s19] =	ssyncset.done $0x0  }
0x3d: {  	[sflag:s19] =	ssyncadd.s32 $0xFFFFE000  }
0x3e: {  	[spmem:s12] =	stream.linear.scatter [tilespmem:s21], [sflag:$0x3], $0x2000, $0x38;
	[tilespmem:$0x1E000] =	vst v63  }
0x3f: {  	_ =	swait.ge [sflag:s19], $0x2000  }
0x40: {  	[sflag:s19] =	ssyncset.done $0x0  }
0x41: {  	[sflag:s19] =	ssyncadd.s32 $0xFFFFE000  }
0x42: {  	[spmem:s13] =	stream.linear.scatter [tilespmem:s21], [sflag:$0x3], $0x2000, $0x38;
	[tilespmem:$0x1E000] =	vst v63  }
0x43: {  	_ =	swait.ge [sflag:s19], $0x2000  }
0x44: {  	[sflag:s19] =	ssyncset.done $0x0  }
0x45: {  	[sflag:s19] =	ssyncadd.s32 $0xFFFFE000  }
0x46: {  	[spmem:s14] =	stream.linear.scatter [tilespmem:s21], [sflag:$0x3], $0x2000, $0x38;
	[tilespmem:$0x1E000] =	vst v63  }
0x47: {  	_ =	swait.ge [sflag:s19], $0x2000  }
0x48: {  	[sflag:s19] =	ssyncset.done $0x0  }
0x49: {  	[sflag:s19] =	ssyncadd.s32 $0xFFFFE000  }
0x4a: {  	[spmem:s15] =	stream.linear.scatter [tilespmem:s21], [sflag:$0x3], $0x2000, $0x38;
	[tilespmem:$0x1E000] =	vst v63  }
0x4b: {  	_ =	swait.ge [sflag:s19], $0x2000  }
0x4c: {  	[sflag:s19] =	ssyncset.done $0x0  }
0x4d: {  	[sflag:s19] =	ssyncadd.s32 $0xFFFFE000  }
0x4e: {  	[spmem:s16] =	stream.linear.scatter [tilespmem:s21], [sflag:$0x3], $0x2000, $0x38;
	[tilespmem:$0x1E000] =	vst v63  }
0x4f: {  	_ =	swait.ge [sflag:s19], $0x2000  }
0x50: {  	[sflag:s19] =	ssyncset.done $0x0  }
0x51: {  	s1 =	simm.s32 $0x0;
	[sflag:s19] =	ssyncadd.s32 $0xFFFFE000  }
0x52: {  	[tilespmem:s21], [sflag:$0x1] =	stream.indirect.gather [hbm4b:s4+s22], $0x80, s1, s22, $0xb8;
	[tilespmem:$0x1E000] =	vst v63  }
0x53: {  	_ = 	snop  }
0x54: {  	[tilespmem:s24], [sflag:$0x2] =	stream.indirect.gather [hbm4b:s4+s22], $0x80, s23, s22, $0xb8;
	[tilespmem:$0x1E000] =	vst v63  }
0x55: {  	[bflag:$0x0] =	sbarrier.arrive $0xFFFF  }
0x56: {  	_ =	swait.ge [sflag:s25], $0x3200  }
0x57: {  	[sflag:s25] =	ssyncset.done $0x0  }
0x58: {  	s0 =	simm.s32 $0x1C00;
	[sflag:s25] =	ssyncadd.s32 $0xFFFFCE00  }
0x59: {  	[spmem:s2] =	stream.indirect.scatter.add.f32 [tilespmem:s21], [sflag:$0x3], $0x80, s0, s22, $0xb8;
	[tilespmem:$0x1E000] =	vst v63  }
0x5a: {  	_ =	swait.ge [sflag:s19], $0x3200  }
0x5b: {  	[sflag:s19] =	ssyncset.done $0x0  }
0x5c: {  	s0 =	simm.s32 $0x100;
	[sflag:s19] =	ssyncadd.s32 $0xFFFFCE00  }
0x5d: {  	[tilespmem:s21], [sflag:$0x1] =	stream.indirect.gather [hbm4b:s4+s22], $0x80, s0, s22, $0xb8;
	[tilespmem:$0x1E000] =	vst v63  }
0x5e: {  	_ =	swait.ge [sflag:s26], $0x3200  }
0x5f: {  	[sflag:s26] =	ssyncset.done $0x0  }
0x60: {  	s0 =	simm.s32 $0x1C80;
	[sflag:s26] =	ssyncadd.s32 $0xFFFFCE00  }
0x61: {  	[spmem:s2] =	stream.indirect.scatter.add.f32 [tilespmem:s24], [sflag:$0x3], $0x80, s0, s22, $0xb8;
	[tilespmem:$0x1E000] =	vst v63  }
0x62: {  	_ =	swait.ge [sflag:s19], $0x3200  }
0x63: {  	[sflag:s19] =	ssyncset.done $0x0  }
0x64: {  	s31 =	simm.s32 $0x400;
	s1 =	simm.s32 $0x180;
	[sflag:s19] =	ssyncadd.s32 $0xFFFFCE00  }
.LBB2_4:
0x65: {  	[tilespmem:s24], [sflag:$0x2] =	stream.indirect.gather [hbm4b:s4+s22], $0x80, s1, s22, $0xb8;
	[tilespmem:$0x1E000] =	vst v63  }
0x66: {  	s1 =	smov.u32 s31  }
0x67: {  	p0 =	sne.s32 s31, $0x5C00;
	s31 =	sadd.s32 $0x400, s31;
	_ =	swait.ge [sflag:s25], $0x3200  }
0x68: {  	s1 =	sshra.s32 s1, $0x2;
	[sflag:s25] =	ssyncset.done $0x0  }
0x69: {  	s0 =	sadd.s32 $0x1C00, s1;
	[sflag:s25] =	ssyncadd.s32 $0xFFFFCE00  }
0x6a: {  	[spmem:s2] =	stream.indirect.scatter.add.f32 [tilespmem:s21], [sflag:$0x3], $0x80, s0, s22, $0xb8;
	[tilespmem:$0x1E000] =	vst v63  }
0x6b: {  	_ =	swait.ge [sflag:s19], $0x3200  }
0x6c: {  	[sflag:s19] =	ssyncset.done $0x0  }
0x6d: {  	s0 =	sadd.s32 $0x100, s1;
	[sflag:s19] =	ssyncadd.s32 $0xFFFFCE00  }
0x6e: {  	[tilespmem:s21], [sflag:$0x1] =	stream.indirect.gather [hbm4b:s4+s22], $0x80, s0, s22, $0xb8;
	[tilespmem:$0x1E000] =	vst v63  }
0x6f: {  	_ =	swait.ge [sflag:s26], $0x3200  }
0x70: {  	[sflag:s26] =	ssyncset.done $0x0  }
.Ltmp1:
0x71: {  	s0 =	sadd.s32 $0x1C80, s1;
	[sflag:s26] =	ssyncadd.s32 $0xFFFFCE00;
	(pc) =	sbr.rel @p0 .LBB2_4-.Ltmp1, $4  }
0x72: {  	[spmem:s2] =	stream.indirect.scatter.add.f32 [tilespmem:s24], [sflag:$0x3], $0x80, s0, s22, $0xb8;
	[tilespmem:$0x1E000] =	vst v63  }
0x73: {  	_ =	swait.ge [sflag:s19], $0x3200  }
0x74: {  	[sflag:s19] =	ssyncset.done $0x0  }
0x75: {  	s1 =	sadd.s32 $0x180, s1;
	[sflag:s19] =	ssyncadd.s32 $0xFFFFCE00  }
0x76: {  	[tilespmem:s24], [sflag:$0x2] =	stream.indirect.gather [hbm4b:s4+s22], $0x80, s1, s22, $0xb8;
	[tilespmem:$0x1E000] =	vst v63  }
0x77: {  	_ =	swait.ge [sflag:s25], $0x3200  }
0x78: {  	[sflag:s25] =	ssyncset.done $0x0  }
0x79: {  	[sflag:s25] =	ssyncadd.s32 $0xFFFFCE00  }
0x7a: {  	[spmem:s2] =	stream.indirect.scatter.add.f32 [tilespmem:s21], [sflag:$0x3], $0x80, s28, s22, $0xb8;
	[tilespmem:$0x1E000] =	vst v63  }
0x7b: {  	_ =	swait.ge [sflag:s19], $0x3200  }
0x7c: {  	[sflag:s19] =	ssyncset.done $0x0  }
0x7d: {  	[sflag:s19] =	ssyncadd.s32 $0xFFFFCE00  }
0x7e: {  	_ =	swait.ge [sflag:s26], $0x3200  }
0x7f: {  	[sflag:s26] =	ssyncset.done $0x0  }
0x80: {  	[sflag:s26] =	ssyncadd.s32 $0xFFFFCE00  }
0x81: {  	[spmem:s2] =	stream.indirect.scatter.add.f32 [tilespmem:s24], [sflag:$0x3], $0x80, s29, s22, $0xb8;
	[tilespmem:$0x1E000] =	vst v63  }
0x82: {  	s0 =	stileid.u32;
	_ =	swait.ge [sflag:s19], $0x3200  }
0x83: {  	s31 =	sshrl.u32 s5, $0x3;
	s30 =	sadd.s32 $0x1, s30;
	[sflag:s19] =	ssyncset.done $0x0  }
0x84: {  	s0 =	sshll.u32 s0, $0x6;
	p0 =	sne.s32 s30, s18;
	[sflag:s19] =	ssyncadd.s32 $0xFFFFCE00  }
.Ltmp2:
0x85: {  	s0 =	sor.u32 $0x1C03, s0;
	[bflag:$0x0] =	sbarrier.arrive $0xFFFF;
	(pc) =	sbr.rel @p0 .LBB2_1-.Ltmp2, $4  }
0x86: {  	[hbm:s17], [sflag:s0] =	dma.local [spmem:s31], $0x2800  }
0x87: {  	_ =	swait.ge [sflag:s19], $0x2800  }
0x88: {  	[sflag:s19] =	ssyncset.done $0x0  }
0x89: {  	[sflag:s19] =	ssyncadd.s32 $0xFFFFD800  }
0x8a: {  	_ =	sfence.sel $0x180000  }
0x8b: {  	[bflag:$0x0] =	sbarrier.arrive $0xFFFF  }
0x8c: {  	_ =	strace $0x9000004A  }
0x8d: {  	s0 =	stileid.u32;
	[bflag:$0x2] =	sbarrier.arrive $0xFFFF  }
0x8e: {  	p0 =	sne.s32 s0, $0x0;
	s0 =	rddreg [dreg:$0x2]  }
0x8f: {  	s0 =	sadd.s32 @!p0 $0x100000, s0  }
0x90: {  	[sflag:s0] =	ssyncadd.tile.s32 @!p0 $0x1;
	_ =	shalt  }
.Lfunc_end2:
_tile_overlayer_lowered:
.L_overlay_start_2:
0x91: {  	(tag) =	ssettag $0x2  }
0x92: {  	s0 =	rddreg [dreg:$0x0];
	s2 =	stileid.u32  }
0x93: {  	s1 =	rddreg [dreg:$0x1];
	p0 =	sne.s32 s2, $0x0  }
0x94: {  	s3 =	rddreg [dreg:$0x2];
	[bflag:$0x3] =	sbarrier.arrive $0xFFFF;
	s2 =	simm.s32 @!p0 $0x1C03  }
0x95: {  	[timem:s3], [sflag:s2] =	dma.local @!p0 [hbm:s0], s1  }
0x96: {  	s0 =	simm.s32 @!p0 $0x3  }
0x97: {  	_ =	swait.ge @!p0 [sflag:s0], s1  }
0x98: {  	s1 =	ssub.s32 @!p0 $0x0, s1;
	[sflag:s0] =	ssyncset.done @!p0 $0x0  }
0x99: {  	[sflag:s0] =	ssyncadd.s32 @!p0 s1  }
0x9a: {  	[bflag:$0x3] =	sbarrier.arrive $0xFFFF  }
0x9b: {  	_ =	shalt  }

// kernel: kernel.15.cloned.1.call-start
scs
__scs_entry_jumppad:
0x0: {  	(pc) =	sbr.rel $0x88, $3  }
0x1: {  	(tag) =	ssettag $0x0;
	lr =	simm.s32 $0x1  }
0x2: {  	[smem:$0x3F8E] =	sst lr;
	_ =	strace $0xD0000000  }
0x3: {  	_ = 	snop  }
0x4: {  	_ = 	snop  }
0x5: {  	_ = 	snop  }
0x6: {  	_ = 	snop  }
0x7: {  	_ = 	snop  }
__scs_overlays_trampoline_lowered:
0x8: {  	[smem:$0x3F9D] =	sst s0  }
0x9: {  	[smem:$0x3F9E] =	sst s1  }
0xa: {  	[smem:$0x3F9F] =	sst s2  }
0xb: {  	[smem:$0x3FA0] =	sst s3  }
0xc: {  	[smem:$0x3FA1] =	sst s4  }
0xd: {  	[smem:$0x3FA2] =	sst s5  }
0xe: {  	[smem:$0x3FA3] =	sst s6  }
0xf: {  	[smem:$0x3FA4] =	sst s7  }
0x10: {  	[smem:$0x3FA5] =	sst s8  }
0x11: {  	[smem:$0x3FA6] =	sst s9;
	s0 =	simm.s32 @!p0 $0x0  }
0x12: {  	s1 =	sld [smem:$0x3F8C];
	s0 =	simm.s32 @p0 $0x1  }
0x13: {  	[smem:$0x3FA7] =	sst s0;
	s0 =	simm.s32 @!p1 $0x0  }
0x14: {  	s2 =	sld [smem:$0x3F8B];
	s0 =	simm.s32 @p1 $0x1  }
0x15: {  	[smem:$0x3FA8] =	sst s0;
	s0 =	simm.s32 @!p2 $0x0  }
0x16: {  	s3 =	sld [smem:$0x3FDB];
	s0 =	simm.s32 @p2 $0x1  }
0x17: {  	s4 =	simm.s32 $0x1BF5;
	[smem:$0x3FAA] =	sst s0  }
0x18: {  	s0 =	sld [smem:$0x3F8D];
	_ =	swait.ge [sflag:s4], $0x0  }
0x19: {  	s7 =	sld [smem:$0x3F8E]  }
0x1a: {  	s8 =	sadd.s32 $0xFFFFE003, lr  }
0x1b: {  	s9 =	sadd.s32 $0xFFFFFEF7, lr;
	s5 =	simm.s32 $0xFFFFFFFF;
	p2 =	slt.u32 s8, $0xFFFFF086  }
0x1c: {  	p1 =	slt.u32 s9, $0xF7A;
	s5 =	simm.s32 @!p2 $0x0  }
0x1d: {  	s5 =	simm.s32 @p1 $0x1;
	p0 =	seq.s32 s7, s2  }
0x1e: {  	s7 =	smul.u32 @!p0 $0xF7A, s2;
	p2 =	seq.s32 @!p0 s5, $0x0  }
0x1f: {  	s9 =	smul.u32 $0xF7A, s1;
	s8 =	simm.s32 @!p0 $0x1BF5;
	p2 =	por !p2, p0  }
0x20: {  	[sflag:s8] =	ssyncset.s32 @!p0 $0xFFFFF086;
	s6 =	sadd.s32 @!p0 s3, s7;
	s7 =	simm.s32 @!p0 $0x108  }
0x21: {  	s3 =	sadd.s32 s3, s9;
	s6 =	sadd.s32 @!p0 $0x88, s6;
	s7 =	simm.s32 @p2 $0x1082  }
0x22: {  	[simem:s7], [sflag:s8] =	dma.local @!p0 [hbm:s6], $0xF7A  }
0x23: {  	s9 =	sor.u32 $0xD0000000, s2;
	s6 =	simm.s32 $0x108;
	_ =	swait.ge @!p0 [sflag:s8], $0x0  }
0x24: {  	s3 =	sadd.s32 $0x88, s3;
	s6 =	simm.s32 @!p1 $0x1082;
	[sflag:s4] =	ssyncset.s32 $0xFFFFF086  }
0x25: {  	[simem:s6], [sflag:s4] =	dma.local [hbm:s3], $0xF7A  }
0x26: {  	[smem:$0x3F8E] =	sst s1;
	(tag) =	ssettag s2;
	_ =	strace s9  }
0x27: {  	s1 =	sld [smem:$0x3F9E]  }
0x28: {  	s2 =	sld [smem:$0x3F9F]  }
0x29: {  	s4 =	sld [smem:$0x3FA1]  }
0x2a: {  	p0 =	seq.s32 s5, $0x0;
	s5 =	sld [smem:$0x3FA2]  }
0x2b: {  	s6 =	sld [smem:$0x3FA3]  }
0x2c: {  	s7 =	sld [smem:$0x3FA4]  }
0x2d: {  	s3 =	simm.s32 $0x108;
	s8 =	sld [smem:$0x3FA5]  }
0x2e: {  	s3 =	simm.s32 @!p0 $0x1082;
	s9 =	sld [smem:$0x3FA6]  }
0x2f: {  	lr =	sadd.s32 s0, s3;
	s0 =	sld [smem:$0x3F9D]  }
0x30: {  	s3 =	sld [smem:$0x3FA0]  }
0x31: {  	[smem:$0x3FA9] =	sst s10  }
0x32: {  	s10 =	sld [smem:$0x3FA7];
	_ =	sdelay $0x3  }
0x33: {  	p0 =	seq.s32 s10, $0x1;
	s10 =	sld [smem:$0x3FA9];
	_ =	sdelay $0x3  }
0x34: {  	[smem:$0x3FA9] =	sst s10  }
0x35: {  	s10 =	sld [smem:$0x3FA8];
	_ =	sdelay $0x3  }
0x36: {  	p1 =	seq.s32 s10, $0x1;
	s10 =	sld [smem:$0x3FA9];
	_ =	sdelay $0x3  }
0x37: {  	[smem:$0x3FA9] =	sst s10  }
0x38: {  	s10 =	sld [smem:$0x3FAA]  }
0x39: {  	_ = 	snop;
	(pc) =	sbr.ind lr, $3  }
0x3a: {  	_ = 	snop  }
0x3b: {  	_ = 	snop  }
0x3c: {  	p2 =	seq.s32 s10, $0x1;
	s10 =	sld [smem:$0x3FA9]  }
0x3d: {  	_ =	shalt  }
0x3e: {  	_ =	shalt  }
0x3f: {  	_ =	shalt  }
0x40: {  	_ =	shalt  }
0x41: {  	_ =	shalt  }
0x42: {  	_ =	shalt  }
0x43: {  	_ =	shalt  }
0x44: {  	_ =	shalt  }
0x45: {  	_ =	shalt  }
0x46: {  	_ =	shalt  }
0x47: {  	_ =	shalt  }
0x48: {  	_ =	shalt  }
0x49: {  	_ =	shalt  }
0x4a: {  	_ =	shalt  }
0x4b: {  	_ =	shalt  }
0x4c: {  	_ =	shalt  }
0x4d: {  	_ =	shalt  }
0x4e: {  	_ =	shalt  }
0x4f: {  	_ =	shalt  }
0x50: {  	_ =	shalt  }
0x51: {  	_ =	shalt  }
0x52: {  	_ =	shalt  }
0x53: {  	_ =	shalt  }
0x54: {  	_ =	shalt  }
0x55: {  	_ =	shalt  }
0x56: {  	_ =	shalt  }
0x57: {  	_ =	shalt  }
0x58: {  	_ =	shalt  }
0x59: {  	_ =	shalt  }
0x5a: {  	_ =	shalt  }
0x5b: {  	_ =	shalt  }
0x5c: {  	_ =	shalt  }
0x5d: {  	_ =	shalt  }
0x5e: {  	_ =	shalt  }
0x5f: {  	_ =	shalt  }
0x60: {  	_ =	shalt  }
0x61: {  	_ =	shalt  }
0x62: {  	_ =	shalt  }
0x63: {  	_ =	shalt  }
0x64: {  	_ =	shalt  }
0x65: {  	_ =	shalt  }
0x66: {  	_ =	shalt  }
0x67: {  	_ =	shalt  }
0x68: {  	_ =	shalt  }
0x69: {  	_ =	shalt  }
0x6a: {  	_ =	shalt  }
0x6b: {  	_ =	shalt  }
0x6c: {  	_ =	shalt  }
0x6d: {  	_ =	shalt  }
0x6e: {  	_ =	shalt  }
0x6f: {  	_ =	shalt  }
0x70: {  	_ =	shalt  }
0x71: {  	_ =	shalt  }
0x72: {  	_ =	shalt  }
0x73: {  	_ =	shalt  }
0x74: {  	_ =	shalt  }
0x75: {  	_ =	shalt  }
0x76: {  	_ =	shalt  }
0x77: {  	_ =	shalt  }
0x78: {  	_ =	shalt  }
0x79: {  	_ =	shalt  }
0x7a: {  	_ =	shalt  }
0x7b: {  	_ =	shalt  }
0x7c: {  	_ =	shalt  }
0x7d: {  	_ =	shalt  }
0x7e: {  	_ =	shalt  }
0x7f: {  	_ =	shalt  }
0x80: {  	_ =	shalt  }
0x81: {  	_ =	shalt  }
0x82: {  	_ =	shalt  }
0x83: {  	_ =	shalt  }
0x84: {  	_ =	shalt  }
0x85: {  	_ =	shalt  }
0x86: {  	_ =	shalt  }
0x87: {  	_ =	shalt  }
.Lfunc_end0:
.L_simem_size_0:
called_computation.2_lowered:
.L_overlay_start_0:
0x88: {  	s2 =	sld [smem:$0x3FD9]  }
0x89: {  	s3 =	sld [smem:$0x3FFE];
	_ =	sdelay $0x1  }
0x8a: {  	s1 =	srdreg.scid  }
0x8b: {  	s0 =	sand.u32 $0x1, s1  }
0x8c: {  	s16 =	sshll.u32 s0, $0xA;
	s2 =	sadd.s32 s3, s2  }
0x8d: {  	s2 =	sadd.s32 s2, s16  }
0x8e: {  	[smem:$0x3FB5] =	sst s2  }
0x8f: {  	_ = 	snop  }
0x90: {  	(tm) =	ssettm $0x1  }
0x91: {  	s17 =	sld [smem:$0x3FFB];
	_ =	sdelay $0x3  }
0x92: {  	_ =	strace s17  }
0x93: {  	s2 =	sld [smem:$0x3FFC];
	_ =	sdelay $0x3  }
0x94: {  	_ =	strace s2  }
0x95: {  	s2 =	sld [smem:$0x3FFD];
	_ =	sdelay $0x3  }
0x96: {  	_ =	strace s2  }
0x97: {  	_ =	strace $0x8FFFFFFF  }
0x98: {  	s18 =	sld [smem:$0x3FDB];
	_ =	sdelay $0x1  }
0x99: {  	s19 =	simm.s32 $_scs_section_size  }
0x9a: {  	s4 =	simm.s32 $_size__tile_overlayer_lowered;
	s5 =	simm.s32 $_tile_overlayer_lowered  }
0x9b: {  	s22 =	simm.s32 $0x1BFF;
	s21 =	sshll.u32 s5, $0x1;
	s2 =	sadd.s32 s19, s18  }
0x9c: {  	s6 =	simm.s32 $0x0;
	s20 =	sshll.u32 s4, $0x1;
	s4 =	sadd.s32 s21, s2  }
0x9d: {  	[timem:s6], [sflag:s22] =	dma.local [hbm:s4], s20  }
0x9e: {  	_ =	swait.ge [sflag:s22], s20  }
0x9f: {  	s3 =	ssub.s32 $0x0, s20;
	[sflag:s22] =	ssyncset.done $0x0  }
0xa0: {  	[sflag:s22] =	ssyncadd.s32 s3;
	_ =	sdelay $0x1  }
0xa1: {  	s23 =	simm.s32 $0x1B8B  }
0xa2: {  	_ =	swait.ge [sflag:s23], $0x1  }
0xa3: {  	[sflag:s23] =	ssyncset.done $0x0  }
0xa4: {  	s25 =	simm.s32 $0x1B8E;
	s24 =	sld [smem:$0x3FFE];
	[sflag:s23] =	ssyncadd.s32 $0xFFFFFFFF  }
0xa5: {  	s26 =	simm.s32 $execute0_lowered;
	[smem:$0x3FD2] =	sst s25  }
0xa6: {  	s4 =	sshll.u32 s26, $0x1;
	_ =	strace $0x8000004C;
	[dreg:$0x1] =	wrdreg $0xFFFFFFFF  }
0xa7: {  	s28 =	simm.s32 $_size_execute0_lowered;
	s2 =	sadd.s32 s2, s4;
	[dreg:$0x0] =	wrdreg $0x0  }
0xa8: {  	s4 =	sshll.u32 s28, $0x1;
	[dreg:$0x2] =	wrdreg s2  }
0xa9: {  	[dreg:$0x3] =	wrdreg s4  }
0xaa: {  	[dreg:$0x4] =	wrdreg $0xC0  }
0xab: {  	_ =	task [dreg:s6], $0x5FFFF  }
0xac: {  	[dreg:$0x1] =	wrdreg $0xFFFFFFFF  }
0xad: {  	[dreg:$0x0] =	wrdreg $0x60  }
0xae: {  	[dreg:$0x2] =	wrdreg s24  }
0xaf: {  	[dreg:$0x3] =	wrdreg $0xA0000  }
0xb0: {  	[dreg:$0x4] =	wrdreg $0x9  }
0xb1: {  	_ =	task.clear_ibuf [dreg:s6], $0x5FFFF;
	_ =	strace $0x9000004C  }
0xb2: {  	s29 =	simm.s32 $0x9;
	_ =	strace $0x8000004E  }
0xb3: {  	_ =	swait.ge [sflag:s29], $0x1  }
0xb4: {  	[sflag:s29] =	ssyncadd.s32 $0xFFFFFFFF  }
0xb5: {  	_ =	strace $0x9000004E  }
0xb6: {  	_ =	sfence  }
0xb7: {  	s30 =	sld [smem:$0x0];
	_ =	sdelay $0x2  }
0xb8: {  	s31 =	sshll.u32 s1, $0xD;
	s1 =	sshrl.u32 s1, $0x2  }
0xb9: {  	s3 =	sand.u32 $0x4000, s31;
	s1 =	sadd.s32 s1, s30  }
0xba: {  	s0 =	sor.u32 s3, s0;
	s1 =	sshll.u32 s1, $0x11  }
0xbb: {  	s0 =	sor.u32 s1, s0  }
0xbc: {  	s0 =	sadd.s32 $0x8F2B, s0  }
0xbd: {  	[sflag:s0] =	ssyncadd.remote.s32 $0x1  }
0xbe: {  	_ =	sfence.sel $0xFFFF  }
0xbf: {  	[dreg:$0x0] =	wrdreg $0xFFFFFFFF;
	(pc) =	sbr.abs _section_cstart, $3  }
0xc0: {  	[dreg:$0x1] =	wrdreg $0xFFFFFFFF  }
0xc1: {  	_ =	task.clear_ibuf [dreg:s6], $0x2FFFF;
	_ =	strace $0x9FFFFFFF  }
0xc2: {  	(tm) =	ssettm $0x7FFFFFFF  }
0xc3: {  	_ =	shalt  }
tec
execute0_lowered:
.L_overlay_start_1:
0x0: {  	(tag) =	ssettag $0x1  }
0x1: {  	s0 =	srdreg.scid  }
0x2: {  	s24 =	stileid.u32;
	s5 =	rddreg [dreg:$0x0]  }
0x3: {  	s19 =	simm.s32 $0x3;
	s20 =	simm.s32 $0x1C00;
	s21 =	simm.s32 $0x3800  }
0x4: {  	s22 =	simm.s32 $0x64;
	s23 =	simm.s32 $0x80;
	s28 =	simm.s32 $0x3400  }
0x5: {  	s29 =	simm.s32 $0x3480;
	s30 =	simm.s32 $0x0;
	s8 =	smul.u32 $0x14000, s24  }
0x6: {  	s1 =	sand.u32 $0x1, s0;
	s4 =	sadd.s32 $0x11400, s5;
	s9 =	smul.u32 $0x50000, s24  }
0x7: {  	s2 =	sshll.u32 s1, $0x4;
	s7 =	smul.u32 $0x140000, s1;
	s1 =	ssub.s32 $0x2, s1  }
0x8: {  	s3 =	sor.u32 s24, s2;
	s2 =	rddreg [dreg:$0x1];
	s26 =	sshrl.u32 s1, $0x1  }
0x9: {  	s31 =	sshrl.u32 s9, $0x2;
	s24 =	simm.s32 $0x6C00;
	s6 =	smul.u32 $0x380, s3  }
0xa: {  	s3 =	simm.s32 $0x0;
	s25 =	sadd.s32 s8, s7;
	s1 =	ssub.s32 s1, s26  }
0xb: {  	s26 =	simm.s32 $0x2;
	[smem:$0x7FF] =	sst s3;
	s18 =	smax.u32 s1, $0x1  }
0xc: {  	_ =	strace $0x8000004D;
	s10 =	sadd.s32 s6, s5;
	s6 =	sshrl.u32 s25, $0x3  }
0xd: {  	s25 =	simm.s32 $0x1;
	s17 =	sadd.s32 s6, s5;
	s5 =	sadd.s32 s31, s2  }
0xe: {  	s6 =	sadd.s32 $0x3400, s10;
	s7 =	sadd.s32 $0xA400, s10;
	s8 =	sadd.s32 $0x2000, s5  }
0xf: {  	s9 =	sadd.s32 $0x4000, s5;
	s10 =	sadd.s32 $0x6000, s5;
	s11 =	sadd.s32 $0x8000, s5  }
0x10: {  	s12 =	sadd.s32 $0xA000, s5;
	s13 =	sadd.s32 $0xC000, s5;
	s14 =	sadd.s32 $0xE000, s5  }
0x11: {  	v0 =	vimm.f32 $0.0e+00;
	s15 =	sadd.s32 $0x10000, s5;
	s16 =	sadd.s32 $0x12000, s5;
	s17 =	sadd.s32 $0x39400, s17  }
.LBB2_1:
0x12: {  	[tilespmem:s3], [sflag:$0x3] =	stream.linear.gather [hbm4b:s6+s3], $0x1900, $0x38;
	[tilespmem:$0x1E000] =	vst v63  }
0x13: {  	_ =	swait.ge [sflag:s19], $0x1900  }
0x14: {  	[sflag:s19] =	ssyncset.done $0x0  }
0x15: {  	[sflag:s19] =	ssyncadd.s32 $0xFFFFE700  }
0x16: {  	[tilespmem:s20], [sflag:$0x3] =	stream.linear.gather [hbm4b:s7+s3], $0x1900, $0x38;
	[tilespmem:$0x1E000] =	vst v63  }
0x17: {  	_ =	swait.ge [sflag:s19], $0x1900  }
0x18: {  	[sflag:s19] =	ssyncset.done $0x0  }
0x19: {  	s31 =	simm.s32 $0x0;
	s1 =	simm.s32 $0x200;
	[sflag:s19] =	ssyncadd.s32 $0xFFFFE700  }
.LBB2_2:
0x1a: {  	p0 =	sne.s32 s1, $0x7E00;
	[tilespmem:s31+$0x3870] =	vst v0  }
0x1b: {  	[tilespmem:s31+$0x3800] =	vst v0  }
0x1c: {  	[tilespmem:s31+$0x3810] =	vst v0  }
.Ltmp0:
0x1d: {  	[tilespmem:s31+$0x3820] =	vst v0;
	(pc) =	sbr.rel @p0 .LBB2_2-.Ltmp0, $4  }
0x1e: {  	[tilespmem:s31+$0x3830] =	vst v0  }
0x1f: {  	[tilespmem:s31+$0x3840] =	vst v0  }
0x20: {  	[tilespmem:s31+$0x3850] =	vst v0  }
0x21: {  	[tilespmem:s31+$0x3860] =	vst v0;
	s31 =	sshra.s32 s1, $0x2;
	s1 =	sadd.s32 $0x200, s1  }
0x22: {  	[tilespmem:s31+$0x3870] =	vst v0  }
0x23: {  	[tilespmem:s31+$0x3800] =	vst v0  }
0x24: {  	[tilespmem:s31+$0x3810] =	vst v0  }
0x25: {  	[tilespmem:s31+$0x3820] =	vst v0  }
0x26: {  	[tilespmem:s31+$0x3830] =	vst v0  }
0x27: {  	[tilespmem:s31+$0x3840] =	vst v0  }
0x28: {  	[tilespmem:s31+$0x3850] =	vst v0  }
0x29: {  	[tilespmem:s31+$0x3860] =	vst v0  }
0x2a: {  	[spmem:s5] =	stream.linear.scatter [tilespmem:s21], [sflag:$0x3], $0x2000, $0x38;
	[tilespmem:$0x1E000] =	vst v63  }
0x2b: {  	_ =	swait.ge [sflag:s19], $0x2000  }
0x2c: {  	[sflag:s19] =	ssyncset.done $0x0  }
0x2d: {  	[sflag:s19] =	ssyncadd.s32 $0xFFFFE000  }
0x2e: {  	[spmem:s8] =	stream.linear.scatter [tilespmem:s21], [sflag:$0x3], $0x2000, $0x38;
	[tilespmem:$0x1E000] =	vst v63  }
0x2f: {  	_ =	swait.ge [sflag:s19], $0x2000  }
0x30: {  	[sflag:s19] =	ssyncset.done $0x0  }
0x31: {  	[sflag:s19] =	ssyncadd.s32 $0xFFFFE000  }
0x32: {  	[spmem:s9] =	stream.linear.scatter [tilespmem:s21], [sflag:$0x3], $0x2000, $0x38;
	[tilespmem:$0x1E000] =	vst v63  }
0x33: {  	_ =	swait.ge [sflag:s19], $0x2000  }
0x34: {  	[sflag:s19] =	ssyncset.done $0x0  }
0x35: {  	[sflag:s19] =	ssyncadd.s32 $0xFFFFE000  }
0x36: {  	[spmem:s10] =	stream.linear.scatter [tilespmem:s21], [sflag:$0x3], $0x2000, $0x38;
	[tilespmem:$0x1E000] =	vst v63  }
0x37: {  	_ =	swait.ge [sflag:s19], $0x2000  }
0x38: {  	[sflag:s19] =	ssyncset.done $0x0  }
0x39: {  	[sflag:s19] =	ssyncadd.s32 $0xFFFFE000  }
0x3a: {  	[spmem:s11] =	stream.linear.scatter [tilespmem:s21], [sflag:$0x3], $0x2000, $0x38;
	[tilespmem:$0x1E000] =	vst v63  }
0x3b: {  	_ =	swait.ge [sflag:s19], $0x2000  }
0x3c: {  	[sflag:s19] =	ssyncset.done $0x0  }
0x3d: {  	[sflag:s19] =	ssyncadd.s32 $0xFFFFE000  }
0x3e: {  	[spmem:s12] =	stream.linear.scatter [tilespmem:s21], [sflag:$0x3], $0x2000, $0x38;
	[tilespmem:$0x1E000] =	vst v63  }
0x3f: {  	_ =	swait.ge [sflag:s19], $0x2000  }
0x40: {  	[sflag:s19] =	ssyncset.done $0x0  }
0x41: {  	[sflag:s19] =	ssyncadd.s32 $0xFFFFE000  }
0x42: {  	[spmem:s13] =	stream.linear.scatter [tilespmem:s21], [sflag:$0x3], $0x2000, $0x38;
	[tilespmem:$0x1E000] =	vst v63  }
0x43: {  	_ =	swait.ge [sflag:s19], $0x2000  }
0x44: {  	[sflag:s19] =	ssyncset.done $0x0  }
0x45: {  	[sflag:s19] =	ssyncadd.s32 $0xFFFFE000  }
0x46: {  	[spmem:s14] =	stream.linear.scatter [tilespmem:s21], [sflag:$0x3], $0x2000, $0x38;
	[tilespmem:$0x1E000] =	vst v63  }
0x47: {  	_ =	swait.ge [sflag:s19], $0x2000  }
0x48: {  	[sflag:s19] =	ssyncset.done $0x0  }
0x49: {  	[sflag:s19] =	ssyncadd.s32 $0xFFFFE000  }
0x4a: {  	[spmem:s15] =	stream.linear.scatter [tilespmem:s21], [sflag:$0x3], $0x2000, $0x38;
	[tilespmem:$0x1E000] =	vst v63  }
0x4b: {  	_ =	swait.ge [sflag:s19], $0x2000  }
0x4c: {  	[sflag:s19] =	ssyncset.done $0x0  }
0x4d: {  	[sflag:s19] =	ssyncadd.s32 $0xFFFFE000  }
0x4e: {  	[spmem:s16] =	stream.linear.scatter [tilespmem:s21], [sflag:$0x3], $0x2000, $0x38;
	[tilespmem:$0x1E000] =	vst v63  }
0x4f: {  	_ =	swait.ge [sflag:s19], $0x2000  }
0x50: {  	[sflag:s19] =	ssyncset.done $0x0  }
0x51: {  	s1 =	simm.s32 $0x0;
	[sflag:s19] =	ssyncadd.s32 $0xFFFFE000  }
0x52: {  	[tilespmem:s21], [sflag:$0x1] =	stream.indirect.gather [hbm4b:s4+s22], $0x80, s1, s22, $0xb8;
	[tilespmem:$0x1E000] =	vst v63  }
0x53: {  	_ = 	snop  }
0x54: {  	[tilespmem:s24], [sflag:$0x2] =	stream.indirect.gather [hbm4b:s4+s22], $0x80, s23, s22, $0xb8;
	[tilespmem:$0x1E000] =	vst v63  }
0x55: {  	[bflag:$0x0] =	sbarrier.arrive $0xFFFF  }
0x56: {  	_ =	swait.ge [sflag:s25], $0x3200  }
0x57: {  	[sflag:s25] =	ssyncset.done $0x0  }
0x58: {  	s0 =	simm.s32 $0x1C00;
	[sflag:s25] =	ssyncadd.s32 $0xFFFFCE00  }
0x59: {  	[spmem:s2] =	stream.indirect.scatter.add.f32 [tilespmem:s21], [sflag:$0x3], $0x80, s0, s22, $0xb8;
	[tilespmem:$0x1E000] =	vst v63  }
0x5a: {  	_ =	swait.ge [sflag:s19], $0x3200  }
0x5b: {  	[sflag:s19] =	ssyncset.done $0x0  }
0x5c: {  	s0 =	simm.s32 $0x100;
	[sflag:s19] =	ssyncadd.s32 $0xFFFFCE00  }
0x5d: {  	[tilespmem:s21], [sflag:$0x1] =	stream.indirect.gather [hbm4b:s4+s22], $0x80, s0, s22, $0xb8;
	[tilespmem:$0x1E000] =	vst v63  }
0x5e: {  	_ =	swait.ge [sflag:s26], $0x3200  }
0x5f: {  	[sflag:s26] =	ssyncset.done $0x0  }
0x60: {  	s0 =	simm.s32 $0x1C80;
	[sflag:s26] =	ssyncadd.s32 $0xFFFFCE00  }
0x61: {  	[spmem:s2] =	stream.indirect.scatter.add.f32 [tilespmem:s24], [sflag:$0x3], $0x80, s0, s22, $0xb8;
	[tilespmem:$0x1E000] =	vst v63  }
0x62: {  	_ =	swait.ge [sflag:s19], $0x3200  }
0x63: {  	[sflag:s19] =	ssyncset.done $0x0  }
0x64: {  	s31 =	simm.s32 $0x400;
	s1 =	simm.s32 $0x180;
	[sflag:s19] =	ssyncadd.s32 $0xFFFFCE00  }
.LBB2_4:
0x65: {  	[tilespmem:s24], [sflag:$0x2] =	stream.indirect.gather [hbm4b:s4+s22], $0x80, s1, s22, $0xb8;
	[tilespmem:$0x1E000] =	vst v63  }
0x66: {  	s1 =	smov.u32 s31  }
0x67: {  	p0 =	sne.s32 s31, $0x5C00;
	s31 =	sadd.s32 $0x400, s31;
	_ =	swait.ge [sflag:s25], $0x3200  }
0x68: {  	s1 =	sshra.s32 s1, $0x2;
	[sflag:s25] =	ssyncset.done $0x0  }
0x69: {  	s0 =	sadd.s32 $0x1C00, s1;
	[sflag:s25] =	ssyncadd.s32 $0xFFFFCE00  }
0x6a: {  	[spmem:s2] =	stream.indirect.scatter.add.f32 [tilespmem:s21], [sflag:$0x3], $0x80, s0, s22, $0xb8;
	[tilespmem:$0x1E000] =	vst v63  }
0x6b: {  	_ =	swait.ge [sflag:s19], $0x3200  }
0x6c: {  	[sflag:s19] =	ssyncset.done $0x0  }
0x6d: {  	s0 =	sadd.s32 $0x100, s1;
	[sflag:s19] =	ssyncadd.s32 $0xFFFFCE00  }
0x6e: {  	[tilespmem:s21], [sflag:$0x1] =	stream.indirect.gather [hbm4b:s4+s22], $0x80, s0, s22, $0xb8;
	[tilespmem:$0x1E000] =	vst v63  }
0x6f: {  	_ =	swait.ge [sflag:s26], $0x3200  }
0x70: {  	[sflag:s26] =	ssyncset.done $0x0  }
.Ltmp1:
0x71: {  	s0 =	sadd.s32 $0x1C80, s1;
	[sflag:s26] =	ssyncadd.s32 $0xFFFFCE00;
	(pc) =	sbr.rel @p0 .LBB2_4-.Ltmp1, $4  }
0x72: {  	[spmem:s2] =	stream.indirect.scatter.add.f32 [tilespmem:s24], [sflag:$0x3], $0x80, s0, s22, $0xb8;
	[tilespmem:$0x1E000] =	vst v63  }
0x73: {  	_ =	swait.ge [sflag:s19], $0x3200  }
0x74: {  	[sflag:s19] =	ssyncset.done $0x0  }
0x75: {  	s1 =	sadd.s32 $0x180, s1;
	[sflag:s19] =	ssyncadd.s32 $0xFFFFCE00  }
0x76: {  	[tilespmem:s24], [sflag:$0x2] =	stream.indirect.gather [hbm4b:s4+s22], $0x80, s1, s22, $0xb8;
	[tilespmem:$0x1E000] =	vst v63  }
0x77: {  	_ =	swait.ge [sflag:s25], $0x3200  }
0x78: {  	[sflag:s25] =	ssyncset.done $0x0  }
0x79: {  	[sflag:s25] =	ssyncadd.s32 $0xFFFFCE00  }
0x7a: {  	[spmem:s2] =	stream.indirect.scatter.add.f32 [tilespmem:s21], [sflag:$0x3], $0x80, s28, s22, $0xb8;
	[tilespmem:$0x1E000] =	vst v63  }
0x7b: {  	_ =	swait.ge [sflag:s19], $0x3200  }
0x7c: {  	[sflag:s19] =	ssyncset.done $0x0  }
0x7d: {  	[sflag:s19] =	ssyncadd.s32 $0xFFFFCE00  }
0x7e: {  	_ =	swait.ge [sflag:s26], $0x3200  }
0x7f: {  	[sflag:s26] =	ssyncset.done $0x0  }
0x80: {  	[sflag:s26] =	ssyncadd.s32 $0xFFFFCE00  }
0x81: {  	[spmem:s2] =	stream.indirect.scatter.add.f32 [tilespmem:s24], [sflag:$0x3], $0x80, s29, s22, $0xb8;
	[tilespmem:$0x1E000] =	vst v63  }
0x82: {  	s0 =	stileid.u32;
	_ =	swait.ge [sflag:s19], $0x3200  }
0x83: {  	s31 =	sshrl.u32 s5, $0x3;
	s30 =	sadd.s32 $0x1, s30;
	[sflag:s19] =	ssyncset.done $0x0  }
0x84: {  	s0 =	sshll.u32 s0, $0x6;
	p0 =	sne.s32 s30, s18;
	[sflag:s19] =	ssyncadd.s32 $0xFFFFCE00  }
.Ltmp2:
0x85: {  	s0 =	sor.u32 $0x1C03, s0;
	[bflag:$0x0] =	sbarrier.arrive $0xFFFF;
	(pc) =	sbr.rel @p0 .LBB2_1-.Ltmp2, $4  }
0x86: {  	[hbm:s17], [sflag:s0] =	dma.local [spmem:s31], $0x2800  }
0x87: {  	_ =	swait.ge [sflag:s19], $0x2800  }
0x88: {  	[sflag:s19] =	ssyncset.done $0x0  }
0x89: {  	[sflag:s19] =	ssyncadd.s32 $0xFFFFD800  }
0x8a: {  	_ =	sfence.sel $0x180000  }
0x8b: {  	[bflag:$0x0] =	sbarrier.arrive $0xFFFF  }
0x8c: {  	_ =	strace $0x9000004D  }
0x8d: {  	s0 =	stileid.u32;
	[bflag:$0x2] =	sbarrier.arrive $0xFFFF  }
0x8e: {  	p0 =	sne.s32 s0, $0x0;
	s0 =	rddreg [dreg:$0x2]  }
0x8f: {  	s0 =	sadd.s32 @!p0 $0x100000, s0  }
0x90: {  	[sflag:s0] =	ssyncadd.tile.s32 @!p0 $0x1;
	_ =	shalt  }
.Lfunc_end2:
_tile_overlayer_lowered:
.L_overlay_start_2:
0x91: {  	(tag) =	ssettag $0x2  }
0x92: {  	s0 =	rddreg [dreg:$0x0];
	s2 =	stileid.u32  }
0x93: {  	s1 =	rddreg [dreg:$0x1];
	p0 =	sne.s32 s2, $0x0  }
0x94: {  	s3 =	rddreg [dreg:$0x2];
	[bflag:$0x3] =	sbarrier.arrive $0xFFFF;
	s2 =	simm.s32 @!p0 $0x1C03  }
0x95: {  	[timem:s3], [sflag:s2] =	dma.local @!p0 [hbm:s0], s1  }
0x96: {  	s0 =	simm.s32 @!p0 $0x3  }
0x97: {  	_ =	swait.ge @!p0 [sflag:s0], s1  }
0x98: {  	s1 =	ssub.s32 @!p0 $0x0, s1;
	[sflag:s0] =	ssyncset.done @!p0 $0x0  }
0x99: {  	[sflag:s0] =	ssyncadd.s32 @!p0 s1  }
0x9a: {  	[bflag:$0x3] =	sbarrier.arrive $0xFFFF  }
0x9b: {  	_ =	shalt  }

// kernel: kernel.9.cloned.1.call-start
scs
__scs_entry_jumppad:
0x0: {  	(pc) =	sbr.rel $0x88, $3  }
0x1: {  	(tag) =	ssettag $0x0;
	lr =	simm.s32 $0x1  }
0x2: {  	[smem:$0x3F8E] =	sst lr;
	_ =	strace $0xD0000000  }
0x3: {  	_ = 	snop  }
0x4: {  	_ = 	snop  }
0x5: {  	_ = 	snop  }
0x6: {  	_ = 	snop  }
0x7: {  	_ = 	snop  }
__scs_overlays_trampoline_lowered:
0x8: {  	[smem:$0x3F9D] =	sst s0  }
0x9: {  	[smem:$0x3F9E] =	sst s1  }
0xa: {  	[smem:$0x3F9F] =	sst s2  }
0xb: {  	[smem:$0x3FA0] =	sst s3  }
0xc: {  	[smem:$0x3FA1] =	sst s4  }
0xd: {  	[smem:$0x3FA2] =	sst s5  }
0xe: {  	[smem:$0x3FA3] =	sst s6  }
0xf: {  	[smem:$0x3FA4] =	sst s7  }
0x10: {  	[smem:$0x3FA5] =	sst s8  }
0x11: {  	[smem:$0x3FA6] =	sst s9;
	s0 =	simm.s32 @!p0 $0x0  }
0x12: {  	s1 =	sld [smem:$0x3F8C];
	s0 =	simm.s32 @p0 $0x1  }
0x13: {  	[smem:$0x3FA7] =	sst s0;
	s0 =	simm.s32 @!p1 $0x0  }
0x14: {  	s2 =	sld [smem:$0x3F8B];
	s0 =	simm.s32 @p1 $0x1  }
0x15: {  	[smem:$0x3FA8] =	sst s0;
	s0 =	simm.s32 @!p2 $0x0  }
0x16: {  	s3 =	sld [smem:$0x3FDB];
	s0 =	simm.s32 @p2 $0x1  }
0x17: {  	s4 =	simm.s32 $0x1BF5;
	[smem:$0x3FAA] =	sst s0  }
0x18: {  	s0 =	sld [smem:$0x3F8D];
	_ =	swait.ge [sflag:s4], $0x0  }
0x19: {  	s7 =	sld [smem:$0x3F8E]  }
0x1a: {  	s8 =	sadd.s32 $0xFFFFE003, lr  }
0x1b: {  	s9 =	sadd.s32 $0xFFFFFEF7, lr;
	s5 =	simm.s32 $0xFFFFFFFF;
	p2 =	slt.u32 s8, $0xFFFFF086  }
0x1c: {  	p1 =	slt.u32 s9, $0xF7A;
	s5 =	simm.s32 @!p2 $0x0  }
0x1d: {  	s5 =	simm.s32 @p1 $0x1;
	p0 =	seq.s32 s7, s2  }
0x1e: {  	s7 =	smul.u32 @!p0 $0xF7A, s2;
	p2 =	seq.s32 @!p0 s5, $0x0  }
0x1f: {  	s9 =	smul.u32 $0xF7A, s1;
	s8 =	simm.s32 @!p0 $0x1BF5;
	p2 =	por !p2, p0  }
0x20: {  	[sflag:s8] =	ssyncset.s32 @!p0 $0xFFFFF086;
	s6 =	sadd.s32 @!p0 s3, s7;
	s7 =	simm.s32 @!p0 $0x108  }
0x21: {  	s3 =	sadd.s32 s3, s9;
	s6 =	sadd.s32 @!p0 $0x88, s6;
	s7 =	simm.s32 @p2 $0x1082  }
0x22: {  	[simem:s7], [sflag:s8] =	dma.local @!p0 [hbm:s6], $0xF7A  }
0x23: {  	s9 =	sor.u32 $0xD0000000, s2;
	s6 =	simm.s32 $0x108;
	_ =	swait.ge @!p0 [sflag:s8], $0x0  }
0x24: {  	s3 =	sadd.s32 $0x88, s3;
	s6 =	simm.s32 @!p1 $0x1082;
	[sflag:s4] =	ssyncset.s32 $0xFFFFF086  }
0x25: {  	[simem:s6], [sflag:s4] =	dma.local [hbm:s3], $0xF7A  }
0x26: {  	[smem:$0x3F8E] =	sst s1;
	(tag) =	ssettag s2;
	_ =	strace s9  }
0x27: {  	s1 =	sld [smem:$0x3F9E]  }
0x28: {  	s2 =	sld [smem:$0x3F9F]  }
0x29: {  	s4 =	sld [smem:$0x3FA1]  }
0x2a: {  	p0 =	seq.s32 s5, $0x0;
	s5 =	sld [smem:$0x3FA2]  }
0x2b: {  	s6 =	sld [smem:$0x3FA3]  }
0x2c: {  	s7 =	sld [smem:$0x3FA4]  }
0x2d: {  	s3 =	simm.s32 $0x108;
	s8 =	sld [smem:$0x3FA5]  }
0x2e: {  	s3 =	simm.s32 @!p0 $0x1082;
	s9 =	sld [smem:$0x3FA6]  }
0x2f: {  	lr =	sadd.s32 s0, s3;
	s0 =	sld [smem:$0x3F9D]  }
0x30: {  	s3 =	sld [smem:$0x3FA0]  }
0x31: {  	[smem:$0x3FA9] =	sst s10  }
0x32: {  	s10 =	sld [smem:$0x3FA7];
	_ =	sdelay $0x3  }
0x33: {  	p0 =	seq.s32 s10, $0x1;
	s10 =	sld [smem:$0x3FA9];
	_ =	sdelay $0x3  }
0x34: {  	[smem:$0x3FA9] =	sst s10  }
0x35: {  	s10 =	sld [smem:$0x3FA8];
	_ =	sdelay $0x3  }
0x36: {  	p1 =	seq.s32 s10, $0x1;
	s10 =	sld [smem:$0x3FA9];
	_ =	sdelay $0x3  }
0x37: {  	[smem:$0x3FA9] =	sst s10  }
0x38: {  	s10 =	sld [smem:$0x3FAA]  }
0x39: {  	_ = 	snop;
	(pc) =	sbr.ind lr, $3  }
0x3a: {  	_ = 	snop  }
0x3b: {  	_ = 	snop  }
0x3c: {  	p2 =	seq.s32 s10, $0x1;
	s10 =	sld [smem:$0x3FA9]  }
0x3d: {  	_ =	shalt  }
0x3e: {  	_ =	shalt  }
0x3f: {  	_ =	shalt  }
0x40: {  	_ =	shalt  }
0x41: {  	_ =	shalt  }
0x42: {  	_ =	shalt  }
0x43: {  	_ =	shalt  }
0x44: {  	_ =	shalt  }
0x45: {  	_ =	shalt  }
0x46: {  	_ =	shalt  }
0x47: {  	_ =	shalt  }
0x48: {  	_ =	shalt  }
0x49: {  	_ =	shalt  }
0x4a: {  	_ =	shalt  }
0x4b: {  	_ =	shalt  }
0x4c: {  	_ =	shalt  }
0x4d: {  	_ =	shalt  }
0x4e: {  	_ =	shalt  }
0x4f: {  	_ =	shalt  }
0x50: {  	_ =	shalt  }
0x51: {  	_ =	shalt  }
0x52: {  	_ =	shalt  }
0x53: {  	_ =	shalt  }
0x54: {  	_ =	shalt  }
0x55: {  	_ =	shalt  }
0x56: {  	_ =	shalt  }
0x57: {  	_ =	shalt  }
0x58: {  	_ =	shalt  }
0x59: {  	_ =	shalt  }
0x5a: {  	_ =	shalt  }
0x5b: {  	_ =	shalt  }
0x5c: {  	_ =	shalt  }
0x5d: {  	_ =	shalt  }
0x5e: {  	_ =	shalt  }
0x5f: {  	_ =	shalt  }
0x60: {  	_ =	shalt  }
0x61: {  	_ =	shalt  }
0x62: {  	_ =	shalt  }
0x63: {  	_ =	shalt  }
0x64: {  	_ =	shalt  }
0x65: {  	_ =	shalt  }
0x66: {  	_ =	shalt  }
0x67: {  	_ =	shalt  }
0x68: {  	_ =	shalt  }
0x69: {  	_ =	shalt  }
0x6a: {  	_ =	shalt  }
0x6b: {  	_ =	shalt  }
0x6c: {  	_ =	shalt  }
0x6d: {  	_ =	shalt  }
0x6e: {  	_ =	shalt  }
0x6f: {  	_ =	shalt  }
0x70: {  	_ =	shalt  }
0x71: {  	_ =	shalt  }
0x72: {  	_ =	shalt  }
0x73: {  	_ =	shalt  }
0x74: {  	_ =	shalt  }
0x75: {  	_ =	shalt  }
0x76: {  	_ =	shalt  }
0x77: {  	_ =	shalt  }
0x78: {  	_ =	shalt  }
0x79: {  	_ =	shalt  }
0x7a: {  	_ =	shalt  }
0x7b: {  	_ =	shalt  }
0x7c: {  	_ =	shalt  }
0x7d: {  	_ =	shalt  }
0x7e: {  	_ =	shalt  }
0x7f: {  	_ =	shalt  }
0x80: {  	_ =	shalt  }
0x81: {  	_ =	shalt  }
0x82: {  	_ =	shalt  }
0x83: {  	_ =	shalt  }
0x84: {  	_ =	shalt  }
0x85: {  	_ =	shalt  }
0x86: {  	_ =	shalt  }
0x87: {  	_ =	shalt  }
.Lfunc_end0:
.L_simem_size_0:
called_computation_lowered:
.L_overlay_start_0:
0x88: {  	s2 =	sld [smem:$0x3FD9]  }
0x89: {  	s3 =	sld [smem:$0x3FFE];
	_ =	sdelay $0x1  }
0x8a: {  	s1 =	srdreg.scid  }
0x8b: {  	s0 =	sand.u32 $0x1, s1  }
0x8c: {  	s16 =	sshll.u32 s0, $0xA;
	s2 =	sadd.s32 s3, s2  }
0x8d: {  	s2 =	sadd.s32 s2, s16  }
0x8e: {  	[smem:$0x3FB5] =	sst s2  }
0x8f: {  	_ = 	snop  }
0x90: {  	(tm) =	ssettm $0x1  }
0x91: {  	s17 =	sld [smem:$0x3FFB];
	_ =	sdelay $0x3  }
0x92: {  	_ =	strace s17  }
0x93: {  	s2 =	sld [smem:$0x3FFC];
	_ =	sdelay $0x3  }
0x94: {  	_ =	strace s2  }
0x95: {  	s2 =	sld [smem:$0x3FFD];
	_ =	sdelay $0x3  }
0x96: {  	_ =	strace s2  }
0x97: {  	_ =	strace $0x8FFFFFFF  }
0x98: {  	s18 =	sld [smem:$0x3FDB];
	_ =	sdelay $0x1  }
0x99: {  	s19 =	simm.s32 $_scs_section_size  }
0x9a: {  	s4 =	simm.s32 $_size__tile_overlayer_lowered;
	s5 =	simm.s32 $_tile_overlayer_lowered  }
0x9b: {  	s22 =	simm.s32 $0x1BFF;
	s21 =	sshll.u32 s5, $0x1;
	s2 =	sadd.s32 s19, s18  }
0x9c: {  	s6 =	simm.s32 $0x0;
	s20 =	sshll.u32 s4, $0x1;
	s4 =	sadd.s32 s21, s2  }
0x9d: {  	[timem:s6], [sflag:s22] =	dma.local [hbm:s4], s20  }
0x9e: {  	_ =	swait.ge [sflag:s22], s20  }
0x9f: {  	s3 =	ssub.s32 $0x0, s20;
	[sflag:s22] =	ssyncset.done $0x0  }
0xa0: {  	[sflag:s22] =	ssyncadd.s32 s3;
	_ =	sdelay $0x1  }
0xa1: {  	s23 =	simm.s32 $0x1B8B  }
0xa2: {  	_ =	swait.ge [sflag:s23], $0x1  }
0xa3: {  	[sflag:s23] =	ssyncset.done $0x0  }
0xa4: {  	s25 =	simm.s32 $0x1B8E;
	s24 =	sld [smem:$0x3FFE];
	[sflag:s23] =	ssyncadd.s32 $0xFFFFFFFF  }
0xa5: {  	s26 =	simm.s32 $execute0_lowered;
	[smem:$0x3FD2] =	sst s25  }
0xa6: {  	s4 =	sshll.u32 s26, $0x1;
	_ =	strace $0x80000046;
	[dreg:$0x1] =	wrdreg $0xFFFFFFFF  }
0xa7: {  	s28 =	simm.s32 $_size_execute0_lowered;
	s2 =	sadd.s32 s2, s4;
	[dreg:$0x0] =	wrdreg $0x0  }
0xa8: {  	s4 =	sshll.u32 s28, $0x1;
	[dreg:$0x2] =	wrdreg s2  }
0xa9: {  	[dreg:$0x3] =	wrdreg s4  }
0xaa: {  	[dreg:$0x4] =	wrdreg $0xC0  }
0xab: {  	_ =	task [dreg:s6], $0x5FFFF  }
0xac: {  	[dreg:$0x1] =	wrdreg $0xFFFFFFFF  }
0xad: {  	[dreg:$0x0] =	wrdreg $0x60  }
0xae: {  	[dreg:$0x2] =	wrdreg s24  }
0xaf: {  	[dreg:$0x3] =	wrdreg $0xA0000  }
0xb0: {  	[dreg:$0x4] =	wrdreg $0x9  }
0xb1: {  	_ =	task.clear_ibuf [dreg:s6], $0x5FFFF;
	_ =	strace $0x90000046  }
0xb2: {  	s29 =	simm.s32 $0x9;
	_ =	strace $0x80000048  }
0xb3: {  	_ =	swait.ge [sflag:s29], $0x1  }
0xb4: {  	[sflag:s29] =	ssyncadd.s32 $0xFFFFFFFF  }
0xb5: {  	_ =	strace $0x90000048  }
0xb6: {  	_ =	sfence  }
0xb7: {  	s30 =	sld [smem:$0x0];
	_ =	sdelay $0x2  }
0xb8: {  	s31 =	sshll.u32 s1, $0xD;
	s1 =	sshrl.u32 s1, $0x2  }
0xb9: {  	s3 =	sand.u32 $0x4000, s31;
	s1 =	sadd.s32 s1, s30  }
0xba: {  	s0 =	sor.u32 s3, s0;
	s1 =	sshll.u32 s1, $0x11  }
0xbb: {  	s0 =	sor.u32 s1, s0  }
0xbc: {  	s0 =	sadd.s32 $0x8F2B, s0  }
0xbd: {  	[sflag:s0] =	ssyncadd.remote.s32 $0x1  }
0xbe: {  	_ =	sfence.sel $0xFFFF  }
0xbf: {  	[dreg:$0x0] =	wrdreg $0xFFFFFFFF;
	(pc) =	sbr.abs _section_cstart, $3  }
0xc0: {  	[dreg:$0x1] =	wrdreg $0xFFFFFFFF  }
0xc1: {  	_ =	task.clear_ibuf [dreg:s6], $0x2FFFF;
	_ =	strace $0x9FFFFFFF  }
0xc2: {  	(tm) =	ssettm $0x7FFFFFFF  }
0xc3: {  	_ =	shalt  }
tec
execute0_lowered:
.L_overlay_start_1:
0x0: {  	(tag) =	ssettag $0x1  }
0x1: {  	s0 =	srdreg.scid  }
0x2: {  	s24 =	stileid.u32;
	s5 =	rddreg [dreg:$0x0]  }
0x3: {  	s19 =	simm.s32 $0x3;
	s20 =	simm.s32 $0x1C00;
	s21 =	simm.s32 $0x3800  }
0x4: {  	s22 =	simm.s32 $0x64;
	s23 =	simm.s32 $0x80;
	s28 =	simm.s32 $0x3400  }
0x5: {  	s29 =	simm.s32 $0x3480;
	s30 =	simm.s32 $0x0;
	s8 =	smul.u32 $0x14000, s24  }
0x6: {  	s1 =	sand.u32 $0x1, s0;
	s4 =	sadd.s32 $0x11400, s5;
	s9 =	smul.u32 $0x50000, s24  }
0x7: {  	s2 =	sshll.u32 s1, $0x4;
	s7 =	smul.u32 $0x140000, s1;
	s1 =	ssub.s32 $0x2, s1  }
0x8: {  	s3 =	sor.u32 s24, s2;
	s2 =	rddreg [dreg:$0x1];
	s26 =	sshrl.u32 s1, $0x1  }
0x9: {  	s31 =	sshrl.u32 s9, $0x2;
	s24 =	simm.s32 $0x6C00;
	s6 =	smul.u32 $0x380, s3  }
0xa: {  	s3 =	simm.s32 $0x0;
	s25 =	sadd.s32 s8, s7;
	s1 =	ssub.s32 s1, s26  }
0xb: {  	s26 =	simm.s32 $0x2;
	[smem:$0x7FF] =	sst s3;
	s18 =	smax.u32 s1, $0x1  }
0xc: {  	_ =	strace $0x80000047;
	s10 =	sadd.s32 s6, s5;
	s6 =	sshrl.u32 s25, $0x3  }
0xd: {  	s25 =	simm.s32 $0x1;
	s17 =	sadd.s32 s6, s5;
	s5 =	sadd.s32 s31, s2  }
0xe: {  	s6 =	sadd.s32 $0x3400, s10;
	s7 =	sadd.s32 $0xA400, s10;
	s8 =	sadd.s32 $0x2000, s5  }
0xf: {  	s9 =	sadd.s32 $0x4000, s5;
	s10 =	sadd.s32 $0x6000, s5;
	s11 =	sadd.s32 $0x8000, s5  }
0x10: {  	s12 =	sadd.s32 $0xA000, s5;
	s13 =	sadd.s32 $0xC000, s5;
	s14 =	sadd.s32 $0xE000, s5  }
0x11: {  	v0 =	vimm.f32 $0.0e+00;
	s15 =	sadd.s32 $0x10000, s5;
	s16 =	sadd.s32 $0x12000, s5;
	s17 =	sadd.s32 $0x39400, s17  }
.LBB2_1:
0x12: {  	[tilespmem:s3], [sflag:$0x3] =	stream.linear.gather [hbm4b:s6+s3], $0x1900, $0x38;
	[tilespmem:$0x1E000] =	vst v63  }
0x13: {  	_ =	swait.ge [sflag:s19], $0x1900  }
0x14: {  	[sflag:s19] =	ssyncset.done $0x0  }
0x15: {  	[sflag:s19] =	ssyncadd.s32 $0xFFFFE700  }
0x16: {  	[tilespmem:s20], [sflag:$0x3] =	stream.linear.gather [hbm4b:s7+s3], $0x1900, $0x38;
	[tilespmem:$0x1E000] =	vst v63  }
0x17: {  	_ =	swait.ge [sflag:s19], $0x1900  }
0x18: {  	[sflag:s19] =	ssyncset.done $0x0  }
0x19: {  	s31 =	simm.s32 $0x0;
	s1 =	simm.s32 $0x200;
	[sflag:s19] =	ssyncadd.s32 $0xFFFFE700  }
.LBB2_2:
0x1a: {  	p0 =	sne.s32 s1, $0x7E00;
	[tilespmem:s31+$0x3870] =	vst v0  }
0x1b: {  	[tilespmem:s31+$0x3800] =	vst v0  }
0x1c: {  	[tilespmem:s31+$0x3810] =	vst v0  }
.Ltmp0:
0x1d: {  	[tilespmem:s31+$0x3820] =	vst v0;
	(pc) =	sbr.rel @p0 .LBB2_2-.Ltmp0, $4  }
0x1e: {  	[tilespmem:s31+$0x3830] =	vst v0  }
0x1f: {  	[tilespmem:s31+$0x3840] =	vst v0  }
0x20: {  	[tilespmem:s31+$0x3850] =	vst v0  }
0x21: {  	[tilespmem:s31+$0x3860] =	vst v0;
	s31 =	sshra.s32 s1, $0x2;
	s1 =	sadd.s32 $0x200, s1  }
0x22: {  	[tilespmem:s31+$0x3870] =	vst v0  }
0x23: {  	[tilespmem:s31+$0x3800] =	vst v0  }
0x24: {  	[tilespmem:s31+$0x3810] =	vst v0  }
0x25: {  	[tilespmem:s31+$0x3820] =	vst v0  }
0x26: {  	[tilespmem:s31+$0x3830] =	vst v0  }
0x27: {  	[tilespmem:s31+$0x3840] =	vst v0  }
0x28: {  	[tilespmem:s31+$0x3850] =	vst v0  }
0x29: {  	[tilespmem:s31+$0x3860] =	vst v0  }
0x2a: {  	[spmem:s5] =	stream.linear.scatter [tilespmem:s21], [sflag:$0x3], $0x2000, $0x38;
	[tilespmem:$0x1E000] =	vst v63  }
0x2b: {  	_ =	swait.ge [sflag:s19], $0x2000  }
0x2c: {  	[sflag:s19] =	ssyncset.done $0x0  }
0x2d: {  	[sflag:s19] =	ssyncadd.s32 $0xFFFFE000  }
0x2e: {  	[spmem:s8] =	stream.linear.scatter [tilespmem:s21], [sflag:$0x3], $0x2000, $0x38;
	[tilespmem:$0x1E000] =	vst v63  }
0x2f: {  	_ =	swait.ge [sflag:s19], $0x2000  }
0x30: {  	[sflag:s19] =	ssyncset.done $0x0  }
0x31: {  	[sflag:s19] =	ssyncadd.s32 $0xFFFFE000  }
0x32: {  	[spmem:s9] =	stream.linear.scatter [tilespmem:s21], [sflag:$0x3], $0x2000, $0x38;
	[tilespmem:$0x1E000] =	vst v63  }
0x33: {  	_ =	swait.ge [sflag:s19], $0x2000  }
0x34: {  	[sflag:s19] =	ssyncset.done $0x0  }
0x35: {  	[sflag:s19] =	ssyncadd.s32 $0xFFFFE000  }
0x36: {  	[spmem:s10] =	stream.linear.scatter [tilespmem:s21], [sflag:$0x3], $0x2000, $0x38;
	[tilespmem:$0x1E000] =	vst v63  }
0x37: {  	_ =	swait.ge [sflag:s19], $0x2000  }
0x38: {  	[sflag:s19] =	ssyncset.done $0x0  }
0x39: {  	[sflag:s19] =	ssyncadd.s32 $0xFFFFE000  }
0x3a: {  	[spmem:s11] =	stream.linear.scatter [tilespmem:s21], [sflag:$0x3], $0x2000, $0x38;
	[tilespmem:$0x1E000] =	vst v63  }
0x3b: {  	_ =	swait.ge [sflag:s19], $0x2000  }
0x3c: {  	[sflag:s19] =	ssyncset.done $0x0  }
0x3d: {  	[sflag:s19] =	ssyncadd.s32 $0xFFFFE000  }
0x3e: {  	[spmem:s12] =	stream.linear.scatter [tilespmem:s21], [sflag:$0x3], $0x2000, $0x38;
	[tilespmem:$0x1E000] =	vst v63  }
0x3f: {  	_ =	swait.ge [sflag:s19], $0x2000  }
0x40: {  	[sflag:s19] =	ssyncset.done $0x0  }
0x41: {  	[sflag:s19] =	ssyncadd.s32 $0xFFFFE000  }
0x42: {  	[spmem:s13] =	stream.linear.scatter [tilespmem:s21], [sflag:$0x3], $0x2000, $0x38;
	[tilespmem:$0x1E000] =	vst v63  }
0x43: {  	_ =	swait.ge [sflag:s19], $0x2000  }
0x44: {  	[sflag:s19] =	ssyncset.done $0x0  }
0x45: {  	[sflag:s19] =	ssyncadd.s32 $0xFFFFE000  }
0x46: {  	[spmem:s14] =	stream.linear.scatter [tilespmem:s21], [sflag:$0x3], $0x2000, $0x38;
	[tilespmem:$0x1E000] =	vst v63  }
0x47: {  	_ =	swait.ge [sflag:s19], $0x2000  }
0x48: {  	[sflag:s19] =	ssyncset.done $0x0  }
0x49: {  	[sflag:s19] =	ssyncadd.s32 $0xFFFFE000  }
0x4a: {  	[spmem:s15] =	stream.linear.scatter [tilespmem:s21], [sflag:$0x3], $0x2000, $0x38;
	[tilespmem:$0x1E000] =	vst v63  }
0x4b: {  	_ =	swait.ge [sflag:s19], $0x2000  }
0x4c: {  	[sflag:s19] =	ssyncset.done $0x0  }
0x4d: {  	[sflag:s19] =	ssyncadd.s32 $0xFFFFE000  }
0x4e: {  	[spmem:s16] =	stream.linear.scatter [tilespmem:s21], [sflag:$0x3], $0x2000, $0x38;
	[tilespmem:$0x1E000] =	vst v63  }
0x4f: {  	_ =	swait.ge [sflag:s19], $0x2000  }
0x50: {  	[sflag:s19] =	ssyncset.done $0x0  }
0x51: {  	s1 =	simm.s32 $0x0;
	[sflag:s19] =	ssyncadd.s32 $0xFFFFE000  }
0x52: {  	[tilespmem:s21], [sflag:$0x1] =	stream.indirect.gather [hbm4b:s4+s22], $0x80, s1, s22, $0xb8;
	[tilespmem:$0x1E000] =	vst v63  }
0x53: {  	_ = 	snop  }
0x54: {  	[tilespmem:s24], [sflag:$0x2] =	stream.indirect.gather [hbm4b:s4+s22], $0x80, s23, s22, $0xb8;
	[tilespmem:$0x1E000] =	vst v63  }
0x55: {  	[bflag:$0x0] =	sbarrier.arrive $0xFFFF  }
0x56: {  	_ =	swait.ge [sflag:s25], $0x3200  }
0x57: {  	[sflag:s25] =	ssyncset.done $0x0  }
0x58: {  	s0 =	simm.s32 $0x1C00;
	[sflag:s25] =	ssyncadd.s32 $0xFFFFCE00  }
0x59: {  	[spmem:s2] =	stream.indirect.scatter.add.f32 [tilespmem:s21], [sflag:$0x3], $0x80, s0, s22, $0xb8;
	[tilespmem:$0x1E000] =	vst v63  }
0x5a: {  	_ =	swait.ge [sflag:s19], $0x3200  }
0x5b: {  	[sflag:s19] =	ssyncset.done $0x0  }
0x5c: {  	s0 =	simm.s32 $0x100;
	[sflag:s19] =	ssyncadd.s32 $0xFFFFCE00  }
0x5d: {  	[tilespmem:s21], [sflag:$0x1] =	stream.indirect.gather [hbm4b:s4+s22], $0x80, s0, s22, $0xb8;
	[tilespmem:$0x1E000] =	vst v63  }
0x5e: {  	_ =	swait.ge [sflag:s26], $0x3200  }
0x5f: {  	[sflag:s26] =	ssyncset.done $0x0  }
0x60: {  	s0 =	simm.s32 $0x1C80;
	[sflag:s26] =	ssyncadd.s32 $0xFFFFCE00  }
0x61: {  	[spmem:s2] =	stream.indirect.scatter.add.f32 [tilespmem:s24], [sflag:$0x3], $0x80, s0, s22, $0xb8;
	[tilespmem:$0x1E000] =	vst v63  }
0x62: {  	_ =	swait.ge [sflag:s19], $0x3200  }
0x63: {  	[sflag:s19] =	ssyncset.done $0x0  }
0x64: {  	s31 =	simm.s32 $0x400;
	s1 =	simm.s32 $0x180;
	[sflag:s19] =	ssyncadd.s32 $0xFFFFCE00  }
.LBB2_4:
0x65: {  	[tilespmem:s24], [sflag:$0x2] =	stream.indirect.gather [hbm4b:s4+s22], $0x80, s1, s22, $0xb8;
	[tilespmem:$0x1E000] =	vst v63  }
0x66: {  	s1 =	smov.u32 s31  }
0x67: {  	p0 =	sne.s32 s31, $0x5C00;
	s31 =	sadd.s32 $0x400, s31;
	_ =	swait.ge [sflag:s25], $0x3200  }
0x68: {  	s1 =	sshra.s32 s1, $0x2;
	[sflag:s25] =	ssyncset.done $0x0  }
0x69: {  	s0 =	sadd.s32 $0x1C00, s1;
	[sflag:s25] =	ssyncadd.s32 $0xFFFFCE00  }
0x6a: {  	[spmem:s2] =	stream.indirect.scatter.add.f32 [tilespmem:s21], [sflag:$0x3], $0x80, s0, s22, $0xb8;
	[tilespmem:$0x1E000] =	vst v63  }
0x6b: {  	_ =	swait.ge [sflag:s19], $0x3200  }
0x6c: {  	[sflag:s19] =	ssyncset.done $0x0  }
0x6d: {  	s0 =	sadd.s32 $0x100, s1;
	[sflag:s19] =	ssyncadd.s32 $0xFFFFCE00  }
0x6e: {  	[tilespmem:s21], [sflag:$0x1] =	stream.indirect.gather [hbm4b:s4+s22], $0x80, s0, s22, $0xb8;
	[tilespmem:$0x1E000] =	vst v63  }
0x6f: {  	_ =	swait.ge [sflag:s26], $0x3200  }
0x70: {  	[sflag:s26] =	ssyncset.done $0x0  }
.Ltmp1:
0x71: {  	s0 =	sadd.s32 $0x1C80, s1;
	[sflag:s26] =	ssyncadd.s32 $0xFFFFCE00;
	(pc) =	sbr.rel @p0 .LBB2_4-.Ltmp1, $4  }
0x72: {  	[spmem:s2] =	stream.indirect.scatter.add.f32 [tilespmem:s24], [sflag:$0x3], $0x80, s0, s22, $0xb8;
	[tilespmem:$0x1E000] =	vst v63  }
0x73: {  	_ =	swait.ge [sflag:s19], $0x3200  }
0x74: {  	[sflag:s19] =	ssyncset.done $0x0  }
0x75: {  	s1 =	sadd.s32 $0x180, s1;
	[sflag:s19] =	ssyncadd.s32 $0xFFFFCE00  }
0x76: {  	[tilespmem:s24], [sflag:$0x2] =	stream.indirect.gather [hbm4b:s4+s22], $0x80, s1, s22, $0xb8;
	[tilespmem:$0x1E000] =	vst v63  }
0x77: {  	_ =	swait.ge [sflag:s25], $0x3200  }
0x78: {  	[sflag:s25] =	ssyncset.done $0x0  }
0x79: {  	[sflag:s25] =	ssyncadd.s32 $0xFFFFCE00  }
0x7a: {  	[spmem:s2] =	stream.indirect.scatter.add.f32 [tilespmem:s21], [sflag:$0x3], $0x80, s28, s22, $0xb8;
	[tilespmem:$0x1E000] =	vst v63  }
0x7b: {  	_ =	swait.ge [sflag:s19], $0x3200  }
0x7c: {  	[sflag:s19] =	ssyncset.done $0x0  }
0x7d: {  	[sflag:s19] =	ssyncadd.s32 $0xFFFFCE00  }
0x7e: {  	_ =	swait.ge [sflag:s26], $0x3200  }
0x7f: {  	[sflag:s26] =	ssyncset.done $0x0  }
0x80: {  	[sflag:s26] =	ssyncadd.s32 $0xFFFFCE00  }
0x81: {  	[spmem:s2] =	stream.indirect.scatter.add.f32 [tilespmem:s24], [sflag:$0x3], $0x80, s29, s22, $0xb8;
	[tilespmem:$0x1E000] =	vst v63  }
0x82: {  	s0 =	stileid.u32;
	_ =	swait.ge [sflag:s19], $0x3200  }
0x83: {  	s31 =	sshrl.u32 s5, $0x3;
	s30 =	sadd.s32 $0x1, s30;
	[sflag:s19] =	ssyncset.done $0x0  }
0x84: {  	s0 =	sshll.u32 s0, $0x6;
	p0 =	sne.s32 s30, s18;
	[sflag:s19] =	ssyncadd.s32 $0xFFFFCE00  }
.Ltmp2:
0x85: {  	s0 =	sor.u32 $0x1C03, s0;
	[bflag:$0x0] =	sbarrier.arrive $0xFFFF;
	(pc) =	sbr.rel @p0 .LBB2_1-.Ltmp2, $4  }
0x86: {  	[hbm:s17], [sflag:s0] =	dma.local [spmem:s31], $0x2800  }
0x87: {  	_ =	swait.ge [sflag:s19], $0x2800  }
0x88: {  	[sflag:s19] =	ssyncset.done $0x0  }
0x89: {  	[sflag:s19] =	ssyncadd.s32 $0xFFFFD800  }
0x8a: {  	_ =	sfence.sel $0x180000  }
0x8b: {  	[bflag:$0x0] =	sbarrier.arrive $0xFFFF  }
0x8c: {  	_ =	strace $0x90000047  }
0x8d: {  	s0 =	stileid.u32;
	[bflag:$0x2] =	sbarrier.arrive $0xFFFF  }
0x8e: {  	p0 =	sne.s32 s0, $0x0;
	s0 =	rddreg [dreg:$0x2]  }
0x8f: {  	s0 =	sadd.s32 @!p0 $0x100000, s0  }
0x90: {  	[sflag:s0] =	ssyncadd.tile.s32 @!p0 $0x1;
	_ =	shalt  }
.Lfunc_end2:
_tile_overlayer_lowered:
.L_overlay_start_2:
0x91: {  	(tag) =	ssettag $0x2  }
0x92: {  	s0 =	rddreg [dreg:$0x0];
	s2 =	stileid.u32  }
0x93: {  	s1 =	rddreg [dreg:$0x1];
	p0 =	sne.s32 s2, $0x0  }
0x94: {  	s3 =	rddreg [dreg:$0x2];
	[bflag:$0x3] =	sbarrier.arrive $0xFFFF;
	s2 =	simm.s32 @!p0 $0x1C03  }
0x95: {  	[timem:s3], [sflag:s2] =	dma.local @!p0 [hbm:s0], s1  }
0x96: {  	s0 =	simm.s32 @!p0 $0x3  }
0x97: {  	_ =	swait.ge @!p0 [sflag:s0], s1  }
0x98: {  	s1 =	ssub.s32 @!p0 $0x0, s1;
	[sflag:s0] =	ssyncset.done @!p0 $0x0  }
0x99: {  	[sflag:s0] =	ssyncadd.s32 @!p0 s1  }
0x9a: {  	[bflag:$0x3] =	sbarrier.arrive $0xFFFF  }
0x9b: {  	_ =	shalt  }

</sc_bundles>
